<compile_context>
chip_gen: v7x
topology: tpu7x:2x2x1
jax: 0.10.2.dev20260603
libtpu: 0.0.44.dev20260713+nightly
codegen_flags: <defaults>
</compile_context>

<pallas_src>
import functools

import jax
import jax.numpy as jnp
from jax import lax
from jax.experimental import pallas as pl
from jax.experimental.pallas import tpu as pltpu
from jax.experimental.pallas import tpu_sc as plsc


@functools.lru_cache(maxsize=None)
def _build_expand(SL: int, D: int):
    info = plsc.get_sparse_core_info()
    NC, NS = info.num_cores, info.num_subcores
    NW = NC * NS
    assert SL % (2 * NW) == 0 and SL % 128 == 0 and D % 16 == 0
    RPW = SL // NW
    DT = D // 8
    JT = SL // 128
    HT = DT // 2
    HROWS = HT * JT * 8
    PLANE_ROWS = 2 * HROWS

    mesh = plsc.VectorSubcoreMesh(core_axis_name="c", subcore_axis_name="s")

    @functools.partial(
        pl.kernel,
        mesh=mesh,
        out_type=jax.ShapeDtypeStruct((SL * SL * D // 128, 128), jnp.float32),
        scratch_types=[
            pltpu.VMEM_SHARED((8, D, 2 * SL), jnp.float32),
            pltpu.VMEM((HROWS, 128), jnp.float32),
            pltpu.VMEM((HROWS, 128), jnp.float32),
            pltpu.SemaphoreType.DMA,
            pltpu.SemaphoreType.DMA,
            pltpu.SemaphoreType.DMA,
            pltpu.SemaphoreType.DMA,
        ],
        compiler_params=pltpu.CompilerParams(use_tc_tiling_on_sc=False),
    )
    def expand(wtf_hbm, out_hbm, spm, buf0, buf1, gsem, ssem0, ssem1, dsem):
        cid = lax.axis_index("c")
        sid = lax.axis_index("s")
        wid = sid * NC + cid
        base = wid * RPW
        @pl.when(sid == 0)
        def _stage():
            pltpu.sync_copy(wtf_hbm, spm)
        plsc.subcore_barrier()

        bufs = (buf0, buf1)
        ssems = (ssem0, ssem1)

        def phase_of(i):
            c0 = SL - 1 - i
            ph = lax.rem(c0, 8)
            return ph, pl.multiple_of(c0 - ph, 8)

        def body(t, _):
            ib = base + 2 * t + 1
            phb, a0b = phase_of(ib)
            rowb = pl.multiple_of(ib * PLANE_ROWS, 8)
            @pl.when(t > 0)
            def _drain_direct():
                for _ in range(DT * JT):
                    pltpu.make_async_copy(
                        spm.at[0, pl.ds(0, 8), pl.ds(0, 128)],
                        out_hbm.at[pl.ds(0, 8)],
                        dsem,
                    ).wait()
            for dt in range(DT):
                for jt in range(JT):
                    pltpu.async_copy(
                        spm.at[phb, pl.ds(8 * dt, 8),
                               pl.ds(a0b + 128 * jt, 128)],
                        out_hbm.at[pl.ds(rowb + (dt * JT + jt) * 8, 8)],
                        dsem,
                    )
            ia = base + 2 * t
            pha, a0a = phase_of(ia)
            for h in range(2):
                buf, ssem = bufs[h], ssems[h]
                dst_row = ia * PLANE_ROWS + h * HROWS
                @pl.when(t > 0)
                def _drain_bounce():
                    pltpu.make_async_copy(
                        buf,
                        out_hbm.at[pl.ds(dst_row - 2 * PLANE_ROWS, HROWS)],
                        ssem,
                    ).wait()
                gathers = []
                for dtl in range(HT):
                    dt = h * HT + dtl
                    for jt in range(JT):
                        gathers.append(
                            pltpu.async_copy(
                                wtf_hbm.at[pha, pl.ds(8 * dt, 8),
                                           pl.ds(a0a + 128 * jt, 128)],
                                buf.at[pl.ds((dtl * JT + jt) * 8, 8)],
                                gsem,
                            )
                        )
                for g in gathers:
                    g.wait()
                pltpu.async_copy(
                    buf, out_hbm.at[pl.ds(dst_row, HROWS)], ssem
                )
            return _

        lax.fori_loop(0, RPW // 2, body, None)
        for _ in range(DT * JT):
            pltpu.make_async_copy(
                spm.at[0, pl.ds(0, 8), pl.ds(0, 128)],
                out_hbm.at[pl.ds(0, 8)],
                dsem,
            ).wait()
        last_a = base + RPW - 2
        for h in range(2):
            pltpu.make_async_copy(
                bufs[h],
                out_hbm.at[pl.ds(last_a * PLANE_ROWS + h * HROWS, HROWS)],
                ssems[h],
            ).wait()

    return expand


def kernel(seq_len, relative_positions_weight):
    V, D = relative_positions_weight.shape
    SL = (V + 1) // 2
    wtf = jnp.flip(relative_positions_weight, axis=0).T
    wtf = jnp.concatenate([wtf, jnp.zeros((D, 9), wtf.dtype)], axis=1)
    wtf8 = jnp.stack([wtf[:, p:p + 2 * SL] for p in range(8)])
    out2d = _build_expand(SL, D)(wtf8)
    out5 = out2d.reshape(SL, D // 8, SL // 128, 8, 128)
    return out5.transpose(0, 2, 4, 1, 3).reshape(SL, SL, D)

# --- scband reference (transcript-rebuilt; emitter-appended) ---
"""Pipeline reference for scband-relative-positional-encoding-29472065585979 (READ-ONLY COPY).

The authoritative reference and input builder live on the scoring server;
editing this copy changes nothing except your own understanding.
"""

import jax, jax.numpy as jnp
import numpy as np

D_MODEL = 64
MAX_LEN = 1024

def setup_inputs(seed: int = 0) -> dict:
    key = jax.random.key(seed)
    relative_positions_weight = jax.random.normal(key, (2 * MAX_LEN - 1, D_MODEL), dtype=jnp.float32)
    return {"seq_len": 1024, "relative_positions_weight": relative_positions_weight}

def reference(seq_len, relative_positions_weight):
    static_len = (relative_positions_weight.shape[0] + 1) // 2
    positions = jnp.arange(static_len) + (seq_len - seq_len)
    relative_positions = positions[:, None] - positions[None, :] + MAX_LEN - 1
    return jnp.take(relative_positions_weight, relative_positions, axis=0)

if __name__ == "__main__":
    import jax
    _d = setup_inputs()
    print(jax.jit(kernel)(*tuple(_d.values())))

</pallas_src>

<mosaic_0001>
#map = affine_map<(d0, d1) -> (0, 0, 0)>
#map1 = affine_map<(d0, d1) -> (0, 0)>
module attributes {stable_mosaic.version = 14 : i64} {
  func.func @expand(%arg0: i32, %arg1: i32, %arg2: memref<8x64x2048xf32, #tpu.memory_space<hbm>>, %arg3: memref<524288x128xf32, #tpu.memory_space<hbm>>, %arg4: memref<8x64x2048xf32, #tpu.memory_space<vmem_shared>>, %arg5: memref<256x128xf32, #tpu.memory_space<vmem>>, %arg6: memref<256x128xf32, #tpu.memory_space<vmem>>, %arg7: memref<!tpu.dma_semaphore, #tpu.memory_space<semaphore_mem>>, %arg8: memref<!tpu.dma_semaphore, #tpu.memory_space<semaphore_mem>>, %arg9: memref<!tpu.dma_semaphore, #tpu.memory_space<semaphore_mem>>, %arg10: memref<!tpu.dma_semaphore, #tpu.memory_space<semaphore_mem>>) attributes {dimension_semantics = [#tpu.dimension_semantics<core_parallel>, #tpu.dimension_semantics<subcore_parallel>], iteration_bounds = array<i64: 2, 16>, scalar_prefetch = 0 : i64, scratch_operands = 7 : i64, tpu.core_type = #tpu.core_type<sc_vector_subcore>, window_params = [{transform_indices = #map}, {transform_indices = #map1}]} {
    %mul3A = arith.constant 2 : i32
    %mul3A_0 = arith.muli %arg1, %mul3A : i32
    %add3A = arith.addi %mul3A_0, %arg0 : i32
    %mul3A_1 = arith.constant 32 : i32
    %mul3A_2 = arith.muli %add3A, %mul3A_1 : i32
    %eq3A = arith.constant 0 : i32
    %eq3A_3 = arith.cmpi eq, %arg1, %eq3A : i32
    %convert_element_type3A = arith.extui %eq3A_3 : i1 to i32
    %cond3A = arith.constant 0 : i32
    %cond3A_4 = arith.cmpi ne, %convert_element_type3A, %cond3A : i32
    scf.if %cond3A_4 {
      "tpu.region"() ({
        %run_scoped3A = tpu.sem_alloc : memref<!tpu.dma_semaphore, #tpu.memory_space<semaphore_mem>>
        tpu.enqueue_dma source(%arg2 : memref<8x64x2048xf32, #tpu.memory_space<hbm>>) target(%arg4 : memref<8x64x2048xf32, #tpu.memory_space<vmem_shared>>) target_semaphore(%run_scoped3A : memref<!tpu.dma_semaphore, #tpu.memory_space<semaphore_mem>>)
        tpu.wait_dma2 semaphore(%run_scoped3A : memref<!tpu.dma_semaphore, #tpu.memory_space<semaphore_mem>>) src(%arg2 : memref<8x64x2048xf32, #tpu.memory_space<hbm>>) dst(%arg4 : memref<8x64x2048xf32, #tpu.memory_space<vmem_shared>>)
        tpu.yield
      }) : () -> ()
    } else {
    }
    %barrier3A = arith.constant 0 : index
    tpu.barrier barrier_id(%barrier3A)
    %scan3A = arith.constant 0 : i32
    %scan3A_5 = arith.constant 16 : i32
    %scan3A_6 = arith.addi %scan3A, %scan3A_5 : i32
    %scan3A_7 = arith.constant 1 : i32
    scf.for %scan3A_539 = %scan3A to %scan3A_6 step %scan3A_7  : i32 {
      %mul3A_540 = arith.constant 2 : i32
      %mul3A_541 = arith.muli %mul3A_540, %scan3A_539 : i32
      %add3A_542 = arith.addi %mul3A_2, %mul3A_541 : i32
      %add3A_543 = arith.constant 1 : i32
      %add3A_544 = arith.addi %add3A_542, %add3A_543 : i32
      %sub3A_545 = arith.constant 1023 : i32
      %sub3A_546 = arith.subi %sub3A_545, %add3A_544 : i32
      %rem3A = arith.constant 8 : i32
      %rem3A_547 = arith.remsi %sub3A_546, %rem3A : i32
      %sub3A_548 = arith.subi %sub3A_546, %rem3A_547 : i32
      %multiple_of3A = tpu.assume_multiple %sub3A_548, 8 : i32
      %mul3A_549 = arith.constant 512 : i32
      %mul3A_550 = arith.muli %add3A_544, %mul3A_549 : i32
      %multiple_of3A_551 = tpu.assume_multiple %mul3A_550, 8 : i32
      %gt3A = arith.constant 0 : i32
      %gt3A_552 = arith.cmpi sgt, %scan3A_539, %gt3A : i32
      %convert_element_type3A_553 = arith.extui %gt3A_552 : i1 to i32
      %cond3A_554 = arith.constant 0 : i32
      %cond3A_555 = arith.cmpi ne, %convert_element_type3A_553, %cond3A_554 : i32
      scf.if %cond3A_555 {
        %dma_wait3A_2830 = arith.constant 0 : i32
        %dma_wait3A_2831 = arith.constant 0 : i32
        %dma_wait3A_2832 = arith.constant 0 : i32
        %dma_wait3A_2833 = tpu.memref_slice %arg3[%dma_wait3A_2831, %dma_wait3A_2832] : memref<524288x128xf32, #tpu.memory_space<hbm>> -> memref<8x128xf32, #tpu.memory_space<hbm>>
        %dma_wait3A_2834 = arith.constant 0 : i32
        %dma_wait3A_2835 = arith.constant 0 : i32
        %dma_wait3A_2836 = tpu.memref_slice %arg4[%dma_wait3A_2830, %dma_wait3A_2834, %dma_wait3A_2835] : memref<8x64x2048xf32, #tpu.memory_space<vmem_shared>> -> memref<1x8x128xf32, #tpu.memory_space<vmem_shared>>
        %dma_wait3A_2837 = tpu.memref_squeeze %dma_wait3A_2836 : memref<1x8x128xf32, #tpu.memory_space<vmem_shared>> -> memref<8x128xf32, #tpu.memory_space<vmem_shared>>
        tpu.wait_dma2 semaphore(%arg10 : memref<!tpu.dma_semaphore, #tpu.memory_space<semaphore_mem>>) src(%dma_wait3A_2837 : memref<8x128xf32, #tpu.memory_space<vmem_shared>>) dst(%dma_wait3A_2833 : memref<8x128xf32, #tpu.memory_space<hbm>>)
        %dma_wait3A_2838 = arith.constant 0 : i32
        %dma_wait3A_2839 = arith.constant 0 : i32
        %dma_wait3A_2840 = arith.constant 0 : i32
        %dma_wait3A_2841 = tpu.memref_slice %arg3[%dma_wait3A_2839, %dma_wait3A_2840] : memref<524288x128xf32, #tpu.memory_space<hbm>> -> memref<8x128xf32, #tpu.memory_space<hbm>>
        %dma_wait3A_2842 = arith.constant 0 : i32
        %dma_wait3A_2843 = arith.constant 0 : i32
        %dma_wait3A_2844 = tpu.memref_slice %arg4[%dma_wait3A_2838, %dma_wait3A_2842, %dma_wait3A_2843] : memref<8x64x2048xf32, #tpu.memory_space<vmem_shared>> -> memref<1x8x128xf32, #tpu.memory_space<vmem_shared>>
        %dma_wait3A_2845 = tpu.memref_squeeze %dma_wait3A_2844 : memref<1x8x128xf32, #tpu.memory_space<vmem_shared>> -> memref<8x128xf32, #tpu.memory_space<vmem_shared>>
        tpu.wait_dma2 semaphore(%arg10 : memref<!tpu.dma_semaphore, #tpu.memory_space<semaphore_mem>>) src(%dma_wait3A_2845 : memref<8x128xf32, #tpu.memory_space<vmem_shared>>) dst(%dma_wait3A_2841 : memref<8x128xf32, #tpu.memory_space<hbm>>)
        %dma_wait3A_2846 = arith.constant 0 : i32
        %dma_wait3A_2847 = arith.constant 0 : i32
        %dma_wait3A_2848 = arith.constant 0 : i32
        %dma_wait3A_2849 = tpu.memref_slice %arg3[%dma_wait3A_2847, %dma_wait3A_2848] : memref<524288x128xf32, #tpu.memory_space<hbm>> -> memref<8x128xf32, #tpu.memory_space<hbm>>
        %dma_wait3A_2850 = arith.constant 0 : i32
        %dma_wait3A_2851 = arith.constant 0 : i32
        %dma_wait3A_2852 = tpu.memref_slice %arg4[%dma_wait3A_2846, %dma_wait3A_2850, %dma_wait3A_2851] : memref<8x64x2048xf32, #tpu.memory_space<vmem_shared>> -> memref<1x8x128xf32, #tpu.memory_space<vmem_shared>>
        %dma_wait3A_2853 = tpu.memref_squeeze %dma_wait3A_2852 : memref<1x8x128xf32, #tpu.memory_space<vmem_shared>> -> memref<8x128xf32, #tpu.memory_space<vmem_shared>>
        tpu.wait_dma2 semaphore(%arg10 : memref<!tpu.dma_semaphore, #tpu.memory_space<semaphore_mem>>) src(%dma_wait3A_2853 : memref<8x128xf32, #tpu.memory_space<vmem_shared>>) dst(%dma_wait3A_2849 : memref<8x128xf32, #tpu.memory_space<hbm>>)
        %dma_wait3A_2854 = arith.constant 0 : i32
        %dma_wait3A_2855 = arith.constant 0 : i32
        %dma_wait3A_2856 = arith.constant 0 : i32
        %dma_wait3A_2857 = tpu.memref_slice %arg3[%dma_wait3A_2855, %dma_wait3A_2856] : memref<524288x128xf32, #tpu.memory_space<hbm>> -> memref<8x128xf32, #tpu.memory_space<hbm>>
        %dma_wait3A_2858 = arith.constant 0 : i32
        %dma_wait3A_2859 = arith.constant 0 : i32
        %dma_wait3A_2860 = tpu.memref_slice %arg4[%dma_wait3A_2854, %dma_wait3A_2858, %dma_wait3A_2859] : memref<8x64x2048xf32, #tpu.memory_space<vmem_shared>> -> memref<1x8x128xf32, #tpu.memory_space<vmem_shared>>
        %dma_wait3A_2861 = tpu.memref_squeeze %dma_wait3A_2860 : memref<1x8x128xf32, #tpu.memory_space<vmem_shared>> -> memref<8x128xf32, #tpu.memory_space<vmem_shared>>
        tpu.wait_dma2 semaphore(%arg10 : memref<!tpu.dma_semaphore, #tpu.memory_space<semaphore_mem>>) src(%dma_wait3A_2861 : memref<8x128xf32, #tpu.memory_space<vmem_shared>>) dst(%dma_wait3A_2857 : memref<8x128xf32, #tpu.memory_space<hbm>>)
        %dma_wait3A_2862 = arith.constant 0 : i32
        %dma_wait3A_2863 = arith.constant 0 : i32
        %dma_wait3A_2864 = arith.constant 0 : i32
        %dma_wait3A_2865 = tpu.memref_slice %arg3[%dma_wait3A_2863, %dma_wait3A_2864] : memref<524288x128xf32, #tpu.memory_space<hbm>> -> memref<8x128xf32, #tpu.memory_space<hbm>>
        %dma_wait3A_2866 = arith.constant 0 : i32
        %dma_wait3A_2867 = arith.constant 0 : i32
        %dma_wait3A_2868 = tpu.memref_slice %arg4[%dma_wait3A_2862, %dma_wait3A_2866, %dma_wait3A_2867] : memref<8x64x2048xf32, #tpu.memory_space<vmem_shared>> -> memref<1x8x128xf32, #tpu.memory_space<vmem_shared>>
        %dma_wait3A_2869 = tpu.memref_squeeze %dma_wait3A_2868 : memref<1x8x128xf32, #tpu.memory_space<vmem_shared>> -> memref<8x128xf32, #tpu.memory_space<vmem_shared>>
        tpu.wait_dma2 semaphore(%arg10 : memref<!tpu.dma_semaphore, #tpu.memory_space<semaphore_mem>>) src(%dma_wait3A_2869 : memref<8x128xf32, #tpu.memory_space<vmem_shared>>) dst(%dma_wait3A_2865 : memref<8x128xf32, #tpu.memory_space<hbm>>)
        %dma_wait3A_2870 = arith.constant 0 : i32
        %dma_wait3A_2871 = arith.constant 0 : i32
        %dma_wait3A_2872 = arith.constant 0 : i32
        %dma_wait3A_2873 = tpu.memref_slice %arg3[%dma_wait3A_2871, %dma_wait3A_2872] : memref<524288x128xf32, #tpu.memory_space<hbm>> -> memref<8x128xf32, #tpu.memory_space<hbm>>
        %dma_wait3A_2874 = arith.constant 0 : i32
        %dma_wait3A_2875 = arith.constant 0 : i32
        %dma_wait3A_2876 = tpu.memref_slice %arg4[%dma_wait3A_2870, %dma_wait3A_2874, %dma_wait3A_2875] : memref<8x64x2048xf32, #tpu.memory_space<vmem_shared>> -> memref<1x8x128xf32, #tpu.memory_space<vmem_shared>>
        %dma_wait3A_2877 = tpu.memref_squeeze %dma_wait3A_2876 : memref<1x8x128xf32, #tpu.memory_space<vmem_shared>> -> memref<8x128xf32, #tpu.memory_space<vmem_shared>>
        tpu.wait_dma2 semaphore(%arg10 : memref<!tpu.dma_semaphore, #tpu.memory_space<semaphore_mem>>) src(%dma_wait3A_2877 : memref<8x128xf32, #tpu.memory_space<vmem_shared>>) dst(%dma_wait3A_2873 : memref<8x128xf32, #tpu.memory_space<hbm>>)
        %dma_wait3A_2878 = arith.constant 0 : i32
        %dma_wait3A_2879 = arith.constant 0 : i32
        %dma_wait3A_2880 = arith.constant 0 : i32
        %dma_wait3A_2881 = tpu.memref_slice %arg3[%dma_wait3A_2879, %dma_wait3A_2880] : memref<524288x128xf32, #tpu.memory_space<hbm>> -> memref<8x128xf32, #tpu.memory_space<hbm>>
        %dma_wait3A_2882 = arith.constant 0 : i32
        %dma_wait3A_2883 = arith.constant 0 : i32
        %dma_wait3A_2884 = tpu.memref_slice %arg4[%dma_wait3A_2878, %dma_wait3A_2882, %dma_wait3A_2883] : memref<8x64x2048xf32, #tpu.memory_space<vmem_shared>> -> memref<1x8x128xf32, #tpu.memory_space<vmem_shared>>
        %dma_wait3A_2885 = tpu.memref_squeeze %dma_wait3A_2884 : memref<1x8x128xf32, #tpu.memory_space<vmem_shared>> -> memref<8x128xf32, #tpu.memory_space<vmem_shared>>
        tpu.wait_dma2 semaphore(%arg10 : memref<!tpu.dma_semaphore, #tpu.memory_space<semaphore_mem>>) src(%dma_wait3A_2885 : memref<8x128xf32, #tpu.memory_space<vmem_shared>>) dst(%dma_wait3A_2881 : memref<8x128xf32, #tpu.memory_space<hbm>>)
        %dma_wait3A_2886 = arith.constant 0 : i32
        %dma_wait3A_2887 = arith.constant 0 : i32
        %dma_wait3A_2888 = arith.constant 0 : i32
        %dma_wait3A_2889 = tpu.memref_slice %arg3[%dma_wait3A_2887, %dma_wait3A_2888] : memref<524288x128xf32, #tpu.memory_space<hbm>> -> memref<8x128xf32, #tpu.memory_space<hbm>>
        %dma_wait3A_2890 = arith.constant 0 : i32
        %dma_wait3A_2891 = arith.constant 0 : i32
        %dma_wait3A_2892 = tpu.memref_slice %arg4[%dma_wait3A_2886, %dma_wait3A_2890, %dma_wait3A_2891] : memref<8x64x2048xf32, #tpu.memory_space<vmem_shared>> -> memref<1x8x128xf32, #tpu.memory_space<vmem_shared>>
        %dma_wait3A_2893 = tpu.memref_squeeze %dma_wait3A_2892 : memref<1x8x128xf32, #tpu.memory_space<vmem_shared>> -> memref<8x128xf32, #tpu.memory_space<vmem_shared>>
        tpu.wait_dma2 semaphore(%arg10 : memref<!tpu.dma_semaphore, #tpu.memory_space<semaphore_mem>>) src(%dma_wait3A_2893 : memref<8x128xf32, #tpu.memory_space<vmem_shared>>) dst(%dma_wait3A_2889 : memref<8x128xf32, #tpu.memory_space<hbm>>)
        %dma_wait3A_2894 = arith.constant 0 : i32
        %dma_wait3A_2895 = arith.constant 0 : i32
        %dma_wait3A_2896 = arith.constant 0 : i32
        %dma_wait3A_2897 = tpu.memref_slice %arg3[%dma_wait3A_2895, %dma_wait3A_2896] : memref<524288x128xf32, #tpu.memory_space<hbm>> -> memref<8x128xf32, #tpu.memory_space<hbm>>
        %dma_wait3A_2898 = arith.constant 0 : i32
        %dma_wait3A_2899 = arith.constant 0 : i32
        %dma_wait3A_2900 = tpu.memref_slice %arg4[%dma_wait3A_2894, %dma_wait3A_2898, %dma_wait3A_2899] : memref<8x64x2048xf32, #tpu.memory_space<vmem_shared>> -> memref<1x8x128xf32, #tpu.memory_space<vmem_shared>>
        %dma_wait3A_2901 = tpu.memref_squeeze %dma_wait3A_2900 : memref<1x8x128xf32, #tpu.memory_space<vmem_shared>> -> memref<8x128xf32, #tpu.memory_space<vmem_shared>>
        tpu.wait_dma2 semaphore(%arg10 : memref<!tpu.dma_semaphore, #tpu.memory_space<semaphore_mem>>) src(%dma_wait3A_2901 : memref<8x128xf32, #tpu.memory_space<vmem_shared>>) dst(%dma_wait3A_2897 : memref<8x128xf32, #tpu.memory_space<hbm>>)
        %dma_wait3A_2902 = arith.constant 0 : i32
        %dma_wait3A_2903 = arith.constant 0 : i32
        %dma_wait3A_2904 = arith.constant 0 : i32
        %dma_wait3A_2905 = tpu.memref_slice %arg3[%dma_wait3A_2903, %dma_wait3A_2904] : memref<524288x128xf32, #tpu.memory_space<hbm>> -> memref<8x128xf32, #tpu.memory_space<hbm>>
        %dma_wait3A_2906 = arith.constant 0 : i32
        %dma_wait3A_2907 = arith.constant 0 : i32
        %dma_wait3A_2908 = tpu.memref_slice %arg4[%dma_wait3A_2902, %dma_wait3A_2906, %dma_wait3A_2907] : memref<8x64x2048xf32, #tpu.memory_space<vmem_shared>> -> memref<1x8x128xf32, #tpu.memory_space<vmem_shared>>
        %dma_wait3A_2909 = tpu.memref_squeeze %dma_wait3A_2908 : memref<1x8x128xf32, #tpu.memory_space<vmem_shared>> -> memref<8x128xf32, #tpu.memory_space<vmem_shared>>
        tpu.wait_dma2 semaphore(%arg10 : memref<!tpu.dma_semaphore, #tpu.memory_space<semaphore_mem>>) src(%dma_wait3A_2909 : memref<8x128xf32, #tpu.memory_space<vmem_shared>>) dst(%dma_wait3A_2905 : memref<8x128xf32, #tpu.memory_space<hbm>>)
        %dma_wait3A_2910 = arith.constant 0 : i32
        %dma_wait3A_2911 = arith.constant 0 : i32
        %dma_wait3A_2912 = arith.constant 0 : i32
        %dma_wait3A_2913 = tpu.memref_slice %arg3[%dma_wait3A_2911, %dma_wait3A_2912] : memref<524288x128xf32, #tpu.memory_space<hbm>> -> memref<8x128xf32, #tpu.memory_space<hbm>>
        %dma_wait3A_2914 = arith.constant 0 : i32
        %dma_wait3A_2915 = arith.constant 0 : i32
        %dma_wait3A_2916 = tpu.memref_slice %arg4[%dma_wait3A_2910, %dma_wait3A_2914, %dma_wait3A_2915] : memref<8x64x2048xf32, #tpu.memory_space<vmem_shared>> -> memref<1x8x128xf32, #tpu.memory_space<vmem_shared>>
        %dma_wait3A_2917 = tpu.memref_squeeze %dma_wait3A_2916 : memref<1x8x128xf32, #tpu.memory_space<vmem_shared>> -> memref<8x128xf32, #tpu.memory_space<vmem_shared>>
        tpu.wait_dma2 semaphore(%arg10 : memref<!tpu.dma_semaphore, #tpu.memory_space<semaphore_mem>>) src(%dma_wait3A_2917 : memref<8x128xf32, #tpu.memory_space<vmem_shared>>) dst(%dma_wait3A_2913 : memref<8x128xf32, #tpu.memory_space<hbm>>)
        %dma_wait3A_2918 = arith.constant 0 : i32
        %dma_wait3A_2919 = arith.constant 0 : i32
        %dma_wait3A_2920 = arith.constant 0 : i32
        %dma_wait3A_2921 = tpu.memref_slice %arg3[%dma_wait3A_2919, %dma_wait3A_2920] : memref<524288x128xf32, #tpu.memory_space<hbm>> -> memref<8x128xf32, #tpu.memory_space<hbm>>
        %dma_wait3A_2922 = arith.constant 0 : i32
        %dma_wait3A_2923 = arith.constant 0 : i32
        %dma_wait3A_2924 = tpu.memref_slice %arg4[%dma_wait3A_2918, %dma_wait3A_2922, %dma_wait3A_2923] : memref<8x64x2048xf32, #tpu.memory_space<vmem_shared>> -> memref<1x8x128xf32, #tpu.memory_space<vmem_shared>>
        %dma_wait3A_2925 = tpu.memref_squeeze %dma_wait3A_2924 : memref<1x8x128xf32, #tpu.memory_space<vmem_shared>> -> memref<8x128xf32, #tpu.memory_space<vmem_shared>>
        tpu.wait_dma2 semaphore(%arg10 : memref<!tpu.dma_semaphore, #tpu.memory_space<semaphore_mem>>) src(%dma_wait3A_2925 : memref<8x128xf32, #tpu.memory_space<vmem_shared>>) dst(%dma_wait3A_2921 : memref<8x128xf32, #tpu.memory_space<hbm>>)
        %dma_wait3A_2926 = arith.constant 0 : i32
        %dma_wait3A_2927 = arith.constant 0 : i32
        %dma_wait3A_2928 = arith.constant 0 : i32
        %dma_wait3A_2929 = tpu.memref_slice %arg3[%dma_wait3A_2927, %dma_wait3A_2928] : memref<524288x128xf32, #tpu.memory_space<hbm>> -> memref<8x128xf32, #tpu.memory_space<hbm>>
        %dma_wait3A_2930 = arith.constant 0 : i32
        %dma_wait3A_2931 = arith.constant 0 : i32
        %dma_wait3A_2932 = tpu.memref_slice %arg4[%dma_wait3A_2926, %dma_wait3A_2930, %dma_wait3A_2931] : memref<8x64x2048xf32, #tpu.memory_space<vmem_shared>> -> memref<1x8x128xf32, #tpu.memory_space<vmem_shared>>
        %dma_wait3A_2933 = tpu.memref_squeeze %dma_wait3A_2932 : memref<1x8x128xf32, #tpu.memory_space<vmem_shared>> -> memref<8x128xf32, #tpu.memory_space<vmem_shared>>
        tpu.wait_dma2 semaphore(%arg10 : memref<!tpu.dma_semaphore, #tpu.memory_space<semaphore_mem>>) src(%dma_wait3A_2933 : memref<8x128xf32, #tpu.memory_space<vmem_shared>>) dst(%dma_wait3A_2929 : memref<8x128xf32, #tpu.memory_space<hbm>>)
        %dma_wait3A_2934 = arith.constant 0 : i32
        %dma_wait3A_2935 = arith.constant 0 : i32
        %dma_wait3A_2936 = arith.constant 0 : i32
        %dma_wait3A_2937 = tpu.memref_slice %arg3[%dma_wait3A_2935, %dma_wait3A_2936] : memref<524288x128xf32, #tpu.memory_space<hbm>> -> memref<8x128xf32, #tpu.memory_space<hbm>>
        %dma_wait3A_2938 = arith.constant 0 : i32
        %dma_wait3A_2939 = arith.constant 0 : i32
        %dma_wait3A_2940 = tpu.memref_slice %arg4[%dma_wait3A_2934, %dma_wait3A_2938, %dma_wait3A_2939] : memref<8x64x2048xf32, #tpu.memory_space<vmem_shared>> -> memref<1x8x128xf32, #tpu.memory_space<vmem_shared>>
        %dma_wait3A_2941 = tpu.memref_squeeze %dma_wait3A_2940 : memref<1x8x128xf32, #tpu.memory_space<vmem_shared>> -> memref<8x128xf32, #tpu.memory_space<vmem_shared>>
        tpu.wait_dma2 semaphore(%arg10 : memref<!tpu.dma_semaphore, #tpu.memory_space<semaphore_mem>>) src(%dma_wait3A_2941 : memref<8x128xf32, #tpu.memory_space<vmem_shared>>) dst(%dma_wait3A_2937 : memref<8x128xf32, #tpu.memory_space<hbm>>)
        %dma_wait3A_2942 = arith.constant 0 : i32
        %dma_wait3A_2943 = arith.constant 0 : i32
        %dma_wait3A_2944 = arith.constant 0 : i32
        %dma_wait3A_2945 = tpu.memref_slice %arg3[%dma_wait3A_2943, %dma_wait3A_2944] : memref<524288x128xf32, #tpu.memory_space<hbm>> -> memref<8x128xf32, #tpu.memory_space<hbm>>
        %dma_wait3A_2946 = arith.constant 0 : i32
        %dma_wait3A_2947 = arith.constant 0 : i32
        %dma_wait3A_2948 = tpu.memref_slice %arg4[%dma_wait3A_2942, %dma_wait3A_2946, %dma_wait3A_2947] : memref<8x64x2048xf32, #tpu.memory_space<vmem_shared>> -> memref<1x8x128xf32, #tpu.memory_space<vmem_shared>>
        %dma_wait3A_2949 = tpu.memref_squeeze %dma_wait3A_2948 : memref<1x8x128xf32, #tpu.memory_space<vmem_shared>> -> memref<8x128xf32, #tpu.memory_space<vmem_shared>>
        tpu.wait_dma2 semaphore(%arg10 : memref<!tpu.dma_semaphore, #tpu.memory_space<semaphore_mem>>) src(%dma_wait3A_2949 : memref<8x128xf32, #tpu.memory_space<vmem_shared>>) dst(%dma_wait3A_2945 : memref<8x128xf32, #tpu.memory_space<hbm>>)
        %dma_wait3A_2950 = arith.constant 0 : i32
        %dma_wait3A_2951 = arith.constant 0 : i32
        %dma_wait3A_2952 = arith.constant 0 : i32
        %dma_wait3A_2953 = tpu.memref_slice %arg3[%dma_wait3A_2951, %dma_wait3A_2952] : memref<524288x128xf32, #tpu.memory_space<hbm>> -> memref<8x128xf32, #tpu.memory_space<hbm>>
        %dma_wait3A_2954 = arith.constant 0 : i32
        %dma_wait3A_2955 = arith.constant 0 : i32
        %dma_wait3A_2956 = tpu.memref_slice %arg4[%dma_wait3A_2950, %dma_wait3A_2954, %dma_wait3A_2955] : memref<8x64x2048xf32, #tpu.memory_space<vmem_shared>> -> memref<1x8x128xf32, #tpu.memory_space<vmem_shared>>
        %dma_wait3A_2957 = tpu.memref_squeeze %dma_wait3A_2956 : memref<1x8x128xf32, #tpu.memory_space<vmem_shared>> -> memref<8x128xf32, #tpu.memory_space<vmem_shared>>
        tpu.wait_dma2 semaphore(%arg10 : memref<!tpu.dma_semaphore, #tpu.memory_space<semaphore_mem>>) src(%dma_wait3A_2957 : memref<8x128xf32, #tpu.memory_space<vmem_shared>>) dst(%dma_wait3A_2953 : memref<8x128xf32, #tpu.memory_space<hbm>>)
        %dma_wait3A_2958 = arith.constant 0 : i32
        %dma_wait3A_2959 = arith.constant 0 : i32
        %dma_wait3A_2960 = arith.constant 0 : i32
        %dma_wait3A_2961 = tpu.memref_slice %arg3[%dma_wait3A_2959, %dma_wait3A_2960] : memref<524288x128xf32, #tpu.memory_space<hbm>> -> memref<8x128xf32, #tpu.memory_space<hbm>>
        %dma_wait3A_2962 = arith.constant 0 : i32
        %dma_wait3A_2963 = arith.constant 0 : i32
        %dma_wait3A_2964 = tpu.memref_slice %arg4[%dma_wait3A_2958, %dma_wait3A_2962, %dma_wait3A_2963] : memref<8x64x2048xf32, #tpu.memory_space<vmem_shared>> -> memref<1x8x128xf32, #tpu.memory_space<vmem_shared>>
        %dma_wait3A_2965 = tpu.memref_squeeze %dma_wait3A_2964 : memref<1x8x128xf32, #tpu.memory_space<vmem_shared>> -> memref<8x128xf32, #tpu.memory_space<vmem_shared>>
        tpu.wait_dma2 semaphore(%arg10 : memref<!tpu.dma_semaphore, #tpu.memory_space<semaphore_mem>>) src(%dma_wait3A_2965 : memref<8x128xf32, #tpu.memory_space<vmem_shared>>) dst(%dma_wait3A_2961 : memref<8x128xf32, #tpu.memory_space<hbm>>)
        %dma_wait3A_2966 = arith.constant 0 : i32
        %dma_wait3A_2967 = arith.constant 0 : i32
        %dma_wait3A_2968 = arith.constant 0 : i32
        %dma_wait3A_2969 = tpu.memref_slice %arg3[%dma_wait3A_2967, %dma_wait3A_2968] : memref<524288x128xf32, #tpu.memory_space<hbm>> -> memref<8x128xf32, #tpu.memory_space<hbm>>
        %dma_wait3A_2970 = arith.constant 0 : i32
        %dma_wait3A_2971 = arith.constant 0 : i32
        %dma_wait3A_2972 = tpu.memref_slice %arg4[%dma_wait3A_2966, %dma_wait3A_2970, %dma_wait3A_2971] : memref<8x64x2048xf32, #tpu.memory_space<vmem_shared>> -> memref<1x8x128xf32, #tpu.memory_space<vmem_shared>>
        %dma_wait3A_2973 = tpu.memref_squeeze %dma_wait3A_2972 : memref<1x8x128xf32, #tpu.memory_space<vmem_shared>> -> memref<8x128xf32, #tpu.memory_space<vmem_shared>>
        tpu.wait_dma2 semaphore(%arg10 : memref<!tpu.dma_semaphore, #tpu.memory_space<semaphore_mem>>) src(%dma_wait3A_2973 : memref<8x128xf32, #tpu.memory_space<vmem_shared>>) dst(%dma_wait3A_2969 : memref<8x128xf32, #tpu.memory_space<hbm>>)
        %dma_wait3A_2974 = arith.constant 0 : i32
        %dma_wait3A_2975 = arith.constant 0 : i32
        %dma_wait3A_2976 = arith.constant 0 : i32
        %dma_wait3A_2977 = tpu.memref_slice %arg3[%dma_wait3A_2975, %dma_wait3A_2976] : memref<524288x128xf32, #tpu.memory_space<hbm>> -> memref<8x128xf32, #tpu.memory_space<hbm>>
        %dma_wait3A_2978 = arith.constant 0 : i32
        %dma_wait3A_2979 = arith.constant 0 : i32
        %dma_wait3A_2980 = tpu.memref_slice %arg4[%dma_wait3A_2974, %dma_wait3A_2978, %dma_wait3A_2979] : memref<8x64x2048xf32, #tpu.memory_space<vmem_shared>> -> memref<1x8x128xf32, #tpu.memory_space<vmem_shared>>
        %dma_wait3A_2981 = tpu.memref_squeeze %dma_wait3A_2980 : memref<1x8x128xf32, #tpu.memory_space<vmem_shared>> -> memref<8x128xf32, #tpu.memory_space<vmem_shared>>
        tpu.wait_dma2 semaphore(%arg10 : memref<!tpu.dma_semaphore, #tpu.memory_space<semaphore_mem>>) src(%dma_wait3A_2981 : memref<8x128xf32, #tpu.memory_space<vmem_shared>>) dst(%dma_wait3A_2977 : memref<8x128xf32, #tpu.memory_space<hbm>>)
        %dma_wait3A_2982 = arith.constant 0 : i32
        %dma_wait3A_2983 = arith.constant 0 : i32
        %dma_wait3A_2984 = arith.constant 0 : i32
        %dma_wait3A_2985 = tpu.memref_slice %arg3[%dma_wait3A_2983, %dma_wait3A_2984] : memref<524288x128xf32, #tpu.memory_space<hbm>> -> memref<8x128xf32, #tpu.memory_space<hbm>>
        %dma_wait3A_2986 = arith.constant 0 : i32
        %dma_wait3A_2987 = arith.constant 0 : i32
        %dma_wait3A_2988 = tpu.memref_slice %arg4[%dma_wait3A_2982, %dma_wait3A_2986, %dma_wait3A_2987] : memref<8x64x2048xf32, #tpu.memory_space<vmem_shared>> -> memref<1x8x128xf32, #tpu.memory_space<vmem_shared>>
        %dma_wait3A_2989 = tpu.memref_squeeze %dma_wait3A_2988 : memref<1x8x128xf32, #tpu.memory_space<vmem_shared>> -> memref<8x128xf32, #tpu.memory_space<vmem_shared>>
        tpu.wait_dma2 semaphore(%arg10 : memref<!tpu.dma_semaphore, #tpu.memory_space<semaphore_mem>>) src(%dma_wait3A_2989 : memref<8x128xf32, #tpu.memory_space<vmem_shared>>) dst(%dma_wait3A_2985 : memref<8x128xf32, #tpu.memory_space<hbm>>)
        %dma_wait3A_2990 = arith.constant 0 : i32
        %dma_wait3A_2991 = arith.constant 0 : i32
        %dma_wait3A_2992 = arith.constant 0 : i32
        %dma_wait3A_2993 = tpu.memref_slice %arg3[%dma_wait3A_2991, %dma_wait3A_2992] : memref<524288x128xf32, #tpu.memory_space<hbm>> -> memref<8x128xf32, #tpu.memory_space<hbm>>
        %dma_wait3A_2994 = arith.constant 0 : i32
        %dma_wait3A_2995 = arith.constant 0 : i32
        %dma_wait3A_2996 = tpu.memref_slice %arg4[%dma_wait3A_2990, %dma_wait3A_2994, %dma_wait3A_2995] : memref<8x64x2048xf32, #tpu.memory_space<vmem_shared>> -> memref<1x8x128xf32, #tpu.memory_space<vmem_shared>>
        %dma_wait3A_2997 = tpu.memref_squeeze %dma_wait3A_2996 : memref<1x8x128xf32, #tpu.memory_space<vmem_shared>> -> memref<8x128xf32, #tpu.memory_space<vmem_shared>>
        tpu.wait_dma2 semaphore(%arg10 : memref<!tpu.dma_semaphore, #tpu.memory_space<semaphore_mem>>) src(%dma_wait3A_2997 : memref<8x128xf32, #tpu.memory_space<vmem_shared>>) dst(%dma_wait3A_2993 : memref<8x128xf32, #tpu.memory_space<hbm>>)
        %dma_wait3A_2998 = arith.constant 0 : i32
        %dma_wait3A_2999 = arith.constant 0 : i32
        %dma_wait3A_3000 = arith.constant 0 : i32
        %dma_wait3A_3001 = tpu.memref_slice %arg3[%dma_wait3A_2999, %dma_wait3A_3000] : memref<524288x128xf32, #tpu.memory_space<hbm>> -> memref<8x128xf32, #tpu.memory_space<hbm>>
        %dma_wait3A_3002 = arith.constant 0 : i32
        %dma_wait3A_3003 = arith.constant 0 : i32
        %dma_wait3A_3004 = tpu.memref_slice %arg4[%dma_wait3A_2998, %dma_wait3A_3002, %dma_wait3A_3003] : memref<8x64x2048xf32, #tpu.memory_space<vmem_shared>> -> memref<1x8x128xf32, #tpu.memory_space<vmem_shared>>
        %dma_wait3A_3005 = tpu.memref_squeeze %dma_wait3A_3004 : memref<1x8x128xf32, #tpu.memory_space<vmem_shared>> -> memref<8x128xf32, #tpu.memory_space<vmem_shared>>
        tpu.wait_dma2 semaphore(%arg10 : memref<!tpu.dma_semaphore, #tpu.memory_space<semaphore_mem>>) src(%dma_wait3A_3005 : memref<8x128xf32, #tpu.memory_space<vmem_shared>>) dst(%dma_wait3A_3001 : memref<8x128xf32, #tpu.memory_space<hbm>>)
        %dma_wait3A_3006 = arith.constant 0 : i32
        %dma_wait3A_3007 = arith.constant 0 : i32
        %dma_wait3A_3008 = arith.constant 0 : i32
        %dma_wait3A_3009 = tpu.memref_slice %arg3[%dma_wait3A_3007, %dma_wait3A_3008] : memref<524288x128xf32, #tpu.memory_space<hbm>> -> memref<8x128xf32, #tpu.memory_space<hbm>>
        %dma_wait3A_3010 = arith.constant 0 : i32
        %dma_wait3A_3011 = arith.constant 0 : i32
        %dma_wait3A_3012 = tpu.memref_slice %arg4[%dma_wait3A_3006, %dma_wait3A_3010, %dma_wait3A_3011] : memref<8x64x2048xf32, #tpu.memory_space<vmem_shared>> -> memref<1x8x128xf32, #tpu.memory_space<vmem_shared>>
        %dma_wait3A_3013 = tpu.memref_squeeze %dma_wait3A_3012 : memref<1x8x128xf32, #tpu.memory_space<vmem_shared>> -> memref<8x128xf32, #tpu.memory_space<vmem_shared>>
        tpu.wait_dma2 semaphore(%arg10 : memref<!tpu.dma_semaphore, #tpu.memory_space<semaphore_mem>>) src(%dma_wait3A_3013 : memref<8x128xf32, #tpu.memory_space<vmem_shared>>) dst(%dma_wait3A_3009 : memref<8x128xf32, #tpu.memory_space<hbm>>)
        %dma_wait3A_3014 = arith.constant 0 : i32
        %dma_wait3A_3015 = arith.constant 0 : i32
        %dma_wait3A_3016 = arith.constant 0 : i32
        %dma_wait3A_3017 = tpu.memref_slice %arg3[%dma_wait3A_3015, %dma_wait3A_3016] : memref<524288x128xf32, #tpu.memory_space<hbm>> -> memref<8x128xf32, #tpu.memory_space<hbm>>
        %dma_wait3A_3018 = arith.constant 0 : i32
        %dma_wait3A_3019 = arith.constant 0 : i32
        %dma_wait3A_3020 = tpu.memref_slice %arg4[%dma_wait3A_3014, %dma_wait3A_3018, %dma_wait3A_3019] : memref<8x64x2048xf32, #tpu.memory_space<vmem_shared>> -> memref<1x8x128xf32, #tpu.memory_space<vmem_shared>>
        %dma_wait3A_3021 = tpu.memref_squeeze %dma_wait3A_3020 : memref<1x8x128xf32, #tpu.memory_space<vmem_shared>> -> memref<8x128xf32, #tpu.memory_space<vmem_shared>>
        tpu.wait_dma2 semaphore(%arg10 : memref<!tpu.dma_semaphore, #tpu.memory_space<semaphore_mem>>) src(%dma_wait3A_3021 : memref<8x128xf32, #tpu.memory_space<vmem_shared>>) dst(%dma_wait3A_3017 : memref<8x128xf32, #tpu.memory_space<hbm>>)
        %dma_wait3A_3022 = arith.constant 0 : i32
        %dma_wait3A_3023 = arith.constant 0 : i32
        %dma_wait3A_3024 = arith.constant 0 : i32
        %dma_wait3A_3025 = tpu.memref_slice %arg3[%dma_wait3A_3023, %dma_wait3A_3024] : memref<524288x128xf32, #tpu.memory_space<hbm>> -> memref<8x128xf32, #tpu.memory_space<hbm>>
        %dma_wait3A_3026 = arith.constant 0 : i32
        %dma_wait3A_3027 = arith.constant 0 : i32
        %dma_wait3A_3028 = tpu.memref_slice %arg4[%dma_wait3A_3022, %dma_wait3A_3026, %dma_wait3A_3027] : memref<8x64x2048xf32, #tpu.memory_space<vmem_shared>> -> memref<1x8x128xf32, #tpu.memory_space<vmem_shared>>
        %dma_wait3A_3029 = tpu.memref_squeeze %dma_wait3A_3028 : memref<1x8x128xf32, #tpu.memory_space<vmem_shared>> -> memref<8x128xf32, #tpu.memory_space<vmem_shared>>
        tpu.wait_dma2 semaphore(%arg10 : memref<!tpu.dma_semaphore, #tpu.memory_space<semaphore_mem>>) src(%dma_wait3A_3029 : memref<8x128xf32, #tpu.memory_space<vmem_shared>>) dst(%dma_wait3A_3025 : memref<8x128xf32, #tpu.memory_space<hbm>>)
        %dma_wait3A_3030 = arith.constant 0 : i32
        %dma_wait3A_3031 = arith.constant 0 : i32
        %dma_wait3A_3032 = arith.constant 0 : i32
        %dma_wait3A_3033 = tpu.memref_slice %arg3[%dma_wait3A_3031, %dma_wait3A_3032] : memref<524288x128xf32, #tpu.memory_space<hbm>> -> memref<8x128xf32, #tpu.memory_space<hbm>>
        %dma_wait3A_3034 = arith.constant 0 : i32
        %dma_wait3A_3035 = arith.constant 0 : i32
        %dma_wait3A_3036 = tpu.memref_slice %arg4[%dma_wait3A_3030, %dma_wait3A_3034, %dma_wait3A_3035] : memref<8x64x2048xf32, #tpu.memory_space<vmem_shared>> -> memref<1x8x128xf32, #tpu.memory_space<vmem_shared>>
        %dma_wait3A_3037 = tpu.memref_squeeze %dma_wait3A_3036 : memref<1x8x128xf32, #tpu.memory_space<vmem_shared>> -> memref<8x128xf32, #tpu.memory_space<vmem_shared>>
        tpu.wait_dma2 semaphore(%arg10 : memref<!tpu.dma_semaphore, #tpu.memory_space<semaphore_mem>>) src(%dma_wait3A_3037 : memref<8x128xf32, #tpu.memory_space<vmem_shared>>) dst(%dma_wait3A_3033 : memref<8x128xf32, #tpu.memory_space<hbm>>)
        %dma_wait3A_3038 = arith.constant 0 : i32
        %dma_wait3A_3039 = arith.constant 0 : i32
        %dma_wait3A_3040 = arith.constant 0 : i32
        %dma_wait3A_3041 = tpu.memref_slice %arg3[%dma_wait3A_3039, %dma_wait3A_3040] : memref<524288x128xf32, #tpu.memory_space<hbm>> -> memref<8x128xf32, #tpu.memory_space<hbm>>
        %dma_wait3A_3042 = arith.constant 0 : i32
        %dma_wait3A_3043 = arith.constant 0 : i32
        %dma_wait3A_3044 = tpu.memref_slice %arg4[%dma_wait3A_3038, %dma_wait3A_3042, %dma_wait3A_3043] : memref<8x64x2048xf32, #tpu.memory_space<vmem_shared>> -> memref<1x8x128xf32, #tpu.memory_space<vmem_shared>>
        %dma_wait3A_3045 = tpu.memref_squeeze %dma_wait3A_3044 : memref<1x8x128xf32, #tpu.memory_space<vmem_shared>> -> memref<8x128xf32, #tpu.memory_space<vmem_shared>>
        tpu.wait_dma2 semaphore(%arg10 : memref<!tpu.dma_semaphore, #tpu.memory_space<semaphore_mem>>) src(%dma_wait3A_3045 : memref<8x128xf32, #tpu.memory_space<vmem_shared>>) dst(%dma_wait3A_3041 : memref<8x128xf32, #tpu.memory_space<hbm>>)
        %dma_wait3A_3046 = arith.constant 0 : i32
        %dma_wait3A_3047 = arith.constant 0 : i32
        %dma_wait3A_3048 = arith.constant 0 : i32
        %dma_wait3A_3049 = tpu.memref_slice %arg3[%dma_wait3A_3047, %dma_wait3A_3048] : memref<524288x128xf32, #tpu.memory_space<hbm>> -> memref<8x128xf32, #tpu.memory_space<hbm>>
        %dma_wait3A_3050 = arith.constant 0 : i32
        %dma_wait3A_3051 = arith.constant 0 : i32
        %dma_wait3A_3052 = tpu.memref_slice %arg4[%dma_wait3A_3046, %dma_wait3A_3050, %dma_wait3A_3051] : memref<8x64x2048xf32, #tpu.memory_space<vmem_shared>> -> memref<1x8x128xf32, #tpu.memory_space<vmem_shared>>
        %dma_wait3A_3053 = tpu.memref_squeeze %dma_wait3A_3052 : memref<1x8x128xf32, #tpu.memory_space<vmem_shared>> -> memref<8x128xf32, #tpu.memory_space<vmem_shared>>
        tpu.wait_dma2 semaphore(%arg10 : memref<!tpu.dma_semaphore, #tpu.memory_space<semaphore_mem>>) src(%dma_wait3A_3053 : memref<8x128xf32, #tpu.memory_space<vmem_shared>>) dst(%dma_wait3A_3049 : memref<8x128xf32, #tpu.memory_space<hbm>>)
        %dma_wait3A_3054 = arith.constant 0 : i32
        %dma_wait3A_3055 = arith.constant 0 : i32
        %dma_wait3A_3056 = arith.constant 0 : i32
        %dma_wait3A_3057 = tpu.memref_slice %arg3[%dma_wait3A_3055, %dma_wait3A_3056] : memref<524288x128xf32, #tpu.memory_space<hbm>> -> memref<8x128xf32, #tpu.memory_space<hbm>>
        %dma_wait3A_3058 = arith.constant 0 : i32
        %dma_wait3A_3059 = arith.constant 0 : i32
        %dma_wait3A_3060 = tpu.memref_slice %arg4[%dma_wait3A_3054, %dma_wait3A_3058, %dma_wait3A_3059] : memref<8x64x2048xf32, #tpu.memory_space<vmem_shared>> -> memref<1x8x128xf32, #tpu.memory_space<vmem_shared>>
        %dma_wait3A_3061 = tpu.memref_squeeze %dma_wait3A_3060 : memref<1x8x128xf32, #tpu.memory_space<vmem_shared>> -> memref<8x128xf32, #tpu.memory_space<vmem_shared>>
        tpu.wait_dma2 semaphore(%arg10 : memref<!tpu.dma_semaphore, #tpu.memory_space<semaphore_mem>>) src(%dma_wait3A_3061 : memref<8x128xf32, #tpu.memory_space<vmem_shared>>) dst(%dma_wait3A_3057 : memref<8x128xf32, #tpu.memory_space<hbm>>)
        %dma_wait3A_3062 = arith.constant 0 : i32
        %dma_wait3A_3063 = arith.constant 0 : i32
        %dma_wait3A_3064 = arith.constant 0 : i32
        %dma_wait3A_3065 = tpu.memref_slice %arg3[%dma_wait3A_3063, %dma_wait3A_3064] : memref<524288x128xf32, #tpu.memory_space<hbm>> -> memref<8x128xf32, #tpu.memory_space<hbm>>
        %dma_wait3A_3066 = arith.constant 0 : i32
        %dma_wait3A_3067 = arith.constant 0 : i32
        %dma_wait3A_3068 = tpu.memref_slice %arg4[%dma_wait3A_3062, %dma_wait3A_3066, %dma_wait3A_3067] : memref<8x64x2048xf32, #tpu.memory_space<vmem_shared>> -> memref<1x8x128xf32, #tpu.memory_space<vmem_shared>>
        %dma_wait3A_3069 = tpu.memref_squeeze %dma_wait3A_3068 : memref<1x8x128xf32, #tpu.memory_space<vmem_shared>> -> memref<8x128xf32, #tpu.memory_space<vmem_shared>>
        tpu.wait_dma2 semaphore(%arg10 : memref<!tpu.dma_semaphore, #tpu.memory_space<semaphore_mem>>) src(%dma_wait3A_3069 : memref<8x128xf32, #tpu.memory_space<vmem_shared>>) dst(%dma_wait3A_3065 : memref<8x128xf32, #tpu.memory_space<hbm>>)
        %dma_wait3A_3070 = arith.constant 0 : i32
        %dma_wait3A_3071 = arith.constant 0 : i32
        %dma_wait3A_3072 = arith.constant 0 : i32
        %dma_wait3A_3073 = tpu.memref_slice %arg3[%dma_wait3A_3071, %dma_wait3A_3072] : memref<524288x128xf32, #tpu.memory_space<hbm>> -> memref<8x128xf32, #tpu.memory_space<hbm>>
        %dma_wait3A_3074 = arith.constant 0 : i32
        %dma_wait3A_3075 = arith.constant 0 : i32
        %dma_wait3A_3076 = tpu.memref_slice %arg4[%dma_wait3A_3070, %dma_wait3A_3074, %dma_wait3A_3075] : memref<8x64x2048xf32, #tpu.memory_space<vmem_shared>> -> memref<1x8x128xf32, #tpu.memory_space<vmem_shared>>
        %dma_wait3A_3077 = tpu.memref_squeeze %dma_wait3A_3076 : memref<1x8x128xf32, #tpu.memory_space<vmem_shared>> -> memref<8x128xf32, #tpu.memory_space<vmem_shared>>
        tpu.wait_dma2 semaphore(%arg10 : memref<!tpu.dma_semaphore, #tpu.memory_space<semaphore_mem>>) src(%dma_wait3A_3077 : memref<8x128xf32, #tpu.memory_space<vmem_shared>>) dst(%dma_wait3A_3073 : memref<8x128xf32, #tpu.memory_space<hbm>>)
        %dma_wait3A_3078 = arith.constant 0 : i32
        %dma_wait3A_3079 = arith.constant 0 : i32
        %dma_wait3A_3080 = arith.constant 0 : i32
        %dma_wait3A_3081 = tpu.memref_slice %arg3[%dma_wait3A_3079, %dma_wait3A_3080] : memref<524288x128xf32, #tpu.memory_space<hbm>> -> memref<8x128xf32, #tpu.memory_space<hbm>>
        %dma_wait3A_3082 = arith.constant 0 : i32
        %dma_wait3A_3083 = arith.constant 0 : i32
        %dma_wait3A_3084 = tpu.memref_slice %arg4[%dma_wait3A_3078, %dma_wait3A_3082, %dma_wait3A_3083] : memref<8x64x2048xf32, #tpu.memory_space<vmem_shared>> -> memref<1x8x128xf32, #tpu.memory_space<vmem_shared>>
        %dma_wait3A_3085 = tpu.memref_squeeze %dma_wait3A_3084 : memref<1x8x128xf32, #tpu.memory_space<vmem_shared>> -> memref<8x128xf32, #tpu.memory_space<vmem_shared>>
        tpu.wait_dma2 semaphore(%arg10 : memref<!tpu.dma_semaphore, #tpu.memory_space<semaphore_mem>>) src(%dma_wait3A_3085 : memref<8x128xf32, #tpu.memory_space<vmem_shared>>) dst(%dma_wait3A_3081 : memref<8x128xf32, #tpu.memory_space<hbm>>)
        %dma_wait3A_3086 = arith.constant 0 : i32
        %dma_wait3A_3087 = arith.constant 0 : i32
        %dma_wait3A_3088 = arith.constant 0 : i32
        %dma_wait3A_3089 = tpu.memref_slice %arg3[%dma_wait3A_3087, %dma_wait3A_3088] : memref<524288x128xf32, #tpu.memory_space<hbm>> -> memref<8x128xf32, #tpu.memory_space<hbm>>
        %dma_wait3A_3090 = arith.constant 0 : i32
        %dma_wait3A_3091 = arith.constant 0 : i32
        %dma_wait3A_3092 = tpu.memref_slice %arg4[%dma_wait3A_3086, %dma_wait3A_3090, %dma_wait3A_3091] : memref<8x64x2048xf32, #tpu.memory_space<vmem_shared>> -> memref<1x8x128xf32, #tpu.memory_space<vmem_shared>>
        %dma_wait3A_3093 = tpu.memref_squeeze %dma_wait3A_3092 : memref<1x8x128xf32, #tpu.memory_space<vmem_shared>> -> memref<8x128xf32, #tpu.memory_space<vmem_shared>>
        tpu.wait_dma2 semaphore(%arg10 : memref<!tpu.dma_semaphore, #tpu.memory_space<semaphore_mem>>) src(%dma_wait3A_3093 : memref<8x128xf32, #tpu.memory_space<vmem_shared>>) dst(%dma_wait3A_3089 : memref<8x128xf32, #tpu.memory_space<hbm>>)
        %dma_wait3A_3094 = arith.constant 0 : i32
        %dma_wait3A_3095 = arith.constant 0 : i32
        %dma_wait3A_3096 = arith.constant 0 : i32
        %dma_wait3A_3097 = tpu.memref_slice %arg3[%dma_wait3A_3095, %dma_wait3A_3096] : memref<524288x128xf32, #tpu.memory_space<hbm>> -> memref<8x128xf32, #tpu.memory_space<hbm>>
        %dma_wait3A_3098 = arith.constant 0 : i32
        %dma_wait3A_3099 = arith.constant 0 : i32
        %dma_wait3A_3100 = tpu.memref_slice %arg4[%dma_wait3A_3094, %dma_wait3A_3098, %dma_wait3A_3099] : memref<8x64x2048xf32, #tpu.memory_space<vmem_shared>> -> memref<1x8x128xf32, #tpu.memory_space<vmem_shared>>
        %dma_wait3A_3101 = tpu.memref_squeeze %dma_wait3A_3100 : memref<1x8x128xf32, #tpu.memory_space<vmem_shared>> -> memref<8x128xf32, #tpu.memory_space<vmem_shared>>
        tpu.wait_dma2 semaphore(%arg10 : memref<!tpu.dma_semaphore, #tpu.memory_space<semaphore_mem>>) src(%dma_wait3A_3101 : memref<8x128xf32, #tpu.memory_space<vmem_shared>>) dst(%dma_wait3A_3097 : memref<8x128xf32, #tpu.memory_space<hbm>>)
        %dma_wait3A_3102 = arith.constant 0 : i32
        %dma_wait3A_3103 = arith.constant 0 : i32
        %dma_wait3A_3104 = arith.constant 0 : i32
        %dma_wait3A_3105 = tpu.memref_slice %arg3[%dma_wait3A_3103, %dma_wait3A_3104] : memref<524288x128xf32, #tpu.memory_space<hbm>> -> memref<8x128xf32, #tpu.memory_space<hbm>>
        %dma_wait3A_3106 = arith.constant 0 : i32
        %dma_wait3A_3107 = arith.constant 0 : i32
        %dma_wait3A_3108 = tpu.memref_slice %arg4[%dma_wait3A_3102, %dma_wait3A_3106, %dma_wait3A_3107] : memref<8x64x2048xf32, #tpu.memory_space<vmem_shared>> -> memref<1x8x128xf32, #tpu.memory_space<vmem_shared>>
        %dma_wait3A_3109 = tpu.memref_squeeze %dma_wait3A_3108 : memref<1x8x128xf32, #tpu.memory_space<vmem_shared>> -> memref<8x128xf32, #tpu.memory_space<vmem_shared>>
        tpu.wait_dma2 semaphore(%arg10 : memref<!tpu.dma_semaphore, #tpu.memory_space<semaphore_mem>>) src(%dma_wait3A_3109 : memref<8x128xf32, #tpu.memory_space<vmem_shared>>) dst(%dma_wait3A_3105 : memref<8x128xf32, #tpu.memory_space<hbm>>)
        %dma_wait3A_3110 = arith.constant 0 : i32
        %dma_wait3A_3111 = arith.constant 0 : i32
        %dma_wait3A_3112 = arith.constant 0 : i32
        %dma_wait3A_3113 = tpu.memref_slice %arg3[%dma_wait3A_3111, %dma_wait3A_3112] : memref<524288x128xf32, #tpu.memory_space<hbm>> -> memref<8x128xf32, #tpu.memory_space<hbm>>
        %dma_wait3A_3114 = arith.constant 0 : i32
        %dma_wait3A_3115 = arith.constant 0 : i32
        %dma_wait3A_3116 = tpu.memref_slice %arg4[%dma_wait3A_3110, %dma_wait3A_3114, %dma_wait3A_3115] : memref<8x64x2048xf32, #tpu.memory_space<vmem_shared>> -> memref<1x8x128xf32, #tpu.memory_space<vmem_shared>>
        %dma_wait3A_3117 = tpu.memref_squeeze %dma_wait3A_3116 : memref<1x8x128xf32, #tpu.memory_space<vmem_shared>> -> memref<8x128xf32, #tpu.memory_space<vmem_shared>>
        tpu.wait_dma2 semaphore(%arg10 : memref<!tpu.dma_semaphore, #tpu.memory_space<semaphore_mem>>) src(%dma_wait3A_3117 : memref<8x128xf32, #tpu.memory_space<vmem_shared>>) dst(%dma_wait3A_3113 : memref<8x128xf32, #tpu.memory_space<hbm>>)
        %dma_wait3A_3118 = arith.constant 0 : i32
        %dma_wait3A_3119 = arith.constant 0 : i32
        %dma_wait3A_3120 = arith.constant 0 : i32
        %dma_wait3A_3121 = tpu.memref_slice %arg3[%dma_wait3A_3119, %dma_wait3A_3120] : memref<524288x128xf32, #tpu.memory_space<hbm>> -> memref<8x128xf32, #tpu.memory_space<hbm>>
        %dma_wait3A_3122 = arith.constant 0 : i32
        %dma_wait3A_3123 = arith.constant 0 : i32
        %dma_wait3A_3124 = tpu.memref_slice %arg4[%dma_wait3A_3118, %dma_wait3A_3122, %dma_wait3A_3123] : memref<8x64x2048xf32, #tpu.memory_space<vmem_shared>> -> memref<1x8x128xf32, #tpu.memory_space<vmem_shared>>
        %dma_wait3A_3125 = tpu.memref_squeeze %dma_wait3A_3124 : memref<1x8x128xf32, #tpu.memory_space<vmem_shared>> -> memref<8x128xf32, #tpu.memory_space<vmem_shared>>
        tpu.wait_dma2 semaphore(%arg10 : memref<!tpu.dma_semaphore, #tpu.memory_space<semaphore_mem>>) src(%dma_wait3A_3125 : memref<8x128xf32, #tpu.memory_space<vmem_shared>>) dst(%dma_wait3A_3121 : memref<8x128xf32, #tpu.memory_space<hbm>>)
        %dma_wait3A_3126 = arith.constant 0 : i32
        %dma_wait3A_3127 = arith.constant 0 : i32
        %dma_wait3A_3128 = arith.constant 0 : i32
        %dma_wait3A_3129 = tpu.memref_slice %arg3[%dma_wait3A_3127, %dma_wait3A_3128] : memref<524288x128xf32, #tpu.memory_space<hbm>> -> memref<8x128xf32, #tpu.memory_space<hbm>>
        %dma_wait3A_3130 = arith.constant 0 : i32
        %dma_wait3A_3131 = arith.constant 0 : i32
        %dma_wait3A_3132 = tpu.memref_slice %arg4[%dma_wait3A_3126, %dma_wait3A_3130, %dma_wait3A_3131] : memref<8x64x2048xf32, #tpu.memory_space<vmem_shared>> -> memref<1x8x128xf32, #tpu.memory_space<vmem_shared>>
        %dma_wait3A_3133 = tpu.memref_squeeze %dma_wait3A_3132 : memref<1x8x128xf32, #tpu.memory_space<vmem_shared>> -> memref<8x128xf32, #tpu.memory_space<vmem_shared>>
        tpu.wait_dma2 semaphore(%arg10 : memref<!tpu.dma_semaphore, #tpu.memory_space<semaphore_mem>>) src(%dma_wait3A_3133 : memref<8x128xf32, #tpu.memory_space<vmem_shared>>) dst(%dma_wait3A_3129 : memref<8x128xf32, #tpu.memory_space<hbm>>)
        %dma_wait3A_3134 = arith.constant 0 : i32
        %dma_wait3A_3135 = arith.constant 0 : i32
        %dma_wait3A_3136 = arith.constant 0 : i32
        %dma_wait3A_3137 = tpu.memref_slice %arg3[%dma_wait3A_3135, %dma_wait3A_3136] : memref<524288x128xf32, #tpu.memory_space<hbm>> -> memref<8x128xf32, #tpu.memory_space<hbm>>
        %dma_wait3A_3138 = arith.constant 0 : i32
        %dma_wait3A_3139 = arith.constant 0 : i32
        %dma_wait3A_3140 = tpu.memref_slice %arg4[%dma_wait3A_3134, %dma_wait3A_3138, %dma_wait3A_3139] : memref<8x64x2048xf32, #tpu.memory_space<vmem_shared>> -> memref<1x8x128xf32, #tpu.memory_space<vmem_shared>>
        %dma_wait3A_3141 = tpu.memref_squeeze %dma_wait3A_3140 : memref<1x8x128xf32, #tpu.memory_space<vmem_shared>> -> memref<8x128xf32, #tpu.memory_space<vmem_shared>>
        tpu.wait_dma2 semaphore(%arg10 : memref<!tpu.dma_semaphore, #tpu.memory_space<semaphore_mem>>) src(%dma_wait3A_3141 : memref<8x128xf32, #tpu.memory_space<vmem_shared>>) dst(%dma_wait3A_3137 : memref<8x128xf32, #tpu.memory_space<hbm>>)
        %dma_wait3A_3142 = arith.constant 0 : i32
        %dma_wait3A_3143 = arith.constant 0 : i32
        %dma_wait3A_3144 = arith.constant 0 : i32
        %dma_wait3A_3145 = tpu.memref_slice %arg3[%dma_wait3A_3143, %dma_wait3A_3144] : memref<524288x128xf32, #tpu.memory_space<hbm>> -> memref<8x128xf32, #tpu.memory_space<hbm>>
        %dma_wait3A_3146 = arith.constant 0 : i32
        %dma_wait3A_3147 = arith.constant 0 : i32
        %dma_wait3A_3148 = tpu.memref_slice %arg4[%dma_wait3A_3142, %dma_wait3A_3146, %dma_wait3A_3147] : memref<8x64x2048xf32, #tpu.memory_space<vmem_shared>> -> memref<1x8x128xf32, #tpu.memory_space<vmem_shared>>
        %dma_wait3A_3149 = tpu.memref_squeeze %dma_wait3A_3148 : memref<1x8x128xf32, #tpu.memory_space<vmem_shared>> -> memref<8x128xf32, #tpu.memory_space<vmem_shared>>
        tpu.wait_dma2 semaphore(%arg10 : memref<!tpu.dma_semaphore, #tpu.memory_space<semaphore_mem>>) src(%dma_wait3A_3149 : memref<8x128xf32, #tpu.memory_space<vmem_shared>>) dst(%dma_wait3A_3145 : memref<8x128xf32, #tpu.memory_space<hbm>>)
        %dma_wait3A_3150 = arith.constant 0 : i32
        %dma_wait3A_3151 = arith.constant 0 : i32
        %dma_wait3A_3152 = arith.constant 0 : i32
        %dma_wait3A_3153 = tpu.memref_slice %arg3[%dma_wait3A_3151, %dma_wait3A_3152] : memref<524288x128xf32, #tpu.memory_space<hbm>> -> memref<8x128xf32, #tpu.memory_space<hbm>>
        %dma_wait3A_3154 = arith.constant 0 : i32
        %dma_wait3A_3155 = arith.constant 0 : i32
        %dma_wait3A_3156 = tpu.memref_slice %arg4[%dma_wait3A_3150, %dma_wait3A_3154, %dma_wait3A_3155] : memref<8x64x2048xf32, #tpu.memory_space<vmem_shared>> -> memref<1x8x128xf32, #tpu.memory_space<vmem_shared>>
        %dma_wait3A_3157 = tpu.memref_squeeze %dma_wait3A_3156 : memref<1x8x128xf32, #tpu.memory_space<vmem_shared>> -> memref<8x128xf32, #tpu.memory_space<vmem_shared>>
        tpu.wait_dma2 semaphore(%arg10 : memref<!tpu.dma_semaphore, #tpu.memory_space<semaphore_mem>>) src(%dma_wait3A_3157 : memref<8x128xf32, #tpu.memory_space<vmem_shared>>) dst(%dma_wait3A_3153 : memref<8x128xf32, #tpu.memory_space<hbm>>)
        %dma_wait3A_3158 = arith.constant 0 : i32
        %dma_wait3A_3159 = arith.constant 0 : i32
        %dma_wait3A_3160 = arith.constant 0 : i32
        %dma_wait3A_3161 = tpu.memref_slice %arg3[%dma_wait3A_3159, %dma_wait3A_3160] : memref<524288x128xf32, #tpu.memory_space<hbm>> -> memref<8x128xf32, #tpu.memory_space<hbm>>
        %dma_wait3A_3162 = arith.constant 0 : i32
        %dma_wait3A_3163 = arith.constant 0 : i32
        %dma_wait3A_3164 = tpu.memref_slice %arg4[%dma_wait3A_3158, %dma_wait3A_3162, %dma_wait3A_3163] : memref<8x64x2048xf32, #tpu.memory_space<vmem_shared>> -> memref<1x8x128xf32, #tpu.memory_space<vmem_shared>>
        %dma_wait3A_3165 = tpu.memref_squeeze %dma_wait3A_3164 : memref<1x8x128xf32, #tpu.memory_space<vmem_shared>> -> memref<8x128xf32, #tpu.memory_space<vmem_shared>>
        tpu.wait_dma2 semaphore(%arg10 : memref<!tpu.dma_semaphore, #tpu.memory_space<semaphore_mem>>) src(%dma_wait3A_3165 : memref<8x128xf32, #tpu.memory_space<vmem_shared>>) dst(%dma_wait3A_3161 : memref<8x128xf32, #tpu.memory_space<hbm>>)
        %dma_wait3A_3166 = arith.constant 0 : i32
        %dma_wait3A_3167 = arith.constant 0 : i32
        %dma_wait3A_3168 = arith.constant 0 : i32
        %dma_wait3A_3169 = tpu.memref_slice %arg3[%dma_wait3A_3167, %dma_wait3A_3168] : memref<524288x128xf32, #tpu.memory_space<hbm>> -> memref<8x128xf32, #tpu.memory_space<hbm>>
        %dma_wait3A_3170 = arith.constant 0 : i32
        %dma_wait3A_3171 = arith.constant 0 : i32
        %dma_wait3A_3172 = tpu.memref_slice %arg4[%dma_wait3A_3166, %dma_wait3A_3170, %dma_wait3A_3171] : memref<8x64x2048xf32, #tpu.memory_space<vmem_shared>> -> memref<1x8x128xf32, #tpu.memory_space<vmem_shared>>
        %dma_wait3A_3173 = tpu.memref_squeeze %dma_wait3A_3172 : memref<1x8x128xf32, #tpu.memory_space<vmem_shared>> -> memref<8x128xf32, #tpu.memory_space<vmem_shared>>
        tpu.wait_dma2 semaphore(%arg10 : memref<!tpu.dma_semaphore, #tpu.memory_space<semaphore_mem>>) src(%dma_wait3A_3173 : memref<8x128xf32, #tpu.memory_space<vmem_shared>>) dst(%dma_wait3A_3169 : memref<8x128xf32, #tpu.memory_space<hbm>>)
        %dma_wait3A_3174 = arith.constant 0 : i32
        %dma_wait3A_3175 = arith.constant 0 : i32
        %dma_wait3A_3176 = arith.constant 0 : i32
        %dma_wait3A_3177 = tpu.memref_slice %arg3[%dma_wait3A_3175, %dma_wait3A_3176] : memref<524288x128xf32, #tpu.memory_space<hbm>> -> memref<8x128xf32, #tpu.memory_space<hbm>>
        %dma_wait3A_3178 = arith.constant 0 : i32
        %dma_wait3A_3179 = arith.constant 0 : i32
        %dma_wait3A_3180 = tpu.memref_slice %arg4[%dma_wait3A_3174, %dma_wait3A_3178, %dma_wait3A_3179] : memref<8x64x2048xf32, #tpu.memory_space<vmem_shared>> -> memref<1x8x128xf32, #tpu.memory_space<vmem_shared>>
        %dma_wait3A_3181 = tpu.memref_squeeze %dma_wait3A_3180 : memref<1x8x128xf32, #tpu.memory_space<vmem_shared>> -> memref<8x128xf32, #tpu.memory_space<vmem_shared>>
        tpu.wait_dma2 semaphore(%arg10 : memref<!tpu.dma_semaphore, #tpu.memory_space<semaphore_mem>>) src(%dma_wait3A_3181 : memref<8x128xf32, #tpu.memory_space<vmem_shared>>) dst(%dma_wait3A_3177 : memref<8x128xf32, #tpu.memory_space<hbm>>)
        %dma_wait3A_3182 = arith.constant 0 : i32
        %dma_wait3A_3183 = arith.constant 0 : i32
        %dma_wait3A_3184 = arith.constant 0 : i32
        %dma_wait3A_3185 = tpu.memref_slice %arg3[%dma_wait3A_3183, %dma_wait3A_3184] : memref<524288x128xf32, #tpu.memory_space<hbm>> -> memref<8x128xf32, #tpu.memory_space<hbm>>
        %dma_wait3A_3186 = arith.constant 0 : i32
        %dma_wait3A_3187 = arith.constant 0 : i32
        %dma_wait3A_3188 = tpu.memref_slice %arg4[%dma_wait3A_3182, %dma_wait3A_3186, %dma_wait3A_3187] : memref<8x64x2048xf32, #tpu.memory_space<vmem_shared>> -> memref<1x8x128xf32, #tpu.memory_space<vmem_shared>>
        %dma_wait3A_3189 = tpu.memref_squeeze %dma_wait3A_3188 : memref<1x8x128xf32, #tpu.memory_space<vmem_shared>> -> memref<8x128xf32, #tpu.memory_space<vmem_shared>>
        tpu.wait_dma2 semaphore(%arg10 : memref<!tpu.dma_semaphore, #tpu.memory_space<semaphore_mem>>) src(%dma_wait3A_3189 : memref<8x128xf32, #tpu.memory_space<vmem_shared>>) dst(%dma_wait3A_3185 : memref<8x128xf32, #tpu.memory_space<hbm>>)
        %dma_wait3A_3190 = arith.constant 0 : i32
        %dma_wait3A_3191 = arith.constant 0 : i32
        %dma_wait3A_3192 = arith.constant 0 : i32
        %dma_wait3A_3193 = tpu.memref_slice %arg3[%dma_wait3A_3191, %dma_wait3A_3192] : memref<524288x128xf32, #tpu.memory_space<hbm>> -> memref<8x128xf32, #tpu.memory_space<hbm>>
        %dma_wait3A_3194 = arith.constant 0 : i32
        %dma_wait3A_3195 = arith.constant 0 : i32
        %dma_wait3A_3196 = tpu.memref_slice %arg4[%dma_wait3A_3190, %dma_wait3A_3194, %dma_wait3A_3195] : memref<8x64x2048xf32, #tpu.memory_space<vmem_shared>> -> memref<1x8x128xf32, #tpu.memory_space<vmem_shared>>
        %dma_wait3A_3197 = tpu.memref_squeeze %dma_wait3A_3196 : memref<1x8x128xf32, #tpu.memory_space<vmem_shared>> -> memref<8x128xf32, #tpu.memory_space<vmem_shared>>
        tpu.wait_dma2 semaphore(%arg10 : memref<!tpu.dma_semaphore, #tpu.memory_space<semaphore_mem>>) src(%dma_wait3A_3197 : memref<8x128xf32, #tpu.memory_space<vmem_shared>>) dst(%dma_wait3A_3193 : memref<8x128xf32, #tpu.memory_space<hbm>>)
        %dma_wait3A_3198 = arith.constant 0 : i32
        %dma_wait3A_3199 = arith.constant 0 : i32
        %dma_wait3A_3200 = arith.constant 0 : i32
        %dma_wait3A_3201 = tpu.memref_slice %arg3[%dma_wait3A_3199, %dma_wait3A_3200] : memref<524288x128xf32, #tpu.memory_space<hbm>> -> memref<8x128xf32, #tpu.memory_space<hbm>>
        %dma_wait3A_3202 = arith.constant 0 : i32
        %dma_wait3A_3203 = arith.constant 0 : i32
        %dma_wait3A_3204 = tpu.memref_slice %arg4[%dma_wait3A_3198, %dma_wait3A_3202, %dma_wait3A_3203] : memref<8x64x2048xf32, #tpu.memory_space<vmem_shared>> -> memref<1x8x128xf32, #tpu.memory_space<vmem_shared>>
        %dma_wait3A_3205 = tpu.memref_squeeze %dma_wait3A_3204 : memref<1x8x128xf32, #tpu.memory_space<vmem_shared>> -> memref<8x128xf32, #tpu.memory_space<vmem_shared>>
        tpu.wait_dma2 semaphore(%arg10 : memref<!tpu.dma_semaphore, #tpu.memory_space<semaphore_mem>>) src(%dma_wait3A_3205 : memref<8x128xf32, #tpu.memory_space<vmem_shared>>) dst(%dma_wait3A_3201 : memref<8x128xf32, #tpu.memory_space<hbm>>)
        %dma_wait3A_3206 = arith.constant 0 : i32
        %dma_wait3A_3207 = arith.constant 0 : i32
        %dma_wait3A_3208 = arith.constant 0 : i32
        %dma_wait3A_3209 = tpu.memref_slice %arg3[%dma_wait3A_3207, %dma_wait3A_3208] : memref<524288x128xf32, #tpu.memory_space<hbm>> -> memref<8x128xf32, #tpu.memory_space<hbm>>
        %dma_wait3A_3210 = arith.constant 0 : i32
        %dma_wait3A_3211 = arith.constant 0 : i32
        %dma_wait3A_3212 = tpu.memref_slice %arg4[%dma_wait3A_3206, %dma_wait3A_3210, %dma_wait3A_3211] : memref<8x64x2048xf32, #tpu.memory_space<vmem_shared>> -> memref<1x8x128xf32, #tpu.memory_space<vmem_shared>>
        %dma_wait3A_3213 = tpu.memref_squeeze %dma_wait3A_3212 : memref<1x8x128xf32, #tpu.memory_space<vmem_shared>> -> memref<8x128xf32, #tpu.memory_space<vmem_shared>>
        tpu.wait_dma2 semaphore(%arg10 : memref<!tpu.dma_semaphore, #tpu.memory_space<semaphore_mem>>) src(%dma_wait3A_3213 : memref<8x128xf32, #tpu.memory_space<vmem_shared>>) dst(%dma_wait3A_3209 : memref<8x128xf32, #tpu.memory_space<hbm>>)
        %dma_wait3A_3214 = arith.constant 0 : i32
        %dma_wait3A_3215 = arith.constant 0 : i32
        %dma_wait3A_3216 = arith.constant 0 : i32
        %dma_wait3A_3217 = tpu.memref_slice %arg3[%dma_wait3A_3215, %dma_wait3A_3216] : memref<524288x128xf32, #tpu.memory_space<hbm>> -> memref<8x128xf32, #tpu.memory_space<hbm>>
        %dma_wait3A_3218 = arith.constant 0 : i32
        %dma_wait3A_3219 = arith.constant 0 : i32
        %dma_wait3A_3220 = tpu.memref_slice %arg4[%dma_wait3A_3214, %dma_wait3A_3218, %dma_wait3A_3219] : memref<8x64x2048xf32, #tpu.memory_space<vmem_shared>> -> memref<1x8x128xf32, #tpu.memory_space<vmem_shared>>
        %dma_wait3A_3221 = tpu.memref_squeeze %dma_wait3A_3220 : memref<1x8x128xf32, #tpu.memory_space<vmem_shared>> -> memref<8x128xf32, #tpu.memory_space<vmem_shared>>
        tpu.wait_dma2 semaphore(%arg10 : memref<!tpu.dma_semaphore, #tpu.memory_space<semaphore_mem>>) src(%dma_wait3A_3221 : memref<8x128xf32, #tpu.memory_space<vmem_shared>>) dst(%dma_wait3A_3217 : memref<8x128xf32, #tpu.memory_space<hbm>>)
        %dma_wait3A_3222 = arith.constant 0 : i32
        %dma_wait3A_3223 = arith.constant 0 : i32
        %dma_wait3A_3224 = arith.constant 0 : i32
        %dma_wait3A_3225 = tpu.memref_slice %arg3[%dma_wait3A_3223, %dma_wait3A_3224] : memref<524288x128xf32, #tpu.memory_space<hbm>> -> memref<8x128xf32, #tpu.memory_space<hbm>>
        %dma_wait3A_3226 = arith.constant 0 : i32
        %dma_wait3A_3227 = arith.constant 0 : i32
        %dma_wait3A_3228 = tpu.memref_slice %arg4[%dma_wait3A_3222, %dma_wait3A_3226, %dma_wait3A_3227] : memref<8x64x2048xf32, #tpu.memory_space<vmem_shared>> -> memref<1x8x128xf32, #tpu.memory_space<vmem_shared>>
        %dma_wait3A_3229 = tpu.memref_squeeze %dma_wait3A_3228 : memref<1x8x128xf32, #tpu.memory_space<vmem_shared>> -> memref<8x128xf32, #tpu.memory_space<vmem_shared>>
        tpu.wait_dma2 semaphore(%arg10 : memref<!tpu.dma_semaphore, #tpu.memory_space<semaphore_mem>>) src(%dma_wait3A_3229 : memref<8x128xf32, #tpu.memory_space<vmem_shared>>) dst(%dma_wait3A_3225 : memref<8x128xf32, #tpu.memory_space<hbm>>)
        %dma_wait3A_3230 = arith.constant 0 : i32
        %dma_wait3A_3231 = arith.constant 0 : i32
        %dma_wait3A_3232 = arith.constant 0 : i32
        %dma_wait3A_3233 = tpu.memref_slice %arg3[%dma_wait3A_3231, %dma_wait3A_3232] : memref<524288x128xf32, #tpu.memory_space<hbm>> -> memref<8x128xf32, #tpu.memory_space<hbm>>
        %dma_wait3A_3234 = arith.constant 0 : i32
        %dma_wait3A_3235 = arith.constant 0 : i32
        %dma_wait3A_3236 = tpu.memref_slice %arg4[%dma_wait3A_3230, %dma_wait3A_3234, %dma_wait3A_3235] : memref<8x64x2048xf32, #tpu.memory_space<vmem_shared>> -> memref<1x8x128xf32, #tpu.memory_space<vmem_shared>>
        %dma_wait3A_3237 = tpu.memref_squeeze %dma_wait3A_3236 : memref<1x8x128xf32, #tpu.memory_space<vmem_shared>> -> memref<8x128xf32, #tpu.memory_space<vmem_shared>>
        tpu.wait_dma2 semaphore(%arg10 : memref<!tpu.dma_semaphore, #tpu.memory_space<semaphore_mem>>) src(%dma_wait3A_3237 : memref<8x128xf32, #tpu.memory_space<vmem_shared>>) dst(%dma_wait3A_3233 : memref<8x128xf32, #tpu.memory_space<hbm>>)
        %dma_wait3A_3238 = arith.constant 0 : i32
        %dma_wait3A_3239 = arith.constant 0 : i32
        %dma_wait3A_3240 = arith.constant 0 : i32
        %dma_wait3A_3241 = tpu.memref_slice %arg3[%dma_wait3A_3239, %dma_wait3A_3240] : memref<524288x128xf32, #tpu.memory_space<hbm>> -> memref<8x128xf32, #tpu.memory_space<hbm>>
        %dma_wait3A_3242 = arith.constant 0 : i32
        %dma_wait3A_3243 = arith.constant 0 : i32
        %dma_wait3A_3244 = tpu.memref_slice %arg4[%dma_wait3A_3238, %dma_wait3A_3242, %dma_wait3A_3243] : memref<8x64x2048xf32, #tpu.memory_space<vmem_shared>> -> memref<1x8x128xf32, #tpu.memory_space<vmem_shared>>
        %dma_wait3A_3245 = tpu.memref_squeeze %dma_wait3A_3244 : memref<1x8x128xf32, #tpu.memory_space<vmem_shared>> -> memref<8x128xf32, #tpu.memory_space<vmem_shared>>
        tpu.wait_dma2 semaphore(%arg10 : memref<!tpu.dma_semaphore, #tpu.memory_space<semaphore_mem>>) src(%dma_wait3A_3245 : memref<8x128xf32, #tpu.memory_space<vmem_shared>>) dst(%dma_wait3A_3241 : memref<8x128xf32, #tpu.memory_space<hbm>>)
        %dma_wait3A_3246 = arith.constant 0 : i32
        %dma_wait3A_3247 = arith.constant 0 : i32
        %dma_wait3A_3248 = arith.constant 0 : i32
        %dma_wait3A_3249 = tpu.memref_slice %arg3[%dma_wait3A_3247, %dma_wait3A_3248] : memref<524288x128xf32, #tpu.memory_space<hbm>> -> memref<8x128xf32, #tpu.memory_space<hbm>>
        %dma_wait3A_3250 = arith.constant 0 : i32
        %dma_wait3A_3251 = arith.constant 0 : i32
        %dma_wait3A_3252 = tpu.memref_slice %arg4[%dma_wait3A_3246, %dma_wait3A_3250, %dma_wait3A_3251] : memref<8x64x2048xf32, #tpu.memory_space<vmem_shared>> -> memref<1x8x128xf32, #tpu.memory_space<vmem_shared>>
        %dma_wait3A_3253 = tpu.memref_squeeze %dma_wait3A_3252 : memref<1x8x128xf32, #tpu.memory_space<vmem_shared>> -> memref<8x128xf32, #tpu.memory_space<vmem_shared>>
        tpu.wait_dma2 semaphore(%arg10 : memref<!tpu.dma_semaphore, #tpu.memory_space<semaphore_mem>>) src(%dma_wait3A_3253 : memref<8x128xf32, #tpu.memory_space<vmem_shared>>) dst(%dma_wait3A_3249 : memref<8x128xf32, #tpu.memory_space<hbm>>)
        %dma_wait3A_3254 = arith.constant 0 : i32
        %dma_wait3A_3255 = arith.constant 0 : i32
        %dma_wait3A_3256 = arith.constant 0 : i32
        %dma_wait3A_3257 = tpu.memref_slice %arg3[%dma_wait3A_3255, %dma_wait3A_3256] : memref<524288x128xf32, #tpu.memory_space<hbm>> -> memref<8x128xf32, #tpu.memory_space<hbm>>
        %dma_wait3A_3258 = arith.constant 0 : i32
        %dma_wait3A_3259 = arith.constant 0 : i32
        %dma_wait3A_3260 = tpu.memref_slice %arg4[%dma_wait3A_3254, %dma_wait3A_3258, %dma_wait3A_3259] : memref<8x64x2048xf32, #tpu.memory_space<vmem_shared>> -> memref<1x8x128xf32, #tpu.memory_space<vmem_shared>>
        %dma_wait3A_3261 = tpu.memref_squeeze %dma_wait3A_3260 : memref<1x8x128xf32, #tpu.memory_space<vmem_shared>> -> memref<8x128xf32, #tpu.memory_space<vmem_shared>>
        tpu.wait_dma2 semaphore(%arg10 : memref<!tpu.dma_semaphore, #tpu.memory_space<semaphore_mem>>) src(%dma_wait3A_3261 : memref<8x128xf32, #tpu.memory_space<vmem_shared>>) dst(%dma_wait3A_3257 : memref<8x128xf32, #tpu.memory_space<hbm>>)
        %dma_wait3A_3262 = arith.constant 0 : i32
        %dma_wait3A_3263 = arith.constant 0 : i32
        %dma_wait3A_3264 = arith.constant 0 : i32
        %dma_wait3A_3265 = tpu.memref_slice %arg3[%dma_wait3A_3263, %dma_wait3A_3264] : memref<524288x128xf32, #tpu.memory_space<hbm>> -> memref<8x128xf32, #tpu.memory_space<hbm>>
        %dma_wait3A_3266 = arith.constant 0 : i32
        %dma_wait3A_3267 = arith.constant 0 : i32
        %dma_wait3A_3268 = tpu.memref_slice %arg4[%dma_wait3A_3262, %dma_wait3A_3266, %dma_wait3A_3267] : memref<8x64x2048xf32, #tpu.memory_space<vmem_shared>> -> memref<1x8x128xf32, #tpu.memory_space<vmem_shared>>
        %dma_wait3A_3269 = tpu.memref_squeeze %dma_wait3A_3268 : memref<1x8x128xf32, #tpu.memory_space<vmem_shared>> -> memref<8x128xf32, #tpu.memory_space<vmem_shared>>
        tpu.wait_dma2 semaphore(%arg10 : memref<!tpu.dma_semaphore, #tpu.memory_space<semaphore_mem>>) src(%dma_wait3A_3269 : memref<8x128xf32, #tpu.memory_space<vmem_shared>>) dst(%dma_wait3A_3265 : memref<8x128xf32, #tpu.memory_space<hbm>>)
        %dma_wait3A_3270 = arith.constant 0 : i32
        %dma_wait3A_3271 = arith.constant 0 : i32
        %dma_wait3A_3272 = arith.constant 0 : i32
        %dma_wait3A_3273 = tpu.memref_slice %arg3[%dma_wait3A_3271, %dma_wait3A_3272] : memref<524288x128xf32, #tpu.memory_space<hbm>> -> memref<8x128xf32, #tpu.memory_space<hbm>>
        %dma_wait3A_3274 = arith.constant 0 : i32
        %dma_wait3A_3275 = arith.constant 0 : i32
        %dma_wait3A_3276 = tpu.memref_slice %arg4[%dma_wait3A_3270, %dma_wait3A_3274, %dma_wait3A_3275] : memref<8x64x2048xf32, #tpu.memory_space<vmem_shared>> -> memref<1x8x128xf32, #tpu.memory_space<vmem_shared>>
        %dma_wait3A_3277 = tpu.memref_squeeze %dma_wait3A_3276 : memref<1x8x128xf32, #tpu.memory_space<vmem_shared>> -> memref<8x128xf32, #tpu.memory_space<vmem_shared>>
        tpu.wait_dma2 semaphore(%arg10 : memref<!tpu.dma_semaphore, #tpu.memory_space<semaphore_mem>>) src(%dma_wait3A_3277 : memref<8x128xf32, #tpu.memory_space<vmem_shared>>) dst(%dma_wait3A_3273 : memref<8x128xf32, #tpu.memory_space<hbm>>)
        %dma_wait3A_3278 = arith.constant 0 : i32
        %dma_wait3A_3279 = arith.constant 0 : i32
        %dma_wait3A_3280 = arith.constant 0 : i32
        %dma_wait3A_3281 = tpu.memref_slice %arg3[%dma_wait3A_3279, %dma_wait3A_3280] : memref<524288x128xf32, #tpu.memory_space<hbm>> -> memref<8x128xf32, #tpu.memory_space<hbm>>
        %dma_wait3A_3282 = arith.constant 0 : i32
        %dma_wait3A_3283 = arith.constant 0 : i32
        %dma_wait3A_3284 = tpu.memref_slice %arg4[%dma_wait3A_3278, %dma_wait3A_3282, %dma_wait3A_3283] : memref<8x64x2048xf32, #tpu.memory_space<vmem_shared>> -> memref<1x8x128xf32, #tpu.memory_space<vmem_shared>>
        %dma_wait3A_3285 = tpu.memref_squeeze %dma_wait3A_3284 : memref<1x8x128xf32, #tpu.memory_space<vmem_shared>> -> memref<8x128xf32, #tpu.memory_space<vmem_shared>>
        tpu.wait_dma2 semaphore(%arg10 : memref<!tpu.dma_semaphore, #tpu.memory_space<semaphore_mem>>) src(%dma_wait3A_3285 : memref<8x128xf32, #tpu.memory_space<vmem_shared>>) dst(%dma_wait3A_3281 : memref<8x128xf32, #tpu.memory_space<hbm>>)
        %dma_wait3A_3286 = arith.constant 0 : i32
        %dma_wait3A_3287 = arith.constant 0 : i32
        %dma_wait3A_3288 = arith.constant 0 : i32
        %dma_wait3A_3289 = tpu.memref_slice %arg3[%dma_wait3A_3287, %dma_wait3A_3288] : memref<524288x128xf32, #tpu.memory_space<hbm>> -> memref<8x128xf32, #tpu.memory_space<hbm>>
        %dma_wait3A_3290 = arith.constant 0 : i32
        %dma_wait3A_3291 = arith.constant 0 : i32
        %dma_wait3A_3292 = tpu.memref_slice %arg4[%dma_wait3A_3286, %dma_wait3A_3290, %dma_wait3A_3291] : memref<8x64x2048xf32, #tpu.memory_space<vmem_shared>> -> memref<1x8x128xf32, #tpu.memory_space<vmem_shared>>
        %dma_wait3A_3293 = tpu.memref_squeeze %dma_wait3A_3292 : memref<1x8x128xf32, #tpu.memory_space<vmem_shared>> -> memref<8x128xf32, #tpu.memory_space<vmem_shared>>
        tpu.wait_dma2 semaphore(%arg10 : memref<!tpu.dma_semaphore, #tpu.memory_space<semaphore_mem>>) src(%dma_wait3A_3293 : memref<8x128xf32, #tpu.memory_space<vmem_shared>>) dst(%dma_wait3A_3289 : memref<8x128xf32, #tpu.memory_space<hbm>>)
        %dma_wait3A_3294 = arith.constant 0 : i32
        %dma_wait3A_3295 = arith.constant 0 : i32
        %dma_wait3A_3296 = arith.constant 0 : i32
        %dma_wait3A_3297 = tpu.memref_slice %arg3[%dma_wait3A_3295, %dma_wait3A_3296] : memref<524288x128xf32, #tpu.memory_space<hbm>> -> memref<8x128xf32, #tpu.memory_space<hbm>>
        %dma_wait3A_3298 = arith.constant 0 : i32
        %dma_wait3A_3299 = arith.constant 0 : i32
        %dma_wait3A_3300 = tpu.memref_slice %arg4[%dma_wait3A_3294, %dma_wait3A_3298, %dma_wait3A_3299] : memref<8x64x2048xf32, #tpu.memory_space<vmem_shared>> -> memref<1x8x128xf32, #tpu.memory_space<vmem_shared>>
        %dma_wait3A_3301 = tpu.memref_squeeze %dma_wait3A_3300 : memref<1x8x128xf32, #tpu.memory_space<vmem_shared>> -> memref<8x128xf32, #tpu.memory_space<vmem_shared>>
        tpu.wait_dma2 semaphore(%arg10 : memref<!tpu.dma_semaphore, #tpu.memory_space<semaphore_mem>>) src(%dma_wait3A_3301 : memref<8x128xf32, #tpu.memory_space<vmem_shared>>) dst(%dma_wait3A_3297 : memref<8x128xf32, #tpu.memory_space<hbm>>)
        %dma_wait3A_3302 = arith.constant 0 : i32
        %dma_wait3A_3303 = arith.constant 0 : i32
        %dma_wait3A_3304 = arith.constant 0 : i32
        %dma_wait3A_3305 = tpu.memref_slice %arg3[%dma_wait3A_3303, %dma_wait3A_3304] : memref<524288x128xf32, #tpu.memory_space<hbm>> -> memref<8x128xf32, #tpu.memory_space<hbm>>
        %dma_wait3A_3306 = arith.constant 0 : i32
        %dma_wait3A_3307 = arith.constant 0 : i32
        %dma_wait3A_3308 = tpu.memref_slice %arg4[%dma_wait3A_3302, %dma_wait3A_3306, %dma_wait3A_3307] : memref<8x64x2048xf32, #tpu.memory_space<vmem_shared>> -> memref<1x8x128xf32, #tpu.memory_space<vmem_shared>>
        %dma_wait3A_3309 = tpu.memref_squeeze %dma_wait3A_3308 : memref<1x8x128xf32, #tpu.memory_space<vmem_shared>> -> memref<8x128xf32, #tpu.memory_space<vmem_shared>>
        tpu.wait_dma2 semaphore(%arg10 : memref<!tpu.dma_semaphore, #tpu.memory_space<semaphore_mem>>) src(%dma_wait3A_3309 : memref<8x128xf32, #tpu.memory_space<vmem_shared>>) dst(%dma_wait3A_3305 : memref<8x128xf32, #tpu.memory_space<hbm>>)
        %dma_wait3A_3310 = arith.constant 0 : i32
        %dma_wait3A_3311 = arith.constant 0 : i32
        %dma_wait3A_3312 = arith.constant 0 : i32
        %dma_wait3A_3313 = tpu.memref_slice %arg3[%dma_wait3A_3311, %dma_wait3A_3312] : memref<524288x128xf32, #tpu.memory_space<hbm>> -> memref<8x128xf32, #tpu.memory_space<hbm>>
        %dma_wait3A_3314 = arith.constant 0 : i32
        %dma_wait3A_3315 = arith.constant 0 : i32
        %dma_wait3A_3316 = tpu.memref_slice %arg4[%dma_wait3A_3310, %dma_wait3A_3314, %dma_wait3A_3315] : memref<8x64x2048xf32, #tpu.memory_space<vmem_shared>> -> memref<1x8x128xf32, #tpu.memory_space<vmem_shared>>
        %dma_wait3A_3317 = tpu.memref_squeeze %dma_wait3A_3316 : memref<1x8x128xf32, #tpu.memory_space<vmem_shared>> -> memref<8x128xf32, #tpu.memory_space<vmem_shared>>
        tpu.wait_dma2 semaphore(%arg10 : memref<!tpu.dma_semaphore, #tpu.memory_space<semaphore_mem>>) src(%dma_wait3A_3317 : memref<8x128xf32, #tpu.memory_space<vmem_shared>>) dst(%dma_wait3A_3313 : memref<8x128xf32, #tpu.memory_space<hbm>>)
        %dma_wait3A_3318 = arith.constant 0 : i32
        %dma_wait3A_3319 = arith.constant 0 : i32
        %dma_wait3A_3320 = arith.constant 0 : i32
        %dma_wait3A_3321 = tpu.memref_slice %arg3[%dma_wait3A_3319, %dma_wait3A_3320] : memref<524288x128xf32, #tpu.memory_space<hbm>> -> memref<8x128xf32, #tpu.memory_space<hbm>>
        %dma_wait3A_3322 = arith.constant 0 : i32
        %dma_wait3A_3323 = arith.constant 0 : i32
        %dma_wait3A_3324 = tpu.memref_slice %arg4[%dma_wait3A_3318, %dma_wait3A_3322, %dma_wait3A_3323] : memref<8x64x2048xf32, #tpu.memory_space<vmem_shared>> -> memref<1x8x128xf32, #tpu.memory_space<vmem_shared>>
        %dma_wait3A_3325 = tpu.memref_squeeze %dma_wait3A_3324 : memref<1x8x128xf32, #tpu.memory_space<vmem_shared>> -> memref<8x128xf32, #tpu.memory_space<vmem_shared>>
        tpu.wait_dma2 semaphore(%arg10 : memref<!tpu.dma_semaphore, #tpu.memory_space<semaphore_mem>>) src(%dma_wait3A_3325 : memref<8x128xf32, #tpu.memory_space<vmem_shared>>) dst(%dma_wait3A_3321 : memref<8x128xf32, #tpu.memory_space<hbm>>)
        %dma_wait3A_3326 = arith.constant 0 : i32
        %dma_wait3A_3327 = arith.constant 0 : i32
        %dma_wait3A_3328 = arith.constant 0 : i32
        %dma_wait3A_3329 = tpu.memref_slice %arg3[%dma_wait3A_3327, %dma_wait3A_3328] : memref<524288x128xf32, #tpu.memory_space<hbm>> -> memref<8x128xf32, #tpu.memory_space<hbm>>
        %dma_wait3A_3330 = arith.constant 0 : i32
        %dma_wait3A_3331 = arith.constant 0 : i32
        %dma_wait3A_3332 = tpu.memref_slice %arg4[%dma_wait3A_3326, %dma_wait3A_3330, %dma_wait3A_3331] : memref<8x64x2048xf32, #tpu.memory_space<vmem_shared>> -> memref<1x8x128xf32, #tpu.memory_space<vmem_shared>>
        %dma_wait3A_3333 = tpu.memref_squeeze %dma_wait3A_3332 : memref<1x8x128xf32, #tpu.memory_space<vmem_shared>> -> memref<8x128xf32, #tpu.memory_space<vmem_shared>>
        tpu.wait_dma2 semaphore(%arg10 : memref<!tpu.dma_semaphore, #tpu.memory_space<semaphore_mem>>) src(%dma_wait3A_3333 : memref<8x128xf32, #tpu.memory_space<vmem_shared>>) dst(%dma_wait3A_3329 : memref<8x128xf32, #tpu.memory_space<hbm>>)
        %dma_wait3A_3334 = arith.constant 0 : i32
        %dma_wait3A_3335 = arith.constant 0 : i32
        %dma_wait3A_3336 = arith.constant 0 : i32
        %dma_wait3A_3337 = tpu.memref_slice %arg3[%dma_wait3A_3335, %dma_wait3A_3336] : memref<524288x128xf32, #tpu.memory_space<hbm>> -> memref<8x128xf32, #tpu.memory_space<hbm>>
        %dma_wait3A_3338 = arith.constant 0 : i32
        %dma_wait3A_3339 = arith.constant 0 : i32
        %dma_wait3A_3340 = tpu.memref_slice %arg4[%dma_wait3A_3334, %dma_wait3A_3338, %dma_wait3A_3339] : memref<8x64x2048xf32, #tpu.memory_space<vmem_shared>> -> memref<1x8x128xf32, #tpu.memory_space<vmem_shared>>
        %dma_wait3A_3341 = tpu.memref_squeeze %dma_wait3A_3340 : memref<1x8x128xf32, #tpu.memory_space<vmem_shared>> -> memref<8x128xf32, #tpu.memory_space<vmem_shared>>
        tpu.wait_dma2 semaphore(%arg10 : memref<!tpu.dma_semaphore, #tpu.memory_space<semaphore_mem>>) src(%dma_wait3A_3341 : memref<8x128xf32, #tpu.memory_space<vmem_shared>>) dst(%dma_wait3A_3337 : memref<8x128xf32, #tpu.memory_space<hbm>>)
      } else {
      }
      %add3A_556 = arith.constant 0 : i32
      %add3A_557 = arith.addi %multiple_of3A, %add3A_556 : i32
      %add3A_558 = arith.constant 0 : i32
      %add3A_559 = arith.addi %multiple_of3A_551, %add3A_558 : i32
      %dma_start3A = arith.constant 0 : i32
      %dma_start3A_560 = tpu.memref_slice %arg3[%add3A_559, %dma_start3A] : memref<524288x128xf32, #tpu.memory_space<hbm>> -> memref<8x128xf32, #tpu.memory_space<hbm>>
      %dma_start3A_561 = arith.constant 0 : i32
      %dma_start3A_562 = tpu.memref_slice %arg4[%rem3A_547, %dma_start3A_561, %add3A_557] : memref<8x64x2048xf32, #tpu.memory_space<vmem_shared>> -> memref<1x8x128xf32, #tpu.memory_space<vmem_shared>>
      %dma_start3A_563 = tpu.memref_squeeze %dma_start3A_562 : memref<1x8x128xf32, #tpu.memory_space<vmem_shared>> -> memref<8x128xf32, #tpu.memory_space<vmem_shared>>
      tpu.enqueue_dma source(%dma_start3A_563 : memref<8x128xf32, #tpu.memory_space<vmem_shared>>) target(%dma_start3A_560 : memref<8x128xf32, #tpu.memory_space<hbm>>) target_semaphore(%arg10 : memref<!tpu.dma_semaphore, #tpu.memory_space<semaphore_mem>>)
      %add3A_564 = arith.constant 128 : i32
      %add3A_565 = arith.addi %multiple_of3A, %add3A_564 : i32
      %add3A_566 = arith.constant 8 : i32
      %add3A_567 = arith.addi %multiple_of3A_551, %add3A_566 : i32
      %dma_start3A_568 = arith.constant 0 : i32
      %dma_start3A_569 = tpu.memref_slice %arg3[%add3A_567, %dma_start3A_568] : memref<524288x128xf32, #tpu.memory_space<hbm>> -> memref<8x128xf32, #tpu.memory_space<hbm>>
      %dma_start3A_570 = arith.constant 0 : i32
      %dma_start3A_571 = tpu.memref_slice %arg4[%rem3A_547, %dma_start3A_570, %add3A_565] : memref<8x64x2048xf32, #tpu.memory_space<vmem_shared>> -> memref<1x8x128xf32, #tpu.memory_space<vmem_shared>>
      %dma_start3A_572 = tpu.memref_squeeze %dma_start3A_571 : memref<1x8x128xf32, #tpu.memory_space<vmem_shared>> -> memref<8x128xf32, #tpu.memory_space<vmem_shared>>
      tpu.enqueue_dma source(%dma_start3A_572 : memref<8x128xf32, #tpu.memory_space<vmem_shared>>) target(%dma_start3A_569 : memref<8x128xf32, #tpu.memory_space<hbm>>) target_semaphore(%arg10 : memref<!tpu.dma_semaphore, #tpu.memory_space<semaphore_mem>>)
      %add3A_573 = arith.constant 256 : i32
      %add3A_574 = arith.addi %multiple_of3A, %add3A_573 : i32
      %add3A_575 = arith.constant 16 : i32
      %add3A_576 = arith.addi %multiple_of3A_551, %add3A_575 : i32
      %dma_start3A_577 = arith.constant 0 : i32
      %dma_start3A_578 = tpu.memref_slice %arg3[%add3A_576, %dma_start3A_577] : memref<524288x128xf32, #tpu.memory_space<hbm>> -> memref<8x128xf32, #tpu.memory_space<hbm>>
      %dma_start3A_579 = arith.constant 0 : i32
      %dma_start3A_580 = tpu.memref_slice %arg4[%rem3A_547, %dma_start3A_579, %add3A_574] : memref<8x64x2048xf32, #tpu.memory_space<vmem_shared>> -> memref<1x8x128xf32, #tpu.memory_space<vmem_shared>>
      %dma_start3A_581 = tpu.memref_squeeze %dma_start3A_580 : memref<1x8x128xf32, #tpu.memory_space<vmem_shared>> -> memref<8x128xf32, #tpu.memory_space<vmem_shared>>
      tpu.enqueue_dma source(%dma_start3A_581 : memref<8x128xf32, #tpu.memory_space<vmem_shared>>) target(%dma_start3A_578 : memref<8x128xf32, #tpu.memory_space<hbm>>) target_semaphore(%arg10 : memref<!tpu.dma_semaphore, #tpu.memory_space<semaphore_mem>>)
      %add3A_582 = arith.constant 384 : i32
      %add3A_583 = arith.addi %multiple_of3A, %add3A_582 : i32
      %add3A_584 = arith.constant 24 : i32
      %add3A_585 = arith.addi %multiple_of3A_551, %add3A_584 : i32
      %dma_start3A_586 = arith.constant 0 : i32
      %dma_start3A_587 = tpu.memref_slice %arg3[%add3A_585, %dma_start3A_586] : memref<524288x128xf32, #tpu.memory_space<hbm>> -> memref<8x128xf32, #tpu.memory_space<hbm>>
      %dma_start3A_588 = arith.constant 0 : i32
      %dma_start3A_589 = tpu.memref_slice %arg4[%rem3A_547, %dma_start3A_588, %add3A_583] : memref<8x64x2048xf32, #tpu.memory_space<vmem_shared>> -> memref<1x8x128xf32, #tpu.memory_space<vmem_shared>>
      %dma_start3A_590 = tpu.memref_squeeze %dma_start3A_589 : memref<1x8x128xf32, #tpu.memory_space<vmem_shared>> -> memref<8x128xf32, #tpu.memory_space<vmem_shared>>
      tpu.enqueue_dma source(%dma_start3A_590 : memref<8x128xf32, #tpu.memory_space<vmem_shared>>) target(%dma_start3A_587 : memref<8x128xf32, #tpu.memory_space<hbm>>) target_semaphore(%arg10 : memref<!tpu.dma_semaphore, #tpu.memory_space<semaphore_mem>>)
      %add3A_591 = arith.constant 512 : i32
      %add3A_592 = arith.addi %multiple_of3A, %add3A_591 : i32
      %add3A_593 = arith.constant 32 : i32
      %add3A_594 = arith.addi %multiple_of3A_551, %add3A_593 : i32
      %dma_start3A_595 = arith.constant 0 : i32
      %dma_start3A_596 = tpu.memref_slice %arg3[%add3A_594, %dma_start3A_595] : memref<524288x128xf32, #tpu.memory_space<hbm>> -> memref<8x128xf32, #tpu.memory_space<hbm>>
      %dma_start3A_597 = arith.constant 0 : i32
      %dma_start3A_598 = tpu.memref_slice %arg4[%rem3A_547, %dma_start3A_597, %add3A_592] : memref<8x64x2048xf32, #tpu.memory_space<vmem_shared>> -> memref<1x8x128xf32, #tpu.memory_space<vmem_shared>>
      %dma_start3A_599 = tpu.memref_squeeze %dma_start3A_598 : memref<1x8x128xf32, #tpu.memory_space<vmem_shared>> -> memref<8x128xf32, #tpu.memory_space<vmem_shared>>
      tpu.enqueue_dma source(%dma_start3A_599 : memref<8x128xf32, #tpu.memory_space<vmem_shared>>) target(%dma_start3A_596 : memref<8x128xf32, #tpu.memory_space<hbm>>) target_semaphore(%arg10 : memref<!tpu.dma_semaphore, #tpu.memory_space<semaphore_mem>>)
      %add3A_600 = arith.constant 640 : i32
      %add3A_601 = arith.addi %multiple_of3A, %add3A_600 : i32
      %add3A_602 = arith.constant 40 : i32
      %add3A_603 = arith.addi %multiple_of3A_551, %add3A_602 : i32
      %dma_start3A_604 = arith.constant 0 : i32
      %dma_start3A_605 = tpu.memref_slice %arg3[%add3A_603, %dma_start3A_604] : memref<524288x128xf32, #tpu.memory_space<hbm>> -> memref<8x128xf32, #tpu.memory_space<hbm>>
      %dma_start3A_606 = arith.constant 0 : i32
      %dma_start3A_607 = tpu.memref_slice %arg4[%rem3A_547, %dma_start3A_606, %add3A_601] : memref<8x64x2048xf32, #tpu.memory_space<vmem_shared>> -> memref<1x8x128xf32, #tpu.memory_space<vmem_shared>>
      %dma_start3A_608 = tpu.memref_squeeze %dma_start3A_607 : memref<1x8x128xf32, #tpu.memory_space<vmem_shared>> -> memref<8x128xf32, #tpu.memory_space<vmem_shared>>
      tpu.enqueue_dma source(%dma_start3A_608 : memref<8x128xf32, #tpu.memory_space<vmem_shared>>) target(%dma_start3A_605 : memref<8x128xf32, #tpu.memory_space<hbm>>) target_semaphore(%arg10 : memref<!tpu.dma_semaphore, #tpu.memory_space<semaphore_mem>>)
      %add3A_609 = arith.constant 768 : i32
      %add3A_610 = arith.addi %multiple_of3A, %add3A_609 : i32
      %add3A_611 = arith.constant 48 : i32
      %add3A_612 = arith.addi %multiple_of3A_551, %add3A_611 : i32
      %dma_start3A_613 = arith.constant 0 : i32
      %dma_start3A_614 = tpu.memref_slice %arg3[%add3A_612, %dma_start3A_613] : memref<524288x128xf32, #tpu.memory_space<hbm>> -> memref<8x128xf32, #tpu.memory_space<hbm>>
      %dma_start3A_615 = arith.constant 0 : i32
      %dma_start3A_616 = tpu.memref_slice %arg4[%rem3A_547, %dma_start3A_615, %add3A_610] : memref<8x64x2048xf32, #tpu.memory_space<vmem_shared>> -> memref<1x8x128xf32, #tpu.memory_space<vmem_shared>>
      %dma_start3A_617 = tpu.memref_squeeze %dma_start3A_616 : memref<1x8x128xf32, #tpu.memory_space<vmem_shared>> -> memref<8x128xf32, #tpu.memory_space<vmem_shared>>
      tpu.enqueue_dma source(%dma_start3A_617 : memref<8x128xf32, #tpu.memory_space<vmem_shared>>) target(%dma_start3A_614 : memref<8x128xf32, #tpu.memory_space<hbm>>) target_semaphore(%arg10 : memref<!tpu.dma_semaphore, #tpu.memory_space<semaphore_mem>>)
      %add3A_618 = arith.constant 896 : i32
      %add3A_619 = arith.addi %multiple_of3A, %add3A_618 : i32
      %add3A_620 = arith.constant 56 : i32
      %add3A_621 = arith.addi %multiple_of3A_551, %add3A_620 : i32
      %dma_start3A_622 = arith.constant 0 : i32
      %dma_start3A_623 = tpu.memref_slice %arg3[%add3A_621, %dma_start3A_622] : memref<524288x128xf32, #tpu.memory_space<hbm>> -> memref<8x128xf32, #tpu.memory_space<hbm>>
      %dma_start3A_624 = arith.constant 0 : i32
      %dma_start3A_625 = tpu.memref_slice %arg4[%rem3A_547, %dma_start3A_624, %add3A_619] : memref<8x64x2048xf32, #tpu.memory_space<vmem_shared>> -> memref<1x8x128xf32, #tpu.memory_space<vmem_shared>>
      %dma_start3A_626 = tpu.memref_squeeze %dma_start3A_625 : memref<1x8x128xf32, #tpu.memory_space<vmem_shared>> -> memref<8x128xf32, #tpu.memory_space<vmem_shared>>
      tpu.enqueue_dma source(%dma_start3A_626 : memref<8x128xf32, #tpu.memory_space<vmem_shared>>) target(%dma_start3A_623 : memref<8x128xf32, #tpu.memory_space<hbm>>) target_semaphore(%arg10 : memref<!tpu.dma_semaphore, #tpu.memory_space<semaphore_mem>>)
      %add3A_627 = arith.constant 0 : i32
      %add3A_628 = arith.addi %multiple_of3A, %add3A_627 : i32
      %add3A_629 = arith.constant 64 : i32
      %add3A_630 = arith.addi %multiple_of3A_551, %add3A_629 : i32
      %dma_start3A_631 = arith.constant 0 : i32
      %dma_start3A_632 = tpu.memref_slice %arg3[%add3A_630, %dma_start3A_631] : memref<524288x128xf32, #tpu.memory_space<hbm>> -> memref<8x128xf32, #tpu.memory_space<hbm>>
      %dma_start3A_633 = arith.constant 8 : i32
      %dma_start3A_634 = tpu.memref_slice %arg4[%rem3A_547, %dma_start3A_633, %add3A_628] : memref<8x64x2048xf32, #tpu.memory_space<vmem_shared>> -> memref<1x8x128xf32, #tpu.memory_space<vmem_shared>>
      %dma_start3A_635 = tpu.memref_squeeze %dma_start3A_634 : memref<1x8x128xf32, #tpu.memory_space<vmem_shared>> -> memref<8x128xf32, #tpu.memory_space<vmem_shared>>
      tpu.enqueue_dma source(%dma_start3A_635 : memref<8x128xf32, #tpu.memory_space<vmem_shared>>) target(%dma_start3A_632 : memref<8x128xf32, #tpu.memory_space<hbm>>) target_semaphore(%arg10 : memref<!tpu.dma_semaphore, #tpu.memory_space<semaphore_mem>>)
      %add3A_636 = arith.constant 128 : i32
      %add3A_637 = arith.addi %multiple_of3A, %add3A_636 : i32
      %add3A_638 = arith.constant 72 : i32
      %add3A_639 = arith.addi %multiple_of3A_551, %add3A_638 : i32
      %dma_start3A_640 = arith.constant 0 : i32
      %dma_start3A_641 = tpu.memref_slice %arg3[%add3A_639, %dma_start3A_640] : memref<524288x128xf32, #tpu.memory_space<hbm>> -> memref<8x128xf32, #tpu.memory_space<hbm>>
      %dma_start3A_642 = arith.constant 8 : i32
      %dma_start3A_643 = tpu.memref_slice %arg4[%rem3A_547, %dma_start3A_642, %add3A_637] : memref<8x64x2048xf32, #tpu.memory_space<vmem_shared>> -> memref<1x8x128xf32, #tpu.memory_space<vmem_shared>>
      %dma_start3A_644 = tpu.memref_squeeze %dma_start3A_643 : memref<1x8x128xf32, #tpu.memory_space<vmem_shared>> -> memref<8x128xf32, #tpu.memory_space<vmem_shared>>
      tpu.enqueue_dma source(%dma_start3A_644 : memref<8x128xf32, #tpu.memory_space<vmem_shared>>) target(%dma_start3A_641 : memref<8x128xf32, #tpu.memory_space<hbm>>) target_semaphore(%arg10 : memref<!tpu.dma_semaphore, #tpu.memory_space<semaphore_mem>>)
      %add3A_645 = arith.constant 256 : i32
      %add3A_646 = arith.addi %multiple_of3A, %add3A_645 : i32
      %add3A_647 = arith.constant 80 : i32
      %add3A_648 = arith.addi %multiple_of3A_551, %add3A_647 : i32
      %dma_start3A_649 = arith.constant 0 : i32
      %dma_start3A_650 = tpu.memref_slice %arg3[%add3A_648, %dma_start3A_649] : memref<524288x128xf32, #tpu.memory_space<hbm>> -> memref<8x128xf32, #tpu.memory_space<hbm>>
      %dma_start3A_651 = arith.constant 8 : i32
      %dma_start3A_652 = tpu.memref_slice %arg4[%rem3A_547, %dma_start3A_651, %add3A_646] : memref<8x64x2048xf32, #tpu.memory_space<vmem_shared>> -> memref<1x8x128xf32, #tpu.memory_space<vmem_shared>>
      %dma_start3A_653 = tpu.memref_squeeze %dma_start3A_652 : memref<1x8x128xf32, #tpu.memory_space<vmem_shared>> -> memref<8x128xf32, #tpu.memory_space<vmem_shared>>
      tpu.enqueue_dma source(%dma_start3A_653 : memref<8x128xf32, #tpu.memory_space<vmem_shared>>) target(%dma_start3A_650 : memref<8x128xf32, #tpu.memory_space<hbm>>) target_semaphore(%arg10 : memref<!tpu.dma_semaphore, #tpu.memory_space<semaphore_mem>>)
      %add3A_654 = arith.constant 384 : i32
      %add3A_655 = arith.addi %multiple_of3A, %add3A_654 : i32
      %add3A_656 = arith.constant 88 : i32
      %add3A_657 = arith.addi %multiple_of3A_551, %add3A_656 : i32
      %dma_start3A_658 = arith.constant 0 : i32
      %dma_start3A_659 = tpu.memref_slice %arg3[%add3A_657, %dma_start3A_658] : memref<524288x128xf32, #tpu.memory_space<hbm>> -> memref<8x128xf32, #tpu.memory_space<hbm>>
      %dma_start3A_660 = arith.constant 8 : i32
      %dma_start3A_661 = tpu.memref_slice %arg4[%rem3A_547, %dma_start3A_660, %add3A_655] : memref<8x64x2048xf32, #tpu.memory_space<vmem_shared>> -> memref<1x8x128xf32, #tpu.memory_space<vmem_shared>>
      %dma_start3A_662 = tpu.memref_squeeze %dma_start3A_661 : memref<1x8x128xf32, #tpu.memory_space<vmem_shared>> -> memref<8x128xf32, #tpu.memory_space<vmem_shared>>
      tpu.enqueue_dma source(%dma_start3A_662 : memref<8x128xf32, #tpu.memory_space<vmem_shared>>) target(%dma_start3A_659 : memref<8x128xf32, #tpu.memory_space<hbm>>) target_semaphore(%arg10 : memref<!tpu.dma_semaphore, #tpu.memory_space<semaphore_mem>>)
      %add3A_663 = arith.constant 512 : i32
      %add3A_664 = arith.addi %multiple_of3A, %add3A_663 : i32
      %add3A_665 = arith.constant 96 : i32
      %add3A_666 = arith.addi %multiple_of3A_551, %add3A_665 : i32
      %dma_start3A_667 = arith.constant 0 : i32
      %dma_start3A_668 = tpu.memref_slice %arg3[%add3A_666, %dma_start3A_667] : memref<524288x128xf32, #tpu.memory_space<hbm>> -> memref<8x128xf32, #tpu.memory_space<hbm>>
      %dma_start3A_669 = arith.constant 8 : i32
      %dma_start3A_670 = tpu.memref_slice %arg4[%rem3A_547, %dma_start3A_669, %add3A_664] : memref<8x64x2048xf32, #tpu.memory_space<vmem_shared>> -> memref<1x8x128xf32, #tpu.memory_space<vmem_shared>>
      %dma_start3A_671 = tpu.memref_squeeze %dma_start3A_670 : memref<1x8x128xf32, #tpu.memory_space<vmem_shared>> -> memref<8x128xf32, #tpu.memory_space<vmem_shared>>
      tpu.enqueue_dma source(%dma_start3A_671 : memref<8x128xf32, #tpu.memory_space<vmem_shared>>) target(%dma_start3A_668 : memref<8x128xf32, #tpu.memory_space<hbm>>) target_semaphore(%arg10 : memref<!tpu.dma_semaphore, #tpu.memory_space<semaphore_mem>>)
      %add3A_672 = arith.constant 640 : i32
      %add3A_673 = arith.addi %multiple_of3A, %add3A_672 : i32
      %add3A_674 = arith.constant 104 : i32
      %add3A_675 = arith.addi %multiple_of3A_551, %add3A_674 : i32
      %dma_start3A_676 = arith.constant 0 : i32
      %dma_start3A_677 = tpu.memref_slice %arg3[%add3A_675, %dma_start3A_676] : memref<524288x128xf32, #tpu.memory_space<hbm>> -> memref<8x128xf32, #tpu.memory_space<hbm>>
      %dma_start3A_678 = arith.constant 8 : i32
      %dma_start3A_679 = tpu.memref_slice %arg4[%rem3A_547, %dma_start3A_678, %add3A_673] : memref<8x64x2048xf32, #tpu.memory_space<vmem_shared>> -> memref<1x8x128xf32, #tpu.memory_space<vmem_shared>>
      %dma_start3A_680 = tpu.memref_squeeze %dma_start3A_679 : memref<1x8x128xf32, #tpu.memory_space<vmem_shared>> -> memref<8x128xf32, #tpu.memory_space<vmem_shared>>
      tpu.enqueue_dma source(%dma_start3A_680 : memref<8x128xf32, #tpu.memory_space<vmem_shared>>) target(%dma_start3A_677 : memref<8x128xf32, #tpu.memory_space<hbm>>) target_semaphore(%arg10 : memref<!tpu.dma_semaphore, #tpu.memory_space<semaphore_mem>>)
      %add3A_681 = arith.constant 768 : i32
      %add3A_682 = arith.addi %multiple_of3A, %add3A_681 : i32
      %add3A_683 = arith.constant 112 : i32
      %add3A_684 = arith.addi %multiple_of3A_551, %add3A_683 : i32
      %dma_start3A_685 = arith.constant 0 : i32
      %dma_start3A_686 = tpu.memref_slice %arg3[%add3A_684, %dma_start3A_685] : memref<524288x128xf32, #tpu.memory_space<hbm>> -> memref<8x128xf32, #tpu.memory_space<hbm>>
      %dma_start3A_687 = arith.constant 8 : i32
      %dma_start3A_688 = tpu.memref_slice %arg4[%rem3A_547, %dma_start3A_687, %add3A_682] : memref<8x64x2048xf32, #tpu.memory_space<vmem_shared>> -> memref<1x8x128xf32, #tpu.memory_space<vmem_shared>>
      %dma_start3A_689 = tpu.memref_squeeze %dma_start3A_688 : memref<1x8x128xf32, #tpu.memory_space<vmem_shared>> -> memref<8x128xf32, #tpu.memory_space<vmem_shared>>
      tpu.enqueue_dma source(%dma_start3A_689 : memref<8x128xf32, #tpu.memory_space<vmem_shared>>) target(%dma_start3A_686 : memref<8x128xf32, #tpu.memory_space<hbm>>) target_semaphore(%arg10 : memref<!tpu.dma_semaphore, #tpu.memory_space<semaphore_mem>>)
      %add3A_690 = arith.constant 896 : i32
      %add3A_691 = arith.addi %multiple_of3A, %add3A_690 : i32
      %add3A_692 = arith.constant 120 : i32
      %add3A_693 = arith.addi %multiple_of3A_551, %add3A_692 : i32
      %dma_start3A_694 = arith.constant 0 : i32
      %dma_start3A_695 = tpu.memref_slice %arg3[%add3A_693, %dma_start3A_694] : memref<524288x128xf32, #tpu.memory_space<hbm>> -> memref<8x128xf32, #tpu.memory_space<hbm>>
      %dma_start3A_696 = arith.constant 8 : i32
      %dma_start3A_697 = tpu.memref_slice %arg4[%rem3A_547, %dma_start3A_696, %add3A_691] : memref<8x64x2048xf32, #tpu.memory_space<vmem_shared>> -> memref<1x8x128xf32, #tpu.memory_space<vmem_shared>>
      %dma_start3A_698 = tpu.memref_squeeze %dma_start3A_697 : memref<1x8x128xf32, #tpu.memory_space<vmem_shared>> -> memref<8x128xf32, #tpu.memory_space<vmem_shared>>
      tpu.enqueue_dma source(%dma_start3A_698 : memref<8x128xf32, #tpu.memory_space<vmem_shared>>) target(%dma_start3A_695 : memref<8x128xf32, #tpu.memory_space<hbm>>) target_semaphore(%arg10 : memref<!tpu.dma_semaphore, #tpu.memory_space<semaphore_mem>>)
      %add3A_699 = arith.constant 0 : i32
      %add3A_700 = arith.addi %multiple_of3A, %add3A_699 : i32
      %add3A_701 = arith.constant 128 : i32
      %add3A_702 = arith.addi %multiple_of3A_551, %add3A_701 : i32
      %dma_start3A_703 = arith.constant 0 : i32
      %dma_start3A_704 = tpu.memref_slice %arg3[%add3A_702, %dma_start3A_703] : memref<524288x128xf32, #tpu.memory_space<hbm>> -> memref<8x128xf32, #tpu.memory_space<hbm>>
      %dma_start3A_705 = arith.constant 16 : i32
      %dma_start3A_706 = tpu.memref_slice %arg4[%rem3A_547, %dma_start3A_705, %add3A_700] : memref<8x64x2048xf32, #tpu.memory_space<vmem_shared>> -> memref<1x8x128xf32, #tpu.memory_space<vmem_shared>>
      %dma_start3A_707 = tpu.memref_squeeze %dma_start3A_706 : memref<1x8x128xf32, #tpu.memory_space<vmem_shared>> -> memref<8x128xf32, #tpu.memory_space<vmem_shared>>
      tpu.enqueue_dma source(%dma_start3A_707 : memref<8x128xf32, #tpu.memory_space<vmem_shared>>) target(%dma_start3A_704 : memref<8x128xf32, #tpu.memory_space<hbm>>) target_semaphore(%arg10 : memref<!tpu.dma_semaphore, #tpu.memory_space<semaphore_mem>>)
      %add3A_708 = arith.constant 128 : i32
      %add3A_709 = arith.addi %multiple_of3A, %add3A_708 : i32
      %add3A_710 = arith.constant 136 : i32
      %add3A_711 = arith.addi %multiple_of3A_551, %add3A_710 : i32
      %dma_start3A_712 = arith.constant 0 : i32
      %dma_start3A_713 = tpu.memref_slice %arg3[%add3A_711, %dma_start3A_712] : memref<524288x128xf32, #tpu.memory_space<hbm>> -> memref<8x128xf32, #tpu.memory_space<hbm>>
      %dma_start3A_714 = arith.constant 16 : i32
      %dma_start3A_715 = tpu.memref_slice %arg4[%rem3A_547, %dma_start3A_714, %add3A_709] : memref<8x64x2048xf32, #tpu.memory_space<vmem_shared>> -> memref<1x8x128xf32, #tpu.memory_space<vmem_shared>>
      %dma_start3A_716 = tpu.memref_squeeze %dma_start3A_715 : memref<1x8x128xf32, #tpu.memory_space<vmem_shared>> -> memref<8x128xf32, #tpu.memory_space<vmem_shared>>
      tpu.enqueue_dma source(%dma_start3A_716 : memref<8x128xf32, #tpu.memory_space<vmem_shared>>) target(%dma_start3A_713 : memref<8x128xf32, #tpu.memory_space<hbm>>) target_semaphore(%arg10 : memref<!tpu.dma_semaphore, #tpu.memory_space<semaphore_mem>>)
      %add3A_717 = arith.constant 256 : i32
      %add3A_718 = arith.addi %multiple_of3A, %add3A_717 : i32
      %add3A_719 = arith.constant 144 : i32
      %add3A_720 = arith.addi %multiple_of3A_551, %add3A_719 : i32
      %dma_start3A_721 = arith.constant 0 : i32
      %dma_start3A_722 = tpu.memref_slice %arg3[%add3A_720, %dma_start3A_721] : memref<524288x128xf32, #tpu.memory_space<hbm>> -> memref<8x128xf32, #tpu.memory_space<hbm>>
      %dma_start3A_723 = arith.constant 16 : i32
      %dma_start3A_724 = tpu.memref_slice %arg4[%rem3A_547, %dma_start3A_723, %add3A_718] : memref<8x64x2048xf32, #tpu.memory_space<vmem_shared>> -> memref<1x8x128xf32, #tpu.memory_space<vmem_shared>>
      %dma_start3A_725 = tpu.memref_squeeze %dma_start3A_724 : memref<1x8x128xf32, #tpu.memory_space<vmem_shared>> -> memref<8x128xf32, #tpu.memory_space<vmem_shared>>
      tpu.enqueue_dma source(%dma_start3A_725 : memref<8x128xf32, #tpu.memory_space<vmem_shared>>) target(%dma_start3A_722 : memref<8x128xf32, #tpu.memory_space<hbm>>) target_semaphore(%arg10 : memref<!tpu.dma_semaphore, #tpu.memory_space<semaphore_mem>>)
      %add3A_726 = arith.constant 384 : i32
      %add3A_727 = arith.addi %multiple_of3A, %add3A_726 : i32
      %add3A_728 = arith.constant 152 : i32
      %add3A_729 = arith.addi %multiple_of3A_551, %add3A_728 : i32
      %dma_start3A_730 = arith.constant 0 : i32
      %dma_start3A_731 = tpu.memref_slice %arg3[%add3A_729, %dma_start3A_730] : memref<524288x128xf32, #tpu.memory_space<hbm>> -> memref<8x128xf32, #tpu.memory_space<hbm>>
      %dma_start3A_732 = arith.constant 16 : i32
      %dma_start3A_733 = tpu.memref_slice %arg4[%rem3A_547, %dma_start3A_732, %add3A_727] : memref<8x64x2048xf32, #tpu.memory_space<vmem_shared>> -> memref<1x8x128xf32, #tpu.memory_space<vmem_shared>>
      %dma_start3A_734 = tpu.memref_squeeze %dma_start3A_733 : memref<1x8x128xf32, #tpu.memory_space<vmem_shared>> -> memref<8x128xf32, #tpu.memory_space<vmem_shared>>
      tpu.enqueue_dma source(%dma_start3A_734 : memref<8x128xf32, #tpu.memory_space<vmem_shared>>) target(%dma_start3A_731 : memref<8x128xf32, #tpu.memory_space<hbm>>) target_semaphore(%arg10 : memref<!tpu.dma_semaphore, #tpu.memory_space<semaphore_mem>>)
      %add3A_735 = arith.constant 512 : i32
      %add3A_736 = arith.addi %multiple_of3A, %add3A_735 : i32
      %add3A_737 = arith.constant 160 : i32
      %add3A_738 = arith.addi %multiple_of3A_551, %add3A_737 : i32
      %dma_start3A_739 = arith.constant 0 : i32
      %dma_start3A_740 = tpu.memref_slice %arg3[%add3A_738, %dma_start3A_739] : memref<524288x128xf32, #tpu.memory_space<hbm>> -> memref<8x128xf32, #tpu.memory_space<hbm>>
      %dma_start3A_741 = arith.constant 16 : i32
      %dma_start3A_742 = tpu.memref_slice %arg4[%rem3A_547, %dma_start3A_741, %add3A_736] : memref<8x64x2048xf32, #tpu.memory_space<vmem_shared>> -> memref<1x8x128xf32, #tpu.memory_space<vmem_shared>>
      %dma_start3A_743 = tpu.memref_squeeze %dma_start3A_742 : memref<1x8x128xf32, #tpu.memory_space<vmem_shared>> -> memref<8x128xf32, #tpu.memory_space<vmem_shared>>
      tpu.enqueue_dma source(%dma_start3A_743 : memref<8x128xf32, #tpu.memory_space<vmem_shared>>) target(%dma_start3A_740 : memref<8x128xf32, #tpu.memory_space<hbm>>) target_semaphore(%arg10 : memref<!tpu.dma_semaphore, #tpu.memory_space<semaphore_mem>>)
      %add3A_744 = arith.constant 640 : i32
      %add3A_745 = arith.addi %multiple_of3A, %add3A_744 : i32
      %add3A_746 = arith.constant 168 : i32
      %add3A_747 = arith.addi %multiple_of3A_551, %add3A_746 : i32
      %dma_start3A_748 = arith.constant 0 : i32
      %dma_start3A_749 = tpu.memref_slice %arg3[%add3A_747, %dma_start3A_748] : memref<524288x128xf32, #tpu.memory_space<hbm>> -> memref<8x128xf32, #tpu.memory_space<hbm>>
      %dma_start3A_750 = arith.constant 16 : i32
      %dma_start3A_751 = tpu.memref_slice %arg4[%rem3A_547, %dma_start3A_750, %add3A_745] : memref<8x64x2048xf32, #tpu.memory_space<vmem_shared>> -> memref<1x8x128xf32, #tpu.memory_space<vmem_shared>>
      %dma_start3A_752 = tpu.memref_squeeze %dma_start3A_751 : memref<1x8x128xf32, #tpu.memory_space<vmem_shared>> -> memref<8x128xf32, #tpu.memory_space<vmem_shared>>
      tpu.enqueue_dma source(%dma_start3A_752 : memref<8x128xf32, #tpu.memory_space<vmem_shared>>) target(%dma_start3A_749 : memref<8x128xf32, #tpu.memory_space<hbm>>) target_semaphore(%arg10 : memref<!tpu.dma_semaphore, #tpu.memory_space<semaphore_mem>>)
      %add3A_753 = arith.constant 768 : i32
      %add3A_754 = arith.addi %multiple_of3A, %add3A_753 : i32
      %add3A_755 = arith.constant 176 : i32
      %add3A_756 = arith.addi %multiple_of3A_551, %add3A_755 : i32
      %dma_start3A_757 = arith.constant 0 : i32
      %dma_start3A_758 = tpu.memref_slice %arg3[%add3A_756, %dma_start3A_757] : memref<524288x128xf32, #tpu.memory_space<hbm>> -> memref<8x128xf32, #tpu.memory_space<hbm>>
      %dma_start3A_759 = arith.constant 16 : i32
      %dma_start3A_760 = tpu.memref_slice %arg4[%rem3A_547, %dma_start3A_759, %add3A_754] : memref<8x64x2048xf32, #tpu.memory_space<vmem_shared>> -> memref<1x8x128xf32, #tpu.memory_space<vmem_shared>>
      %dma_start3A_761 = tpu.memref_squeeze %dma_start3A_760 : memref<1x8x128xf32, #tpu.memory_space<vmem_shared>> -> memref<8x128xf32, #tpu.memory_space<vmem_shared>>
      tpu.enqueue_dma source(%dma_start3A_761 : memref<8x128xf32, #tpu.memory_space<vmem_shared>>) target(%dma_start3A_758 : memref<8x128xf32, #tpu.memory_space<hbm>>) target_semaphore(%arg10 : memref<!tpu.dma_semaphore, #tpu.memory_space<semaphore_mem>>)
      %add3A_762 = arith.constant 896 : i32
      %add3A_763 = arith.addi %multiple_of3A, %add3A_762 : i32
      %add3A_764 = arith.constant 184 : i32
      %add3A_765 = arith.addi %multiple_of3A_551, %add3A_764 : i32
      %dma_start3A_766 = arith.constant 0 : i32
      %dma_start3A_767 = tpu.memref_slice %arg3[%add3A_765, %dma_start3A_766] : memref<524288x128xf32, #tpu.memory_space<hbm>> -> memref<8x128xf32, #tpu.memory_space<hbm>>
      %dma_start3A_768 = arith.constant 16 : i32
      %dma_start3A_769 = tpu.memref_slice %arg4[%rem3A_547, %dma_start3A_768, %add3A_763] : memref<8x64x2048xf32, #tpu.memory_space<vmem_shared>> -> memref<1x8x128xf32, #tpu.memory_space<vmem_shared>>
      %dma_start3A_770 = tpu.memref_squeeze %dma_start3A_769 : memref<1x8x128xf32, #tpu.memory_space<vmem_shared>> -> memref<8x128xf32, #tpu.memory_space<vmem_shared>>
      tpu.enqueue_dma source(%dma_start3A_770 : memref<8x128xf32, #tpu.memory_space<vmem_shared>>) target(%dma_start3A_767 : memref<8x128xf32, #tpu.memory_space<hbm>>) target_semaphore(%arg10 : memref<!tpu.dma_semaphore, #tpu.memory_space<semaphore_mem>>)
      %add3A_771 = arith.constant 0 : i32
      %add3A_772 = arith.addi %multiple_of3A, %add3A_771 : i32
      %add3A_773 = arith.constant 192 : i32
      %add3A_774 = arith.addi %multiple_of3A_551, %add3A_773 : i32
      %dma_start3A_775 = arith.constant 0 : i32
      %dma_start3A_776 = tpu.memref_slice %arg3[%add3A_774, %dma_start3A_775] : memref<524288x128xf32, #tpu.memory_space<hbm>> -> memref<8x128xf32, #tpu.memory_space<hbm>>
      %dma_start3A_777 = arith.constant 24 : i32
      %dma_start3A_778 = tpu.memref_slice %arg4[%rem3A_547, %dma_start3A_777, %add3A_772] : memref<8x64x2048xf32, #tpu.memory_space<vmem_shared>> -> memref<1x8x128xf32, #tpu.memory_space<vmem_shared>>
      %dma_start3A_779 = tpu.memref_squeeze %dma_start3A_778 : memref<1x8x128xf32, #tpu.memory_space<vmem_shared>> -> memref<8x128xf32, #tpu.memory_space<vmem_shared>>
      tpu.enqueue_dma source(%dma_start3A_779 : memref<8x128xf32, #tpu.memory_space<vmem_shared>>) target(%dma_start3A_776 : memref<8x128xf32, #tpu.memory_space<hbm>>) target_semaphore(%arg10 : memref<!tpu.dma_semaphore, #tpu.memory_space<semaphore_mem>>)
      %add3A_780 = arith.constant 128 : i32
      %add3A_781 = arith.addi %multiple_of3A, %add3A_780 : i32
      %add3A_782 = arith.constant 200 : i32
      %add3A_783 = arith.addi %multiple_of3A_551, %add3A_782 : i32
      %dma_start3A_784 = arith.constant 0 : i32
      %dma_start3A_785 = tpu.memref_slice %arg3[%add3A_783, %dma_start3A_784] : memref<524288x128xf32, #tpu.memory_space<hbm>> -> memref<8x128xf32, #tpu.memory_space<hbm>>
      %dma_start3A_786 = arith.constant 24 : i32
      %dma_start3A_787 = tpu.memref_slice %arg4[%rem3A_547, %dma_start3A_786, %add3A_781] : memref<8x64x2048xf32, #tpu.memory_space<vmem_shared>> -> memref<1x8x128xf32, #tpu.memory_space<vmem_shared>>
      %dma_start3A_788 = tpu.memref_squeeze %dma_start3A_787 : memref<1x8x128xf32, #tpu.memory_space<vmem_shared>> -> memref<8x128xf32, #tpu.memory_space<vmem_shared>>
      tpu.enqueue_dma source(%dma_start3A_788 : memref<8x128xf32, #tpu.memory_space<vmem_shared>>) target(%dma_start3A_785 : memref<8x128xf32, #tpu.memory_space<hbm>>) target_semaphore(%arg10 : memref<!tpu.dma_semaphore, #tpu.memory_space<semaphore_mem>>)
      %add3A_789 = arith.constant 256 : i32
      %add3A_790 = arith.addi %multiple_of3A, %add3A_789 : i32
      %add3A_791 = arith.constant 208 : i32
      %add3A_792 = arith.addi %multiple_of3A_551, %add3A_791 : i32
      %dma_start3A_793 = arith.constant 0 : i32
      %dma_start3A_794 = tpu.memref_slice %arg3[%add3A_792, %dma_start3A_793] : memref<524288x128xf32, #tpu.memory_space<hbm>> -> memref<8x128xf32, #tpu.memory_space<hbm>>
      %dma_start3A_795 = arith.constant 24 : i32
      %dma_start3A_796 = tpu.memref_slice %arg4[%rem3A_547, %dma_start3A_795, %add3A_790] : memref<8x64x2048xf32, #tpu.memory_space<vmem_shared>> -> memref<1x8x128xf32, #tpu.memory_space<vmem_shared>>
      %dma_start3A_797 = tpu.memref_squeeze %dma_start3A_796 : memref<1x8x128xf32, #tpu.memory_space<vmem_shared>> -> memref<8x128xf32, #tpu.memory_space<vmem_shared>>
      tpu.enqueue_dma source(%dma_start3A_797 : memref<8x128xf32, #tpu.memory_space<vmem_shared>>) target(%dma_start3A_794 : memref<8x128xf32, #tpu.memory_space<hbm>>) target_semaphore(%arg10 : memref<!tpu.dma_semaphore, #tpu.memory_space<semaphore_mem>>)
      %add3A_798 = arith.constant 384 : i32
      %add3A_799 = arith.addi %multiple_of3A, %add3A_798 : i32
      %add3A_800 = arith.constant 216 : i32
      %add3A_801 = arith.addi %multiple_of3A_551, %add3A_800 : i32
      %dma_start3A_802 = arith.constant 0 : i32
      %dma_start3A_803 = tpu.memref_slice %arg3[%add3A_801, %dma_start3A_802] : memref<524288x128xf32, #tpu.memory_space<hbm>> -> memref<8x128xf32, #tpu.memory_space<hbm>>
      %dma_start3A_804 = arith.constant 24 : i32
      %dma_start3A_805 = tpu.memref_slice %arg4[%rem3A_547, %dma_start3A_804, %add3A_799] : memref<8x64x2048xf32, #tpu.memory_space<vmem_shared>> -> memref<1x8x128xf32, #tpu.memory_space<vmem_shared>>
      %dma_start3A_806 = tpu.memref_squeeze %dma_start3A_805 : memref<1x8x128xf32, #tpu.memory_space<vmem_shared>> -> memref<8x128xf32, #tpu.memory_space<vmem_shared>>
      tpu.enqueue_dma source(%dma_start3A_806 : memref<8x128xf32, #tpu.memory_space<vmem_shared>>) target(%dma_start3A_803 : memref<8x128xf32, #tpu.memory_space<hbm>>) target_semaphore(%arg10 : memref<!tpu.dma_semaphore, #tpu.memory_space<semaphore_mem>>)
      %add3A_807 = arith.constant 512 : i32
      %add3A_808 = arith.addi %multiple_of3A, %add3A_807 : i32
      %add3A_809 = arith.constant 224 : i32
      %add3A_810 = arith.addi %multiple_of3A_551, %add3A_809 : i32
      %dma_start3A_811 = arith.constant 0 : i32
      %dma_start3A_812 = tpu.memref_slice %arg3[%add3A_810, %dma_start3A_811] : memref<524288x128xf32, #tpu.memory_space<hbm>> -> memref<8x128xf32, #tpu.memory_space<hbm>>
      %dma_start3A_813 = arith.constant 24 : i32
      %dma_start3A_814 = tpu.memref_slice %arg4[%rem3A_547, %dma_start3A_813, %add3A_808] : memref<8x64x2048xf32, #tpu.memory_space<vmem_shared>> -> memref<1x8x128xf32, #tpu.memory_space<vmem_shared>>
      %dma_start3A_815 = tpu.memref_squeeze %dma_start3A_814 : memref<1x8x128xf32, #tpu.memory_space<vmem_shared>> -> memref<8x128xf32, #tpu.memory_space<vmem_shared>>
      tpu.enqueue_dma source(%dma_start3A_815 : memref<8x128xf32, #tpu.memory_space<vmem_shared>>) target(%dma_start3A_812 : memref<8x128xf32, #tpu.memory_space<hbm>>) target_semaphore(%arg10 : memref<!tpu.dma_semaphore, #tpu.memory_space<semaphore_mem>>)
      %add3A_816 = arith.constant 640 : i32
      %add3A_817 = arith.addi %multiple_of3A, %add3A_816 : i32
      %add3A_818 = arith.constant 232 : i32
      %add3A_819 = arith.addi %multiple_of3A_551, %add3A_818 : i32
      %dma_start3A_820 = arith.constant 0 : i32
      %dma_start3A_821 = tpu.memref_slice %arg3[%add3A_819, %dma_start3A_820] : memref<524288x128xf32, #tpu.memory_space<hbm>> -> memref<8x128xf32, #tpu.memory_space<hbm>>
      %dma_start3A_822 = arith.constant 24 : i32
      %dma_start3A_823 = tpu.memref_slice %arg4[%rem3A_547, %dma_start3A_822, %add3A_817] : memref<8x64x2048xf32, #tpu.memory_space<vmem_shared>> -> memref<1x8x128xf32, #tpu.memory_space<vmem_shared>>
      %dma_start3A_824 = tpu.memref_squeeze %dma_start3A_823 : memref<1x8x128xf32, #tpu.memory_space<vmem_shared>> -> memref<8x128xf32, #tpu.memory_space<vmem_shared>>
      tpu.enqueue_dma source(%dma_start3A_824 : memref<8x128xf32, #tpu.memory_space<vmem_shared>>) target(%dma_start3A_821 : memref<8x128xf32, #tpu.memory_space<hbm>>) target_semaphore(%arg10 : memref<!tpu.dma_semaphore, #tpu.memory_space<semaphore_mem>>)
      %add3A_825 = arith.constant 768 : i32
      %add3A_826 = arith.addi %multiple_of3A, %add3A_825 : i32
      %add3A_827 = arith.constant 240 : i32
      %add3A_828 = arith.addi %multiple_of3A_551, %add3A_827 : i32
      %dma_start3A_829 = arith.constant 0 : i32
      %dma_start3A_830 = tpu.memref_slice %arg3[%add3A_828, %dma_start3A_829] : memref<524288x128xf32, #tpu.memory_space<hbm>> -> memref<8x128xf32, #tpu.memory_space<hbm>>
      %dma_start3A_831 = arith.constant 24 : i32
      %dma_start3A_832 = tpu.memref_slice %arg4[%rem3A_547, %dma_start3A_831, %add3A_826] : memref<8x64x2048xf32, #tpu.memory_space<vmem_shared>> -> memref<1x8x128xf32, #tpu.memory_space<vmem_shared>>
      %dma_start3A_833 = tpu.memref_squeeze %dma_start3A_832 : memref<1x8x128xf32, #tpu.memory_space<vmem_shared>> -> memref<8x128xf32, #tpu.memory_space<vmem_shared>>
      tpu.enqueue_dma source(%dma_start3A_833 : memref<8x128xf32, #tpu.memory_space<vmem_shared>>) target(%dma_start3A_830 : memref<8x128xf32, #tpu.memory_space<hbm>>) target_semaphore(%arg10 : memref<!tpu.dma_semaphore, #tpu.memory_space<semaphore_mem>>)
      %add3A_834 = arith.constant 896 : i32
      %add3A_835 = arith.addi %multiple_of3A, %add3A_834 : i32
      %add3A_836 = arith.constant 248 : i32
      %add3A_837 = arith.addi %multiple_of3A_551, %add3A_836 : i32
      %dma_start3A_838 = arith.constant 0 : i32
      %dma_start3A_839 = tpu.memref_slice %arg3[%add3A_837, %dma_start3A_838] : memref<524288x128xf32, #tpu.memory_space<hbm>> -> memref<8x128xf32, #tpu.memory_space<hbm>>
      %dma_start3A_840 = arith.constant 24 : i32
      %dma_start3A_841 = tpu.memref_slice %arg4[%rem3A_547, %dma_start3A_840, %add3A_835] : memref<8x64x2048xf32, #tpu.memory_space<vmem_shared>> -> memref<1x8x128xf32, #tpu.memory_space<vmem_shared>>
      %dma_start3A_842 = tpu.memref_squeeze %dma_start3A_841 : memref<1x8x128xf32, #tpu.memory_space<vmem_shared>> -> memref<8x128xf32, #tpu.memory_space<vmem_shared>>
      tpu.enqueue_dma source(%dma_start3A_842 : memref<8x128xf32, #tpu.memory_space<vmem_shared>>) target(%dma_start3A_839 : memref<8x128xf32, #tpu.memory_space<hbm>>) target_semaphore(%arg10 : memref<!tpu.dma_semaphore, #tpu.memory_space<semaphore_mem>>)
      %add3A_843 = arith.constant 0 : i32
      %add3A_844 = arith.addi %multiple_of3A, %add3A_843 : i32
      %add3A_845 = arith.constant 256 : i32
      %add3A_846 = arith.addi %multiple_of3A_551, %add3A_845 : i32
      %dma_start3A_847 = arith.constant 0 : i32
      %dma_start3A_848 = tpu.memref_slice %arg3[%add3A_846, %dma_start3A_847] : memref<524288x128xf32, #tpu.memory_space<hbm>> -> memref<8x128xf32, #tpu.memory_space<hbm>>
      %dma_start3A_849 = arith.constant 32 : i32
      %dma_start3A_850 = tpu.memref_slice %arg4[%rem3A_547, %dma_start3A_849, %add3A_844] : memref<8x64x2048xf32, #tpu.memory_space<vmem_shared>> -> memref<1x8x128xf32, #tpu.memory_space<vmem_shared>>
      %dma_start3A_851 = tpu.memref_squeeze %dma_start3A_850 : memref<1x8x128xf32, #tpu.memory_space<vmem_shared>> -> memref<8x128xf32, #tpu.memory_space<vmem_shared>>
      tpu.enqueue_dma source(%dma_start3A_851 : memref<8x128xf32, #tpu.memory_space<vmem_shared>>) target(%dma_start3A_848 : memref<8x128xf32, #tpu.memory_space<hbm>>) target_semaphore(%arg10 : memref<!tpu.dma_semaphore, #tpu.memory_space<semaphore_mem>>)
      %add3A_852 = arith.constant 128 : i32
      %add3A_853 = arith.addi %multiple_of3A, %add3A_852 : i32
      %add3A_854 = arith.constant 264 : i32
      %add3A_855 = arith.addi %multiple_of3A_551, %add3A_854 : i32
      %dma_start3A_856 = arith.constant 0 : i32
      %dma_start3A_857 = tpu.memref_slice %arg3[%add3A_855, %dma_start3A_856] : memref<524288x128xf32, #tpu.memory_space<hbm>> -> memref<8x128xf32, #tpu.memory_space<hbm>>
      %dma_start3A_858 = arith.constant 32 : i32
      %dma_start3A_859 = tpu.memref_slice %arg4[%rem3A_547, %dma_start3A_858, %add3A_853] : memref<8x64x2048xf32, #tpu.memory_space<vmem_shared>> -> memref<1x8x128xf32, #tpu.memory_space<vmem_shared>>
      %dma_start3A_860 = tpu.memref_squeeze %dma_start3A_859 : memref<1x8x128xf32, #tpu.memory_space<vmem_shared>> -> memref<8x128xf32, #tpu.memory_space<vmem_shared>>
      tpu.enqueue_dma source(%dma_start3A_860 : memref<8x128xf32, #tpu.memory_space<vmem_shared>>) target(%dma_start3A_857 : memref<8x128xf32, #tpu.memory_space<hbm>>) target_semaphore(%arg10 : memref<!tpu.dma_semaphore, #tpu.memory_space<semaphore_mem>>)
      %add3A_861 = arith.constant 256 : i32
      %add3A_862 = arith.addi %multiple_of3A, %add3A_861 : i32
      %add3A_863 = arith.constant 272 : i32
      %add3A_864 = arith.addi %multiple_of3A_551, %add3A_863 : i32
      %dma_start3A_865 = arith.constant 0 : i32
      %dma_start3A_866 = tpu.memref_slice %arg3[%add3A_864, %dma_start3A_865] : memref<524288x128xf32, #tpu.memory_space<hbm>> -> memref<8x128xf32, #tpu.memory_space<hbm>>
      %dma_start3A_867 = arith.constant 32 : i32
      %dma_start3A_868 = tpu.memref_slice %arg4[%rem3A_547, %dma_start3A_867, %add3A_862] : memref<8x64x2048xf32, #tpu.memory_space<vmem_shared>> -> memref<1x8x128xf32, #tpu.memory_space<vmem_shared>>
      %dma_start3A_869 = tpu.memref_squeeze %dma_start3A_868 : memref<1x8x128xf32, #tpu.memory_space<vmem_shared>> -> memref<8x128xf32, #tpu.memory_space<vmem_shared>>
      tpu.enqueue_dma source(%dma_start3A_869 : memref<8x128xf32, #tpu.memory_space<vmem_shared>>) target(%dma_start3A_866 : memref<8x128xf32, #tpu.memory_space<hbm>>) target_semaphore(%arg10 : memref<!tpu.dma_semaphore, #tpu.memory_space<semaphore_mem>>)
      %add3A_870 = arith.constant 384 : i32
      %add3A_871 = arith.addi %multiple_of3A, %add3A_870 : i32
      %add3A_872 = arith.constant 280 : i32
      %add3A_873 = arith.addi %multiple_of3A_551, %add3A_872 : i32
      %dma_start3A_874 = arith.constant 0 : i32
      %dma_start3A_875 = tpu.memref_slice %arg3[%add3A_873, %dma_start3A_874] : memref<524288x128xf32, #tpu.memory_space<hbm>> -> memref<8x128xf32, #tpu.memory_space<hbm>>
      %dma_start3A_876 = arith.constant 32 : i32
      %dma_start3A_877 = tpu.memref_slice %arg4[%rem3A_547, %dma_start3A_876, %add3A_871] : memref<8x64x2048xf32, #tpu.memory_space<vmem_shared>> -> memref<1x8x128xf32, #tpu.memory_space<vmem_shared>>
      %dma_start3A_878 = tpu.memref_squeeze %dma_start3A_877 : memref<1x8x128xf32, #tpu.memory_space<vmem_shared>> -> memref<8x128xf32, #tpu.memory_space<vmem_shared>>
      tpu.enqueue_dma source(%dma_start3A_878 : memref<8x128xf32, #tpu.memory_space<vmem_shared>>) target(%dma_start3A_875 : memref<8x128xf32, #tpu.memory_space<hbm>>) target_semaphore(%arg10 : memref<!tpu.dma_semaphore, #tpu.memory_space<semaphore_mem>>)
      %add3A_879 = arith.constant 512 : i32
      %add3A_880 = arith.addi %multiple_of3A, %add3A_879 : i32
      %add3A_881 = arith.constant 288 : i32
      %add3A_882 = arith.addi %multiple_of3A_551, %add3A_881 : i32
      %dma_start3A_883 = arith.constant 0 : i32
      %dma_start3A_884 = tpu.memref_slice %arg3[%add3A_882, %dma_start3A_883] : memref<524288x128xf32, #tpu.memory_space<hbm>> -> memref<8x128xf32, #tpu.memory_space<hbm>>
      %dma_start3A_885 = arith.constant 32 : i32
      %dma_start3A_886 = tpu.memref_slice %arg4[%rem3A_547, %dma_start3A_885, %add3A_880] : memref<8x64x2048xf32, #tpu.memory_space<vmem_shared>> -> memref<1x8x128xf32, #tpu.memory_space<vmem_shared>>
      %dma_start3A_887 = tpu.memref_squeeze %dma_start3A_886 : memref<1x8x128xf32, #tpu.memory_space<vmem_shared>> -> memref<8x128xf32, #tpu.memory_space<vmem_shared>>
      tpu.enqueue_dma source(%dma_start3A_887 : memref<8x128xf32, #tpu.memory_space<vmem_shared>>) target(%dma_start3A_884 : memref<8x128xf32, #tpu.memory_space<hbm>>) target_semaphore(%arg10 : memref<!tpu.dma_semaphore, #tpu.memory_space<semaphore_mem>>)
      %add3A_888 = arith.constant 640 : i32
      %add3A_889 = arith.addi %multiple_of3A, %add3A_888 : i32
      %add3A_890 = arith.constant 296 : i32
      %add3A_891 = arith.addi %multiple_of3A_551, %add3A_890 : i32
      %dma_start3A_892 = arith.constant 0 : i32
      %dma_start3A_893 = tpu.memref_slice %arg3[%add3A_891, %dma_start3A_892] : memref<524288x128xf32, #tpu.memory_space<hbm>> -> memref<8x128xf32, #tpu.memory_space<hbm>>
      %dma_start3A_894 = arith.constant 32 : i32
      %dma_start3A_895 = tpu.memref_slice %arg4[%rem3A_547, %dma_start3A_894, %add3A_889] : memref<8x64x2048xf32, #tpu.memory_space<vmem_shared>> -> memref<1x8x128xf32, #tpu.memory_space<vmem_shared>>
      %dma_start3A_896 = tpu.memref_squeeze %dma_start3A_895 : memref<1x8x128xf32, #tpu.memory_space<vmem_shared>> -> memref<8x128xf32, #tpu.memory_space<vmem_shared>>
      tpu.enqueue_dma source(%dma_start3A_896 : memref<8x128xf32, #tpu.memory_space<vmem_shared>>) target(%dma_start3A_893 : memref<8x128xf32, #tpu.memory_space<hbm>>) target_semaphore(%arg10 : memref<!tpu.dma_semaphore, #tpu.memory_space<semaphore_mem>>)
      %add3A_897 = arith.constant 768 : i32
      %add3A_898 = arith.addi %multiple_of3A, %add3A_897 : i32
      %add3A_899 = arith.constant 304 : i32
      %add3A_900 = arith.addi %multiple_of3A_551, %add3A_899 : i32
      %dma_start3A_901 = arith.constant 0 : i32
      %dma_start3A_902 = tpu.memref_slice %arg3[%add3A_900, %dma_start3A_901] : memref<524288x128xf32, #tpu.memory_space<hbm>> -> memref<8x128xf32, #tpu.memory_space<hbm>>
      %dma_start3A_903 = arith.constant 32 : i32
      %dma_start3A_904 = tpu.memref_slice %arg4[%rem3A_547, %dma_start3A_903, %add3A_898] : memref<8x64x2048xf32, #tpu.memory_space<vmem_shared>> -> memref<1x8x128xf32, #tpu.memory_space<vmem_shared>>
      %dma_start3A_905 = tpu.memref_squeeze %dma_start3A_904 : memref<1x8x128xf32, #tpu.memory_space<vmem_shared>> -> memref<8x128xf32, #tpu.memory_space<vmem_shared>>
      tpu.enqueue_dma source(%dma_start3A_905 : memref<8x128xf32, #tpu.memory_space<vmem_shared>>) target(%dma_start3A_902 : memref<8x128xf32, #tpu.memory_space<hbm>>) target_semaphore(%arg10 : memref<!tpu.dma_semaphore, #tpu.memory_space<semaphore_mem>>)
      %add3A_906 = arith.constant 896 : i32
      %add3A_907 = arith.addi %multiple_of3A, %add3A_906 : i32
      %add3A_908 = arith.constant 312 : i32
      %add3A_909 = arith.addi %multiple_of3A_551, %add3A_908 : i32
      %dma_start3A_910 = arith.constant 0 : i32
      %dma_start3A_911 = tpu.memref_slice %arg3[%add3A_909, %dma_start3A_910] : memref<524288x128xf32, #tpu.memory_space<hbm>> -> memref<8x128xf32, #tpu.memory_space<hbm>>
      %dma_start3A_912 = arith.constant 32 : i32
      %dma_start3A_913 = tpu.memref_slice %arg4[%rem3A_547, %dma_start3A_912, %add3A_907] : memref<8x64x2048xf32, #tpu.memory_space<vmem_shared>> -> memref<1x8x128xf32, #tpu.memory_space<vmem_shared>>
      %dma_start3A_914 = tpu.memref_squeeze %dma_start3A_913 : memref<1x8x128xf32, #tpu.memory_space<vmem_shared>> -> memref<8x128xf32, #tpu.memory_space<vmem_shared>>
      tpu.enqueue_dma source(%dma_start3A_914 : memref<8x128xf32, #tpu.memory_space<vmem_shared>>) target(%dma_start3A_911 : memref<8x128xf32, #tpu.memory_space<hbm>>) target_semaphore(%arg10 : memref<!tpu.dma_semaphore, #tpu.memory_space<semaphore_mem>>)
      %add3A_915 = arith.constant 0 : i32
      %add3A_916 = arith.addi %multiple_of3A, %add3A_915 : i32
      %add3A_917 = arith.constant 320 : i32
      %add3A_918 = arith.addi %multiple_of3A_551, %add3A_917 : i32
      %dma_start3A_919 = arith.constant 0 : i32
      %dma_start3A_920 = tpu.memref_slice %arg3[%add3A_918, %dma_start3A_919] : memref<524288x128xf32, #tpu.memory_space<hbm>> -> memref<8x128xf32, #tpu.memory_space<hbm>>
      %dma_start3A_921 = arith.constant 40 : i32
      %dma_start3A_922 = tpu.memref_slice %arg4[%rem3A_547, %dma_start3A_921, %add3A_916] : memref<8x64x2048xf32, #tpu.memory_space<vmem_shared>> -> memref<1x8x128xf32, #tpu.memory_space<vmem_shared>>
      %dma_start3A_923 = tpu.memref_squeeze %dma_start3A_922 : memref<1x8x128xf32, #tpu.memory_space<vmem_shared>> -> memref<8x128xf32, #tpu.memory_space<vmem_shared>>
      tpu.enqueue_dma source(%dma_start3A_923 : memref<8x128xf32, #tpu.memory_space<vmem_shared>>) target(%dma_start3A_920 : memref<8x128xf32, #tpu.memory_space<hbm>>) target_semaphore(%arg10 : memref<!tpu.dma_semaphore, #tpu.memory_space<semaphore_mem>>)
      %add3A_924 = arith.constant 128 : i32
      %add3A_925 = arith.addi %multiple_of3A, %add3A_924 : i32
      %add3A_926 = arith.constant 328 : i32
      %add3A_927 = arith.addi %multiple_of3A_551, %add3A_926 : i32
      %dma_start3A_928 = arith.constant 0 : i32
      %dma_start3A_929 = tpu.memref_slice %arg3[%add3A_927, %dma_start3A_928] : memref<524288x128xf32, #tpu.memory_space<hbm>> -> memref<8x128xf32, #tpu.memory_space<hbm>>
      %dma_start3A_930 = arith.constant 40 : i32
      %dma_start3A_931 = tpu.memref_slice %arg4[%rem3A_547, %dma_start3A_930, %add3A_925] : memref<8x64x2048xf32, #tpu.memory_space<vmem_shared>> -> memref<1x8x128xf32, #tpu.memory_space<vmem_shared>>
      %dma_start3A_932 = tpu.memref_squeeze %dma_start3A_931 : memref<1x8x128xf32, #tpu.memory_space<vmem_shared>> -> memref<8x128xf32, #tpu.memory_space<vmem_shared>>
      tpu.enqueue_dma source(%dma_start3A_932 : memref<8x128xf32, #tpu.memory_space<vmem_shared>>) target(%dma_start3A_929 : memref<8x128xf32, #tpu.memory_space<hbm>>) target_semaphore(%arg10 : memref<!tpu.dma_semaphore, #tpu.memory_space<semaphore_mem>>)
      %add3A_933 = arith.constant 256 : i32
      %add3A_934 = arith.addi %multiple_of3A, %add3A_933 : i32
      %add3A_935 = arith.constant 336 : i32
      %add3A_936 = arith.addi %multiple_of3A_551, %add3A_935 : i32
      %dma_start3A_937 = arith.constant 0 : i32
      %dma_start3A_938 = tpu.memref_slice %arg3[%add3A_936, %dma_start3A_937] : memref<524288x128xf32, #tpu.memory_space<hbm>> -> memref<8x128xf32, #tpu.memory_space<hbm>>
      %dma_start3A_939 = arith.constant 40 : i32
      %dma_start3A_940 = tpu.memref_slice %arg4[%rem3A_547, %dma_start3A_939, %add3A_934] : memref<8x64x2048xf32, #tpu.memory_space<vmem_shared>> -> memref<1x8x128xf32, #tpu.memory_space<vmem_shared>>
      %dma_start3A_941 = tpu.memref_squeeze %dma_start3A_940 : memref<1x8x128xf32, #tpu.memory_space<vmem_shared>> -> memref<8x128xf32, #tpu.memory_space<vmem_shared>>
      tpu.enqueue_dma source(%dma_start3A_941 : memref<8x128xf32, #tpu.memory_space<vmem_shared>>) target(%dma_start3A_938 : memref<8x128xf32, #tpu.memory_space<hbm>>) target_semaphore(%arg10 : memref<!tpu.dma_semaphore, #tpu.memory_space<semaphore_mem>>)
      %add3A_942 = arith.constant 384 : i32
      %add3A_943 = arith.addi %multiple_of3A, %add3A_942 : i32
      %add3A_944 = arith.constant 344 : i32
      %add3A_945 = arith.addi %multiple_of3A_551, %add3A_944 : i32
      %dma_start3A_946 = arith.constant 0 : i32
      %dma_start3A_947 = tpu.memref_slice %arg3[%add3A_945, %dma_start3A_946] : memref<524288x128xf32, #tpu.memory_space<hbm>> -> memref<8x128xf32, #tpu.memory_space<hbm>>
      %dma_start3A_948 = arith.constant 40 : i32
      %dma_start3A_949 = tpu.memref_slice %arg4[%rem3A_547, %dma_start3A_948, %add3A_943] : memref<8x64x2048xf32, #tpu.memory_space<vmem_shared>> -> memref<1x8x128xf32, #tpu.memory_space<vmem_shared>>
      %dma_start3A_950 = tpu.memref_squeeze %dma_start3A_949 : memref<1x8x128xf32, #tpu.memory_space<vmem_shared>> -> memref<8x128xf32, #tpu.memory_space<vmem_shared>>
      tpu.enqueue_dma source(%dma_start3A_950 : memref<8x128xf32, #tpu.memory_space<vmem_shared>>) target(%dma_start3A_947 : memref<8x128xf32, #tpu.memory_space<hbm>>) target_semaphore(%arg10 : memref<!tpu.dma_semaphore, #tpu.memory_space<semaphore_mem>>)
      %add3A_951 = arith.constant 512 : i32
      %add3A_952 = arith.addi %multiple_of3A, %add3A_951 : i32
      %add3A_953 = arith.constant 352 : i32
      %add3A_954 = arith.addi %multiple_of3A_551, %add3A_953 : i32
      %dma_start3A_955 = arith.constant 0 : i32
      %dma_start3A_956 = tpu.memref_slice %arg3[%add3A_954, %dma_start3A_955] : memref<524288x128xf32, #tpu.memory_space<hbm>> -> memref<8x128xf32, #tpu.memory_space<hbm>>
      %dma_start3A_957 = arith.constant 40 : i32
      %dma_start3A_958 = tpu.memref_slice %arg4[%rem3A_547, %dma_start3A_957, %add3A_952] : memref<8x64x2048xf32, #tpu.memory_space<vmem_shared>> -> memref<1x8x128xf32, #tpu.memory_space<vmem_shared>>
      %dma_start3A_959 = tpu.memref_squeeze %dma_start3A_958 : memref<1x8x128xf32, #tpu.memory_space<vmem_shared>> -> memref<8x128xf32, #tpu.memory_space<vmem_shared>>
      tpu.enqueue_dma source(%dma_start3A_959 : memref<8x128xf32, #tpu.memory_space<vmem_shared>>) target(%dma_start3A_956 : memref<8x128xf32, #tpu.memory_space<hbm>>) target_semaphore(%arg10 : memref<!tpu.dma_semaphore, #tpu.memory_space<semaphore_mem>>)
      %add3A_960 = arith.constant 640 : i32
      %add3A_961 = arith.addi %multiple_of3A, %add3A_960 : i32
      %add3A_962 = arith.constant 360 : i32
      %add3A_963 = arith.addi %multiple_of3A_551, %add3A_962 : i32
      %dma_start3A_964 = arith.constant 0 : i32
      %dma_start3A_965 = tpu.memref_slice %arg3[%add3A_963, %dma_start3A_964] : memref<524288x128xf32, #tpu.memory_space<hbm>> -> memref<8x128xf32, #tpu.memory_space<hbm>>
      %dma_start3A_966 = arith.constant 40 : i32
      %dma_start3A_967 = tpu.memref_slice %arg4[%rem3A_547, %dma_start3A_966, %add3A_961] : memref<8x64x2048xf32, #tpu.memory_space<vmem_shared>> -> memref<1x8x128xf32, #tpu.memory_space<vmem_shared>>
      %dma_start3A_968 = tpu.memref_squeeze %dma_start3A_967 : memref<1x8x128xf32, #tpu.memory_space<vmem_shared>> -> memref<8x128xf32, #tpu.memory_space<vmem_shared>>
      tpu.enqueue_dma source(%dma_start3A_968 : memref<8x128xf32, #tpu.memory_space<vmem_shared>>) target(%dma_start3A_965 : memref<8x128xf32, #tpu.memory_space<hbm>>) target_semaphore(%arg10 : memref<!tpu.dma_semaphore, #tpu.memory_space<semaphore_mem>>)
      %add3A_969 = arith.constant 768 : i32
      %add3A_970 = arith.addi %multiple_of3A, %add3A_969 : i32
      %add3A_971 = arith.constant 368 : i32
      %add3A_972 = arith.addi %multiple_of3A_551, %add3A_971 : i32
      %dma_start3A_973 = arith.constant 0 : i32
      %dma_start3A_974 = tpu.memref_slice %arg3[%add3A_972, %dma_start3A_973] : memref<524288x128xf32, #tpu.memory_space<hbm>> -> memref<8x128xf32, #tpu.memory_space<hbm>>
      %dma_start3A_975 = arith.constant 40 : i32
      %dma_start3A_976 = tpu.memref_slice %arg4[%rem3A_547, %dma_start3A_975, %add3A_970] : memref<8x64x2048xf32, #tpu.memory_space<vmem_shared>> -> memref<1x8x128xf32, #tpu.memory_space<vmem_shared>>
      %dma_start3A_977 = tpu.memref_squeeze %dma_start3A_976 : memref<1x8x128xf32, #tpu.memory_space<vmem_shared>> -> memref<8x128xf32, #tpu.memory_space<vmem_shared>>
      tpu.enqueue_dma source(%dma_start3A_977 : memref<8x128xf32, #tpu.memory_space<vmem_shared>>) target(%dma_start3A_974 : memref<8x128xf32, #tpu.memory_space<hbm>>) target_semaphore(%arg10 : memref<!tpu.dma_semaphore, #tpu.memory_space<semaphore_mem>>)
      %add3A_978 = arith.constant 896 : i32
      %add3A_979 = arith.addi %multiple_of3A, %add3A_978 : i32
      %add3A_980 = arith.constant 376 : i32
      %add3A_981 = arith.addi %multiple_of3A_551, %add3A_980 : i32
      %dma_start3A_982 = arith.constant 0 : i32
      %dma_start3A_983 = tpu.memref_slice %arg3[%add3A_981, %dma_start3A_982] : memref<524288x128xf32, #tpu.memory_space<hbm>> -> memref<8x128xf32, #tpu.memory_space<hbm>>
      %dma_start3A_984 = arith.constant 40 : i32
      %dma_start3A_985 = tpu.memref_slice %arg4[%rem3A_547, %dma_start3A_984, %add3A_979] : memref<8x64x2048xf32, #tpu.memory_space<vmem_shared>> -> memref<1x8x128xf32, #tpu.memory_space<vmem_shared>>
      %dma_start3A_986 = tpu.memref_squeeze %dma_start3A_985 : memref<1x8x128xf32, #tpu.memory_space<vmem_shared>> -> memref<8x128xf32, #tpu.memory_space<vmem_shared>>
      tpu.enqueue_dma source(%dma_start3A_986 : memref<8x128xf32, #tpu.memory_space<vmem_shared>>) target(%dma_start3A_983 : memref<8x128xf32, #tpu.memory_space<hbm>>) target_semaphore(%arg10 : memref<!tpu.dma_semaphore, #tpu.memory_space<semaphore_mem>>)
      %add3A_987 = arith.constant 0 : i32
      %add3A_988 = arith.addi %multiple_of3A, %add3A_987 : i32
      %add3A_989 = arith.constant 384 : i32
      %add3A_990 = arith.addi %multiple_of3A_551, %add3A_989 : i32
      %dma_start3A_991 = arith.constant 0 : i32
      %dma_start3A_992 = tpu.memref_slice %arg3[%add3A_990, %dma_start3A_991] : memref<524288x128xf32, #tpu.memory_space<hbm>> -> memref<8x128xf32, #tpu.memory_space<hbm>>
      %dma_start3A_993 = arith.constant 48 : i32
      %dma_start3A_994 = tpu.memref_slice %arg4[%rem3A_547, %dma_start3A_993, %add3A_988] : memref<8x64x2048xf32, #tpu.memory_space<vmem_shared>> -> memref<1x8x128xf32, #tpu.memory_space<vmem_shared>>
      %dma_start3A_995 = tpu.memref_squeeze %dma_start3A_994 : memref<1x8x128xf32, #tpu.memory_space<vmem_shared>> -> memref<8x128xf32, #tpu.memory_space<vmem_shared>>
      tpu.enqueue_dma source(%dma_start3A_995 : memref<8x128xf32, #tpu.memory_space<vmem_shared>>) target(%dma_start3A_992 : memref<8x128xf32, #tpu.memory_space<hbm>>) target_semaphore(%arg10 : memref<!tpu.dma_semaphore, #tpu.memory_space<semaphore_mem>>)
      %add3A_996 = arith.constant 128 : i32
      %add3A_997 = arith.addi %multiple_of3A, %add3A_996 : i32
      %add3A_998 = arith.constant 392 : i32
      %add3A_999 = arith.addi %multiple_of3A_551, %add3A_998 : i32
      %dma_start3A_1000 = arith.constant 0 : i32
      %dma_start3A_1001 = tpu.memref_slice %arg3[%add3A_999, %dma_start3A_1000] : memref<524288x128xf32, #tpu.memory_space<hbm>> -> memref<8x128xf32, #tpu.memory_space<hbm>>
      %dma_start3A_1002 = arith.constant 48 : i32
      %dma_start3A_1003 = tpu.memref_slice %arg4[%rem3A_547, %dma_start3A_1002, %add3A_997] : memref<8x64x2048xf32, #tpu.memory_space<vmem_shared>> -> memref<1x8x128xf32, #tpu.memory_space<vmem_shared>>
      %dma_start3A_1004 = tpu.memref_squeeze %dma_start3A_1003 : memref<1x8x128xf32, #tpu.memory_space<vmem_shared>> -> memref<8x128xf32, #tpu.memory_space<vmem_shared>>
      tpu.enqueue_dma source(%dma_start3A_1004 : memref<8x128xf32, #tpu.memory_space<vmem_shared>>) target(%dma_start3A_1001 : memref<8x128xf32, #tpu.memory_space<hbm>>) target_semaphore(%arg10 : memref<!tpu.dma_semaphore, #tpu.memory_space<semaphore_mem>>)
      %add3A_1005 = arith.constant 256 : i32
      %add3A_1006 = arith.addi %multiple_of3A, %add3A_1005 : i32
      %add3A_1007 = arith.constant 400 : i32
      %add3A_1008 = arith.addi %multiple_of3A_551, %add3A_1007 : i32
      %dma_start3A_1009 = arith.constant 0 : i32
      %dma_start3A_1010 = tpu.memref_slice %arg3[%add3A_1008, %dma_start3A_1009] : memref<524288x128xf32, #tpu.memory_space<hbm>> -> memref<8x128xf32, #tpu.memory_space<hbm>>
      %dma_start3A_1011 = arith.constant 48 : i32
      %dma_start3A_1012 = tpu.memref_slice %arg4[%rem3A_547, %dma_start3A_1011, %add3A_1006] : memref<8x64x2048xf32, #tpu.memory_space<vmem_shared>> -> memref<1x8x128xf32, #tpu.memory_space<vmem_shared>>
      %dma_start3A_1013 = tpu.memref_squeeze %dma_start3A_1012 : memref<1x8x128xf32, #tpu.memory_space<vmem_shared>> -> memref<8x128xf32, #tpu.memory_space<vmem_shared>>
      tpu.enqueue_dma source(%dma_start3A_1013 : memref<8x128xf32, #tpu.memory_space<vmem_shared>>) target(%dma_start3A_1010 : memref<8x128xf32, #tpu.memory_space<hbm>>) target_semaphore(%arg10 : memref<!tpu.dma_semaphore, #tpu.memory_space<semaphore_mem>>)
      %add3A_1014 = arith.constant 384 : i32
      %add3A_1015 = arith.addi %multiple_of3A, %add3A_1014 : i32
      %add3A_1016 = arith.constant 408 : i32
      %add3A_1017 = arith.addi %multiple_of3A_551, %add3A_1016 : i32
      %dma_start3A_1018 = arith.constant 0 : i32
      %dma_start3A_1019 = tpu.memref_slice %arg3[%add3A_1017, %dma_start3A_1018] : memref<524288x128xf32, #tpu.memory_space<hbm>> -> memref<8x128xf32, #tpu.memory_space<hbm>>
      %dma_start3A_1020 = arith.constant 48 : i32
      %dma_start3A_1021 = tpu.memref_slice %arg4[%rem3A_547, %dma_start3A_1020, %add3A_1015] : memref<8x64x2048xf32, #tpu.memory_space<vmem_shared>> -> memref<1x8x128xf32, #tpu.memory_space<vmem_shared>>
      %dma_start3A_1022 = tpu.memref_squeeze %dma_start3A_1021 : memref<1x8x128xf32, #tpu.memory_space<vmem_shared>> -> memref<8x128xf32, #tpu.memory_space<vmem_shared>>
      tpu.enqueue_dma source(%dma_start3A_1022 : memref<8x128xf32, #tpu.memory_space<vmem_shared>>) target(%dma_start3A_1019 : memref<8x128xf32, #tpu.memory_space<hbm>>) target_semaphore(%arg10 : memref<!tpu.dma_semaphore, #tpu.memory_space<semaphore_mem>>)
      %add3A_1023 = arith.constant 512 : i32
      %add3A_1024 = arith.addi %multiple_of3A, %add3A_1023 : i32
      %add3A_1025 = arith.constant 416 : i32
      %add3A_1026 = arith.addi %multiple_of3A_551, %add3A_1025 : i32
      %dma_start3A_1027 = arith.constant 0 : i32
      %dma_start3A_1028 = tpu.memref_slice %arg3[%add3A_1026, %dma_start3A_1027] : memref<524288x128xf32, #tpu.memory_space<hbm>> -> memref<8x128xf32, #tpu.memory_space<hbm>>
      %dma_start3A_1029 = arith.constant 48 : i32
      %dma_start3A_1030 = tpu.memref_slice %arg4[%rem3A_547, %dma_start3A_1029, %add3A_1024] : memref<8x64x2048xf32, #tpu.memory_space<vmem_shared>> -> memref<1x8x128xf32, #tpu.memory_space<vmem_shared>>
      %dma_start3A_1031 = tpu.memref_squeeze %dma_start3A_1030 : memref<1x8x128xf32, #tpu.memory_space<vmem_shared>> -> memref<8x128xf32, #tpu.memory_space<vmem_shared>>
      tpu.enqueue_dma source(%dma_start3A_1031 : memref<8x128xf32, #tpu.memory_space<vmem_shared>>) target(%dma_start3A_1028 : memref<8x128xf32, #tpu.memory_space<hbm>>) target_semaphore(%arg10 : memref<!tpu.dma_semaphore, #tpu.memory_space<semaphore_mem>>)
      %add3A_1032 = arith.constant 640 : i32
      %add3A_1033 = arith.addi %multiple_of3A, %add3A_1032 : i32
      %add3A_1034 = arith.constant 424 : i32
      %add3A_1035 = arith.addi %multiple_of3A_551, %add3A_1034 : i32
      %dma_start3A_1036 = arith.constant 0 : i32
      %dma_start3A_1037 = tpu.memref_slice %arg3[%add3A_1035, %dma_start3A_1036] : memref<524288x128xf32, #tpu.memory_space<hbm>> -> memref<8x128xf32, #tpu.memory_space<hbm>>
      %dma_start3A_1038 = arith.constant 48 : i32
      %dma_start3A_1039 = tpu.memref_slice %arg4[%rem3A_547, %dma_start3A_1038, %add3A_1033] : memref<8x64x2048xf32, #tpu.memory_space<vmem_shared>> -> memref<1x8x128xf32, #tpu.memory_space<vmem_shared>>
      %dma_start3A_1040 = tpu.memref_squeeze %dma_start3A_1039 : memref<1x8x128xf32, #tpu.memory_space<vmem_shared>> -> memref<8x128xf32, #tpu.memory_space<vmem_shared>>
      tpu.enqueue_dma source(%dma_start3A_1040 : memref<8x128xf32, #tpu.memory_space<vmem_shared>>) target(%dma_start3A_1037 : memref<8x128xf32, #tpu.memory_space<hbm>>) target_semaphore(%arg10 : memref<!tpu.dma_semaphore, #tpu.memory_space<semaphore_mem>>)
      %add3A_1041 = arith.constant 768 : i32
      %add3A_1042 = arith.addi %multiple_of3A, %add3A_1041 : i32
      %add3A_1043 = arith.constant 432 : i32
      %add3A_1044 = arith.addi %multiple_of3A_551, %add3A_1043 : i32
      %dma_start3A_1045 = arith.constant 0 : i32
      %dma_start3A_1046 = tpu.memref_slice %arg3[%add3A_1044, %dma_start3A_1045] : memref<524288x128xf32, #tpu.memory_space<hbm>> -> memref<8x128xf32, #tpu.memory_space<hbm>>
      %dma_start3A_1047 = arith.constant 48 : i32
      %dma_start3A_1048 = tpu.memref_slice %arg4[%rem3A_547, %dma_start3A_1047, %add3A_1042] : memref<8x64x2048xf32, #tpu.memory_space<vmem_shared>> -> memref<1x8x128xf32, #tpu.memory_space<vmem_shared>>
      %dma_start3A_1049 = tpu.memref_squeeze %dma_start3A_1048 : memref<1x8x128xf32, #tpu.memory_space<vmem_shared>> -> memref<8x128xf32, #tpu.memory_space<vmem_shared>>
      tpu.enqueue_dma source(%dma_start3A_1049 : memref<8x128xf32, #tpu.memory_space<vmem_shared>>) target(%dma_start3A_1046 : memref<8x128xf32, #tpu.memory_space<hbm>>) target_semaphore(%arg10 : memref<!tpu.dma_semaphore, #tpu.memory_space<semaphore_mem>>)
      %add3A_1050 = arith.constant 896 : i32
      %add3A_1051 = arith.addi %multiple_of3A, %add3A_1050 : i32
      %add3A_1052 = arith.constant 440 : i32
      %add3A_1053 = arith.addi %multiple_of3A_551, %add3A_1052 : i32
      %dma_start3A_1054 = arith.constant 0 : i32
      %dma_start3A_1055 = tpu.memref_slice %arg3[%add3A_1053, %dma_start3A_1054] : memref<524288x128xf32, #tpu.memory_space<hbm>> -> memref<8x128xf32, #tpu.memory_space<hbm>>
      %dma_start3A_1056 = arith.constant 48 : i32
      %dma_start3A_1057 = tpu.memref_slice %arg4[%rem3A_547, %dma_start3A_1056, %add3A_1051] : memref<8x64x2048xf32, #tpu.memory_space<vmem_shared>> -> memref<1x8x128xf32, #tpu.memory_space<vmem_shared>>
      %dma_start3A_1058 = tpu.memref_squeeze %dma_start3A_1057 : memref<1x8x128xf32, #tpu.memory_space<vmem_shared>> -> memref<8x128xf32, #tpu.memory_space<vmem_shared>>
      tpu.enqueue_dma source(%dma_start3A_1058 : memref<8x128xf32, #tpu.memory_space<vmem_shared>>) target(%dma_start3A_1055 : memref<8x128xf32, #tpu.memory_space<hbm>>) target_semaphore(%arg10 : memref<!tpu.dma_semaphore, #tpu.memory_space<semaphore_mem>>)
      %add3A_1059 = arith.constant 0 : i32
      %add3A_1060 = arith.addi %multiple_of3A, %add3A_1059 : i32
      %add3A_1061 = arith.constant 448 : i32
      %add3A_1062 = arith.addi %multiple_of3A_551, %add3A_1061 : i32
      %dma_start3A_1063 = arith.constant 0 : i32
      %dma_start3A_1064 = tpu.memref_slice %arg3[%add3A_1062, %dma_start3A_1063] : memref<524288x128xf32, #tpu.memory_space<hbm>> -> memref<8x128xf32, #tpu.memory_space<hbm>>
      %dma_start3A_1065 = arith.constant 56 : i32
      %dma_start3A_1066 = tpu.memref_slice %arg4[%rem3A_547, %dma_start3A_1065, %add3A_1060] : memref<8x64x2048xf32, #tpu.memory_space<vmem_shared>> -> memref<1x8x128xf32, #tpu.memory_space<vmem_shared>>
      %dma_start3A_1067 = tpu.memref_squeeze %dma_start3A_1066 : memref<1x8x128xf32, #tpu.memory_space<vmem_shared>> -> memref<8x128xf32, #tpu.memory_space<vmem_shared>>
      tpu.enqueue_dma source(%dma_start3A_1067 : memref<8x128xf32, #tpu.memory_space<vmem_shared>>) target(%dma_start3A_1064 : memref<8x128xf32, #tpu.memory_space<hbm>>) target_semaphore(%arg10 : memref<!tpu.dma_semaphore, #tpu.memory_space<semaphore_mem>>)
      %add3A_1068 = arith.constant 128 : i32
      %add3A_1069 = arith.addi %multiple_of3A, %add3A_1068 : i32
      %add3A_1070 = arith.constant 456 : i32
      %add3A_1071 = arith.addi %multiple_of3A_551, %add3A_1070 : i32
      %dma_start3A_1072 = arith.constant 0 : i32
      %dma_start3A_1073 = tpu.memref_slice %arg3[%add3A_1071, %dma_start3A_1072] : memref<524288x128xf32, #tpu.memory_space<hbm>> -> memref<8x128xf32, #tpu.memory_space<hbm>>
      %dma_start3A_1074 = arith.constant 56 : i32
      %dma_start3A_1075 = tpu.memref_slice %arg4[%rem3A_547, %dma_start3A_1074, %add3A_1069] : memref<8x64x2048xf32, #tpu.memory_space<vmem_shared>> -> memref<1x8x128xf32, #tpu.memory_space<vmem_shared>>
      %dma_start3A_1076 = tpu.memref_squeeze %dma_start3A_1075 : memref<1x8x128xf32, #tpu.memory_space<vmem_shared>> -> memref<8x128xf32, #tpu.memory_space<vmem_shared>>
      tpu.enqueue_dma source(%dma_start3A_1076 : memref<8x128xf32, #tpu.memory_space<vmem_shared>>) target(%dma_start3A_1073 : memref<8x128xf32, #tpu.memory_space<hbm>>) target_semaphore(%arg10 : memref<!tpu.dma_semaphore, #tpu.memory_space<semaphore_mem>>)
      %add3A_1077 = arith.constant 256 : i32
      %add3A_1078 = arith.addi %multiple_of3A, %add3A_1077 : i32
      %add3A_1079 = arith.constant 464 : i32
      %add3A_1080 = arith.addi %multiple_of3A_551, %add3A_1079 : i32
      %dma_start3A_1081 = arith.constant 0 : i32
      %dma_start3A_1082 = tpu.memref_slice %arg3[%add3A_1080, %dma_start3A_1081] : memref<524288x128xf32, #tpu.memory_space<hbm>> -> memref<8x128xf32, #tpu.memory_space<hbm>>
      %dma_start3A_1083 = arith.constant 56 : i32
      %dma_start3A_1084 = tpu.memref_slice %arg4[%rem3A_547, %dma_start3A_1083, %add3A_1078] : memref<8x64x2048xf32, #tpu.memory_space<vmem_shared>> -> memref<1x8x128xf32, #tpu.memory_space<vmem_shared>>
      %dma_start3A_1085 = tpu.memref_squeeze %dma_start3A_1084 : memref<1x8x128xf32, #tpu.memory_space<vmem_shared>> -> memref<8x128xf32, #tpu.memory_space<vmem_shared>>
      tpu.enqueue_dma source(%dma_start3A_1085 : memref<8x128xf32, #tpu.memory_space<vmem_shared>>) target(%dma_start3A_1082 : memref<8x128xf32, #tpu.memory_space<hbm>>) target_semaphore(%arg10 : memref<!tpu.dma_semaphore, #tpu.memory_space<semaphore_mem>>)
      %add3A_1086 = arith.constant 384 : i32
      %add3A_1087 = arith.addi %multiple_of3A, %add3A_1086 : i32
      %add3A_1088 = arith.constant 472 : i32
      %add3A_1089 = arith.addi %multiple_of3A_551, %add3A_1088 : i32
      %dma_start3A_1090 = arith.constant 0 : i32
      %dma_start3A_1091 = tpu.memref_slice %arg3[%add3A_1089, %dma_start3A_1090] : memref<524288x128xf32, #tpu.memory_space<hbm>> -> memref<8x128xf32, #tpu.memory_space<hbm>>
      %dma_start3A_1092 = arith.constant 56 : i32
      %dma_start3A_1093 = tpu.memref_slice %arg4[%rem3A_547, %dma_start3A_1092, %add3A_1087] : memref<8x64x2048xf32, #tpu.memory_space<vmem_shared>> -> memref<1x8x128xf32, #tpu.memory_space<vmem_shared>>
      %dma_start3A_1094 = tpu.memref_squeeze %dma_start3A_1093 : memref<1x8x128xf32, #tpu.memory_space<vmem_shared>> -> memref<8x128xf32, #tpu.memory_space<vmem_shared>>
      tpu.enqueue_dma source(%dma_start3A_1094 : memref<8x128xf32, #tpu.memory_space<vmem_shared>>) target(%dma_start3A_1091 : memref<8x128xf32, #tpu.memory_space<hbm>>) target_semaphore(%arg10 : memref<!tpu.dma_semaphore, #tpu.memory_space<semaphore_mem>>)
      %add3A_1095 = arith.constant 512 : i32
      %add3A_1096 = arith.addi %multiple_of3A, %add3A_1095 : i32
      %add3A_1097 = arith.constant 480 : i32
      %add3A_1098 = arith.addi %multiple_of3A_551, %add3A_1097 : i32
      %dma_start3A_1099 = arith.constant 0 : i32
      %dma_start3A_1100 = tpu.memref_slice %arg3[%add3A_1098, %dma_start3A_1099] : memref<524288x128xf32, #tpu.memory_space<hbm>> -> memref<8x128xf32, #tpu.memory_space<hbm>>
      %dma_start3A_1101 = arith.constant 56 : i32
      %dma_start3A_1102 = tpu.memref_slice %arg4[%rem3A_547, %dma_start3A_1101, %add3A_1096] : memref<8x64x2048xf32, #tpu.memory_space<vmem_shared>> -> memref<1x8x128xf32, #tpu.memory_space<vmem_shared>>
      %dma_start3A_1103 = tpu.memref_squeeze %dma_start3A_1102 : memref<1x8x128xf32, #tpu.memory_space<vmem_shared>> -> memref<8x128xf32, #tpu.memory_space<vmem_shared>>
      tpu.enqueue_dma source(%dma_start3A_1103 : memref<8x128xf32, #tpu.memory_space<vmem_shared>>) target(%dma_start3A_1100 : memref<8x128xf32, #tpu.memory_space<hbm>>) target_semaphore(%arg10 : memref<!tpu.dma_semaphore, #tpu.memory_space<semaphore_mem>>)
      %add3A_1104 = arith.constant 640 : i32
      %add3A_1105 = arith.addi %multiple_of3A, %add3A_1104 : i32
      %add3A_1106 = arith.constant 488 : i32
      %add3A_1107 = arith.addi %multiple_of3A_551, %add3A_1106 : i32
      %dma_start3A_1108 = arith.constant 0 : i32
      %dma_start3A_1109 = tpu.memref_slice %arg3[%add3A_1107, %dma_start3A_1108] : memref<524288x128xf32, #tpu.memory_space<hbm>> -> memref<8x128xf32, #tpu.memory_space<hbm>>
      %dma_start3A_1110 = arith.constant 56 : i32
      %dma_start3A_1111 = tpu.memref_slice %arg4[%rem3A_547, %dma_start3A_1110, %add3A_1105] : memref<8x64x2048xf32, #tpu.memory_space<vmem_shared>> -> memref<1x8x128xf32, #tpu.memory_space<vmem_shared>>
      %dma_start3A_1112 = tpu.memref_squeeze %dma_start3A_1111 : memref<1x8x128xf32, #tpu.memory_space<vmem_shared>> -> memref<8x128xf32, #tpu.memory_space<vmem_shared>>
      tpu.enqueue_dma source(%dma_start3A_1112 : memref<8x128xf32, #tpu.memory_space<vmem_shared>>) target(%dma_start3A_1109 : memref<8x128xf32, #tpu.memory_space<hbm>>) target_semaphore(%arg10 : memref<!tpu.dma_semaphore, #tpu.memory_space<semaphore_mem>>)
      %add3A_1113 = arith.constant 768 : i32
      %add3A_1114 = arith.addi %multiple_of3A, %add3A_1113 : i32
      %add3A_1115 = arith.constant 496 : i32
      %add3A_1116 = arith.addi %multiple_of3A_551, %add3A_1115 : i32
      %dma_start3A_1117 = arith.constant 0 : i32
      %dma_start3A_1118 = tpu.memref_slice %arg3[%add3A_1116, %dma_start3A_1117] : memref<524288x128xf32, #tpu.memory_space<hbm>> -> memref<8x128xf32, #tpu.memory_space<hbm>>
      %dma_start3A_1119 = arith.constant 56 : i32
      %dma_start3A_1120 = tpu.memref_slice %arg4[%rem3A_547, %dma_start3A_1119, %add3A_1114] : memref<8x64x2048xf32, #tpu.memory_space<vmem_shared>> -> memref<1x8x128xf32, #tpu.memory_space<vmem_shared>>
      %dma_start3A_1121 = tpu.memref_squeeze %dma_start3A_1120 : memref<1x8x128xf32, #tpu.memory_space<vmem_shared>> -> memref<8x128xf32, #tpu.memory_space<vmem_shared>>
      tpu.enqueue_dma source(%dma_start3A_1121 : memref<8x128xf32, #tpu.memory_space<vmem_shared>>) target(%dma_start3A_1118 : memref<8x128xf32, #tpu.memory_space<hbm>>) target_semaphore(%arg10 : memref<!tpu.dma_semaphore, #tpu.memory_space<semaphore_mem>>)
      %add3A_1122 = arith.constant 896 : i32
      %add3A_1123 = arith.addi %multiple_of3A, %add3A_1122 : i32
      %add3A_1124 = arith.constant 504 : i32
      %add3A_1125 = arith.addi %multiple_of3A_551, %add3A_1124 : i32
      %dma_start3A_1126 = arith.constant 0 : i32
      %dma_start3A_1127 = tpu.memref_slice %arg3[%add3A_1125, %dma_start3A_1126] : memref<524288x128xf32, #tpu.memory_space<hbm>> -> memref<8x128xf32, #tpu.memory_space<hbm>>
      %dma_start3A_1128 = arith.constant 56 : i32
      %dma_start3A_1129 = tpu.memref_slice %arg4[%rem3A_547, %dma_start3A_1128, %add3A_1123] : memref<8x64x2048xf32, #tpu.memory_space<vmem_shared>> -> memref<1x8x128xf32, #tpu.memory_space<vmem_shared>>
      %dma_start3A_1130 = tpu.memref_squeeze %dma_start3A_1129 : memref<1x8x128xf32, #tpu.memory_space<vmem_shared>> -> memref<8x128xf32, #tpu.memory_space<vmem_shared>>
      tpu.enqueue_dma source(%dma_start3A_1130 : memref<8x128xf32, #tpu.memory_space<vmem_shared>>) target(%dma_start3A_1127 : memref<8x128xf32, #tpu.memory_space<hbm>>) target_semaphore(%arg10 : memref<!tpu.dma_semaphore, #tpu.memory_space<semaphore_mem>>)
      %mul3A_1131 = arith.constant 2 : i32
      %mul3A_1132 = arith.muli %mul3A_1131, %scan3A_539 : i32
      %add3A_1133 = arith.addi %mul3A_2, %mul3A_1132 : i32
      %sub3A_1134 = arith.constant 1023 : i32
      %sub3A_1135 = arith.subi %sub3A_1134, %add3A_1133 : i32
      %rem3A_1136 = arith.constant 8 : i32
      %rem3A_1137 = arith.remsi %sub3A_1135, %rem3A_1136 : i32
      %sub3A_1138 = arith.subi %sub3A_1135, %rem3A_1137 : i32
      %multiple_of3A_1139 = tpu.assume_multiple %sub3A_1138, 8 : i32
      %mul3A_1140 = arith.constant 512 : i32
      %mul3A_1141 = arith.muli %add3A_1133, %mul3A_1140 : i32
      %add3A_1142 = arith.constant 0 : i32
      %add3A_1143 = arith.addi %mul3A_1141, %add3A_1142 : i32
      %gt3A_1144 = arith.constant 0 : i32
      %gt3A_1145 = arith.cmpi sgt, %scan3A_539, %gt3A_1144 : i32
      %convert_element_type3A_1146 = arith.extui %gt3A_1145 : i1 to i32
      %cond3A_1147 = arith.constant 0 : i32
      %cond3A_1148 = arith.cmpi ne, %convert_element_type3A_1146, %cond3A_1147 : i32
      scf.if %cond3A_1148 {
        %sub3A_2830 = arith.constant 1024 : i32
        %sub3A_2831 = arith.subi %add3A_1143, %sub3A_2830 : i32
        %dma_wait3A_2832 = arith.constant 0 : i32
        %dma_wait3A_2833 = tpu.memref_slice %arg3[%sub3A_2831, %dma_wait3A_2832] : memref<524288x128xf32, #tpu.memory_space<hbm>> -> memref<256x128xf32, #tpu.memory_space<hbm>>
        %dma_wait3A_2834 = arith.constant 0 : i32
        %dma_wait3A_2835 = tpu.memref_slice %arg3[%sub3A_2831, %dma_wait3A_2834] : memref<524288x128xf32, #tpu.memory_space<hbm>> -> memref<256x128xf32, #tpu.memory_space<hbm>>
        tpu.wait_dma2 semaphore(%arg8 : memref<!tpu.dma_semaphore, #tpu.memory_space<semaphore_mem>>) src(%arg5 : memref<256x128xf32, #tpu.memory_space<vmem>>) dst(%dma_wait3A_2835 : memref<256x128xf32, #tpu.memory_space<hbm>>)
      } else {
      }
      %add3A_1149 = arith.constant 0 : i32
      %add3A_1150 = arith.addi %multiple_of3A_1139, %add3A_1149 : i32
      %dma_start3A_1151 = arith.constant 0 : i32
      %dma_start3A_1152 = arith.constant 0 : i32
      %dma_start3A_1153 = tpu.memref_slice %arg5[%dma_start3A_1151, %dma_start3A_1152] : memref<256x128xf32, #tpu.memory_space<vmem>> -> memref<8x128xf32, #tpu.memory_space<vmem>>
      %dma_start3A_1154 = arith.constant 0 : i32
      %dma_start3A_1155 = tpu.memref_slice %arg2[%rem3A_1137, %dma_start3A_1154, %add3A_1150] : memref<8x64x2048xf32, #tpu.memory_space<hbm>> -> memref<1x8x128xf32, #tpu.memory_space<hbm>>
      %dma_start3A_1156 = tpu.memref_squeeze %dma_start3A_1155 : memref<1x8x128xf32, #tpu.memory_space<hbm>> -> memref<8x128xf32, #tpu.memory_space<hbm>>
      %dma_start3A_1157 = arith.constant 0 : i32
      %dma_start3A_1158 = arith.constant 0 : i32
      %dma_start3A_1159 = tpu.memref_slice %arg5[%dma_start3A_1157, %dma_start3A_1158] : memref<256x128xf32, #tpu.memory_space<vmem>> -> memref<8x128xf32, #tpu.memory_space<vmem>>
      %dma_start3A_1160 = arith.constant 0 : i32
      %dma_start3A_1161 = tpu.memref_slice %arg2[%rem3A_1137, %dma_start3A_1160, %add3A_1150] : memref<8x64x2048xf32, #tpu.memory_space<hbm>> -> memref<1x8x128xf32, #tpu.memory_space<hbm>>
      %dma_start3A_1162 = tpu.memref_squeeze %dma_start3A_1161 : memref<1x8x128xf32, #tpu.memory_space<hbm>> -> memref<8x128xf32, #tpu.memory_space<hbm>>
      tpu.enqueue_dma source(%dma_start3A_1162 : memref<8x128xf32, #tpu.memory_space<hbm>>) target(%dma_start3A_1159 : memref<8x128xf32, #tpu.memory_space<vmem>>) target_semaphore(%arg7 : memref<!tpu.dma_semaphore, #tpu.memory_space<semaphore_mem>>)
      %add3A_1163 = arith.constant 128 : i32
      %add3A_1164 = arith.addi %multiple_of3A_1139, %add3A_1163 : i32
      %dma_start3A_1165 = arith.constant 8 : i32
      %dma_start3A_1166 = arith.constant 0 : i32
      %dma_start3A_1167 = tpu.memref_slice %arg5[%dma_start3A_1165, %dma_start3A_1166] : memref<256x128xf32, #tpu.memory_space<vmem>> -> memref<8x128xf32, #tpu.memory_space<vmem>>
      %dma_start3A_1168 = arith.constant 0 : i32
      %dma_start3A_1169 = tpu.memref_slice %arg2[%rem3A_1137, %dma_start3A_1168, %add3A_1164] : memref<8x64x2048xf32, #tpu.memory_space<hbm>> -> memref<1x8x128xf32, #tpu.memory_space<hbm>>
      %dma_start3A_1170 = tpu.memref_squeeze %dma_start3A_1169 : memref<1x8x128xf32, #tpu.memory_space<hbm>> -> memref<8x128xf32, #tpu.memory_space<hbm>>
      %dma_start3A_1171 = arith.constant 8 : i32
      %dma_start3A_1172 = arith.constant 0 : i32
      %dma_start3A_1173 = tpu.memref_slice %arg5[%dma_start3A_1171, %dma_start3A_1172] : memref<256x128xf32, #tpu.memory_space<vmem>> -> memref<8x128xf32, #tpu.memory_space<vmem>>
      %dma_start3A_1174 = arith.constant 0 : i32
      %dma_start3A_1175 = tpu.memref_slice %arg2[%rem3A_1137, %dma_start3A_1174, %add3A_1164] : memref<8x64x2048xf32, #tpu.memory_space<hbm>> -> memref<1x8x128xf32, #tpu.memory_space<hbm>>
      %dma_start3A_1176 = tpu.memref_squeeze %dma_start3A_1175 : memref<1x8x128xf32, #tpu.memory_space<hbm>> -> memref<8x128xf32, #tpu.memory_space<hbm>>
      tpu.enqueue_dma source(%dma_start3A_1176 : memref<8x128xf32, #tpu.memory_space<hbm>>) target(%dma_start3A_1173 : memref<8x128xf32, #tpu.memory_space<vmem>>) target_semaphore(%arg7 : memref<!tpu.dma_semaphore, #tpu.memory_space<semaphore_mem>>)
      %add3A_1177 = arith.constant 256 : i32
      %add3A_1178 = arith.addi %multiple_of3A_1139, %add3A_1177 : i32
      %dma_start3A_1179 = arith.constant 16 : i32
      %dma_start3A_1180 = arith.constant 0 : i32
      %dma_start3A_1181 = tpu.memref_slice %arg5[%dma_start3A_1179, %dma_start3A_1180] : memref<256x128xf32, #tpu.memory_space<vmem>> -> memref<8x128xf32, #tpu.memory_space<vmem>>
      %dma_start3A_1182 = arith.constant 0 : i32
      %dma_start3A_1183 = tpu.memref_slice %arg2[%rem3A_1137, %dma_start3A_1182, %add3A_1178] : memref<8x64x2048xf32, #tpu.memory_space<hbm>> -> memref<1x8x128xf32, #tpu.memory_space<hbm>>
      %dma_start3A_1184 = tpu.memref_squeeze %dma_start3A_1183 : memref<1x8x128xf32, #tpu.memory_space<hbm>> -> memref<8x128xf32, #tpu.memory_space<hbm>>
      %dma_start3A_1185 = arith.constant 16 : i32
      %dma_start3A_1186 = arith.constant 0 : i32
      %dma_start3A_1187 = tpu.memref_slice %arg5[%dma_start3A_1185, %dma_start3A_1186] : memref<256x128xf32, #tpu.memory_space<vmem>> -> memref<8x128xf32, #tpu.memory_space<vmem>>
      %dma_start3A_1188 = arith.constant 0 : i32
      %dma_start3A_1189 = tpu.memref_slice %arg2[%rem3A_1137, %dma_start3A_1188, %add3A_1178] : memref<8x64x2048xf32, #tpu.memory_space<hbm>> -> memref<1x8x128xf32, #tpu.memory_space<hbm>>
      %dma_start3A_1190 = tpu.memref_squeeze %dma_start3A_1189 : memref<1x8x128xf32, #tpu.memory_space<hbm>> -> memref<8x128xf32, #tpu.memory_space<hbm>>
      tpu.enqueue_dma source(%dma_start3A_1190 : memref<8x128xf32, #tpu.memory_space<hbm>>) target(%dma_start3A_1187 : memref<8x128xf32, #tpu.memory_space<vmem>>) target_semaphore(%arg7 : memref<!tpu.dma_semaphore, #tpu.memory_space<semaphore_mem>>)
      %add3A_1191 = arith.constant 384 : i32
      %add3A_1192 = arith.addi %multiple_of3A_1139, %add3A_1191 : i32
      %dma_start3A_1193 = arith.constant 24 : i32
      %dma_start3A_1194 = arith.constant 0 : i32
      %dma_start3A_1195 = tpu.memref_slice %arg5[%dma_start3A_1193, %dma_start3A_1194] : memref<256x128xf32, #tpu.memory_space<vmem>> -> memref<8x128xf32, #tpu.memory_space<vmem>>
      %dma_start3A_1196 = arith.constant 0 : i32
      %dma_start3A_1197 = tpu.memref_slice %arg2[%rem3A_1137, %dma_start3A_1196, %add3A_1192] : memref<8x64x2048xf32, #tpu.memory_space<hbm>> -> memref<1x8x128xf32, #tpu.memory_space<hbm>>
      %dma_start3A_1198 = tpu.memref_squeeze %dma_start3A_1197 : memref<1x8x128xf32, #tpu.memory_space<hbm>> -> memref<8x128xf32, #tpu.memory_space<hbm>>
      %dma_start3A_1199 = arith.constant 24 : i32
      %dma_start3A_1200 = arith.constant 0 : i32
      %dma_start3A_1201 = tpu.memref_slice %arg5[%dma_start3A_1199, %dma_start3A_1200] : memref<256x128xf32, #tpu.memory_space<vmem>> -> memref<8x128xf32, #tpu.memory_space<vmem>>
      %dma_start3A_1202 = arith.constant 0 : i32
      %dma_start3A_1203 = tpu.memref_slice %arg2[%rem3A_1137, %dma_start3A_1202, %add3A_1192] : memref<8x64x2048xf32, #tpu.memory_space<hbm>> -> memref<1x8x128xf32, #tpu.memory_space<hbm>>
      %dma_start3A_1204 = tpu.memref_squeeze %dma_start3A_1203 : memref<1x8x128xf32, #tpu.memory_space<hbm>> -> memref<8x128xf32, #tpu.memory_space<hbm>>
      tpu.enqueue_dma source(%dma_start3A_1204 : memref<8x128xf32, #tpu.memory_space<hbm>>) target(%dma_start3A_1201 : memref<8x128xf32, #tpu.memory_space<vmem>>) target_semaphore(%arg7 : memref<!tpu.dma_semaphore, #tpu.memory_space<semaphore_mem>>)
      %add3A_1205 = arith.constant 512 : i32
      %add3A_1206 = arith.addi %multiple_of3A_1139, %add3A_1205 : i32
      %dma_start3A_1207 = arith.constant 32 : i32
      %dma_start3A_1208 = arith.constant 0 : i32
      %dma_start3A_1209 = tpu.memref_slice %arg5[%dma_start3A_1207, %dma_start3A_1208] : memref<256x128xf32, #tpu.memory_space<vmem>> -> memref<8x128xf32, #tpu.memory_space<vmem>>
      %dma_start3A_1210 = arith.constant 0 : i32
      %dma_start3A_1211 = tpu.memref_slice %arg2[%rem3A_1137, %dma_start3A_1210, %add3A_1206] : memref<8x64x2048xf32, #tpu.memory_space<hbm>> -> memref<1x8x128xf32, #tpu.memory_space<hbm>>
      %dma_start3A_1212 = tpu.memref_squeeze %dma_start3A_1211 : memref<1x8x128xf32, #tpu.memory_space<hbm>> -> memref<8x128xf32, #tpu.memory_space<hbm>>
      %dma_start3A_1213 = arith.constant 32 : i32
      %dma_start3A_1214 = arith.constant 0 : i32
      %dma_start3A_1215 = tpu.memref_slice %arg5[%dma_start3A_1213, %dma_start3A_1214] : memref<256x128xf32, #tpu.memory_space<vmem>> -> memref<8x128xf32, #tpu.memory_space<vmem>>
      %dma_start3A_1216 = arith.constant 0 : i32
      %dma_start3A_1217 = tpu.memref_slice %arg2[%rem3A_1137, %dma_start3A_1216, %add3A_1206] : memref<8x64x2048xf32, #tpu.memory_space<hbm>> -> memref<1x8x128xf32, #tpu.memory_space<hbm>>
      %dma_start3A_1218 = tpu.memref_squeeze %dma_start3A_1217 : memref<1x8x128xf32, #tpu.memory_space<hbm>> -> memref<8x128xf32, #tpu.memory_space<hbm>>
      tpu.enqueue_dma source(%dma_start3A_1218 : memref<8x128xf32, #tpu.memory_space<hbm>>) target(%dma_start3A_1215 : memref<8x128xf32, #tpu.memory_space<vmem>>) target_semaphore(%arg7 : memref<!tpu.dma_semaphore, #tpu.memory_space<semaphore_mem>>)
      %add3A_1219 = arith.constant 640 : i32
      %add3A_1220 = arith.addi %multiple_of3A_1139, %add3A_1219 : i32
      %dma_start3A_1221 = arith.constant 40 : i32
      %dma_start3A_1222 = arith.constant 0 : i32
      %dma_start3A_1223 = tpu.memref_slice %arg5[%dma_start3A_1221, %dma_start3A_1222] : memref<256x128xf32, #tpu.memory_space<vmem>> -> memref<8x128xf32, #tpu.memory_space<vmem>>
      %dma_start3A_1224 = arith.constant 0 : i32
      %dma_start3A_1225 = tpu.memref_slice %arg2[%rem3A_1137, %dma_start3A_1224, %add3A_1220] : memref<8x64x2048xf32, #tpu.memory_space<hbm>> -> memref<1x8x128xf32, #tpu.memory_space<hbm>>
      %dma_start3A_1226 = tpu.memref_squeeze %dma_start3A_1225 : memref<1x8x128xf32, #tpu.memory_space<hbm>> -> memref<8x128xf32, #tpu.memory_space<hbm>>
      %dma_start3A_1227 = arith.constant 40 : i32
      %dma_start3A_1228 = arith.constant 0 : i32
      %dma_start3A_1229 = tpu.memref_slice %arg5[%dma_start3A_1227, %dma_start3A_1228] : memref<256x128xf32, #tpu.memory_space<vmem>> -> memref<8x128xf32, #tpu.memory_space<vmem>>
      %dma_start3A_1230 = arith.constant 0 : i32
      %dma_start3A_1231 = tpu.memref_slice %arg2[%rem3A_1137, %dma_start3A_1230, %add3A_1220] : memref<8x64x2048xf32, #tpu.memory_space<hbm>> -> memref<1x8x128xf32, #tpu.memory_space<hbm>>
      %dma_start3A_1232 = tpu.memref_squeeze %dma_start3A_1231 : memref<1x8x128xf32, #tpu.memory_space<hbm>> -> memref<8x128xf32, #tpu.memory_space<hbm>>
      tpu.enqueue_dma source(%dma_start3A_1232 : memref<8x128xf32, #tpu.memory_space<hbm>>) target(%dma_start3A_1229 : memref<8x128xf32, #tpu.memory_space<vmem>>) target_semaphore(%arg7 : memref<!tpu.dma_semaphore, #tpu.memory_space<semaphore_mem>>)
      %add3A_1233 = arith.constant 768 : i32
      %add3A_1234 = arith.addi %multiple_of3A_1139, %add3A_1233 : i32
      %dma_start3A_1235 = arith.constant 48 : i32
      %dma_start3A_1236 = arith.constant 0 : i32
      %dma_start3A_1237 = tpu.memref_slice %arg5[%dma_start3A_1235, %dma_start3A_1236] : memref<256x128xf32, #tpu.memory_space<vmem>> -> memref<8x128xf32, #tpu.memory_space<vmem>>
      %dma_start3A_1238 = arith.constant 0 : i32
      %dma_start3A_1239 = tpu.memref_slice %arg2[%rem3A_1137, %dma_start3A_1238, %add3A_1234] : memref<8x64x2048xf32, #tpu.memory_space<hbm>> -> memref<1x8x128xf32, #tpu.memory_space<hbm>>
      %dma_start3A_1240 = tpu.memref_squeeze %dma_start3A_1239 : memref<1x8x128xf32, #tpu.memory_space<hbm>> -> memref<8x128xf32, #tpu.memory_space<hbm>>
      %dma_start3A_1241 = arith.constant 48 : i32
      %dma_start3A_1242 = arith.constant 0 : i32
      %dma_start3A_1243 = tpu.memref_slice %arg5[%dma_start3A_1241, %dma_start3A_1242] : memref<256x128xf32, #tpu.memory_space<vmem>> -> memref<8x128xf32, #tpu.memory_space<vmem>>
      %dma_start3A_1244 = arith.constant 0 : i32
      %dma_start3A_1245 = tpu.memref_slice %arg2[%rem3A_1137, %dma_start3A_1244, %add3A_1234] : memref<8x64x2048xf32, #tpu.memory_space<hbm>> -> memref<1x8x128xf32, #tpu.memory_space<hbm>>
      %dma_start3A_1246 = tpu.memref_squeeze %dma_start3A_1245 : memref<1x8x128xf32, #tpu.memory_space<hbm>> -> memref<8x128xf32, #tpu.memory_space<hbm>>
      tpu.enqueue_dma source(%dma_start3A_1246 : memref<8x128xf32, #tpu.memory_space<hbm>>) target(%dma_start3A_1243 : memref<8x128xf32, #tpu.memory_space<vmem>>) target_semaphore(%arg7 : memref<!tpu.dma_semaphore, #tpu.memory_space<semaphore_mem>>)
      %add3A_1247 = arith.constant 896 : i32
      %add3A_1248 = arith.addi %multiple_of3A_1139, %add3A_1247 : i32
      %dma_start3A_1249 = arith.constant 56 : i32
      %dma_start3A_1250 = arith.constant 0 : i32
      %dma_start3A_1251 = tpu.memref_slice %arg5[%dma_start3A_1249, %dma_start3A_1250] : memref<256x128xf32, #tpu.memory_space<vmem>> -> memref<8x128xf32, #tpu.memory_space<vmem>>
      %dma_start3A_1252 = arith.constant 0 : i32
      %dma_start3A_1253 = tpu.memref_slice %arg2[%rem3A_1137, %dma_start3A_1252, %add3A_1248] : memref<8x64x2048xf32, #tpu.memory_space<hbm>> -> memref<1x8x128xf32, #tpu.memory_space<hbm>>
      %dma_start3A_1254 = tpu.memref_squeeze %dma_start3A_1253 : memref<1x8x128xf32, #tpu.memory_space<hbm>> -> memref<8x128xf32, #tpu.memory_space<hbm>>
      %dma_start3A_1255 = arith.constant 56 : i32
      %dma_start3A_1256 = arith.constant 0 : i32
      %dma_start3A_1257 = tpu.memref_slice %arg5[%dma_start3A_1255, %dma_start3A_1256] : memref<256x128xf32, #tpu.memory_space<vmem>> -> memref<8x128xf32, #tpu.memory_space<vmem>>
      %dma_start3A_1258 = arith.constant 0 : i32
      %dma_start3A_1259 = tpu.memref_slice %arg2[%rem3A_1137, %dma_start3A_1258, %add3A_1248] : memref<8x64x2048xf32, #tpu.memory_space<hbm>> -> memref<1x8x128xf32, #tpu.memory_space<hbm>>
      %dma_start3A_1260 = tpu.memref_squeeze %dma_start3A_1259 : memref<1x8x128xf32, #tpu.memory_space<hbm>> -> memref<8x128xf32, #tpu.memory_space<hbm>>
      tpu.enqueue_dma source(%dma_start3A_1260 : memref<8x128xf32, #tpu.memory_space<hbm>>) target(%dma_start3A_1257 : memref<8x128xf32, #tpu.memory_space<vmem>>) target_semaphore(%arg7 : memref<!tpu.dma_semaphore, #tpu.memory_space<semaphore_mem>>)
      %add3A_1261 = arith.constant 0 : i32
      %add3A_1262 = arith.addi %multiple_of3A_1139, %add3A_1261 : i32
      %dma_start3A_1263 = arith.constant 64 : i32
      %dma_start3A_1264 = arith.constant 0 : i32
      %dma_start3A_1265 = tpu.memref_slice %arg5[%dma_start3A_1263, %dma_start3A_1264] : memref<256x128xf32, #tpu.memory_space<vmem>> -> memref<8x128xf32, #tpu.memory_space<vmem>>
      %dma_start3A_1266 = arith.constant 8 : i32
      %dma_start3A_1267 = tpu.memref_slice %arg2[%rem3A_1137, %dma_start3A_1266, %add3A_1262] : memref<8x64x2048xf32, #tpu.memory_space<hbm>> -> memref<1x8x128xf32, #tpu.memory_space<hbm>>
      %dma_start3A_1268 = tpu.memref_squeeze %dma_start3A_1267 : memref<1x8x128xf32, #tpu.memory_space<hbm>> -> memref<8x128xf32, #tpu.memory_space<hbm>>
      %dma_start3A_1269 = arith.constant 64 : i32
      %dma_start3A_1270 = arith.constant 0 : i32
      %dma_start3A_1271 = tpu.memref_slice %arg5[%dma_start3A_1269, %dma_start3A_1270] : memref<256x128xf32, #tpu.memory_space<vmem>> -> memref<8x128xf32, #tpu.memory_space<vmem>>
      %dma_start3A_1272 = arith.constant 8 : i32
      %dma_start3A_1273 = tpu.memref_slice %arg2[%rem3A_1137, %dma_start3A_1272, %add3A_1262] : memref<8x64x2048xf32, #tpu.memory_space<hbm>> -> memref<1x8x128xf32, #tpu.memory_space<hbm>>
      %dma_start3A_1274 = tpu.memref_squeeze %dma_start3A_1273 : memref<1x8x128xf32, #tpu.memory_space<hbm>> -> memref<8x128xf32, #tpu.memory_space<hbm>>
      tpu.enqueue_dma source(%dma_start3A_1274 : memref<8x128xf32, #tpu.memory_space<hbm>>) target(%dma_start3A_1271 : memref<8x128xf32, #tpu.memory_space<vmem>>) target_semaphore(%arg7 : memref<!tpu.dma_semaphore, #tpu.memory_space<semaphore_mem>>)
      %add3A_1275 = arith.constant 128 : i32
      %add3A_1276 = arith.addi %multiple_of3A_1139, %add3A_1275 : i32
      %dma_start3A_1277 = arith.constant 72 : i32
      %dma_start3A_1278 = arith.constant 0 : i32
      %dma_start3A_1279 = tpu.memref_slice %arg5[%dma_start3A_1277, %dma_start3A_1278] : memref<256x128xf32, #tpu.memory_space<vmem>> -> memref<8x128xf32, #tpu.memory_space<vmem>>
      %dma_start3A_1280 = arith.constant 8 : i32
      %dma_start3A_1281 = tpu.memref_slice %arg2[%rem3A_1137, %dma_start3A_1280, %add3A_1276] : memref<8x64x2048xf32, #tpu.memory_space<hbm>> -> memref<1x8x128xf32, #tpu.memory_space<hbm>>
      %dma_start3A_1282 = tpu.memref_squeeze %dma_start3A_1281 : memref<1x8x128xf32, #tpu.memory_space<hbm>> -> memref<8x128xf32, #tpu.memory_space<hbm>>
      %dma_start3A_1283 = arith.constant 72 : i32
      %dma_start3A_1284 = arith.constant 0 : i32
      %dma_start3A_1285 = tpu.memref_slice %arg5[%dma_start3A_1283, %dma_start3A_1284] : memref<256x128xf32, #tpu.memory_space<vmem>> -> memref<8x128xf32, #tpu.memory_space<vmem>>
      %dma_start3A_1286 = arith.constant 8 : i32
      %dma_start3A_1287 = tpu.memref_slice %arg2[%rem3A_1137, %dma_start3A_1286, %add3A_1276] : memref<8x64x2048xf32, #tpu.memory_space<hbm>> -> memref<1x8x128xf32, #tpu.memory_space<hbm>>
      %dma_start3A_1288 = tpu.memref_squeeze %dma_start3A_1287 : memref<1x8x128xf32, #tpu.memory_space<hbm>> -> memref<8x128xf32, #tpu.memory_space<hbm>>
      tpu.enqueue_dma source(%dma_start3A_1288 : memref<8x128xf32, #tpu.memory_space<hbm>>) target(%dma_start3A_1285 : memref<8x128xf32, #tpu.memory_space<vmem>>) target_semaphore(%arg7 : memref<!tpu.dma_semaphore, #tpu.memory_space<semaphore_mem>>)
      %add3A_1289 = arith.constant 256 : i32
      %add3A_1290 = arith.addi %multiple_of3A_1139, %add3A_1289 : i32
      %dma_start3A_1291 = arith.constant 80 : i32
      %dma_start3A_1292 = arith.constant 0 : i32
      %dma_start3A_1293 = tpu.memref_slice %arg5[%dma_start3A_1291, %dma_start3A_1292] : memref<256x128xf32, #tpu.memory_space<vmem>> -> memref<8x128xf32, #tpu.memory_space<vmem>>
      %dma_start3A_1294 = arith.constant 8 : i32
      %dma_start3A_1295 = tpu.memref_slice %arg2[%rem3A_1137, %dma_start3A_1294, %add3A_1290] : memref<8x64x2048xf32, #tpu.memory_space<hbm>> -> memref<1x8x128xf32, #tpu.memory_space<hbm>>
      %dma_start3A_1296 = tpu.memref_squeeze %dma_start3A_1295 : memref<1x8x128xf32, #tpu.memory_space<hbm>> -> memref<8x128xf32, #tpu.memory_space<hbm>>
      %dma_start3A_1297 = arith.constant 80 : i32
      %dma_start3A_1298 = arith.constant 0 : i32
      %dma_start3A_1299 = tpu.memref_slice %arg5[%dma_start3A_1297, %dma_start3A_1298] : memref<256x128xf32, #tpu.memory_space<vmem>> -> memref<8x128xf32, #tpu.memory_space<vmem>>
      %dma_start3A_1300 = arith.constant 8 : i32
      %dma_start3A_1301 = tpu.memref_slice %arg2[%rem3A_1137, %dma_start3A_1300, %add3A_1290] : memref<8x64x2048xf32, #tpu.memory_space<hbm>> -> memref<1x8x128xf32, #tpu.memory_space<hbm>>
      %dma_start3A_1302 = tpu.memref_squeeze %dma_start3A_1301 : memref<1x8x128xf32, #tpu.memory_space<hbm>> -> memref<8x128xf32, #tpu.memory_space<hbm>>
      tpu.enqueue_dma source(%dma_start3A_1302 : memref<8x128xf32, #tpu.memory_space<hbm>>) target(%dma_start3A_1299 : memref<8x128xf32, #tpu.memory_space<vmem>>) target_semaphore(%arg7 : memref<!tpu.dma_semaphore, #tpu.memory_space<semaphore_mem>>)
      %add3A_1303 = arith.constant 384 : i32
      %add3A_1304 = arith.addi %multiple_of3A_1139, %add3A_1303 : i32
      %dma_start3A_1305 = arith.constant 88 : i32
      %dma_start3A_1306 = arith.constant 0 : i32
      %dma_start3A_1307 = tpu.memref_slice %arg5[%dma_start3A_1305, %dma_start3A_1306] : memref<256x128xf32, #tpu.memory_space<vmem>> -> memref<8x128xf32, #tpu.memory_space<vmem>>
      %dma_start3A_1308 = arith.constant 8 : i32
      %dma_start3A_1309 = tpu.memref_slice %arg2[%rem3A_1137, %dma_start3A_1308, %add3A_1304] : memref<8x64x2048xf32, #tpu.memory_space<hbm>> -> memref<1x8x128xf32, #tpu.memory_space<hbm>>
      %dma_start3A_1310 = tpu.memref_squeeze %dma_start3A_1309 : memref<1x8x128xf32, #tpu.memory_space<hbm>> -> memref<8x128xf32, #tpu.memory_space<hbm>>
      %dma_start3A_1311 = arith.constant 88 : i32
      %dma_start3A_1312 = arith.constant 0 : i32
      %dma_start3A_1313 = tpu.memref_slice %arg5[%dma_start3A_1311, %dma_start3A_1312] : memref<256x128xf32, #tpu.memory_space<vmem>> -> memref<8x128xf32, #tpu.memory_space<vmem>>
      %dma_start3A_1314 = arith.constant 8 : i32
      %dma_start3A_1315 = tpu.memref_slice %arg2[%rem3A_1137, %dma_start3A_1314, %add3A_1304] : memref<8x64x2048xf32, #tpu.memory_space<hbm>> -> memref<1x8x128xf32, #tpu.memory_space<hbm>>
      %dma_start3A_1316 = tpu.memref_squeeze %dma_start3A_1315 : memref<1x8x128xf32, #tpu.memory_space<hbm>> -> memref<8x128xf32, #tpu.memory_space<hbm>>
      tpu.enqueue_dma source(%dma_start3A_1316 : memref<8x128xf32, #tpu.memory_space<hbm>>) target(%dma_start3A_1313 : memref<8x128xf32, #tpu.memory_space<vmem>>) target_semaphore(%arg7 : memref<!tpu.dma_semaphore, #tpu.memory_space<semaphore_mem>>)
      %add3A_1317 = arith.constant 512 : i32
      %add3A_1318 = arith.addi %multiple_of3A_1139, %add3A_1317 : i32
      %dma_start3A_1319 = arith.constant 96 : i32
      %dma_start3A_1320 = arith.constant 0 : i32
      %dma_start3A_1321 = tpu.memref_slice %arg5[%dma_start3A_1319, %dma_start3A_1320] : memref<256x128xf32, #tpu.memory_space<vmem>> -> memref<8x128xf32, #tpu.memory_space<vmem>>
      %dma_start3A_1322 = arith.constant 8 : i32
      %dma_start3A_1323 = tpu.memref_slice %arg2[%rem3A_1137, %dma_start3A_1322, %add3A_1318] : memref<8x64x2048xf32, #tpu.memory_space<hbm>> -> memref<1x8x128xf32, #tpu.memory_space<hbm>>
      %dma_start3A_1324 = tpu.memref_squeeze %dma_start3A_1323 : memref<1x8x128xf32, #tpu.memory_space<hbm>> -> memref<8x128xf32, #tpu.memory_space<hbm>>
      %dma_start3A_1325 = arith.constant 96 : i32
      %dma_start3A_1326 = arith.constant 0 : i32
      %dma_start3A_1327 = tpu.memref_slice %arg5[%dma_start3A_1325, %dma_start3A_1326] : memref<256x128xf32, #tpu.memory_space<vmem>> -> memref<8x128xf32, #tpu.memory_space<vmem>>
      %dma_start3A_1328 = arith.constant 8 : i32
      %dma_start3A_1329 = tpu.memref_slice %arg2[%rem3A_1137, %dma_start3A_1328, %add3A_1318] : memref<8x64x2048xf32, #tpu.memory_space<hbm>> -> memref<1x8x128xf32, #tpu.memory_space<hbm>>
      %dma_start3A_1330 = tpu.memref_squeeze %dma_start3A_1329 : memref<1x8x128xf32, #tpu.memory_space<hbm>> -> memref<8x128xf32, #tpu.memory_space<hbm>>
      tpu.enqueue_dma source(%dma_start3A_1330 : memref<8x128xf32, #tpu.memory_space<hbm>>) target(%dma_start3A_1327 : memref<8x128xf32, #tpu.memory_space<vmem>>) target_semaphore(%arg7 : memref<!tpu.dma_semaphore, #tpu.memory_space<semaphore_mem>>)
      %add3A_1331 = arith.constant 640 : i32
      %add3A_1332 = arith.addi %multiple_of3A_1139, %add3A_1331 : i32
      %dma_start3A_1333 = arith.constant 104 : i32
      %dma_start3A_1334 = arith.constant 0 : i32
      %dma_start3A_1335 = tpu.memref_slice %arg5[%dma_start3A_1333, %dma_start3A_1334] : memref<256x128xf32, #tpu.memory_space<vmem>> -> memref<8x128xf32, #tpu.memory_space<vmem>>
      %dma_start3A_1336 = arith.constant 8 : i32
      %dma_start3A_1337 = tpu.memref_slice %arg2[%rem3A_1137, %dma_start3A_1336, %add3A_1332] : memref<8x64x2048xf32, #tpu.memory_space<hbm>> -> memref<1x8x128xf32, #tpu.memory_space<hbm>>
      %dma_start3A_1338 = tpu.memref_squeeze %dma_start3A_1337 : memref<1x8x128xf32, #tpu.memory_space<hbm>> -> memref<8x128xf32, #tpu.memory_space<hbm>>
      %dma_start3A_1339 = arith.constant 104 : i32
      %dma_start3A_1340 = arith.constant 0 : i32
      %dma_start3A_1341 = tpu.memref_slice %arg5[%dma_start3A_1339, %dma_start3A_1340] : memref<256x128xf32, #tpu.memory_space<vmem>> -> memref<8x128xf32, #tpu.memory_space<vmem>>
      %dma_start3A_1342 = arith.constant 8 : i32
      %dma_start3A_1343 = tpu.memref_slice %arg2[%rem3A_1137, %dma_start3A_1342, %add3A_1332] : memref<8x64x2048xf32, #tpu.memory_space<hbm>> -> memref<1x8x128xf32, #tpu.memory_space<hbm>>
      %dma_start3A_1344 = tpu.memref_squeeze %dma_start3A_1343 : memref<1x8x128xf32, #tpu.memory_space<hbm>> -> memref<8x128xf32, #tpu.memory_space<hbm>>
      tpu.enqueue_dma source(%dma_start3A_1344 : memref<8x128xf32, #tpu.memory_space<hbm>>) target(%dma_start3A_1341 : memref<8x128xf32, #tpu.memory_space<vmem>>) target_semaphore(%arg7 : memref<!tpu.dma_semaphore, #tpu.memory_space<semaphore_mem>>)
      %add3A_1345 = arith.constant 768 : i32
      %add3A_1346 = arith.addi %multiple_of3A_1139, %add3A_1345 : i32
      %dma_start3A_1347 = arith.constant 112 : i32
      %dma_start3A_1348 = arith.constant 0 : i32
      %dma_start3A_1349 = tpu.memref_slice %arg5[%dma_start3A_1347, %dma_start3A_1348] : memref<256x128xf32, #tpu.memory_space<vmem>> -> memref<8x128xf32, #tpu.memory_space<vmem>>
      %dma_start3A_1350 = arith.constant 8 : i32
      %dma_start3A_1351 = tpu.memref_slice %arg2[%rem3A_1137, %dma_start3A_1350, %add3A_1346] : memref<8x64x2048xf32, #tpu.memory_space<hbm>> -> memref<1x8x128xf32, #tpu.memory_space<hbm>>
      %dma_start3A_1352 = tpu.memref_squeeze %dma_start3A_1351 : memref<1x8x128xf32, #tpu.memory_space<hbm>> -> memref<8x128xf32, #tpu.memory_space<hbm>>
      %dma_start3A_1353 = arith.constant 112 : i32
      %dma_start3A_1354 = arith.constant 0 : i32
      %dma_start3A_1355 = tpu.memref_slice %arg5[%dma_start3A_1353, %dma_start3A_1354] : memref<256x128xf32, #tpu.memory_space<vmem>> -> memref<8x128xf32, #tpu.memory_space<vmem>>
      %dma_start3A_1356 = arith.constant 8 : i32
      %dma_start3A_1357 = tpu.memref_slice %arg2[%rem3A_1137, %dma_start3A_1356, %add3A_1346] : memref<8x64x2048xf32, #tpu.memory_space<hbm>> -> memref<1x8x128xf32, #tpu.memory_space<hbm>>
      %dma_start3A_1358 = tpu.memref_squeeze %dma_start3A_1357 : memref<1x8x128xf32, #tpu.memory_space<hbm>> -> memref<8x128xf32, #tpu.memory_space<hbm>>
      tpu.enqueue_dma source(%dma_start3A_1358 : memref<8x128xf32, #tpu.memory_space<hbm>>) target(%dma_start3A_1355 : memref<8x128xf32, #tpu.memory_space<vmem>>) target_semaphore(%arg7 : memref<!tpu.dma_semaphore, #tpu.memory_space<semaphore_mem>>)
      %add3A_1359 = arith.constant 896 : i32
      %add3A_1360 = arith.addi %multiple_of3A_1139, %add3A_1359 : i32
      %dma_start3A_1361 = arith.constant 120 : i32
      %dma_start3A_1362 = arith.constant 0 : i32
      %dma_start3A_1363 = tpu.memref_slice %arg5[%dma_start3A_1361, %dma_start3A_1362] : memref<256x128xf32, #tpu.memory_space<vmem>> -> memref<8x128xf32, #tpu.memory_space<vmem>>
      %dma_start3A_1364 = arith.constant 8 : i32
      %dma_start3A_1365 = tpu.memref_slice %arg2[%rem3A_1137, %dma_start3A_1364, %add3A_1360] : memref<8x64x2048xf32, #tpu.memory_space<hbm>> -> memref<1x8x128xf32, #tpu.memory_space<hbm>>
      %dma_start3A_1366 = tpu.memref_squeeze %dma_start3A_1365 : memref<1x8x128xf32, #tpu.memory_space<hbm>> -> memref<8x128xf32, #tpu.memory_space<hbm>>
      %dma_start3A_1367 = arith.constant 120 : i32
      %dma_start3A_1368 = arith.constant 0 : i32
      %dma_start3A_1369 = tpu.memref_slice %arg5[%dma_start3A_1367, %dma_start3A_1368] : memref<256x128xf32, #tpu.memory_space<vmem>> -> memref<8x128xf32, #tpu.memory_space<vmem>>
      %dma_start3A_1370 = arith.constant 8 : i32
      %dma_start3A_1371 = tpu.memref_slice %arg2[%rem3A_1137, %dma_start3A_1370, %add3A_1360] : memref<8x64x2048xf32, #tpu.memory_space<hbm>> -> memref<1x8x128xf32, #tpu.memory_space<hbm>>
      %dma_start3A_1372 = tpu.memref_squeeze %dma_start3A_1371 : memref<1x8x128xf32, #tpu.memory_space<hbm>> -> memref<8x128xf32, #tpu.memory_space<hbm>>
      tpu.enqueue_dma source(%dma_start3A_1372 : memref<8x128xf32, #tpu.memory_space<hbm>>) target(%dma_start3A_1369 : memref<8x128xf32, #tpu.memory_space<vmem>>) target_semaphore(%arg7 : memref<!tpu.dma_semaphore, #tpu.memory_space<semaphore_mem>>)
      %add3A_1373 = arith.constant 0 : i32
      %add3A_1374 = arith.addi %multiple_of3A_1139, %add3A_1373 : i32
      %dma_start3A_1375 = arith.constant 128 : i32
      %dma_start3A_1376 = arith.constant 0 : i32
      %dma_start3A_1377 = tpu.memref_slice %arg5[%dma_start3A_1375, %dma_start3A_1376] : memref<256x128xf32, #tpu.memory_space<vmem>> -> memref<8x128xf32, #tpu.memory_space<vmem>>
      %dma_start3A_1378 = arith.constant 16 : i32
      %dma_start3A_1379 = tpu.memref_slice %arg2[%rem3A_1137, %dma_start3A_1378, %add3A_1374] : memref<8x64x2048xf32, #tpu.memory_space<hbm>> -> memref<1x8x128xf32, #tpu.memory_space<hbm>>
      %dma_start3A_1380 = tpu.memref_squeeze %dma_start3A_1379 : memref<1x8x128xf32, #tpu.memory_space<hbm>> -> memref<8x128xf32, #tpu.memory_space<hbm>>
      %dma_start3A_1381 = arith.constant 128 : i32
      %dma_start3A_1382 = arith.constant 0 : i32
      %dma_start3A_1383 = tpu.memref_slice %arg5[%dma_start3A_1381, %dma_start3A_1382] : memref<256x128xf32, #tpu.memory_space<vmem>> -> memref<8x128xf32, #tpu.memory_space<vmem>>
      %dma_start3A_1384 = arith.constant 16 : i32
      %dma_start3A_1385 = tpu.memref_slice %arg2[%rem3A_1137, %dma_start3A_1384, %add3A_1374] : memref<8x64x2048xf32, #tpu.memory_space<hbm>> -> memref<1x8x128xf32, #tpu.memory_space<hbm>>
      %dma_start3A_1386 = tpu.memref_squeeze %dma_start3A_1385 : memref<1x8x128xf32, #tpu.memory_space<hbm>> -> memref<8x128xf32, #tpu.memory_space<hbm>>
      tpu.enqueue_dma source(%dma_start3A_1386 : memref<8x128xf32, #tpu.memory_space<hbm>>) target(%dma_start3A_1383 : memref<8x128xf32, #tpu.memory_space<vmem>>) target_semaphore(%arg7 : memref<!tpu.dma_semaphore, #tpu.memory_space<semaphore_mem>>)
      %add3A_1387 = arith.constant 128 : i32
      %add3A_1388 = arith.addi %multiple_of3A_1139, %add3A_1387 : i32
      %dma_start3A_1389 = arith.constant 136 : i32
      %dma_start3A_1390 = arith.constant 0 : i32
      %dma_start3A_1391 = tpu.memref_slice %arg5[%dma_start3A_1389, %dma_start3A_1390] : memref<256x128xf32, #tpu.memory_space<vmem>> -> memref<8x128xf32, #tpu.memory_space<vmem>>
      %dma_start3A_1392 = arith.constant 16 : i32
      %dma_start3A_1393 = tpu.memref_slice %arg2[%rem3A_1137, %dma_start3A_1392, %add3A_1388] : memref<8x64x2048xf32, #tpu.memory_space<hbm>> -> memref<1x8x128xf32, #tpu.memory_space<hbm>>
      %dma_start3A_1394 = tpu.memref_squeeze %dma_start3A_1393 : memref<1x8x128xf32, #tpu.memory_space<hbm>> -> memref<8x128xf32, #tpu.memory_space<hbm>>
      %dma_start3A_1395 = arith.constant 136 : i32
      %dma_start3A_1396 = arith.constant 0 : i32
      %dma_start3A_1397 = tpu.memref_slice %arg5[%dma_start3A_1395, %dma_start3A_1396] : memref<256x128xf32, #tpu.memory_space<vmem>> -> memref<8x128xf32, #tpu.memory_space<vmem>>
      %dma_start3A_1398 = arith.constant 16 : i32
      %dma_start3A_1399 = tpu.memref_slice %arg2[%rem3A_1137, %dma_start3A_1398, %add3A_1388] : memref<8x64x2048xf32, #tpu.memory_space<hbm>> -> memref<1x8x128xf32, #tpu.memory_space<hbm>>
      %dma_start3A_1400 = tpu.memref_squeeze %dma_start3A_1399 : memref<1x8x128xf32, #tpu.memory_space<hbm>> -> memref<8x128xf32, #tpu.memory_space<hbm>>
      tpu.enqueue_dma source(%dma_start3A_1400 : memref<8x128xf32, #tpu.memory_space<hbm>>) target(%dma_start3A_1397 : memref<8x128xf32, #tpu.memory_space<vmem>>) target_semaphore(%arg7 : memref<!tpu.dma_semaphore, #tpu.memory_space<semaphore_mem>>)
      %add3A_1401 = arith.constant 256 : i32
      %add3A_1402 = arith.addi %multiple_of3A_1139, %add3A_1401 : i32
      %dma_start3A_1403 = arith.constant 144 : i32
      %dma_start3A_1404 = arith.constant 0 : i32
      %dma_start3A_1405 = tpu.memref_slice %arg5[%dma_start3A_1403, %dma_start3A_1404] : memref<256x128xf32, #tpu.memory_space<vmem>> -> memref<8x128xf32, #tpu.memory_space<vmem>>
      %dma_start3A_1406 = arith.constant 16 : i32
      %dma_start3A_1407 = tpu.memref_slice %arg2[%rem3A_1137, %dma_start3A_1406, %add3A_1402] : memref<8x64x2048xf32, #tpu.memory_space<hbm>> -> memref<1x8x128xf32, #tpu.memory_space<hbm>>
      %dma_start3A_1408 = tpu.memref_squeeze %dma_start3A_1407 : memref<1x8x128xf32, #tpu.memory_space<hbm>> -> memref<8x128xf32, #tpu.memory_space<hbm>>
      %dma_start3A_1409 = arith.constant 144 : i32
      %dma_start3A_1410 = arith.constant 0 : i32
      %dma_start3A_1411 = tpu.memref_slice %arg5[%dma_start3A_1409, %dma_start3A_1410] : memref<256x128xf32, #tpu.memory_space<vmem>> -> memref<8x128xf32, #tpu.memory_space<vmem>>
      %dma_start3A_1412 = arith.constant 16 : i32
      %dma_start3A_1413 = tpu.memref_slice %arg2[%rem3A_1137, %dma_start3A_1412, %add3A_1402] : memref<8x64x2048xf32, #tpu.memory_space<hbm>> -> memref<1x8x128xf32, #tpu.memory_space<hbm>>
      %dma_start3A_1414 = tpu.memref_squeeze %dma_start3A_1413 : memref<1x8x128xf32, #tpu.memory_space<hbm>> -> memref<8x128xf32, #tpu.memory_space<hbm>>
      tpu.enqueue_dma source(%dma_start3A_1414 : memref<8x128xf32, #tpu.memory_space<hbm>>) target(%dma_start3A_1411 : memref<8x128xf32, #tpu.memory_space<vmem>>) target_semaphore(%arg7 : memref<!tpu.dma_semaphore, #tpu.memory_space<semaphore_mem>>)
      %add3A_1415 = arith.constant 384 : i32
      %add3A_1416 = arith.addi %multiple_of3A_1139, %add3A_1415 : i32
      %dma_start3A_1417 = arith.constant 152 : i32
      %dma_start3A_1418 = arith.constant 0 : i32
      %dma_start3A_1419 = tpu.memref_slice %arg5[%dma_start3A_1417, %dma_start3A_1418] : memref<256x128xf32, #tpu.memory_space<vmem>> -> memref<8x128xf32, #tpu.memory_space<vmem>>
      %dma_start3A_1420 = arith.constant 16 : i32
      %dma_start3A_1421 = tpu.memref_slice %arg2[%rem3A_1137, %dma_start3A_1420, %add3A_1416] : memref<8x64x2048xf32, #tpu.memory_space<hbm>> -> memref<1x8x128xf32, #tpu.memory_space<hbm>>
      %dma_start3A_1422 = tpu.memref_squeeze %dma_start3A_1421 : memref<1x8x128xf32, #tpu.memory_space<hbm>> -> memref<8x128xf32, #tpu.memory_space<hbm>>
      %dma_start3A_1423 = arith.constant 152 : i32
      %dma_start3A_1424 = arith.constant 0 : i32
      %dma_start3A_1425 = tpu.memref_slice %arg5[%dma_start3A_1423, %dma_start3A_1424] : memref<256x128xf32, #tpu.memory_space<vmem>> -> memref<8x128xf32, #tpu.memory_space<vmem>>
      %dma_start3A_1426 = arith.constant 16 : i32
      %dma_start3A_1427 = tpu.memref_slice %arg2[%rem3A_1137, %dma_start3A_1426, %add3A_1416] : memref<8x64x2048xf32, #tpu.memory_space<hbm>> -> memref<1x8x128xf32, #tpu.memory_space<hbm>>
      %dma_start3A_1428 = tpu.memref_squeeze %dma_start3A_1427 : memref<1x8x128xf32, #tpu.memory_space<hbm>> -> memref<8x128xf32, #tpu.memory_space<hbm>>
      tpu.enqueue_dma source(%dma_start3A_1428 : memref<8x128xf32, #tpu.memory_space<hbm>>) target(%dma_start3A_1425 : memref<8x128xf32, #tpu.memory_space<vmem>>) target_semaphore(%arg7 : memref<!tpu.dma_semaphore, #tpu.memory_space<semaphore_mem>>)
      %add3A_1429 = arith.constant 512 : i32
      %add3A_1430 = arith.addi %multiple_of3A_1139, %add3A_1429 : i32
      %dma_start3A_1431 = arith.constant 160 : i32
      %dma_start3A_1432 = arith.constant 0 : i32
      %dma_start3A_1433 = tpu.memref_slice %arg5[%dma_start3A_1431, %dma_start3A_1432] : memref<256x128xf32, #tpu.memory_space<vmem>> -> memref<8x128xf32, #tpu.memory_space<vmem>>
      %dma_start3A_1434 = arith.constant 16 : i32
      %dma_start3A_1435 = tpu.memref_slice %arg2[%rem3A_1137, %dma_start3A_1434, %add3A_1430] : memref<8x64x2048xf32, #tpu.memory_space<hbm>> -> memref<1x8x128xf32, #tpu.memory_space<hbm>>
      %dma_start3A_1436 = tpu.memref_squeeze %dma_start3A_1435 : memref<1x8x128xf32, #tpu.memory_space<hbm>> -> memref<8x128xf32, #tpu.memory_space<hbm>>
      %dma_start3A_1437 = arith.constant 160 : i32
      %dma_start3A_1438 = arith.constant 0 : i32
      %dma_start3A_1439 = tpu.memref_slice %arg5[%dma_start3A_1437, %dma_start3A_1438] : memref<256x128xf32, #tpu.memory_space<vmem>> -> memref<8x128xf32, #tpu.memory_space<vmem>>
      %dma_start3A_1440 = arith.constant 16 : i32
      %dma_start3A_1441 = tpu.memref_slice %arg2[%rem3A_1137, %dma_start3A_1440, %add3A_1430] : memref<8x64x2048xf32, #tpu.memory_space<hbm>> -> memref<1x8x128xf32, #tpu.memory_space<hbm>>
      %dma_start3A_1442 = tpu.memref_squeeze %dma_start3A_1441 : memref<1x8x128xf32, #tpu.memory_space<hbm>> -> memref<8x128xf32, #tpu.memory_space<hbm>>
      tpu.enqueue_dma source(%dma_start3A_1442 : memref<8x128xf32, #tpu.memory_space<hbm>>) target(%dma_start3A_1439 : memref<8x128xf32, #tpu.memory_space<vmem>>) target_semaphore(%arg7 : memref<!tpu.dma_semaphore, #tpu.memory_space<semaphore_mem>>)
      %add3A_1443 = arith.constant 640 : i32
      %add3A_1444 = arith.addi %multiple_of3A_1139, %add3A_1443 : i32
      %dma_start3A_1445 = arith.constant 168 : i32
      %dma_start3A_1446 = arith.constant 0 : i32
      %dma_start3A_1447 = tpu.memref_slice %arg5[%dma_start3A_1445, %dma_start3A_1446] : memref<256x128xf32, #tpu.memory_space<vmem>> -> memref<8x128xf32, #tpu.memory_space<vmem>>
      %dma_start3A_1448 = arith.constant 16 : i32
      %dma_start3A_1449 = tpu.memref_slice %arg2[%rem3A_1137, %dma_start3A_1448, %add3A_1444] : memref<8x64x2048xf32, #tpu.memory_space<hbm>> -> memref<1x8x128xf32, #tpu.memory_space<hbm>>
      %dma_start3A_1450 = tpu.memref_squeeze %dma_start3A_1449 : memref<1x8x128xf32, #tpu.memory_space<hbm>> -> memref<8x128xf32, #tpu.memory_space<hbm>>
      %dma_start3A_1451 = arith.constant 168 : i32
      %dma_start3A_1452 = arith.constant 0 : i32
      %dma_start3A_1453 = tpu.memref_slice %arg5[%dma_start3A_1451, %dma_start3A_1452] : memref<256x128xf32, #tpu.memory_space<vmem>> -> memref<8x128xf32, #tpu.memory_space<vmem>>
      %dma_start3A_1454 = arith.constant 16 : i32
      %dma_start3A_1455 = tpu.memref_slice %arg2[%rem3A_1137, %dma_start3A_1454, %add3A_1444] : memref<8x64x2048xf32, #tpu.memory_space<hbm>> -> memref<1x8x128xf32, #tpu.memory_space<hbm>>
      %dma_start3A_1456 = tpu.memref_squeeze %dma_start3A_1455 : memref<1x8x128xf32, #tpu.memory_space<hbm>> -> memref<8x128xf32, #tpu.memory_space<hbm>>
      tpu.enqueue_dma source(%dma_start3A_1456 : memref<8x128xf32, #tpu.memory_space<hbm>>) target(%dma_start3A_1453 : memref<8x128xf32, #tpu.memory_space<vmem>>) target_semaphore(%arg7 : memref<!tpu.dma_semaphore, #tpu.memory_space<semaphore_mem>>)
      %add3A_1457 = arith.constant 768 : i32
      %add3A_1458 = arith.addi %multiple_of3A_1139, %add3A_1457 : i32
      %dma_start3A_1459 = arith.constant 176 : i32
      %dma_start3A_1460 = arith.constant 0 : i32
      %dma_start3A_1461 = tpu.memref_slice %arg5[%dma_start3A_1459, %dma_start3A_1460] : memref<256x128xf32, #tpu.memory_space<vmem>> -> memref<8x128xf32, #tpu.memory_space<vmem>>
      %dma_start3A_1462 = arith.constant 16 : i32
      %dma_start3A_1463 = tpu.memref_slice %arg2[%rem3A_1137, %dma_start3A_1462, %add3A_1458] : memref<8x64x2048xf32, #tpu.memory_space<hbm>> -> memref<1x8x128xf32, #tpu.memory_space<hbm>>
      %dma_start3A_1464 = tpu.memref_squeeze %dma_start3A_1463 : memref<1x8x128xf32, #tpu.memory_space<hbm>> -> memref<8x128xf32, #tpu.memory_space<hbm>>
      %dma_start3A_1465 = arith.constant 176 : i32
      %dma_start3A_1466 = arith.constant 0 : i32
      %dma_start3A_1467 = tpu.memref_slice %arg5[%dma_start3A_1465, %dma_start3A_1466] : memref<256x128xf32, #tpu.memory_space<vmem>> -> memref<8x128xf32, #tpu.memory_space<vmem>>
      %dma_start3A_1468 = arith.constant 16 : i32
      %dma_start3A_1469 = tpu.memref_slice %arg2[%rem3A_1137, %dma_start3A_1468, %add3A_1458] : memref<8x64x2048xf32, #tpu.memory_space<hbm>> -> memref<1x8x128xf32, #tpu.memory_space<hbm>>
      %dma_start3A_1470 = tpu.memref_squeeze %dma_start3A_1469 : memref<1x8x128xf32, #tpu.memory_space<hbm>> -> memref<8x128xf32, #tpu.memory_space<hbm>>
      tpu.enqueue_dma source(%dma_start3A_1470 : memref<8x128xf32, #tpu.memory_space<hbm>>) target(%dma_start3A_1467 : memref<8x128xf32, #tpu.memory_space<vmem>>) target_semaphore(%arg7 : memref<!tpu.dma_semaphore, #tpu.memory_space<semaphore_mem>>)
      %add3A_1471 = arith.constant 896 : i32
      %add3A_1472 = arith.addi %multiple_of3A_1139, %add3A_1471 : i32
      %dma_start3A_1473 = arith.constant 184 : i32
      %dma_start3A_1474 = arith.constant 0 : i32
      %dma_start3A_1475 = tpu.memref_slice %arg5[%dma_start3A_1473, %dma_start3A_1474] : memref<256x128xf32, #tpu.memory_space<vmem>> -> memref<8x128xf32, #tpu.memory_space<vmem>>
      %dma_start3A_1476 = arith.constant 16 : i32
      %dma_start3A_1477 = tpu.memref_slice %arg2[%rem3A_1137, %dma_start3A_1476, %add3A_1472] : memref<8x64x2048xf32, #tpu.memory_space<hbm>> -> memref<1x8x128xf32, #tpu.memory_space<hbm>>
      %dma_start3A_1478 = tpu.memref_squeeze %dma_start3A_1477 : memref<1x8x128xf32, #tpu.memory_space<hbm>> -> memref<8x128xf32, #tpu.memory_space<hbm>>
      %dma_start3A_1479 = arith.constant 184 : i32
      %dma_start3A_1480 = arith.constant 0 : i32
      %dma_start3A_1481 = tpu.memref_slice %arg5[%dma_start3A_1479, %dma_start3A_1480] : memref<256x128xf32, #tpu.memory_space<vmem>> -> memref<8x128xf32, #tpu.memory_space<vmem>>
      %dma_start3A_1482 = arith.constant 16 : i32
      %dma_start3A_1483 = tpu.memref_slice %arg2[%rem3A_1137, %dma_start3A_1482, %add3A_1472] : memref<8x64x2048xf32, #tpu.memory_space<hbm>> -> memref<1x8x128xf32, #tpu.memory_space<hbm>>
      %dma_start3A_1484 = tpu.memref_squeeze %dma_start3A_1483 : memref<1x8x128xf32, #tpu.memory_space<hbm>> -> memref<8x128xf32, #tpu.memory_space<hbm>>
      tpu.enqueue_dma source(%dma_start3A_1484 : memref<8x128xf32, #tpu.memory_space<hbm>>) target(%dma_start3A_1481 : memref<8x128xf32, #tpu.memory_space<vmem>>) target_semaphore(%arg7 : memref<!tpu.dma_semaphore, #tpu.memory_space<semaphore_mem>>)
      %add3A_1485 = arith.constant 0 : i32
      %add3A_1486 = arith.addi %multiple_of3A_1139, %add3A_1485 : i32
      %dma_start3A_1487 = arith.constant 192 : i32
      %dma_start3A_1488 = arith.constant 0 : i32
      %dma_start3A_1489 = tpu.memref_slice %arg5[%dma_start3A_1487, %dma_start3A_1488] : memref<256x128xf32, #tpu.memory_space<vmem>> -> memref<8x128xf32, #tpu.memory_space<vmem>>
      %dma_start3A_1490 = arith.constant 24 : i32
      %dma_start3A_1491 = tpu.memref_slice %arg2[%rem3A_1137, %dma_start3A_1490, %add3A_1486] : memref<8x64x2048xf32, #tpu.memory_space<hbm>> -> memref<1x8x128xf32, #tpu.memory_space<hbm>>
      %dma_start3A_1492 = tpu.memref_squeeze %dma_start3A_1491 : memref<1x8x128xf32, #tpu.memory_space<hbm>> -> memref<8x128xf32, #tpu.memory_space<hbm>>
      %dma_start3A_1493 = arith.constant 192 : i32
      %dma_start3A_1494 = arith.constant 0 : i32
      %dma_start3A_1495 = tpu.memref_slice %arg5[%dma_start3A_1493, %dma_start3A_1494] : memref<256x128xf32, #tpu.memory_space<vmem>> -> memref<8x128xf32, #tpu.memory_space<vmem>>
      %dma_start3A_1496 = arith.constant 24 : i32
      %dma_start3A_1497 = tpu.memref_slice %arg2[%rem3A_1137, %dma_start3A_1496, %add3A_1486] : memref<8x64x2048xf32, #tpu.memory_space<hbm>> -> memref<1x8x128xf32, #tpu.memory_space<hbm>>
      %dma_start3A_1498 = tpu.memref_squeeze %dma_start3A_1497 : memref<1x8x128xf32, #tpu.memory_space<hbm>> -> memref<8x128xf32, #tpu.memory_space<hbm>>
      tpu.enqueue_dma source(%dma_start3A_1498 : memref<8x128xf32, #tpu.memory_space<hbm>>) target(%dma_start3A_1495 : memref<8x128xf32, #tpu.memory_space<vmem>>) target_semaphore(%arg7 : memref<!tpu.dma_semaphore, #tpu.memory_space<semaphore_mem>>)
      %add3A_1499 = arith.constant 128 : i32
      %add3A_1500 = arith.addi %multiple_of3A_1139, %add3A_1499 : i32
      %dma_start3A_1501 = arith.constant 200 : i32
      %dma_start3A_1502 = arith.constant 0 : i32
      %dma_start3A_1503 = tpu.memref_slice %arg5[%dma_start3A_1501, %dma_start3A_1502] : memref<256x128xf32, #tpu.memory_space<vmem>> -> memref<8x128xf32, #tpu.memory_space<vmem>>
      %dma_start3A_1504 = arith.constant 24 : i32
      %dma_start3A_1505 = tpu.memref_slice %arg2[%rem3A_1137, %dma_start3A_1504, %add3A_1500] : memref<8x64x2048xf32, #tpu.memory_space<hbm>> -> memref<1x8x128xf32, #tpu.memory_space<hbm>>
      %dma_start3A_1506 = tpu.memref_squeeze %dma_start3A_1505 : memref<1x8x128xf32, #tpu.memory_space<hbm>> -> memref<8x128xf32, #tpu.memory_space<hbm>>
      %dma_start3A_1507 = arith.constant 200 : i32
      %dma_start3A_1508 = arith.constant 0 : i32
      %dma_start3A_1509 = tpu.memref_slice %arg5[%dma_start3A_1507, %dma_start3A_1508] : memref<256x128xf32, #tpu.memory_space<vmem>> -> memref<8x128xf32, #tpu.memory_space<vmem>>
      %dma_start3A_1510 = arith.constant 24 : i32
      %dma_start3A_1511 = tpu.memref_slice %arg2[%rem3A_1137, %dma_start3A_1510, %add3A_1500] : memref<8x64x2048xf32, #tpu.memory_space<hbm>> -> memref<1x8x128xf32, #tpu.memory_space<hbm>>
      %dma_start3A_1512 = tpu.memref_squeeze %dma_start3A_1511 : memref<1x8x128xf32, #tpu.memory_space<hbm>> -> memref<8x128xf32, #tpu.memory_space<hbm>>
      tpu.enqueue_dma source(%dma_start3A_1512 : memref<8x128xf32, #tpu.memory_space<hbm>>) target(%dma_start3A_1509 : memref<8x128xf32, #tpu.memory_space<vmem>>) target_semaphore(%arg7 : memref<!tpu.dma_semaphore, #tpu.memory_space<semaphore_mem>>)
      %add3A_1513 = arith.constant 256 : i32
      %add3A_1514 = arith.addi %multiple_of3A_1139, %add3A_1513 : i32
      %dma_start3A_1515 = arith.constant 208 : i32
      %dma_start3A_1516 = arith.constant 0 : i32
      %dma_start3A_1517 = tpu.memref_slice %arg5[%dma_start3A_1515, %dma_start3A_1516] : memref<256x128xf32, #tpu.memory_space<vmem>> -> memref<8x128xf32, #tpu.memory_space<vmem>>
      %dma_start3A_1518 = arith.constant 24 : i32
      %dma_start3A_1519 = tpu.memref_slice %arg2[%rem3A_1137, %dma_start3A_1518, %add3A_1514] : memref<8x64x2048xf32, #tpu.memory_space<hbm>> -> memref<1x8x128xf32, #tpu.memory_space<hbm>>
      %dma_start3A_1520 = tpu.memref_squeeze %dma_start3A_1519 : memref<1x8x128xf32, #tpu.memory_space<hbm>> -> memref<8x128xf32, #tpu.memory_space<hbm>>
      %dma_start3A_1521 = arith.constant 208 : i32
      %dma_start3A_1522 = arith.constant 0 : i32
      %dma_start3A_1523 = tpu.memref_slice %arg5[%dma_start3A_1521, %dma_start3A_1522] : memref<256x128xf32, #tpu.memory_space<vmem>> -> memref<8x128xf32, #tpu.memory_space<vmem>>
      %dma_start3A_1524 = arith.constant 24 : i32
      %dma_start3A_1525 = tpu.memref_slice %arg2[%rem3A_1137, %dma_start3A_1524, %add3A_1514] : memref<8x64x2048xf32, #tpu.memory_space<hbm>> -> memref<1x8x128xf32, #tpu.memory_space<hbm>>
      %dma_start3A_1526 = tpu.memref_squeeze %dma_start3A_1525 : memref<1x8x128xf32, #tpu.memory_space<hbm>> -> memref<8x128xf32, #tpu.memory_space<hbm>>
      tpu.enqueue_dma source(%dma_start3A_1526 : memref<8x128xf32, #tpu.memory_space<hbm>>) target(%dma_start3A_1523 : memref<8x128xf32, #tpu.memory_space<vmem>>) target_semaphore(%arg7 : memref<!tpu.dma_semaphore, #tpu.memory_space<semaphore_mem>>)
      %add3A_1527 = arith.constant 384 : i32
      %add3A_1528 = arith.addi %multiple_of3A_1139, %add3A_1527 : i32
      %dma_start3A_1529 = arith.constant 216 : i32
      %dma_start3A_1530 = arith.constant 0 : i32
      %dma_start3A_1531 = tpu.memref_slice %arg5[%dma_start3A_1529, %dma_start3A_1530] : memref<256x128xf32, #tpu.memory_space<vmem>> -> memref<8x128xf32, #tpu.memory_space<vmem>>
      %dma_start3A_1532 = arith.constant 24 : i32
      %dma_start3A_1533 = tpu.memref_slice %arg2[%rem3A_1137, %dma_start3A_1532, %add3A_1528] : memref<8x64x2048xf32, #tpu.memory_space<hbm>> -> memref<1x8x128xf32, #tpu.memory_space<hbm>>
      %dma_start3A_1534 = tpu.memref_squeeze %dma_start3A_1533 : memref<1x8x128xf32, #tpu.memory_space<hbm>> -> memref<8x128xf32, #tpu.memory_space<hbm>>
      %dma_start3A_1535 = arith.constant 216 : i32
      %dma_start3A_1536 = arith.constant 0 : i32
      %dma_start3A_1537 = tpu.memref_slice %arg5[%dma_start3A_1535, %dma_start3A_1536] : memref<256x128xf32, #tpu.memory_space<vmem>> -> memref<8x128xf32, #tpu.memory_space<vmem>>
      %dma_start3A_1538 = arith.constant 24 : i32
      %dma_start3A_1539 = tpu.memref_slice %arg2[%rem3A_1137, %dma_start3A_1538, %add3A_1528] : memref<8x64x2048xf32, #tpu.memory_space<hbm>> -> memref<1x8x128xf32, #tpu.memory_space<hbm>>
      %dma_start3A_1540 = tpu.memref_squeeze %dma_start3A_1539 : memref<1x8x128xf32, #tpu.memory_space<hbm>> -> memref<8x128xf32, #tpu.memory_space<hbm>>
      tpu.enqueue_dma source(%dma_start3A_1540 : memref<8x128xf32, #tpu.memory_space<hbm>>) target(%dma_start3A_1537 : memref<8x128xf32, #tpu.memory_space<vmem>>) target_semaphore(%arg7 : memref<!tpu.dma_semaphore, #tpu.memory_space<semaphore_mem>>)
      %add3A_1541 = arith.constant 512 : i32
      %add3A_1542 = arith.addi %multiple_of3A_1139, %add3A_1541 : i32
      %dma_start3A_1543 = arith.constant 224 : i32
      %dma_start3A_1544 = arith.constant 0 : i32
      %dma_start3A_1545 = tpu.memref_slice %arg5[%dma_start3A_1543, %dma_start3A_1544] : memref<256x128xf32, #tpu.memory_space<vmem>> -> memref<8x128xf32, #tpu.memory_space<vmem>>
      %dma_start3A_1546 = arith.constant 24 : i32
      %dma_start3A_1547 = tpu.memref_slice %arg2[%rem3A_1137, %dma_start3A_1546, %add3A_1542] : memref<8x64x2048xf32, #tpu.memory_space<hbm>> -> memref<1x8x128xf32, #tpu.memory_space<hbm>>
      %dma_start3A_1548 = tpu.memref_squeeze %dma_start3A_1547 : memref<1x8x128xf32, #tpu.memory_space<hbm>> -> memref<8x128xf32, #tpu.memory_space<hbm>>
      %dma_start3A_1549 = arith.constant 224 : i32
      %dma_start3A_1550 = arith.constant 0 : i32
      %dma_start3A_1551 = tpu.memref_slice %arg5[%dma_start3A_1549, %dma_start3A_1550] : memref<256x128xf32, #tpu.memory_space<vmem>> -> memref<8x128xf32, #tpu.memory_space<vmem>>
      %dma_start3A_1552 = arith.constant 24 : i32
      %dma_start3A_1553 = tpu.memref_slice %arg2[%rem3A_1137, %dma_start3A_1552, %add3A_1542] : memref<8x64x2048xf32, #tpu.memory_space<hbm>> -> memref<1x8x128xf32, #tpu.memory_space<hbm>>
      %dma_start3A_1554 = tpu.memref_squeeze %dma_start3A_1553 : memref<1x8x128xf32, #tpu.memory_space<hbm>> -> memref<8x128xf32, #tpu.memory_space<hbm>>
      tpu.enqueue_dma source(%dma_start3A_1554 : memref<8x128xf32, #tpu.memory_space<hbm>>) target(%dma_start3A_1551 : memref<8x128xf32, #tpu.memory_space<vmem>>) target_semaphore(%arg7 : memref<!tpu.dma_semaphore, #tpu.memory_space<semaphore_mem>>)
      %add3A_1555 = arith.constant 640 : i32
      %add3A_1556 = arith.addi %multiple_of3A_1139, %add3A_1555 : i32
      %dma_start3A_1557 = arith.constant 232 : i32
      %dma_start3A_1558 = arith.constant 0 : i32
      %dma_start3A_1559 = tpu.memref_slice %arg5[%dma_start3A_1557, %dma_start3A_1558] : memref<256x128xf32, #tpu.memory_space<vmem>> -> memref<8x128xf32, #tpu.memory_space<vmem>>
      %dma_start3A_1560 = arith.constant 24 : i32
      %dma_start3A_1561 = tpu.memref_slice %arg2[%rem3A_1137, %dma_start3A_1560, %add3A_1556] : memref<8x64x2048xf32, #tpu.memory_space<hbm>> -> memref<1x8x128xf32, #tpu.memory_space<hbm>>
      %dma_start3A_1562 = tpu.memref_squeeze %dma_start3A_1561 : memref<1x8x128xf32, #tpu.memory_space<hbm>> -> memref<8x128xf32, #tpu.memory_space<hbm>>
      %dma_start3A_1563 = arith.constant 232 : i32
      %dma_start3A_1564 = arith.constant 0 : i32
      %dma_start3A_1565 = tpu.memref_slice %arg5[%dma_start3A_1563, %dma_start3A_1564] : memref<256x128xf32, #tpu.memory_space<vmem>> -> memref<8x128xf32, #tpu.memory_space<vmem>>
      %dma_start3A_1566 = arith.constant 24 : i32
      %dma_start3A_1567 = tpu.memref_slice %arg2[%rem3A_1137, %dma_start3A_1566, %add3A_1556] : memref<8x64x2048xf32, #tpu.memory_space<hbm>> -> memref<1x8x128xf32, #tpu.memory_space<hbm>>
      %dma_start3A_1568 = tpu.memref_squeeze %dma_start3A_1567 : memref<1x8x128xf32, #tpu.memory_space<hbm>> -> memref<8x128xf32, #tpu.memory_space<hbm>>
      tpu.enqueue_dma source(%dma_start3A_1568 : memref<8x128xf32, #tpu.memory_space<hbm>>) target(%dma_start3A_1565 : memref<8x128xf32, #tpu.memory_space<vmem>>) target_semaphore(%arg7 : memref<!tpu.dma_semaphore, #tpu.memory_space<semaphore_mem>>)
      %add3A_1569 = arith.constant 768 : i32
      %add3A_1570 = arith.addi %multiple_of3A_1139, %add3A_1569 : i32
      %dma_start3A_1571 = arith.constant 240 : i32
      %dma_start3A_1572 = arith.constant 0 : i32
      %dma_start3A_1573 = tpu.memref_slice %arg5[%dma_start3A_1571, %dma_start3A_1572] : memref<256x128xf32, #tpu.memory_space<vmem>> -> memref<8x128xf32, #tpu.memory_space<vmem>>
      %dma_start3A_1574 = arith.constant 24 : i32
      %dma_start3A_1575 = tpu.memref_slice %arg2[%rem3A_1137, %dma_start3A_1574, %add3A_1570] : memref<8x64x2048xf32, #tpu.memory_space<hbm>> -> memref<1x8x128xf32, #tpu.memory_space<hbm>>
      %dma_start3A_1576 = tpu.memref_squeeze %dma_start3A_1575 : memref<1x8x128xf32, #tpu.memory_space<hbm>> -> memref<8x128xf32, #tpu.memory_space<hbm>>
      %dma_start3A_1577 = arith.constant 240 : i32
      %dma_start3A_1578 = arith.constant 0 : i32
      %dma_start3A_1579 = tpu.memref_slice %arg5[%dma_start3A_1577, %dma_start3A_1578] : memref<256x128xf32, #tpu.memory_space<vmem>> -> memref<8x128xf32, #tpu.memory_space<vmem>>
      %dma_start3A_1580 = arith.constant 24 : i32
      %dma_start3A_1581 = tpu.memref_slice %arg2[%rem3A_1137, %dma_start3A_1580, %add3A_1570] : memref<8x64x2048xf32, #tpu.memory_space<hbm>> -> memref<1x8x128xf32, #tpu.memory_space<hbm>>
      %dma_start3A_1582 = tpu.memref_squeeze %dma_start3A_1581 : memref<1x8x128xf32, #tpu.memory_space<hbm>> -> memref<8x128xf32, #tpu.memory_space<hbm>>
      tpu.enqueue_dma source(%dma_start3A_1582 : memref<8x128xf32, #tpu.memory_space<hbm>>) target(%dma_start3A_1579 : memref<8x128xf32, #tpu.memory_space<vmem>>) target_semaphore(%arg7 : memref<!tpu.dma_semaphore, #tpu.memory_space<semaphore_mem>>)
      %add3A_1583 = arith.constant 896 : i32
      %add3A_1584 = arith.addi %multiple_of3A_1139, %add3A_1583 : i32
      %dma_start3A_1585 = arith.constant 248 : i32
      %dma_start3A_1586 = arith.constant 0 : i32
      %dma_start3A_1587 = tpu.memref_slice %arg5[%dma_start3A_1585, %dma_start3A_1586] : memref<256x128xf32, #tpu.memory_space<vmem>> -> memref<8x128xf32, #tpu.memory_space<vmem>>
      %dma_start3A_1588 = arith.constant 24 : i32
      %dma_start3A_1589 = tpu.memref_slice %arg2[%rem3A_1137, %dma_start3A_1588, %add3A_1584] : memref<8x64x2048xf32, #tpu.memory_space<hbm>> -> memref<1x8x128xf32, #tpu.memory_space<hbm>>
      %dma_start3A_1590 = tpu.memref_squeeze %dma_start3A_1589 : memref<1x8x128xf32, #tpu.memory_space<hbm>> -> memref<8x128xf32, #tpu.memory_space<hbm>>
      %dma_start3A_1591 = arith.constant 248 : i32
      %dma_start3A_1592 = arith.constant 0 : i32
      %dma_start3A_1593 = tpu.memref_slice %arg5[%dma_start3A_1591, %dma_start3A_1592] : memref<256x128xf32, #tpu.memory_space<vmem>> -> memref<8x128xf32, #tpu.memory_space<vmem>>
      %dma_start3A_1594 = arith.constant 24 : i32
      %dma_start3A_1595 = tpu.memref_slice %arg2[%rem3A_1137, %dma_start3A_1594, %add3A_1584] : memref<8x64x2048xf32, #tpu.memory_space<hbm>> -> memref<1x8x128xf32, #tpu.memory_space<hbm>>
      %dma_start3A_1596 = tpu.memref_squeeze %dma_start3A_1595 : memref<1x8x128xf32, #tpu.memory_space<hbm>> -> memref<8x128xf32, #tpu.memory_space<hbm>>
      tpu.enqueue_dma source(%dma_start3A_1596 : memref<8x128xf32, #tpu.memory_space<hbm>>) target(%dma_start3A_1593 : memref<8x128xf32, #tpu.memory_space<vmem>>) target_semaphore(%arg7 : memref<!tpu.dma_semaphore, #tpu.memory_space<semaphore_mem>>)
      %dma_wait3A_1597 = arith.constant 0 : i32
      %dma_wait3A_1598 = arith.constant 0 : i32
      %dma_wait3A_1599 = tpu.memref_slice %arg5[%dma_wait3A_1597, %dma_wait3A_1598] : memref<256x128xf32, #tpu.memory_space<vmem>> -> memref<8x128xf32, #tpu.memory_space<vmem>>
      %dma_wait3A_1600 = arith.constant 0 : i32
      %dma_wait3A_1601 = tpu.memref_slice %arg2[%rem3A_1137, %dma_wait3A_1600, %add3A_1150] : memref<8x64x2048xf32, #tpu.memory_space<hbm>> -> memref<1x8x128xf32, #tpu.memory_space<hbm>>
      %dma_wait3A_1602 = tpu.memref_squeeze %dma_wait3A_1601 : memref<1x8x128xf32, #tpu.memory_space<hbm>> -> memref<8x128xf32, #tpu.memory_space<hbm>>
      %dma_wait3A_1603 = arith.constant 0 : i32
      %dma_wait3A_1604 = arith.constant 0 : i32
      %dma_wait3A_1605 = tpu.memref_slice %arg5[%dma_wait3A_1603, %dma_wait3A_1604] : memref<256x128xf32, #tpu.memory_space<vmem>> -> memref<8x128xf32, #tpu.memory_space<vmem>>
      %dma_wait3A_1606 = arith.constant 0 : i32
      %dma_wait3A_1607 = tpu.memref_slice %arg2[%rem3A_1137, %dma_wait3A_1606, %add3A_1150] : memref<8x64x2048xf32, #tpu.memory_space<hbm>> -> memref<1x8x128xf32, #tpu.memory_space<hbm>>
      %dma_wait3A_1608 = tpu.memref_squeeze %dma_wait3A_1607 : memref<1x8x128xf32, #tpu.memory_space<hbm>> -> memref<8x128xf32, #tpu.memory_space<hbm>>
      tpu.wait_dma2 semaphore(%arg7 : memref<!tpu.dma_semaphore, #tpu.memory_space<semaphore_mem>>) src(%dma_wait3A_1608 : memref<8x128xf32, #tpu.memory_space<hbm>>) dst(%dma_wait3A_1605 : memref<8x128xf32, #tpu.memory_space<vmem>>)
      %dma_wait3A_1609 = arith.constant 8 : i32
      %dma_wait3A_1610 = arith.constant 0 : i32
      %dma_wait3A_1611 = tpu.memref_slice %arg5[%dma_wait3A_1609, %dma_wait3A_1610] : memref<256x128xf32, #tpu.memory_space<vmem>> -> memref<8x128xf32, #tpu.memory_space<vmem>>
      %dma_wait3A_1612 = arith.constant 0 : i32
      %dma_wait3A_1613 = tpu.memref_slice %arg2[%rem3A_1137, %dma_wait3A_1612, %add3A_1164] : memref<8x64x2048xf32, #tpu.memory_space<hbm>> -> memref<1x8x128xf32, #tpu.memory_space<hbm>>
      %dma_wait3A_1614 = tpu.memref_squeeze %dma_wait3A_1613 : memref<1x8x128xf32, #tpu.memory_space<hbm>> -> memref<8x128xf32, #tpu.memory_space<hbm>>
      %dma_wait3A_1615 = arith.constant 8 : i32
      %dma_wait3A_1616 = arith.constant 0 : i32
      %dma_wait3A_1617 = tpu.memref_slice %arg5[%dma_wait3A_1615, %dma_wait3A_1616] : memref<256x128xf32, #tpu.memory_space<vmem>> -> memref<8x128xf32, #tpu.memory_space<vmem>>
      %dma_wait3A_1618 = arith.constant 0 : i32
      %dma_wait3A_1619 = tpu.memref_slice %arg2[%rem3A_1137, %dma_wait3A_1618, %add3A_1164] : memref<8x64x2048xf32, #tpu.memory_space<hbm>> -> memref<1x8x128xf32, #tpu.memory_space<hbm>>
      %dma_wait3A_1620 = tpu.memref_squeeze %dma_wait3A_1619 : memref<1x8x128xf32, #tpu.memory_space<hbm>> -> memref<8x128xf32, #tpu.memory_space<hbm>>
      tpu.wait_dma2 semaphore(%arg7 : memref<!tpu.dma_semaphore, #tpu.memory_space<semaphore_mem>>) src(%dma_wait3A_1620 : memref<8x128xf32, #tpu.memory_space<hbm>>) dst(%dma_wait3A_1617 : memref<8x128xf32, #tpu.memory_space<vmem>>)
      %dma_wait3A_1621 = arith.constant 16 : i32
      %dma_wait3A_1622 = arith.constant 0 : i32
      %dma_wait3A_1623 = tpu.memref_slice %arg5[%dma_wait3A_1621, %dma_wait3A_1622] : memref<256x128xf32, #tpu.memory_space<vmem>> -> memref<8x128xf32, #tpu.memory_space<vmem>>
      %dma_wait3A_1624 = arith.constant 0 : i32
      %dma_wait3A_1625 = tpu.memref_slice %arg2[%rem3A_1137, %dma_wait3A_1624, %add3A_1178] : memref<8x64x2048xf32, #tpu.memory_space<hbm>> -> memref<1x8x128xf32, #tpu.memory_space<hbm>>
      %dma_wait3A_1626 = tpu.memref_squeeze %dma_wait3A_1625 : memref<1x8x128xf32, #tpu.memory_space<hbm>> -> memref<8x128xf32, #tpu.memory_space<hbm>>
      %dma_wait3A_1627 = arith.constant 16 : i32
      %dma_wait3A_1628 = arith.constant 0 : i32
      %dma_wait3A_1629 = tpu.memref_slice %arg5[%dma_wait3A_1627, %dma_wait3A_1628] : memref<256x128xf32, #tpu.memory_space<vmem>> -> memref<8x128xf32, #tpu.memory_space<vmem>>
      %dma_wait3A_1630 = arith.constant 0 : i32
      %dma_wait3A_1631 = tpu.memref_slice %arg2[%rem3A_1137, %dma_wait3A_1630, %add3A_1178] : memref<8x64x2048xf32, #tpu.memory_space<hbm>> -> memref<1x8x128xf32, #tpu.memory_space<hbm>>
      %dma_wait3A_1632 = tpu.memref_squeeze %dma_wait3A_1631 : memref<1x8x128xf32, #tpu.memory_space<hbm>> -> memref<8x128xf32, #tpu.memory_space<hbm>>
      tpu.wait_dma2 semaphore(%arg7 : memref<!tpu.dma_semaphore, #tpu.memory_space<semaphore_mem>>) src(%dma_wait3A_1632 : memref<8x128xf32, #tpu.memory_space<hbm>>) dst(%dma_wait3A_1629 : memref<8x128xf32, #tpu.memory_space<vmem>>)
      %dma_wait3A_1633 = arith.constant 24 : i32
      %dma_wait3A_1634 = arith.constant 0 : i32
      %dma_wait3A_1635 = tpu.memref_slice %arg5[%dma_wait3A_1633, %dma_wait3A_1634] : memref<256x128xf32, #tpu.memory_space<vmem>> -> memref<8x128xf32, #tpu.memory_space<vmem>>
      %dma_wait3A_1636 = arith.constant 0 : i32
      %dma_wait3A_1637 = tpu.memref_slice %arg2[%rem3A_1137, %dma_wait3A_1636, %add3A_1192] : memref<8x64x2048xf32, #tpu.memory_space<hbm>> -> memref<1x8x128xf32, #tpu.memory_space<hbm>>
      %dma_wait3A_1638 = tpu.memref_squeeze %dma_wait3A_1637 : memref<1x8x128xf32, #tpu.memory_space<hbm>> -> memref<8x128xf32, #tpu.memory_space<hbm>>
      %dma_wait3A_1639 = arith.constant 24 : i32
      %dma_wait3A_1640 = arith.constant 0 : i32
      %dma_wait3A_1641 = tpu.memref_slice %arg5[%dma_wait3A_1639, %dma_wait3A_1640] : memref<256x128xf32, #tpu.memory_space<vmem>> -> memref<8x128xf32, #tpu.memory_space<vmem>>
      %dma_wait3A_1642 = arith.constant 0 : i32
      %dma_wait3A_1643 = tpu.memref_slice %arg2[%rem3A_1137, %dma_wait3A_1642, %add3A_1192] : memref<8x64x2048xf32, #tpu.memory_space<hbm>> -> memref<1x8x128xf32, #tpu.memory_space<hbm>>
      %dma_wait3A_1644 = tpu.memref_squeeze %dma_wait3A_1643 : memref<1x8x128xf32, #tpu.memory_space<hbm>> -> memref<8x128xf32, #tpu.memory_space<hbm>>
      tpu.wait_dma2 semaphore(%arg7 : memref<!tpu.dma_semaphore, #tpu.memory_space<semaphore_mem>>) src(%dma_wait3A_1644 : memref<8x128xf32, #tpu.memory_space<hbm>>) dst(%dma_wait3A_1641 : memref<8x128xf32, #tpu.memory_space<vmem>>)
      %dma_wait3A_1645 = arith.constant 32 : i32
      %dma_wait3A_1646 = arith.constant 0 : i32
      %dma_wait3A_1647 = tpu.memref_slice %arg5[%dma_wait3A_1645, %dma_wait3A_1646] : memref<256x128xf32, #tpu.memory_space<vmem>> -> memref<8x128xf32, #tpu.memory_space<vmem>>
      %dma_wait3A_1648 = arith.constant 0 : i32
      %dma_wait3A_1649 = tpu.memref_slice %arg2[%rem3A_1137, %dma_wait3A_1648, %add3A_1206] : memref<8x64x2048xf32, #tpu.memory_space<hbm>> -> memref<1x8x128xf32, #tpu.memory_space<hbm>>
      %dma_wait3A_1650 = tpu.memref_squeeze %dma_wait3A_1649 : memref<1x8x128xf32, #tpu.memory_space<hbm>> -> memref<8x128xf32, #tpu.memory_space<hbm>>
      %dma_wait3A_1651 = arith.constant 32 : i32
      %dma_wait3A_1652 = arith.constant 0 : i32
      %dma_wait3A_1653 = tpu.memref_slice %arg5[%dma_wait3A_1651, %dma_wait3A_1652] : memref<256x128xf32, #tpu.memory_space<vmem>> -> memref<8x128xf32, #tpu.memory_space<vmem>>
      %dma_wait3A_1654 = arith.constant 0 : i32
      %dma_wait3A_1655 = tpu.memref_slice %arg2[%rem3A_1137, %dma_wait3A_1654, %add3A_1206] : memref<8x64x2048xf32, #tpu.memory_space<hbm>> -> memref<1x8x128xf32, #tpu.memory_space<hbm>>
      %dma_wait3A_1656 = tpu.memref_squeeze %dma_wait3A_1655 : memref<1x8x128xf32, #tpu.memory_space<hbm>> -> memref<8x128xf32, #tpu.memory_space<hbm>>
      tpu.wait_dma2 semaphore(%arg7 : memref<!tpu.dma_semaphore, #tpu.memory_space<semaphore_mem>>) src(%dma_wait3A_1656 : memref<8x128xf32, #tpu.memory_space<hbm>>) dst(%dma_wait3A_1653 : memref<8x128xf32, #tpu.memory_space<vmem>>)
      %dma_wait3A_1657 = arith.constant 40 : i32
      %dma_wait3A_1658 = arith.constant 0 : i32
      %dma_wait3A_1659 = tpu.memref_slice %arg5[%dma_wait3A_1657, %dma_wait3A_1658] : memref<256x128xf32, #tpu.memory_space<vmem>> -> memref<8x128xf32, #tpu.memory_space<vmem>>
      %dma_wait3A_1660 = arith.constant 0 : i32
      %dma_wait3A_1661 = tpu.memref_slice %arg2[%rem3A_1137, %dma_wait3A_1660, %add3A_1220] : memref<8x64x2048xf32, #tpu.memory_space<hbm>> -> memref<1x8x128xf32, #tpu.memory_space<hbm>>
      %dma_wait3A_1662 = tpu.memref_squeeze %dma_wait3A_1661 : memref<1x8x128xf32, #tpu.memory_space<hbm>> -> memref<8x128xf32, #tpu.memory_space<hbm>>
      %dma_wait3A_1663 = arith.constant 40 : i32
      %dma_wait3A_1664 = arith.constant 0 : i32
      %dma_wait3A_1665 = tpu.memref_slice %arg5[%dma_wait3A_1663, %dma_wait3A_1664] : memref<256x128xf32, #tpu.memory_space<vmem>> -> memref<8x128xf32, #tpu.memory_space<vmem>>
      %dma_wait3A_1666 = arith.constant 0 : i32
      %dma_wait3A_1667 = tpu.memref_slice %arg2[%rem3A_1137, %dma_wait3A_1666, %add3A_1220] : memref<8x64x2048xf32, #tpu.memory_space<hbm>> -> memref<1x8x128xf32, #tpu.memory_space<hbm>>
      %dma_wait3A_1668 = tpu.memref_squeeze %dma_wait3A_1667 : memref<1x8x128xf32, #tpu.memory_space<hbm>> -> memref<8x128xf32, #tpu.memory_space<hbm>>
      tpu.wait_dma2 semaphore(%arg7 : memref<!tpu.dma_semaphore, #tpu.memory_space<semaphore_mem>>) src(%dma_wait3A_1668 : memref<8x128xf32, #tpu.memory_space<hbm>>) dst(%dma_wait3A_1665 : memref<8x128xf32, #tpu.memory_space<vmem>>)
      %dma_wait3A_1669 = arith.constant 48 : i32
      %dma_wait3A_1670 = arith.constant 0 : i32
      %dma_wait3A_1671 = tpu.memref_slice %arg5[%dma_wait3A_1669, %dma_wait3A_1670] : memref<256x128xf32, #tpu.memory_space<vmem>> -> memref<8x128xf32, #tpu.memory_space<vmem>>
      %dma_wait3A_1672 = arith.constant 0 : i32
      %dma_wait3A_1673 = tpu.memref_slice %arg2[%rem3A_1137, %dma_wait3A_1672, %add3A_1234] : memref<8x64x2048xf32, #tpu.memory_space<hbm>> -> memref<1x8x128xf32, #tpu.memory_space<hbm>>
      %dma_wait3A_1674 = tpu.memref_squeeze %dma_wait3A_1673 : memref<1x8x128xf32, #tpu.memory_space<hbm>> -> memref<8x128xf32, #tpu.memory_space<hbm>>
      %dma_wait3A_1675 = arith.constant 48 : i32
      %dma_wait3A_1676 = arith.constant 0 : i32
      %dma_wait3A_1677 = tpu.memref_slice %arg5[%dma_wait3A_1675, %dma_wait3A_1676] : memref<256x128xf32, #tpu.memory_space<vmem>> -> memref<8x128xf32, #tpu.memory_space<vmem>>
      %dma_wait3A_1678 = arith.constant 0 : i32
      %dma_wait3A_1679 = tpu.memref_slice %arg2[%rem3A_1137, %dma_wait3A_1678, %add3A_1234] : memref<8x64x2048xf32, #tpu.memory_space<hbm>> -> memref<1x8x128xf32, #tpu.memory_space<hbm>>
      %dma_wait3A_1680 = tpu.memref_squeeze %dma_wait3A_1679 : memref<1x8x128xf32, #tpu.memory_space<hbm>> -> memref<8x128xf32, #tpu.memory_space<hbm>>
      tpu.wait_dma2 semaphore(%arg7 : memref<!tpu.dma_semaphore, #tpu.memory_space<semaphore_mem>>) src(%dma_wait3A_1680 : memref<8x128xf32, #tpu.memory_space<hbm>>) dst(%dma_wait3A_1677 : memref<8x128xf32, #tpu.memory_space<vmem>>)
      %dma_wait3A_1681 = arith.constant 56 : i32
      %dma_wait3A_1682 = arith.constant 0 : i32
      %dma_wait3A_1683 = tpu.memref_slice %arg5[%dma_wait3A_1681, %dma_wait3A_1682] : memref<256x128xf32, #tpu.memory_space<vmem>> -> memref<8x128xf32, #tpu.memory_space<vmem>>
      %dma_wait3A_1684 = arith.constant 0 : i32
      %dma_wait3A_1685 = tpu.memref_slice %arg2[%rem3A_1137, %dma_wait3A_1684, %add3A_1248] : memref<8x64x2048xf32, #tpu.memory_space<hbm>> -> memref<1x8x128xf32, #tpu.memory_space<hbm>>
      %dma_wait3A_1686 = tpu.memref_squeeze %dma_wait3A_1685 : memref<1x8x128xf32, #tpu.memory_space<hbm>> -> memref<8x128xf32, #tpu.memory_space<hbm>>
      %dma_wait3A_1687 = arith.constant 56 : i32
      %dma_wait3A_1688 = arith.constant 0 : i32
      %dma_wait3A_1689 = tpu.memref_slice %arg5[%dma_wait3A_1687, %dma_wait3A_1688] : memref<256x128xf32, #tpu.memory_space<vmem>> -> memref<8x128xf32, #tpu.memory_space<vmem>>
      %dma_wait3A_1690 = arith.constant 0 : i32
      %dma_wait3A_1691 = tpu.memref_slice %arg2[%rem3A_1137, %dma_wait3A_1690, %add3A_1248] : memref<8x64x2048xf32, #tpu.memory_space<hbm>> -> memref<1x8x128xf32, #tpu.memory_space<hbm>>
      %dma_wait3A_1692 = tpu.memref_squeeze %dma_wait3A_1691 : memref<1x8x128xf32, #tpu.memory_space<hbm>> -> memref<8x128xf32, #tpu.memory_space<hbm>>
      tpu.wait_dma2 semaphore(%arg7 : memref<!tpu.dma_semaphore, #tpu.memory_space<semaphore_mem>>) src(%dma_wait3A_1692 : memref<8x128xf32, #tpu.memory_space<hbm>>) dst(%dma_wait3A_1689 : memref<8x128xf32, #tpu.memory_space<vmem>>)
      %dma_wait3A_1693 = arith.constant 64 : i32
      %dma_wait3A_1694 = arith.constant 0 : i32
      %dma_wait3A_1695 = tpu.memref_slice %arg5[%dma_wait3A_1693, %dma_wait3A_1694] : memref<256x128xf32, #tpu.memory_space<vmem>> -> memref<8x128xf32, #tpu.memory_space<vmem>>
      %dma_wait3A_1696 = arith.constant 8 : i32
      %dma_wait3A_1697 = tpu.memref_slice %arg2[%rem3A_1137, %dma_wait3A_1696, %add3A_1262] : memref<8x64x2048xf32, #tpu.memory_space<hbm>> -> memref<1x8x128xf32, #tpu.memory_space<hbm>>
      %dma_wait3A_1698 = tpu.memref_squeeze %dma_wait3A_1697 : memref<1x8x128xf32, #tpu.memory_space<hbm>> -> memref<8x128xf32, #tpu.memory_space<hbm>>
      %dma_wait3A_1699 = arith.constant 64 : i32
      %dma_wait3A_1700 = arith.constant 0 : i32
      %dma_wait3A_1701 = tpu.memref_slice %arg5[%dma_wait3A_1699, %dma_wait3A_1700] : memref<256x128xf32, #tpu.memory_space<vmem>> -> memref<8x128xf32, #tpu.memory_space<vmem>>
      %dma_wait3A_1702 = arith.constant 8 : i32
      %dma_wait3A_1703 = tpu.memref_slice %arg2[%rem3A_1137, %dma_wait3A_1702, %add3A_1262] : memref<8x64x2048xf32, #tpu.memory_space<hbm>> -> memref<1x8x128xf32, #tpu.memory_space<hbm>>
      %dma_wait3A_1704 = tpu.memref_squeeze %dma_wait3A_1703 : memref<1x8x128xf32, #tpu.memory_space<hbm>> -> memref<8x128xf32, #tpu.memory_space<hbm>>
      tpu.wait_dma2 semaphore(%arg7 : memref<!tpu.dma_semaphore, #tpu.memory_space<semaphore_mem>>) src(%dma_wait3A_1704 : memref<8x128xf32, #tpu.memory_space<hbm>>) dst(%dma_wait3A_1701 : memref<8x128xf32, #tpu.memory_space<vmem>>)
      %dma_wait3A_1705 = arith.constant 72 : i32
      %dma_wait3A_1706 = arith.constant 0 : i32
      %dma_wait3A_1707 = tpu.memref_slice %arg5[%dma_wait3A_1705, %dma_wait3A_1706] : memref<256x128xf32, #tpu.memory_space<vmem>> -> memref<8x128xf32, #tpu.memory_space<vmem>>
      %dma_wait3A_1708 = arith.constant 8 : i32
      %dma_wait3A_1709 = tpu.memref_slice %arg2[%rem3A_1137, %dma_wait3A_1708, %add3A_1276] : memref<8x64x2048xf32, #tpu.memory_space<hbm>> -> memref<1x8x128xf32, #tpu.memory_space<hbm>>
      %dma_wait3A_1710 = tpu.memref_squeeze %dma_wait3A_1709 : memref<1x8x128xf32, #tpu.memory_space<hbm>> -> memref<8x128xf32, #tpu.memory_space<hbm>>
      %dma_wait3A_1711 = arith.constant 72 : i32
      %dma_wait3A_1712 = arith.constant 0 : i32
      %dma_wait3A_1713 = tpu.memref_slice %arg5[%dma_wait3A_1711, %dma_wait3A_1712] : memref<256x128xf32, #tpu.memory_space<vmem>> -> memref<8x128xf32, #tpu.memory_space<vmem>>
      %dma_wait3A_1714 = arith.constant 8 : i32
      %dma_wait3A_1715 = tpu.memref_slice %arg2[%rem3A_1137, %dma_wait3A_1714, %add3A_1276] : memref<8x64x2048xf32, #tpu.memory_space<hbm>> -> memref<1x8x128xf32, #tpu.memory_space<hbm>>
      %dma_wait3A_1716 = tpu.memref_squeeze %dma_wait3A_1715 : memref<1x8x128xf32, #tpu.memory_space<hbm>> -> memref<8x128xf32, #tpu.memory_space<hbm>>
      tpu.wait_dma2 semaphore(%arg7 : memref<!tpu.dma_semaphore, #tpu.memory_space<semaphore_mem>>) src(%dma_wait3A_1716 : memref<8x128xf32, #tpu.memory_space<hbm>>) dst(%dma_wait3A_1713 : memref<8x128xf32, #tpu.memory_space<vmem>>)
      %dma_wait3A_1717 = arith.constant 80 : i32
      %dma_wait3A_1718 = arith.constant 0 : i32
      %dma_wait3A_1719 = tpu.memref_slice %arg5[%dma_wait3A_1717, %dma_wait3A_1718] : memref<256x128xf32, #tpu.memory_space<vmem>> -> memref<8x128xf32, #tpu.memory_space<vmem>>
      %dma_wait3A_1720 = arith.constant 8 : i32
      %dma_wait3A_1721 = tpu.memref_slice %arg2[%rem3A_1137, %dma_wait3A_1720, %add3A_1290] : memref<8x64x2048xf32, #tpu.memory_space<hbm>> -> memref<1x8x128xf32, #tpu.memory_space<hbm>>
      %dma_wait3A_1722 = tpu.memref_squeeze %dma_wait3A_1721 : memref<1x8x128xf32, #tpu.memory_space<hbm>> -> memref<8x128xf32, #tpu.memory_space<hbm>>
      %dma_wait3A_1723 = arith.constant 80 : i32
      %dma_wait3A_1724 = arith.constant 0 : i32
      %dma_wait3A_1725 = tpu.memref_slice %arg5[%dma_wait3A_1723, %dma_wait3A_1724] : memref<256x128xf32, #tpu.memory_space<vmem>> -> memref<8x128xf32, #tpu.memory_space<vmem>>
      %dma_wait3A_1726 = arith.constant 8 : i32
      %dma_wait3A_1727 = tpu.memref_slice %arg2[%rem3A_1137, %dma_wait3A_1726, %add3A_1290] : memref<8x64x2048xf32, #tpu.memory_space<hbm>> -> memref<1x8x128xf32, #tpu.memory_space<hbm>>
      %dma_wait3A_1728 = tpu.memref_squeeze %dma_wait3A_1727 : memref<1x8x128xf32, #tpu.memory_space<hbm>> -> memref<8x128xf32, #tpu.memory_space<hbm>>
      tpu.wait_dma2 semaphore(%arg7 : memref<!tpu.dma_semaphore, #tpu.memory_space<semaphore_mem>>) src(%dma_wait3A_1728 : memref<8x128xf32, #tpu.memory_space<hbm>>) dst(%dma_wait3A_1725 : memref<8x128xf32, #tpu.memory_space<vmem>>)
      %dma_wait3A_1729 = arith.constant 88 : i32
      %dma_wait3A_1730 = arith.constant 0 : i32
      %dma_wait3A_1731 = tpu.memref_slice %arg5[%dma_wait3A_1729, %dma_wait3A_1730] : memref<256x128xf32, #tpu.memory_space<vmem>> -> memref<8x128xf32, #tpu.memory_space<vmem>>
      %dma_wait3A_1732 = arith.constant 8 : i32
      %dma_wait3A_1733 = tpu.memref_slice %arg2[%rem3A_1137, %dma_wait3A_1732, %add3A_1304] : memref<8x64x2048xf32, #tpu.memory_space<hbm>> -> memref<1x8x128xf32, #tpu.memory_space<hbm>>
      %dma_wait3A_1734 = tpu.memref_squeeze %dma_wait3A_1733 : memref<1x8x128xf32, #tpu.memory_space<hbm>> -> memref<8x128xf32, #tpu.memory_space<hbm>>
      %dma_wait3A_1735 = arith.constant 88 : i32
      %dma_wait3A_1736 = arith.constant 0 : i32
      %dma_wait3A_1737 = tpu.memref_slice %arg5[%dma_wait3A_1735, %dma_wait3A_1736] : memref<256x128xf32, #tpu.memory_space<vmem>> -> memref<8x128xf32, #tpu.memory_space<vmem>>
      %dma_wait3A_1738 = arith.constant 8 : i32
      %dma_wait3A_1739 = tpu.memref_slice %arg2[%rem3A_1137, %dma_wait3A_1738, %add3A_1304] : memref<8x64x2048xf32, #tpu.memory_space<hbm>> -> memref<1x8x128xf32, #tpu.memory_space<hbm>>
      %dma_wait3A_1740 = tpu.memref_squeeze %dma_wait3A_1739 : memref<1x8x128xf32, #tpu.memory_space<hbm>> -> memref<8x128xf32, #tpu.memory_space<hbm>>
      tpu.wait_dma2 semaphore(%arg7 : memref<!tpu.dma_semaphore, #tpu.memory_space<semaphore_mem>>) src(%dma_wait3A_1740 : memref<8x128xf32, #tpu.memory_space<hbm>>) dst(%dma_wait3A_1737 : memref<8x128xf32, #tpu.memory_space<vmem>>)
      %dma_wait3A_1741 = arith.constant 96 : i32
      %dma_wait3A_1742 = arith.constant 0 : i32
      %dma_wait3A_1743 = tpu.memref_slice %arg5[%dma_wait3A_1741, %dma_wait3A_1742] : memref<256x128xf32, #tpu.memory_space<vmem>> -> memref<8x128xf32, #tpu.memory_space<vmem>>
      %dma_wait3A_1744 = arith.constant 8 : i32
      %dma_wait3A_1745 = tpu.memref_slice %arg2[%rem3A_1137, %dma_wait3A_1744, %add3A_1318] : memref<8x64x2048xf32, #tpu.memory_space<hbm>> -> memref<1x8x128xf32, #tpu.memory_space<hbm>>
      %dma_wait3A_1746 = tpu.memref_squeeze %dma_wait3A_1745 : memref<1x8x128xf32, #tpu.memory_space<hbm>> -> memref<8x128xf32, #tpu.memory_space<hbm>>
      %dma_wait3A_1747 = arith.constant 96 : i32
      %dma_wait3A_1748 = arith.constant 0 : i32
      %dma_wait3A_1749 = tpu.memref_slice %arg5[%dma_wait3A_1747, %dma_wait3A_1748] : memref<256x128xf32, #tpu.memory_space<vmem>> -> memref<8x128xf32, #tpu.memory_space<vmem>>
      %dma_wait3A_1750 = arith.constant 8 : i32
      %dma_wait3A_1751 = tpu.memref_slice %arg2[%rem3A_1137, %dma_wait3A_1750, %add3A_1318] : memref<8x64x2048xf32, #tpu.memory_space<hbm>> -> memref<1x8x128xf32, #tpu.memory_space<hbm>>
      %dma_wait3A_1752 = tpu.memref_squeeze %dma_wait3A_1751 : memref<1x8x128xf32, #tpu.memory_space<hbm>> -> memref<8x128xf32, #tpu.memory_space<hbm>>
      tpu.wait_dma2 semaphore(%arg7 : memref<!tpu.dma_semaphore, #tpu.memory_space<semaphore_mem>>) src(%dma_wait3A_1752 : memref<8x128xf32, #tpu.memory_space<hbm>>) dst(%dma_wait3A_1749 : memref<8x128xf32, #tpu.memory_space<vmem>>)
      %dma_wait3A_1753 = arith.constant 104 : i32
      %dma_wait3A_1754 = arith.constant 0 : i32
      %dma_wait3A_1755 = tpu.memref_slice %arg5[%dma_wait3A_1753, %dma_wait3A_1754] : memref<256x128xf32, #tpu.memory_space<vmem>> -> memref<8x128xf32, #tpu.memory_space<vmem>>
      %dma_wait3A_1756 = arith.constant 8 : i32
      %dma_wait3A_1757 = tpu.memref_slice %arg2[%rem3A_1137, %dma_wait3A_1756, %add3A_1332] : memref<8x64x2048xf32, #tpu.memory_space<hbm>> -> memref<1x8x128xf32, #tpu.memory_space<hbm>>
      %dma_wait3A_1758 = tpu.memref_squeeze %dma_wait3A_1757 : memref<1x8x128xf32, #tpu.memory_space<hbm>> -> memref<8x128xf32, #tpu.memory_space<hbm>>
      %dma_wait3A_1759 = arith.constant 104 : i32
      %dma_wait3A_1760 = arith.constant 0 : i32
      %dma_wait3A_1761 = tpu.memref_slice %arg5[%dma_wait3A_1759, %dma_wait3A_1760] : memref<256x128xf32, #tpu.memory_space<vmem>> -> memref<8x128xf32, #tpu.memory_space<vmem>>
      %dma_wait3A_1762 = arith.constant 8 : i32
      %dma_wait3A_1763 = tpu.memref_slice %arg2[%rem3A_1137, %dma_wait3A_1762, %add3A_1332] : memref<8x64x2048xf32, #tpu.memory_space<hbm>> -> memref<1x8x128xf32, #tpu.memory_space<hbm>>
      %dma_wait3A_1764 = tpu.memref_squeeze %dma_wait3A_1763 : memref<1x8x128xf32, #tpu.memory_space<hbm>> -> memref<8x128xf32, #tpu.memory_space<hbm>>
      tpu.wait_dma2 semaphore(%arg7 : memref<!tpu.dma_semaphore, #tpu.memory_space<semaphore_mem>>) src(%dma_wait3A_1764 : memref<8x128xf32, #tpu.memory_space<hbm>>) dst(%dma_wait3A_1761 : memref<8x128xf32, #tpu.memory_space<vmem>>)
      %dma_wait3A_1765 = arith.constant 112 : i32
      %dma_wait3A_1766 = arith.constant 0 : i32
      %dma_wait3A_1767 = tpu.memref_slice %arg5[%dma_wait3A_1765, %dma_wait3A_1766] : memref<256x128xf32, #tpu.memory_space<vmem>> -> memref<8x128xf32, #tpu.memory_space<vmem>>
      %dma_wait3A_1768 = arith.constant 8 : i32
      %dma_wait3A_1769 = tpu.memref_slice %arg2[%rem3A_1137, %dma_wait3A_1768, %add3A_1346] : memref<8x64x2048xf32, #tpu.memory_space<hbm>> -> memref<1x8x128xf32, #tpu.memory_space<hbm>>
      %dma_wait3A_1770 = tpu.memref_squeeze %dma_wait3A_1769 : memref<1x8x128xf32, #tpu.memory_space<hbm>> -> memref<8x128xf32, #tpu.memory_space<hbm>>
      %dma_wait3A_1771 = arith.constant 112 : i32
      %dma_wait3A_1772 = arith.constant 0 : i32
      %dma_wait3A_1773 = tpu.memref_slice %arg5[%dma_wait3A_1771, %dma_wait3A_1772] : memref<256x128xf32, #tpu.memory_space<vmem>> -> memref<8x128xf32, #tpu.memory_space<vmem>>
      %dma_wait3A_1774 = arith.constant 8 : i32
      %dma_wait3A_1775 = tpu.memref_slice %arg2[%rem3A_1137, %dma_wait3A_1774, %add3A_1346] : memref<8x64x2048xf32, #tpu.memory_space<hbm>> -> memref<1x8x128xf32, #tpu.memory_space<hbm>>
      %dma_wait3A_1776 = tpu.memref_squeeze %dma_wait3A_1775 : memref<1x8x128xf32, #tpu.memory_space<hbm>> -> memref<8x128xf32, #tpu.memory_space<hbm>>
      tpu.wait_dma2 semaphore(%arg7 : memref<!tpu.dma_semaphore, #tpu.memory_space<semaphore_mem>>) src(%dma_wait3A_1776 : memref<8x128xf32, #tpu.memory_space<hbm>>) dst(%dma_wait3A_1773 : memref<8x128xf32, #tpu.memory_space<vmem>>)
      %dma_wait3A_1777 = arith.constant 120 : i32
      %dma_wait3A_1778 = arith.constant 0 : i32
      %dma_wait3A_1779 = tpu.memref_slice %arg5[%dma_wait3A_1777, %dma_wait3A_1778] : memref<256x128xf32, #tpu.memory_space<vmem>> -> memref<8x128xf32, #tpu.memory_space<vmem>>
      %dma_wait3A_1780 = arith.constant 8 : i32
      %dma_wait3A_1781 = tpu.memref_slice %arg2[%rem3A_1137, %dma_wait3A_1780, %add3A_1360] : memref<8x64x2048xf32, #tpu.memory_space<hbm>> -> memref<1x8x128xf32, #tpu.memory_space<hbm>>
      %dma_wait3A_1782 = tpu.memref_squeeze %dma_wait3A_1781 : memref<1x8x128xf32, #tpu.memory_space<hbm>> -> memref<8x128xf32, #tpu.memory_space<hbm>>
      %dma_wait3A_1783 = arith.constant 120 : i32
      %dma_wait3A_1784 = arith.constant 0 : i32
      %dma_wait3A_1785 = tpu.memref_slice %arg5[%dma_wait3A_1783, %dma_wait3A_1784] : memref<256x128xf32, #tpu.memory_space<vmem>> -> memref<8x128xf32, #tpu.memory_space<vmem>>
      %dma_wait3A_1786 = arith.constant 8 : i32
      %dma_wait3A_1787 = tpu.memref_slice %arg2[%rem3A_1137, %dma_wait3A_1786, %add3A_1360] : memref<8x64x2048xf32, #tpu.memory_space<hbm>> -> memref<1x8x128xf32, #tpu.memory_space<hbm>>
      %dma_wait3A_1788 = tpu.memref_squeeze %dma_wait3A_1787 : memref<1x8x128xf32, #tpu.memory_space<hbm>> -> memref<8x128xf32, #tpu.memory_space<hbm>>
      tpu.wait_dma2 semaphore(%arg7 : memref<!tpu.dma_semaphore, #tpu.memory_space<semaphore_mem>>) src(%dma_wait3A_1788 : memref<8x128xf32, #tpu.memory_space<hbm>>) dst(%dma_wait3A_1785 : memref<8x128xf32, #tpu.memory_space<vmem>>)
      %dma_wait3A_1789 = arith.constant 128 : i32
      %dma_wait3A_1790 = arith.constant 0 : i32
      %dma_wait3A_1791 = tpu.memref_slice %arg5[%dma_wait3A_1789, %dma_wait3A_1790] : memref<256x128xf32, #tpu.memory_space<vmem>> -> memref<8x128xf32, #tpu.memory_space<vmem>>
      %dma_wait3A_1792 = arith.constant 16 : i32
      %dma_wait3A_1793 = tpu.memref_slice %arg2[%rem3A_1137, %dma_wait3A_1792, %add3A_1374] : memref<8x64x2048xf32, #tpu.memory_space<hbm>> -> memref<1x8x128xf32, #tpu.memory_space<hbm>>
      %dma_wait3A_1794 = tpu.memref_squeeze %dma_wait3A_1793 : memref<1x8x128xf32, #tpu.memory_space<hbm>> -> memref<8x128xf32, #tpu.memory_space<hbm>>
      %dma_wait3A_1795 = arith.constant 128 : i32
      %dma_wait3A_1796 = arith.constant 0 : i32
      %dma_wait3A_1797 = tpu.memref_slice %arg5[%dma_wait3A_1795, %dma_wait3A_1796] : memref<256x128xf32, #tpu.memory_space<vmem>> -> memref<8x128xf32, #tpu.memory_space<vmem>>
      %dma_wait3A_1798 = arith.constant 16 : i32
      %dma_wait3A_1799 = tpu.memref_slice %arg2[%rem3A_1137, %dma_wait3A_1798, %add3A_1374] : memref<8x64x2048xf32, #tpu.memory_space<hbm>> -> memref<1x8x128xf32, #tpu.memory_space<hbm>>
      %dma_wait3A_1800 = tpu.memref_squeeze %dma_wait3A_1799 : memref<1x8x128xf32, #tpu.memory_space<hbm>> -> memref<8x128xf32, #tpu.memory_space<hbm>>
      tpu.wait_dma2 semaphore(%arg7 : memref<!tpu.dma_semaphore, #tpu.memory_space<semaphore_mem>>) src(%dma_wait3A_1800 : memref<8x128xf32, #tpu.memory_space<hbm>>) dst(%dma_wait3A_1797 : memref<8x128xf32, #tpu.memory_space<vmem>>)
      %dma_wait3A_1801 = arith.constant 136 : i32
      %dma_wait3A_1802 = arith.constant 0 : i32
      %dma_wait3A_1803 = tpu.memref_slice %arg5[%dma_wait3A_1801, %dma_wait3A_1802] : memref<256x128xf32, #tpu.memory_space<vmem>> -> memref<8x128xf32, #tpu.memory_space<vmem>>
      %dma_wait3A_1804 = arith.constant 16 : i32
      %dma_wait3A_1805 = tpu.memref_slice %arg2[%rem3A_1137, %dma_wait3A_1804, %add3A_1388] : memref<8x64x2048xf32, #tpu.memory_space<hbm>> -> memref<1x8x128xf32, #tpu.memory_space<hbm>>
      %dma_wait3A_1806 = tpu.memref_squeeze %dma_wait3A_1805 : memref<1x8x128xf32, #tpu.memory_space<hbm>> -> memref<8x128xf32, #tpu.memory_space<hbm>>
      %dma_wait3A_1807 = arith.constant 136 : i32
      %dma_wait3A_1808 = arith.constant 0 : i32
      %dma_wait3A_1809 = tpu.memref_slice %arg5[%dma_wait3A_1807, %dma_wait3A_1808] : memref<256x128xf32, #tpu.memory_space<vmem>> -> memref<8x128xf32, #tpu.memory_space<vmem>>
      %dma_wait3A_1810 = arith.constant 16 : i32
      %dma_wait3A_1811 = tpu.memref_slice %arg2[%rem3A_1137, %dma_wait3A_1810, %add3A_1388] : memref<8x64x2048xf32, #tpu.memory_space<hbm>> -> memref<1x8x128xf32, #tpu.memory_space<hbm>>
      %dma_wait3A_1812 = tpu.memref_squeeze %dma_wait3A_1811 : memref<1x8x128xf32, #tpu.memory_space<hbm>> -> memref<8x128xf32, #tpu.memory_space<hbm>>
      tpu.wait_dma2 semaphore(%arg7 : memref<!tpu.dma_semaphore, #tpu.memory_space<semaphore_mem>>) src(%dma_wait3A_1812 : memref<8x128xf32, #tpu.memory_space<hbm>>) dst(%dma_wait3A_1809 : memref<8x128xf32, #tpu.memory_space<vmem>>)
      %dma_wait3A_1813 = arith.constant 144 : i32
      %dma_wait3A_1814 = arith.constant 0 : i32
      %dma_wait3A_1815 = tpu.memref_slice %arg5[%dma_wait3A_1813, %dma_wait3A_1814] : memref<256x128xf32, #tpu.memory_space<vmem>> -> memref<8x128xf32, #tpu.memory_space<vmem>>
      %dma_wait3A_1816 = arith.constant 16 : i32
      %dma_wait3A_1817 = tpu.memref_slice %arg2[%rem3A_1137, %dma_wait3A_1816, %add3A_1402] : memref<8x64x2048xf32, #tpu.memory_space<hbm>> -> memref<1x8x128xf32, #tpu.memory_space<hbm>>
      %dma_wait3A_1818 = tpu.memref_squeeze %dma_wait3A_1817 : memref<1x8x128xf32, #tpu.memory_space<hbm>> -> memref<8x128xf32, #tpu.memory_space<hbm>>
      %dma_wait3A_1819 = arith.constant 144 : i32
      %dma_wait3A_1820 = arith.constant 0 : i32
      %dma_wait3A_1821 = tpu.memref_slice %arg5[%dma_wait3A_1819, %dma_wait3A_1820] : memref<256x128xf32, #tpu.memory_space<vmem>> -> memref<8x128xf32, #tpu.memory_space<vmem>>
      %dma_wait3A_1822 = arith.constant 16 : i32
      %dma_wait3A_1823 = tpu.memref_slice %arg2[%rem3A_1137, %dma_wait3A_1822, %add3A_1402] : memref<8x64x2048xf32, #tpu.memory_space<hbm>> -> memref<1x8x128xf32, #tpu.memory_space<hbm>>
      %dma_wait3A_1824 = tpu.memref_squeeze %dma_wait3A_1823 : memref<1x8x128xf32, #tpu.memory_space<hbm>> -> memref<8x128xf32, #tpu.memory_space<hbm>>
      tpu.wait_dma2 semaphore(%arg7 : memref<!tpu.dma_semaphore, #tpu.memory_space<semaphore_mem>>) src(%dma_wait3A_1824 : memref<8x128xf32, #tpu.memory_space<hbm>>) dst(%dma_wait3A_1821 : memref<8x128xf32, #tpu.memory_space<vmem>>)
      %dma_wait3A_1825 = arith.constant 152 : i32
      %dma_wait3A_1826 = arith.constant 0 : i32
      %dma_wait3A_1827 = tpu.memref_slice %arg5[%dma_wait3A_1825, %dma_wait3A_1826] : memref<256x128xf32, #tpu.memory_space<vmem>> -> memref<8x128xf32, #tpu.memory_space<vmem>>
      %dma_wait3A_1828 = arith.constant 16 : i32
      %dma_wait3A_1829 = tpu.memref_slice %arg2[%rem3A_1137, %dma_wait3A_1828, %add3A_1416] : memref<8x64x2048xf32, #tpu.memory_space<hbm>> -> memref<1x8x128xf32, #tpu.memory_space<hbm>>
      %dma_wait3A_1830 = tpu.memref_squeeze %dma_wait3A_1829 : memref<1x8x128xf32, #tpu.memory_space<hbm>> -> memref<8x128xf32, #tpu.memory_space<hbm>>
      %dma_wait3A_1831 = arith.constant 152 : i32
      %dma_wait3A_1832 = arith.constant 0 : i32
      %dma_wait3A_1833 = tpu.memref_slice %arg5[%dma_wait3A_1831, %dma_wait3A_1832] : memref<256x128xf32, #tpu.memory_space<vmem>> -> memref<8x128xf32, #tpu.memory_space<vmem>>
      %dma_wait3A_1834 = arith.constant 16 : i32
      %dma_wait3A_1835 = tpu.memref_slice %arg2[%rem3A_1137, %dma_wait3A_1834, %add3A_1416] : memref<8x64x2048xf32, #tpu.memory_space<hbm>> -> memref<1x8x128xf32, #tpu.memory_space<hbm>>
      %dma_wait3A_1836 = tpu.memref_squeeze %dma_wait3A_1835 : memref<1x8x128xf32, #tpu.memory_space<hbm>> -> memref<8x128xf32, #tpu.memory_space<hbm>>
      tpu.wait_dma2 semaphore(%arg7 : memref<!tpu.dma_semaphore, #tpu.memory_space<semaphore_mem>>) src(%dma_wait3A_1836 : memref<8x128xf32, #tpu.memory_space<hbm>>) dst(%dma_wait3A_1833 : memref<8x128xf32, #tpu.memory_space<vmem>>)
      %dma_wait3A_1837 = arith.constant 160 : i32
      %dma_wait3A_1838 = arith.constant 0 : i32
      %dma_wait3A_1839 = tpu.memref_slice %arg5[%dma_wait3A_1837, %dma_wait3A_1838] : memref<256x128xf32, #tpu.memory_space<vmem>> -> memref<8x128xf32, #tpu.memory_space<vmem>>
      %dma_wait3A_1840 = arith.constant 16 : i32
      %dma_wait3A_1841 = tpu.memref_slice %arg2[%rem3A_1137, %dma_wait3A_1840, %add3A_1430] : memref<8x64x2048xf32, #tpu.memory_space<hbm>> -> memref<1x8x128xf32, #tpu.memory_space<hbm>>
      %dma_wait3A_1842 = tpu.memref_squeeze %dma_wait3A_1841 : memref<1x8x128xf32, #tpu.memory_space<hbm>> -> memref<8x128xf32, #tpu.memory_space<hbm>>
      %dma_wait3A_1843 = arith.constant 160 : i32
      %dma_wait3A_1844 = arith.constant 0 : i32
      %dma_wait3A_1845 = tpu.memref_slice %arg5[%dma_wait3A_1843, %dma_wait3A_1844] : memref<256x128xf32, #tpu.memory_space<vmem>> -> memref<8x128xf32, #tpu.memory_space<vmem>>
      %dma_wait3A_1846 = arith.constant 16 : i32
      %dma_wait3A_1847 = tpu.memref_slice %arg2[%rem3A_1137, %dma_wait3A_1846, %add3A_1430] : memref<8x64x2048xf32, #tpu.memory_space<hbm>> -> memref<1x8x128xf32, #tpu.memory_space<hbm>>
      %dma_wait3A_1848 = tpu.memref_squeeze %dma_wait3A_1847 : memref<1x8x128xf32, #tpu.memory_space<hbm>> -> memref<8x128xf32, #tpu.memory_space<hbm>>
      tpu.wait_dma2 semaphore(%arg7 : memref<!tpu.dma_semaphore, #tpu.memory_space<semaphore_mem>>) src(%dma_wait3A_1848 : memref<8x128xf32, #tpu.memory_space<hbm>>) dst(%dma_wait3A_1845 : memref<8x128xf32, #tpu.memory_space<vmem>>)
      %dma_wait3A_1849 = arith.constant 168 : i32
      %dma_wait3A_1850 = arith.constant 0 : i32
      %dma_wait3A_1851 = tpu.memref_slice %arg5[%dma_wait3A_1849, %dma_wait3A_1850] : memref<256x128xf32, #tpu.memory_space<vmem>> -> memref<8x128xf32, #tpu.memory_space<vmem>>
      %dma_wait3A_1852 = arith.constant 16 : i32
      %dma_wait3A_1853 = tpu.memref_slice %arg2[%rem3A_1137, %dma_wait3A_1852, %add3A_1444] : memref<8x64x2048xf32, #tpu.memory_space<hbm>> -> memref<1x8x128xf32, #tpu.memory_space<hbm>>
      %dma_wait3A_1854 = tpu.memref_squeeze %dma_wait3A_1853 : memref<1x8x128xf32, #tpu.memory_space<hbm>> -> memref<8x128xf32, #tpu.memory_space<hbm>>
      %dma_wait3A_1855 = arith.constant 168 : i32
      %dma_wait3A_1856 = arith.constant 0 : i32
      %dma_wait3A_1857 = tpu.memref_slice %arg5[%dma_wait3A_1855, %dma_wait3A_1856] : memref<256x128xf32, #tpu.memory_space<vmem>> -> memref<8x128xf32, #tpu.memory_space<vmem>>
      %dma_wait3A_1858 = arith.constant 16 : i32
      %dma_wait3A_1859 = tpu.memref_slice %arg2[%rem3A_1137, %dma_wait3A_1858, %add3A_1444] : memref<8x64x2048xf32, #tpu.memory_space<hbm>> -> memref<1x8x128xf32, #tpu.memory_space<hbm>>
      %dma_wait3A_1860 = tpu.memref_squeeze %dma_wait3A_1859 : memref<1x8x128xf32, #tpu.memory_space<hbm>> -> memref<8x128xf32, #tpu.memory_space<hbm>>
      tpu.wait_dma2 semaphore(%arg7 : memref<!tpu.dma_semaphore, #tpu.memory_space<semaphore_mem>>) src(%dma_wait3A_1860 : memref<8x128xf32, #tpu.memory_space<hbm>>) dst(%dma_wait3A_1857 : memref<8x128xf32, #tpu.memory_space<vmem>>)
      %dma_wait3A_1861 = arith.constant 176 : i32
      %dma_wait3A_1862 = arith.constant 0 : i32
      %dma_wait3A_1863 = tpu.memref_slice %arg5[%dma_wait3A_1861, %dma_wait3A_1862] : memref<256x128xf32, #tpu.memory_space<vmem>> -> memref<8x128xf32, #tpu.memory_space<vmem>>
      %dma_wait3A_1864 = arith.constant 16 : i32
      %dma_wait3A_1865 = tpu.memref_slice %arg2[%rem3A_1137, %dma_wait3A_1864, %add3A_1458] : memref<8x64x2048xf32, #tpu.memory_space<hbm>> -> memref<1x8x128xf32, #tpu.memory_space<hbm>>
      %dma_wait3A_1866 = tpu.memref_squeeze %dma_wait3A_1865 : memref<1x8x128xf32, #tpu.memory_space<hbm>> -> memref<8x128xf32, #tpu.memory_space<hbm>>
      %dma_wait3A_1867 = arith.constant 176 : i32
      %dma_wait3A_1868 = arith.constant 0 : i32
      %dma_wait3A_1869 = tpu.memref_slice %arg5[%dma_wait3A_1867, %dma_wait3A_1868] : memref<256x128xf32, #tpu.memory_space<vmem>> -> memref<8x128xf32, #tpu.memory_space<vmem>>
      %dma_wait3A_1870 = arith.constant 16 : i32
      %dma_wait3A_1871 = tpu.memref_slice %arg2[%rem3A_1137, %dma_wait3A_1870, %add3A_1458] : memref<8x64x2048xf32, #tpu.memory_space<hbm>> -> memref<1x8x128xf32, #tpu.memory_space<hbm>>
      %dma_wait3A_1872 = tpu.memref_squeeze %dma_wait3A_1871 : memref<1x8x128xf32, #tpu.memory_space<hbm>> -> memref<8x128xf32, #tpu.memory_space<hbm>>
      tpu.wait_dma2 semaphore(%arg7 : memref<!tpu.dma_semaphore, #tpu.memory_space<semaphore_mem>>) src(%dma_wait3A_1872 : memref<8x128xf32, #tpu.memory_space<hbm>>) dst(%dma_wait3A_1869 : memref<8x128xf32, #tpu.memory_space<vmem>>)
      %dma_wait3A_1873 = arith.constant 184 : i32
      %dma_wait3A_1874 = arith.constant 0 : i32
      %dma_wait3A_1875 = tpu.memref_slice %arg5[%dma_wait3A_1873, %dma_wait3A_1874] : memref<256x128xf32, #tpu.memory_space<vmem>> -> memref<8x128xf32, #tpu.memory_space<vmem>>
      %dma_wait3A_1876 = arith.constant 16 : i32
      %dma_wait3A_1877 = tpu.memref_slice %arg2[%rem3A_1137, %dma_wait3A_1876, %add3A_1472] : memref<8x64x2048xf32, #tpu.memory_space<hbm>> -> memref<1x8x128xf32, #tpu.memory_space<hbm>>
      %dma_wait3A_1878 = tpu.memref_squeeze %dma_wait3A_1877 : memref<1x8x128xf32, #tpu.memory_space<hbm>> -> memref<8x128xf32, #tpu.memory_space<hbm>>
      %dma_wait3A_1879 = arith.constant 184 : i32
      %dma_wait3A_1880 = arith.constant 0 : i32
      %dma_wait3A_1881 = tpu.memref_slice %arg5[%dma_wait3A_1879, %dma_wait3A_1880] : memref<256x128xf32, #tpu.memory_space<vmem>> -> memref<8x128xf32, #tpu.memory_space<vmem>>
      %dma_wait3A_1882 = arith.constant 16 : i32
      %dma_wait3A_1883 = tpu.memref_slice %arg2[%rem3A_1137, %dma_wait3A_1882, %add3A_1472] : memref<8x64x2048xf32, #tpu.memory_space<hbm>> -> memref<1x8x128xf32, #tpu.memory_space<hbm>>
      %dma_wait3A_1884 = tpu.memref_squeeze %dma_wait3A_1883 : memref<1x8x128xf32, #tpu.memory_space<hbm>> -> memref<8x128xf32, #tpu.memory_space<hbm>>
      tpu.wait_dma2 semaphore(%arg7 : memref<!tpu.dma_semaphore, #tpu.memory_space<semaphore_mem>>) src(%dma_wait3A_1884 : memref<8x128xf32, #tpu.memory_space<hbm>>) dst(%dma_wait3A_1881 : memref<8x128xf32, #tpu.memory_space<vmem>>)
      %dma_wait3A_1885 = arith.constant 192 : i32
      %dma_wait3A_1886 = arith.constant 0 : i32
      %dma_wait3A_1887 = tpu.memref_slice %arg5[%dma_wait3A_1885, %dma_wait3A_1886] : memref<256x128xf32, #tpu.memory_space<vmem>> -> memref<8x128xf32, #tpu.memory_space<vmem>>
      %dma_wait3A_1888 = arith.constant 24 : i32
      %dma_wait3A_1889 = tpu.memref_slice %arg2[%rem3A_1137, %dma_wait3A_1888, %add3A_1486] : memref<8x64x2048xf32, #tpu.memory_space<hbm>> -> memref<1x8x128xf32, #tpu.memory_space<hbm>>
      %dma_wait3A_1890 = tpu.memref_squeeze %dma_wait3A_1889 : memref<1x8x128xf32, #tpu.memory_space<hbm>> -> memref<8x128xf32, #tpu.memory_space<hbm>>
      %dma_wait3A_1891 = arith.constant 192 : i32
      %dma_wait3A_1892 = arith.constant 0 : i32
      %dma_wait3A_1893 = tpu.memref_slice %arg5[%dma_wait3A_1891, %dma_wait3A_1892] : memref<256x128xf32, #tpu.memory_space<vmem>> -> memref<8x128xf32, #tpu.memory_space<vmem>>
      %dma_wait3A_1894 = arith.constant 24 : i32
      %dma_wait3A_1895 = tpu.memref_slice %arg2[%rem3A_1137, %dma_wait3A_1894, %add3A_1486] : memref<8x64x2048xf32, #tpu.memory_space<hbm>> -> memref<1x8x128xf32, #tpu.memory_space<hbm>>
      %dma_wait3A_1896 = tpu.memref_squeeze %dma_wait3A_1895 : memref<1x8x128xf32, #tpu.memory_space<hbm>> -> memref<8x128xf32, #tpu.memory_space<hbm>>
      tpu.wait_dma2 semaphore(%arg7 : memref<!tpu.dma_semaphore, #tpu.memory_space<semaphore_mem>>) src(%dma_wait3A_1896 : memref<8x128xf32, #tpu.memory_space<hbm>>) dst(%dma_wait3A_1893 : memref<8x128xf32, #tpu.memory_space<vmem>>)
      %dma_wait3A_1897 = arith.constant 200 : i32
      %dma_wait3A_1898 = arith.constant 0 : i32
      %dma_wait3A_1899 = tpu.memref_slice %arg5[%dma_wait3A_1897, %dma_wait3A_1898] : memref<256x128xf32, #tpu.memory_space<vmem>> -> memref<8x128xf32, #tpu.memory_space<vmem>>
      %dma_wait3A_1900 = arith.constant 24 : i32
      %dma_wait3A_1901 = tpu.memref_slice %arg2[%rem3A_1137, %dma_wait3A_1900, %add3A_1500] : memref<8x64x2048xf32, #tpu.memory_space<hbm>> -> memref<1x8x128xf32, #tpu.memory_space<hbm>>
      %dma_wait3A_1902 = tpu.memref_squeeze %dma_wait3A_1901 : memref<1x8x128xf32, #tpu.memory_space<hbm>> -> memref<8x128xf32, #tpu.memory_space<hbm>>
      %dma_wait3A_1903 = arith.constant 200 : i32
      %dma_wait3A_1904 = arith.constant 0 : i32
      %dma_wait3A_1905 = tpu.memref_slice %arg5[%dma_wait3A_1903, %dma_wait3A_1904] : memref<256x128xf32, #tpu.memory_space<vmem>> -> memref<8x128xf32, #tpu.memory_space<vmem>>
      %dma_wait3A_1906 = arith.constant 24 : i32
      %dma_wait3A_1907 = tpu.memref_slice %arg2[%rem3A_1137, %dma_wait3A_1906, %add3A_1500] : memref<8x64x2048xf32, #tpu.memory_space<hbm>> -> memref<1x8x128xf32, #tpu.memory_space<hbm>>
      %dma_wait3A_1908 = tpu.memref_squeeze %dma_wait3A_1907 : memref<1x8x128xf32, #tpu.memory_space<hbm>> -> memref<8x128xf32, #tpu.memory_space<hbm>>
      tpu.wait_dma2 semaphore(%arg7 : memref<!tpu.dma_semaphore, #tpu.memory_space<semaphore_mem>>) src(%dma_wait3A_1908 : memref<8x128xf32, #tpu.memory_space<hbm>>) dst(%dma_wait3A_1905 : memref<8x128xf32, #tpu.memory_space<vmem>>)
      %dma_wait3A_1909 = arith.constant 208 : i32
      %dma_wait3A_1910 = arith.constant 0 : i32
      %dma_wait3A_1911 = tpu.memref_slice %arg5[%dma_wait3A_1909, %dma_wait3A_1910] : memref<256x128xf32, #tpu.memory_space<vmem>> -> memref<8x128xf32, #tpu.memory_space<vmem>>
      %dma_wait3A_1912 = arith.constant 24 : i32
      %dma_wait3A_1913 = tpu.memref_slice %arg2[%rem3A_1137, %dma_wait3A_1912, %add3A_1514] : memref<8x64x2048xf32, #tpu.memory_space<hbm>> -> memref<1x8x128xf32, #tpu.memory_space<hbm>>
      %dma_wait3A_1914 = tpu.memref_squeeze %dma_wait3A_1913 : memref<1x8x128xf32, #tpu.memory_space<hbm>> -> memref<8x128xf32, #tpu.memory_space<hbm>>
      %dma_wait3A_1915 = arith.constant 208 : i32
      %dma_wait3A_1916 = arith.constant 0 : i32
      %dma_wait3A_1917 = tpu.memref_slice %arg5[%dma_wait3A_1915, %dma_wait3A_1916] : memref<256x128xf32, #tpu.memory_space<vmem>> -> memref<8x128xf32, #tpu.memory_space<vmem>>
      %dma_wait3A_1918 = arith.constant 24 : i32
      %dma_wait3A_1919 = tpu.memref_slice %arg2[%rem3A_1137, %dma_wait3A_1918, %add3A_1514] : memref<8x64x2048xf32, #tpu.memory_space<hbm>> -> memref<1x8x128xf32, #tpu.memory_space<hbm>>
      %dma_wait3A_1920 = tpu.memref_squeeze %dma_wait3A_1919 : memref<1x8x128xf32, #tpu.memory_space<hbm>> -> memref<8x128xf32, #tpu.memory_space<hbm>>
      tpu.wait_dma2 semaphore(%arg7 : memref<!tpu.dma_semaphore, #tpu.memory_space<semaphore_mem>>) src(%dma_wait3A_1920 : memref<8x128xf32, #tpu.memory_space<hbm>>) dst(%dma_wait3A_1917 : memref<8x128xf32, #tpu.memory_space<vmem>>)
      %dma_wait3A_1921 = arith.constant 216 : i32
      %dma_wait3A_1922 = arith.constant 0 : i32
      %dma_wait3A_1923 = tpu.memref_slice %arg5[%dma_wait3A_1921, %dma_wait3A_1922] : memref<256x128xf32, #tpu.memory_space<vmem>> -> memref<8x128xf32, #tpu.memory_space<vmem>>
      %dma_wait3A_1924 = arith.constant 24 : i32
      %dma_wait3A_1925 = tpu.memref_slice %arg2[%rem3A_1137, %dma_wait3A_1924, %add3A_1528] : memref<8x64x2048xf32, #tpu.memory_space<hbm>> -> memref<1x8x128xf32, #tpu.memory_space<hbm>>
      %dma_wait3A_1926 = tpu.memref_squeeze %dma_wait3A_1925 : memref<1x8x128xf32, #tpu.memory_space<hbm>> -> memref<8x128xf32, #tpu.memory_space<hbm>>
      %dma_wait3A_1927 = arith.constant 216 : i32
      %dma_wait3A_1928 = arith.constant 0 : i32
      %dma_wait3A_1929 = tpu.memref_slice %arg5[%dma_wait3A_1927, %dma_wait3A_1928] : memref<256x128xf32, #tpu.memory_space<vmem>> -> memref<8x128xf32, #tpu.memory_space<vmem>>
      %dma_wait3A_1930 = arith.constant 24 : i32
      %dma_wait3A_1931 = tpu.memref_slice %arg2[%rem3A_1137, %dma_wait3A_1930, %add3A_1528] : memref<8x64x2048xf32, #tpu.memory_space<hbm>> -> memref<1x8x128xf32, #tpu.memory_space<hbm>>
      %dma_wait3A_1932 = tpu.memref_squeeze %dma_wait3A_1931 : memref<1x8x128xf32, #tpu.memory_space<hbm>> -> memref<8x128xf32, #tpu.memory_space<hbm>>
      tpu.wait_dma2 semaphore(%arg7 : memref<!tpu.dma_semaphore, #tpu.memory_space<semaphore_mem>>) src(%dma_wait3A_1932 : memref<8x128xf32, #tpu.memory_space<hbm>>) dst(%dma_wait3A_1929 : memref<8x128xf32, #tpu.memory_space<vmem>>)
      %dma_wait3A_1933 = arith.constant 224 : i32
      %dma_wait3A_1934 = arith.constant 0 : i32
      %dma_wait3A_1935 = tpu.memref_slice %arg5[%dma_wait3A_1933, %dma_wait3A_1934] : memref<256x128xf32, #tpu.memory_space<vmem>> -> memref<8x128xf32, #tpu.memory_space<vmem>>
      %dma_wait3A_1936 = arith.constant 24 : i32
      %dma_wait3A_1937 = tpu.memref_slice %arg2[%rem3A_1137, %dma_wait3A_1936, %add3A_1542] : memref<8x64x2048xf32, #tpu.memory_space<hbm>> -> memref<1x8x128xf32, #tpu.memory_space<hbm>>
      %dma_wait3A_1938 = tpu.memref_squeeze %dma_wait3A_1937 : memref<1x8x128xf32, #tpu.memory_space<hbm>> -> memref<8x128xf32, #tpu.memory_space<hbm>>
      %dma_wait3A_1939 = arith.constant 224 : i32
      %dma_wait3A_1940 = arith.constant 0 : i32
      %dma_wait3A_1941 = tpu.memref_slice %arg5[%dma_wait3A_1939, %dma_wait3A_1940] : memref<256x128xf32, #tpu.memory_space<vmem>> -> memref<8x128xf32, #tpu.memory_space<vmem>>
      %dma_wait3A_1942 = arith.constant 24 : i32
      %dma_wait3A_1943 = tpu.memref_slice %arg2[%rem3A_1137, %dma_wait3A_1942, %add3A_1542] : memref<8x64x2048xf32, #tpu.memory_space<hbm>> -> memref<1x8x128xf32, #tpu.memory_space<hbm>>
      %dma_wait3A_1944 = tpu.memref_squeeze %dma_wait3A_1943 : memref<1x8x128xf32, #tpu.memory_space<hbm>> -> memref<8x128xf32, #tpu.memory_space<hbm>>
      tpu.wait_dma2 semaphore(%arg7 : memref<!tpu.dma_semaphore, #tpu.memory_space<semaphore_mem>>) src(%dma_wait3A_1944 : memref<8x128xf32, #tpu.memory_space<hbm>>) dst(%dma_wait3A_1941 : memref<8x128xf32, #tpu.memory_space<vmem>>)
      %dma_wait3A_1945 = arith.constant 232 : i32
      %dma_wait3A_1946 = arith.constant 0 : i32
      %dma_wait3A_1947 = tpu.memref_slice %arg5[%dma_wait3A_1945, %dma_wait3A_1946] : memref<256x128xf32, #tpu.memory_space<vmem>> -> memref<8x128xf32, #tpu.memory_space<vmem>>
      %dma_wait3A_1948 = arith.constant 24 : i32
      %dma_wait3A_1949 = tpu.memref_slice %arg2[%rem3A_1137, %dma_wait3A_1948, %add3A_1556] : memref<8x64x2048xf32, #tpu.memory_space<hbm>> -> memref<1x8x128xf32, #tpu.memory_space<hbm>>
      %dma_wait3A_1950 = tpu.memref_squeeze %dma_wait3A_1949 : memref<1x8x128xf32, #tpu.memory_space<hbm>> -> memref<8x128xf32, #tpu.memory_space<hbm>>
      %dma_wait3A_1951 = arith.constant 232 : i32
      %dma_wait3A_1952 = arith.constant 0 : i32
      %dma_wait3A_1953 = tpu.memref_slice %arg5[%dma_wait3A_1951, %dma_wait3A_1952] : memref<256x128xf32, #tpu.memory_space<vmem>> -> memref<8x128xf32, #tpu.memory_space<vmem>>
      %dma_wait3A_1954 = arith.constant 24 : i32
      %dma_wait3A_1955 = tpu.memref_slice %arg2[%rem3A_1137, %dma_wait3A_1954, %add3A_1556] : memref<8x64x2048xf32, #tpu.memory_space<hbm>> -> memref<1x8x128xf32, #tpu.memory_space<hbm>>
      %dma_wait3A_1956 = tpu.memref_squeeze %dma_wait3A_1955 : memref<1x8x128xf32, #tpu.memory_space<hbm>> -> memref<8x128xf32, #tpu.memory_space<hbm>>
      tpu.wait_dma2 semaphore(%arg7 : memref<!tpu.dma_semaphore, #tpu.memory_space<semaphore_mem>>) src(%dma_wait3A_1956 : memref<8x128xf32, #tpu.memory_space<hbm>>) dst(%dma_wait3A_1953 : memref<8x128xf32, #tpu.memory_space<vmem>>)
      %dma_wait3A_1957 = arith.constant 240 : i32
      %dma_wait3A_1958 = arith.constant 0 : i32
      %dma_wait3A_1959 = tpu.memref_slice %arg5[%dma_wait3A_1957, %dma_wait3A_1958] : memref<256x128xf32, #tpu.memory_space<vmem>> -> memref<8x128xf32, #tpu.memory_space<vmem>>
      %dma_wait3A_1960 = arith.constant 24 : i32
      %dma_wait3A_1961 = tpu.memref_slice %arg2[%rem3A_1137, %dma_wait3A_1960, %add3A_1570] : memref<8x64x2048xf32, #tpu.memory_space<hbm>> -> memref<1x8x128xf32, #tpu.memory_space<hbm>>
      %dma_wait3A_1962 = tpu.memref_squeeze %dma_wait3A_1961 : memref<1x8x128xf32, #tpu.memory_space<hbm>> -> memref<8x128xf32, #tpu.memory_space<hbm>>
      %dma_wait3A_1963 = arith.constant 240 : i32
      %dma_wait3A_1964 = arith.constant 0 : i32
      %dma_wait3A_1965 = tpu.memref_slice %arg5[%dma_wait3A_1963, %dma_wait3A_1964] : memref<256x128xf32, #tpu.memory_space<vmem>> -> memref<8x128xf32, #tpu.memory_space<vmem>>
      %dma_wait3A_1966 = arith.constant 24 : i32
      %dma_wait3A_1967 = tpu.memref_slice %arg2[%rem3A_1137, %dma_wait3A_1966, %add3A_1570] : memref<8x64x2048xf32, #tpu.memory_space<hbm>> -> memref<1x8x128xf32, #tpu.memory_space<hbm>>
      %dma_wait3A_1968 = tpu.memref_squeeze %dma_wait3A_1967 : memref<1x8x128xf32, #tpu.memory_space<hbm>> -> memref<8x128xf32, #tpu.memory_space<hbm>>
      tpu.wait_dma2 semaphore(%arg7 : memref<!tpu.dma_semaphore, #tpu.memory_space<semaphore_mem>>) src(%dma_wait3A_1968 : memref<8x128xf32, #tpu.memory_space<hbm>>) dst(%dma_wait3A_1965 : memref<8x128xf32, #tpu.memory_space<vmem>>)
      %dma_wait3A_1969 = arith.constant 248 : i32
      %dma_wait3A_1970 = arith.constant 0 : i32
      %dma_wait3A_1971 = tpu.memref_slice %arg5[%dma_wait3A_1969, %dma_wait3A_1970] : memref<256x128xf32, #tpu.memory_space<vmem>> -> memref<8x128xf32, #tpu.memory_space<vmem>>
      %dma_wait3A_1972 = arith.constant 24 : i32
      %dma_wait3A_1973 = tpu.memref_slice %arg2[%rem3A_1137, %dma_wait3A_1972, %add3A_1584] : memref<8x64x2048xf32, #tpu.memory_space<hbm>> -> memref<1x8x128xf32, #tpu.memory_space<hbm>>
      %dma_wait3A_1974 = tpu.memref_squeeze %dma_wait3A_1973 : memref<1x8x128xf32, #tpu.memory_space<hbm>> -> memref<8x128xf32, #tpu.memory_space<hbm>>
      %dma_wait3A_1975 = arith.constant 248 : i32
      %dma_wait3A_1976 = arith.constant 0 : i32
      %dma_wait3A_1977 = tpu.memref_slice %arg5[%dma_wait3A_1975, %dma_wait3A_1976] : memref<256x128xf32, #tpu.memory_space<vmem>> -> memref<8x128xf32, #tpu.memory_space<vmem>>
      %dma_wait3A_1978 = arith.constant 24 : i32
      %dma_wait3A_1979 = tpu.memref_slice %arg2[%rem3A_1137, %dma_wait3A_1978, %add3A_1584] : memref<8x64x2048xf32, #tpu.memory_space<hbm>> -> memref<1x8x128xf32, #tpu.memory_space<hbm>>
      %dma_wait3A_1980 = tpu.memref_squeeze %dma_wait3A_1979 : memref<1x8x128xf32, #tpu.memory_space<hbm>> -> memref<8x128xf32, #tpu.memory_space<hbm>>
      tpu.wait_dma2 semaphore(%arg7 : memref<!tpu.dma_semaphore, #tpu.memory_space<semaphore_mem>>) src(%dma_wait3A_1980 : memref<8x128xf32, #tpu.memory_space<hbm>>) dst(%dma_wait3A_1977 : memref<8x128xf32, #tpu.memory_space<vmem>>)
      %dma_start3A_1981 = arith.constant 0 : i32
      %dma_start3A_1982 = tpu.memref_slice %arg3[%add3A_1143, %dma_start3A_1981] : memref<524288x128xf32, #tpu.memory_space<hbm>> -> memref<256x128xf32, #tpu.memory_space<hbm>>
      %dma_start3A_1983 = arith.constant 0 : i32
      %dma_start3A_1984 = tpu.memref_slice %arg3[%add3A_1143, %dma_start3A_1983] : memref<524288x128xf32, #tpu.memory_space<hbm>> -> memref<256x128xf32, #tpu.memory_space<hbm>>
      tpu.enqueue_dma source(%arg5 : memref<256x128xf32, #tpu.memory_space<vmem>>) target(%dma_start3A_1984 : memref<256x128xf32, #tpu.memory_space<hbm>>) target_semaphore(%arg8 : memref<!tpu.dma_semaphore, #tpu.memory_space<semaphore_mem>>)
      %mul3A_1985 = arith.constant 512 : i32
      %mul3A_1986 = arith.muli %add3A_1133, %mul3A_1985 : i32
      %add3A_1987 = arith.constant 256 : i32
      %add3A_1988 = arith.addi %mul3A_1986, %add3A_1987 : i32
      %gt3A_1989 = arith.constant 0 : i32
      %gt3A_1990 = arith.cmpi sgt, %scan3A_539, %gt3A_1989 : i32
      %convert_element_type3A_1991 = arith.extui %gt3A_1990 : i1 to i32
      %cond3A_1992 = arith.constant 0 : i32
      %cond3A_1993 = arith.cmpi ne, %convert_element_type3A_1991, %cond3A_1992 : i32
      scf.if %cond3A_1993 {
        %sub3A_2830 = arith.constant 1024 : i32
        %sub3A_2831 = arith.subi %add3A_1988, %sub3A_2830 : i32
        %dma_wait3A_2832 = arith.constant 0 : i32
        %dma_wait3A_2833 = tpu.memref_slice %arg3[%sub3A_2831, %dma_wait3A_2832] : memref<524288x128xf32, #tpu.memory_space<hbm>> -> memref<256x128xf32, #tpu.memory_space<hbm>>
        %dma_wait3A_2834 = arith.constant 0 : i32
        %dma_wait3A_2835 = tpu.memref_slice %arg3[%sub3A_2831, %dma_wait3A_2834] : memref<524288x128xf32, #tpu.memory_space<hbm>> -> memref<256x128xf32, #tpu.memory_space<hbm>>
        tpu.wait_dma2 semaphore(%arg9 : memref<!tpu.dma_semaphore, #tpu.memory_space<semaphore_mem>>) src(%arg6 : memref<256x128xf32, #tpu.memory_space<vmem>>) dst(%dma_wait3A_2835 : memref<256x128xf32, #tpu.memory_space<hbm>>)
      } else {
      }
      %add3A_1994 = arith.constant 0 : i32
      %add3A_1995 = arith.addi %multiple_of3A_1139, %add3A_1994 : i32
      %dma_start3A_1996 = arith.constant 0 : i32
      %dma_start3A_1997 = arith.constant 0 : i32
      %dma_start3A_1998 = tpu.memref_slice %arg6[%dma_start3A_1996, %dma_start3A_1997] : memref<256x128xf32, #tpu.memory_space<vmem>> -> memref<8x128xf32, #tpu.memory_space<vmem>>
      %dma_start3A_1999 = arith.constant 32 : i32
      %dma_start3A_2000 = tpu.memref_slice %arg2[%rem3A_1137, %dma_start3A_1999, %add3A_1995] : memref<8x64x2048xf32, #tpu.memory_space<hbm>> -> memref<1x8x128xf32, #tpu.memory_space<hbm>>
      %dma_start3A_2001 = tpu.memref_squeeze %dma_start3A_2000 : memref<1x8x128xf32, #tpu.memory_space<hbm>> -> memref<8x128xf32, #tpu.memory_space<hbm>>
      %dma_start3A_2002 = arith.constant 0 : i32
      %dma_start3A_2003 = arith.constant 0 : i32
      %dma_start3A_2004 = tpu.memref_slice %arg6[%dma_start3A_2002, %dma_start3A_2003] : memref<256x128xf32, #tpu.memory_space<vmem>> -> memref<8x128xf32, #tpu.memory_space<vmem>>
      %dma_start3A_2005 = arith.constant 32 : i32
      %dma_start3A_2006 = tpu.memref_slice %arg2[%rem3A_1137, %dma_start3A_2005, %add3A_1995] : memref<8x64x2048xf32, #tpu.memory_space<hbm>> -> memref<1x8x128xf32, #tpu.memory_space<hbm>>
      %dma_start3A_2007 = tpu.memref_squeeze %dma_start3A_2006 : memref<1x8x128xf32, #tpu.memory_space<hbm>> -> memref<8x128xf32, #tpu.memory_space<hbm>>
      tpu.enqueue_dma source(%dma_start3A_2007 : memref<8x128xf32, #tpu.memory_space<hbm>>) target(%dma_start3A_2004 : memref<8x128xf32, #tpu.memory_space<vmem>>) target_semaphore(%arg7 : memref<!tpu.dma_semaphore, #tpu.memory_space<semaphore_mem>>)
      %add3A_2008 = arith.constant 128 : i32
      %add3A_2009 = arith.addi %multiple_of3A_1139, %add3A_2008 : i32
      %dma_start3A_2010 = arith.constant 8 : i32
      %dma_start3A_2011 = arith.constant 0 : i32
      %dma_start3A_2012 = tpu.memref_slice %arg6[%dma_start3A_2010, %dma_start3A_2011] : memref<256x128xf32, #tpu.memory_space<vmem>> -> memref<8x128xf32, #tpu.memory_space<vmem>>
      %dma_start3A_2013 = arith.constant 32 : i32
      %dma_start3A_2014 = tpu.memref_slice %arg2[%rem3A_1137, %dma_start3A_2013, %add3A_2009] : memref<8x64x2048xf32, #tpu.memory_space<hbm>> -> memref<1x8x128xf32, #tpu.memory_space<hbm>>
      %dma_start3A_2015 = tpu.memref_squeeze %dma_start3A_2014 : memref<1x8x128xf32, #tpu.memory_space<hbm>> -> memref<8x128xf32, #tpu.memory_space<hbm>>
      %dma_start3A_2016 = arith.constant 8 : i32
      %dma_start3A_2017 = arith.constant 0 : i32
      %dma_start3A_2018 = tpu.memref_slice %arg6[%dma_start3A_2016, %dma_start3A_2017] : memref<256x128xf32, #tpu.memory_space<vmem>> -> memref<8x128xf32, #tpu.memory_space<vmem>>
      %dma_start3A_2019 = arith.constant 32 : i32
      %dma_start3A_2020 = tpu.memref_slice %arg2[%rem3A_1137, %dma_start3A_2019, %add3A_2009] : memref<8x64x2048xf32, #tpu.memory_space<hbm>> -> memref<1x8x128xf32, #tpu.memory_space<hbm>>
      %dma_start3A_2021 = tpu.memref_squeeze %dma_start3A_2020 : memref<1x8x128xf32, #tpu.memory_space<hbm>> -> memref<8x128xf32, #tpu.memory_space<hbm>>
      tpu.enqueue_dma source(%dma_start3A_2021 : memref<8x128xf32, #tpu.memory_space<hbm>>) target(%dma_start3A_2018 : memref<8x128xf32, #tpu.memory_space<vmem>>) target_semaphore(%arg7 : memref<!tpu.dma_semaphore, #tpu.memory_space<semaphore_mem>>)
      %add3A_2022 = arith.constant 256 : i32
      %add3A_2023 = arith.addi %multiple_of3A_1139, %add3A_2022 : i32
      %dma_start3A_2024 = arith.constant 16 : i32
      %dma_start3A_2025 = arith.constant 0 : i32
      %dma_start3A_2026 = tpu.memref_slice %arg6[%dma_start3A_2024, %dma_start3A_2025] : memref<256x128xf32, #tpu.memory_space<vmem>> -> memref<8x128xf32, #tpu.memory_space<vmem>>
      %dma_start3A_2027 = arith.constant 32 : i32
      %dma_start3A_2028 = tpu.memref_slice %arg2[%rem3A_1137, %dma_start3A_2027, %add3A_2023] : memref<8x64x2048xf32, #tpu.memory_space<hbm>> -> memref<1x8x128xf32, #tpu.memory_space<hbm>>
      %dma_start3A_2029 = tpu.memref_squeeze %dma_start3A_2028 : memref<1x8x128xf32, #tpu.memory_space<hbm>> -> memref<8x128xf32, #tpu.memory_space<hbm>>
      %dma_start3A_2030 = arith.constant 16 : i32
      %dma_start3A_2031 = arith.constant 0 : i32
      %dma_start3A_2032 = tpu.memref_slice %arg6[%dma_start3A_2030, %dma_start3A_2031] : memref<256x128xf32, #tpu.memory_space<vmem>> -> memref<8x128xf32, #tpu.memory_space<vmem>>
      %dma_start3A_2033 = arith.constant 32 : i32
      %dma_start3A_2034 = tpu.memref_slice %arg2[%rem3A_1137, %dma_start3A_2033, %add3A_2023] : memref<8x64x2048xf32, #tpu.memory_space<hbm>> -> memref<1x8x128xf32, #tpu.memory_space<hbm>>
      %dma_start3A_2035 = tpu.memref_squeeze %dma_start3A_2034 : memref<1x8x128xf32, #tpu.memory_space<hbm>> -> memref<8x128xf32, #tpu.memory_space<hbm>>
      tpu.enqueue_dma source(%dma_start3A_2035 : memref<8x128xf32, #tpu.memory_space<hbm>>) target(%dma_start3A_2032 : memref<8x128xf32, #tpu.memory_space<vmem>>) target_semaphore(%arg7 : memref<!tpu.dma_semaphore, #tpu.memory_space<semaphore_mem>>)
      %add3A_2036 = arith.constant 384 : i32
      %add3A_2037 = arith.addi %multiple_of3A_1139, %add3A_2036 : i32
      %dma_start3A_2038 = arith.constant 24 : i32
      %dma_start3A_2039 = arith.constant 0 : i32
      %dma_start3A_2040 = tpu.memref_slice %arg6[%dma_start3A_2038, %dma_start3A_2039] : memref<256x128xf32, #tpu.memory_space<vmem>> -> memref<8x128xf32, #tpu.memory_space<vmem>>
      %dma_start3A_2041 = arith.constant 32 : i32
      %dma_start3A_2042 = tpu.memref_slice %arg2[%rem3A_1137, %dma_start3A_2041, %add3A_2037] : memref<8x64x2048xf32, #tpu.memory_space<hbm>> -> memref<1x8x128xf32, #tpu.memory_space<hbm>>
      %dma_start3A_2043 = tpu.memref_squeeze %dma_start3A_2042 : memref<1x8x128xf32, #tpu.memory_space<hbm>> -> memref<8x128xf32, #tpu.memory_space<hbm>>
      %dma_start3A_2044 = arith.constant 24 : i32
      %dma_start3A_2045 = arith.constant 0 : i32
      %dma_start3A_2046 = tpu.memref_slice %arg6[%dma_start3A_2044, %dma_start3A_2045] : memref<256x128xf32, #tpu.memory_space<vmem>> -> memref<8x128xf32, #tpu.memory_space<vmem>>
      %dma_start3A_2047 = arith.constant 32 : i32
      %dma_start3A_2048 = tpu.memref_slice %arg2[%rem3A_1137, %dma_start3A_2047, %add3A_2037] : memref<8x64x2048xf32, #tpu.memory_space<hbm>> -> memref<1x8x128xf32, #tpu.memory_space<hbm>>
      %dma_start3A_2049 = tpu.memref_squeeze %dma_start3A_2048 : memref<1x8x128xf32, #tpu.memory_space<hbm>> -> memref<8x128xf32, #tpu.memory_space<hbm>>
      tpu.enqueue_dma source(%dma_start3A_2049 : memref<8x128xf32, #tpu.memory_space<hbm>>) target(%dma_start3A_2046 : memref<8x128xf32, #tpu.memory_space<vmem>>) target_semaphore(%arg7 : memref<!tpu.dma_semaphore, #tpu.memory_space<semaphore_mem>>)
      %add3A_2050 = arith.constant 512 : i32
      %add3A_2051 = arith.addi %multiple_of3A_1139, %add3A_2050 : i32
      %dma_start3A_2052 = arith.constant 32 : i32
      %dma_start3A_2053 = arith.constant 0 : i32
      %dma_start3A_2054 = tpu.memref_slice %arg6[%dma_start3A_2052, %dma_start3A_2053] : memref<256x128xf32, #tpu.memory_space<vmem>> -> memref<8x128xf32, #tpu.memory_space<vmem>>
      %dma_start3A_2055 = arith.constant 32 : i32
      %dma_start3A_2056 = tpu.memref_slice %arg2[%rem3A_1137, %dma_start3A_2055, %add3A_2051] : memref<8x64x2048xf32, #tpu.memory_space<hbm>> -> memref<1x8x128xf32, #tpu.memory_space<hbm>>
      %dma_start3A_2057 = tpu.memref_squeeze %dma_start3A_2056 : memref<1x8x128xf32, #tpu.memory_space<hbm>> -> memref<8x128xf32, #tpu.memory_space<hbm>>
      %dma_start3A_2058 = arith.constant 32 : i32
      %dma_start3A_2059 = arith.constant 0 : i32
      %dma_start3A_2060 = tpu.memref_slice %arg6[%dma_start3A_2058, %dma_start3A_2059] : memref<256x128xf32, #tpu.memory_space<vmem>> -> memref<8x128xf32, #tpu.memory_space<vmem>>
      %dma_start3A_2061 = arith.constant 32 : i32
      %dma_start3A_2062 = tpu.memref_slice %arg2[%rem3A_1137, %dma_start3A_2061, %add3A_2051] : memref<8x64x2048xf32, #tpu.memory_space<hbm>> -> memref<1x8x128xf32, #tpu.memory_space<hbm>>
      %dma_start3A_2063 = tpu.memref_squeeze %dma_start3A_2062 : memref<1x8x128xf32, #tpu.memory_space<hbm>> -> memref<8x128xf32, #tpu.memory_space<hbm>>
      tpu.enqueue_dma source(%dma_start3A_2063 : memref<8x128xf32, #tpu.memory_space<hbm>>) target(%dma_start3A_2060 : memref<8x128xf32, #tpu.memory_space<vmem>>) target_semaphore(%arg7 : memref<!tpu.dma_semaphore, #tpu.memory_space<semaphore_mem>>)
      %add3A_2064 = arith.constant 640 : i32
      %add3A_2065 = arith.addi %multiple_of3A_1139, %add3A_2064 : i32
      %dma_start3A_2066 = arith.constant 40 : i32
      %dma_start3A_2067 = arith.constant 0 : i32
      %dma_start3A_2068 = tpu.memref_slice %arg6[%dma_start3A_2066, %dma_start3A_2067] : memref<256x128xf32, #tpu.memory_space<vmem>> -> memref<8x128xf32, #tpu.memory_space<vmem>>
      %dma_start3A_2069 = arith.constant 32 : i32
      %dma_start3A_2070 = tpu.memref_slice %arg2[%rem3A_1137, %dma_start3A_2069, %add3A_2065] : memref<8x64x2048xf32, #tpu.memory_space<hbm>> -> memref<1x8x128xf32, #tpu.memory_space<hbm>>
      %dma_start3A_2071 = tpu.memref_squeeze %dma_start3A_2070 : memref<1x8x128xf32, #tpu.memory_space<hbm>> -> memref<8x128xf32, #tpu.memory_space<hbm>>
      %dma_start3A_2072 = arith.constant 40 : i32
      %dma_start3A_2073 = arith.constant 0 : i32
      %dma_start3A_2074 = tpu.memref_slice %arg6[%dma_start3A_2072, %dma_start3A_2073] : memref<256x128xf32, #tpu.memory_space<vmem>> -> memref<8x128xf32, #tpu.memory_space<vmem>>
      %dma_start3A_2075 = arith.constant 32 : i32
      %dma_start3A_2076 = tpu.memref_slice %arg2[%rem3A_1137, %dma_start3A_2075, %add3A_2065] : memref<8x64x2048xf32, #tpu.memory_space<hbm>> -> memref<1x8x128xf32, #tpu.memory_space<hbm>>
      %dma_start3A_2077 = tpu.memref_squeeze %dma_start3A_2076 : memref<1x8x128xf32, #tpu.memory_space<hbm>> -> memref<8x128xf32, #tpu.memory_space<hbm>>
      tpu.enqueue_dma source(%dma_start3A_2077 : memref<8x128xf32, #tpu.memory_space<hbm>>) target(%dma_start3A_2074 : memref<8x128xf32, #tpu.memory_space<vmem>>) target_semaphore(%arg7 : memref<!tpu.dma_semaphore, #tpu.memory_space<semaphore_mem>>)
      %add3A_2078 = arith.constant 768 : i32
      %add3A_2079 = arith.addi %multiple_of3A_1139, %add3A_2078 : i32
      %dma_start3A_2080 = arith.constant 48 : i32
      %dma_start3A_2081 = arith.constant 0 : i32
      %dma_start3A_2082 = tpu.memref_slice %arg6[%dma_start3A_2080, %dma_start3A_2081] : memref<256x128xf32, #tpu.memory_space<vmem>> -> memref<8x128xf32, #tpu.memory_space<vmem>>
      %dma_start3A_2083 = arith.constant 32 : i32
      %dma_start3A_2084 = tpu.memref_slice %arg2[%rem3A_1137, %dma_start3A_2083, %add3A_2079] : memref<8x64x2048xf32, #tpu.memory_space<hbm>> -> memref<1x8x128xf32, #tpu.memory_space<hbm>>
      %dma_start3A_2085 = tpu.memref_squeeze %dma_start3A_2084 : memref<1x8x128xf32, #tpu.memory_space<hbm>> -> memref<8x128xf32, #tpu.memory_space<hbm>>
      %dma_start3A_2086 = arith.constant 48 : i32
      %dma_start3A_2087 = arith.constant 0 : i32
      %dma_start3A_2088 = tpu.memref_slice %arg6[%dma_start3A_2086, %dma_start3A_2087] : memref<256x128xf32, #tpu.memory_space<vmem>> -> memref<8x128xf32, #tpu.memory_space<vmem>>
      %dma_start3A_2089 = arith.constant 32 : i32
      %dma_start3A_2090 = tpu.memref_slice %arg2[%rem3A_1137, %dma_start3A_2089, %add3A_2079] : memref<8x64x2048xf32, #tpu.memory_space<hbm>> -> memref<1x8x128xf32, #tpu.memory_space<hbm>>
      %dma_start3A_2091 = tpu.memref_squeeze %dma_start3A_2090 : memref<1x8x128xf32, #tpu.memory_space<hbm>> -> memref<8x128xf32, #tpu.memory_space<hbm>>
      tpu.enqueue_dma source(%dma_start3A_2091 : memref<8x128xf32, #tpu.memory_space<hbm>>) target(%dma_start3A_2088 : memref<8x128xf32, #tpu.memory_space<vmem>>) target_semaphore(%arg7 : memref<!tpu.dma_semaphore, #tpu.memory_space<semaphore_mem>>)
      %add3A_2092 = arith.constant 896 : i32
      %add3A_2093 = arith.addi %multiple_of3A_1139, %add3A_2092 : i32
      %dma_start3A_2094 = arith.constant 56 : i32
      %dma_start3A_2095 = arith.constant 0 : i32
      %dma_start3A_2096 = tpu.memref_slice %arg6[%dma_start3A_2094, %dma_start3A_2095] : memref<256x128xf32, #tpu.memory_space<vmem>> -> memref<8x128xf32, #tpu.memory_space<vmem>>
      %dma_start3A_2097 = arith.constant 32 : i32
      %dma_start3A_2098 = tpu.memref_slice %arg2[%rem3A_1137, %dma_start3A_2097, %add3A_2093] : memref<8x64x2048xf32, #tpu.memory_space<hbm>> -> memref<1x8x128xf32, #tpu.memory_space<hbm>>
      %dma_start3A_2099 = tpu.memref_squeeze %dma_start3A_2098 : memref<1x8x128xf32, #tpu.memory_space<hbm>> -> memref<8x128xf32, #tpu.memory_space<hbm>>
      %dma_start3A_2100 = arith.constant 56 : i32
      %dma_start3A_2101 = arith.constant 0 : i32
      %dma_start3A_2102 = tpu.memref_slice %arg6[%dma_start3A_2100, %dma_start3A_2101] : memref<256x128xf32, #tpu.memory_space<vmem>> -> memref<8x128xf32, #tpu.memory_space<vmem>>
      %dma_start3A_2103 = arith.constant 32 : i32
      %dma_start3A_2104 = tpu.memref_slice %arg2[%rem3A_1137, %dma_start3A_2103, %add3A_2093] : memref<8x64x2048xf32, #tpu.memory_space<hbm>> -> memref<1x8x128xf32, #tpu.memory_space<hbm>>
      %dma_start3A_2105 = tpu.memref_squeeze %dma_start3A_2104 : memref<1x8x128xf32, #tpu.memory_space<hbm>> -> memref<8x128xf32, #tpu.memory_space<hbm>>
      tpu.enqueue_dma source(%dma_start3A_2105 : memref<8x128xf32, #tpu.memory_space<hbm>>) target(%dma_start3A_2102 : memref<8x128xf32, #tpu.memory_space<vmem>>) target_semaphore(%arg7 : memref<!tpu.dma_semaphore, #tpu.memory_space<semaphore_mem>>)
      %add3A_2106 = arith.constant 0 : i32
      %add3A_2107 = arith.addi %multiple_of3A_1139, %add3A_2106 : i32
      %dma_start3A_2108 = arith.constant 64 : i32
      %dma_start3A_2109 = arith.constant 0 : i32
      %dma_start3A_2110 = tpu.memref_slice %arg6[%dma_start3A_2108, %dma_start3A_2109] : memref<256x128xf32, #tpu.memory_space<vmem>> -> memref<8x128xf32, #tpu.memory_space<vmem>>
      %dma_start3A_2111 = arith.constant 40 : i32
      %dma_start3A_2112 = tpu.memref_slice %arg2[%rem3A_1137, %dma_start3A_2111, %add3A_2107] : memref<8x64x2048xf32, #tpu.memory_space<hbm>> -> memref<1x8x128xf32, #tpu.memory_space<hbm>>
      %dma_start3A_2113 = tpu.memref_squeeze %dma_start3A_2112 : memref<1x8x128xf32, #tpu.memory_space<hbm>> -> memref<8x128xf32, #tpu.memory_space<hbm>>
      %dma_start3A_2114 = arith.constant 64 : i32
      %dma_start3A_2115 = arith.constant 0 : i32
      %dma_start3A_2116 = tpu.memref_slice %arg6[%dma_start3A_2114, %dma_start3A_2115] : memref<256x128xf32, #tpu.memory_space<vmem>> -> memref<8x128xf32, #tpu.memory_space<vmem>>
      %dma_start3A_2117 = arith.constant 40 : i32
      %dma_start3A_2118 = tpu.memref_slice %arg2[%rem3A_1137, %dma_start3A_2117, %add3A_2107] : memref<8x64x2048xf32, #tpu.memory_space<hbm>> -> memref<1x8x128xf32, #tpu.memory_space<hbm>>
      %dma_start3A_2119 = tpu.memref_squeeze %dma_start3A_2118 : memref<1x8x128xf32, #tpu.memory_space<hbm>> -> memref<8x128xf32, #tpu.memory_space<hbm>>
      tpu.enqueue_dma source(%dma_start3A_2119 : memref<8x128xf32, #tpu.memory_space<hbm>>) target(%dma_start3A_2116 : memref<8x128xf32, #tpu.memory_space<vmem>>) target_semaphore(%arg7 : memref<!tpu.dma_semaphore, #tpu.memory_space<semaphore_mem>>)
      %add3A_2120 = arith.constant 128 : i32
      %add3A_2121 = arith.addi %multiple_of3A_1139, %add3A_2120 : i32
      %dma_start3A_2122 = arith.constant 72 : i32
      %dma_start3A_2123 = arith.constant 0 : i32
      %dma_start3A_2124 = tpu.memref_slice %arg6[%dma_start3A_2122, %dma_start3A_2123] : memref<256x128xf32, #tpu.memory_space<vmem>> -> memref<8x128xf32, #tpu.memory_space<vmem>>
      %dma_start3A_2125 = arith.constant 40 : i32
      %dma_start3A_2126 = tpu.memref_slice %arg2[%rem3A_1137, %dma_start3A_2125, %add3A_2121] : memref<8x64x2048xf32, #tpu.memory_space<hbm>> -> memref<1x8x128xf32, #tpu.memory_space<hbm>>
      %dma_start3A_2127 = tpu.memref_squeeze %dma_start3A_2126 : memref<1x8x128xf32, #tpu.memory_space<hbm>> -> memref<8x128xf32, #tpu.memory_space<hbm>>
      %dma_start3A_2128 = arith.constant 72 : i32
      %dma_start3A_2129 = arith.constant 0 : i32
      %dma_start3A_2130 = tpu.memref_slice %arg6[%dma_start3A_2128, %dma_start3A_2129] : memref<256x128xf32, #tpu.memory_space<vmem>> -> memref<8x128xf32, #tpu.memory_space<vmem>>
      %dma_start3A_2131 = arith.constant 40 : i32
      %dma_start3A_2132 = tpu.memref_slice %arg2[%rem3A_1137, %dma_start3A_2131, %add3A_2121] : memref<8x64x2048xf32, #tpu.memory_space<hbm>> -> memref<1x8x128xf32, #tpu.memory_space<hbm>>
      %dma_start3A_2133 = tpu.memref_squeeze %dma_start3A_2132 : memref<1x8x128xf32, #tpu.memory_space<hbm>> -> memref<8x128xf32, #tpu.memory_space<hbm>>
      tpu.enqueue_dma source(%dma_start3A_2133 : memref<8x128xf32, #tpu.memory_space<hbm>>) target(%dma_start3A_2130 : memref<8x128xf32, #tpu.memory_space<vmem>>) target_semaphore(%arg7 : memref<!tpu.dma_semaphore, #tpu.memory_space<semaphore_mem>>)
      %add3A_2134 = arith.constant 256 : i32
      %add3A_2135 = arith.addi %multiple_of3A_1139, %add3A_2134 : i32
      %dma_start3A_2136 = arith.constant 80 : i32
      %dma_start3A_2137 = arith.constant 0 : i32
      %dma_start3A_2138 = tpu.memref_slice %arg6[%dma_start3A_2136, %dma_start3A_2137] : memref<256x128xf32, #tpu.memory_space<vmem>> -> memref<8x128xf32, #tpu.memory_space<vmem>>
      %dma_start3A_2139 = arith.constant 40 : i32
      %dma_start3A_2140 = tpu.memref_slice %arg2[%rem3A_1137, %dma_start3A_2139, %add3A_2135] : memref<8x64x2048xf32, #tpu.memory_space<hbm>> -> memref<1x8x128xf32, #tpu.memory_space<hbm>>
      %dma_start3A_2141 = tpu.memref_squeeze %dma_start3A_2140 : memref<1x8x128xf32, #tpu.memory_space<hbm>> -> memref<8x128xf32, #tpu.memory_space<hbm>>
      %dma_start3A_2142 = arith.constant 80 : i32
      %dma_start3A_2143 = arith.constant 0 : i32
      %dma_start3A_2144 = tpu.memref_slice %arg6[%dma_start3A_2142, %dma_start3A_2143] : memref<256x128xf32, #tpu.memory_space<vmem>> -> memref<8x128xf32, #tpu.memory_space<vmem>>
      %dma_start3A_2145 = arith.constant 40 : i32
      %dma_start3A_2146 = tpu.memref_slice %arg2[%rem3A_1137, %dma_start3A_2145, %add3A_2135] : memref<8x64x2048xf32, #tpu.memory_space<hbm>> -> memref<1x8x128xf32, #tpu.memory_space<hbm>>
      %dma_start3A_2147 = tpu.memref_squeeze %dma_start3A_2146 : memref<1x8x128xf32, #tpu.memory_space<hbm>> -> memref<8x128xf32, #tpu.memory_space<hbm>>
      tpu.enqueue_dma source(%dma_start3A_2147 : memref<8x128xf32, #tpu.memory_space<hbm>>) target(%dma_start3A_2144 : memref<8x128xf32, #tpu.memory_space<vmem>>) target_semaphore(%arg7 : memref<!tpu.dma_semaphore, #tpu.memory_space<semaphore_mem>>)
      %add3A_2148 = arith.constant 384 : i32
      %add3A_2149 = arith.addi %multiple_of3A_1139, %add3A_2148 : i32
      %dma_start3A_2150 = arith.constant 88 : i32
      %dma_start3A_2151 = arith.constant 0 : i32
      %dma_start3A_2152 = tpu.memref_slice %arg6[%dma_start3A_2150, %dma_start3A_2151] : memref<256x128xf32, #tpu.memory_space<vmem>> -> memref<8x128xf32, #tpu.memory_space<vmem>>
      %dma_start3A_2153 = arith.constant 40 : i32
      %dma_start3A_2154 = tpu.memref_slice %arg2[%rem3A_1137, %dma_start3A_2153, %add3A_2149] : memref<8x64x2048xf32, #tpu.memory_space<hbm>> -> memref<1x8x128xf32, #tpu.memory_space<hbm>>
      %dma_start3A_2155 = tpu.memref_squeeze %dma_start3A_2154 : memref<1x8x128xf32, #tpu.memory_space<hbm>> -> memref<8x128xf32, #tpu.memory_space<hbm>>
      %dma_start3A_2156 = arith.constant 88 : i32
      %dma_start3A_2157 = arith.constant 0 : i32
      %dma_start3A_2158 = tpu.memref_slice %arg6[%dma_start3A_2156, %dma_start3A_2157] : memref<256x128xf32, #tpu.memory_space<vmem>> -> memref<8x128xf32, #tpu.memory_space<vmem>>
      %dma_start3A_2159 = arith.constant 40 : i32
      %dma_start3A_2160 = tpu.memref_slice %arg2[%rem3A_1137, %dma_start3A_2159, %add3A_2149] : memref<8x64x2048xf32, #tpu.memory_space<hbm>> -> memref<1x8x128xf32, #tpu.memory_space<hbm>>
      %dma_start3A_2161 = tpu.memref_squeeze %dma_start3A_2160 : memref<1x8x128xf32, #tpu.memory_space<hbm>> -> memref<8x128xf32, #tpu.memory_space<hbm>>
      tpu.enqueue_dma source(%dma_start3A_2161 : memref<8x128xf32, #tpu.memory_space<hbm>>) target(%dma_start3A_2158 : memref<8x128xf32, #tpu.memory_space<vmem>>) target_semaphore(%arg7 : memref<!tpu.dma_semaphore, #tpu.memory_space<semaphore_mem>>)
      %add3A_2162 = arith.constant 512 : i32
      %add3A_2163 = arith.addi %multiple_of3A_1139, %add3A_2162 : i32
      %dma_start3A_2164 = arith.constant 96 : i32
      %dma_start3A_2165 = arith.constant 0 : i32
      %dma_start3A_2166 = tpu.memref_slice %arg6[%dma_start3A_2164, %dma_start3A_2165] : memref<256x128xf32, #tpu.memory_space<vmem>> -> memref<8x128xf32, #tpu.memory_space<vmem>>
      %dma_start3A_2167 = arith.constant 40 : i32
      %dma_start3A_2168 = tpu.memref_slice %arg2[%rem3A_1137, %dma_start3A_2167, %add3A_2163] : memref<8x64x2048xf32, #tpu.memory_space<hbm>> -> memref<1x8x128xf32, #tpu.memory_space<hbm>>
      %dma_start3A_2169 = tpu.memref_squeeze %dma_start3A_2168 : memref<1x8x128xf32, #tpu.memory_space<hbm>> -> memref<8x128xf32, #tpu.memory_space<hbm>>
      %dma_start3A_2170 = arith.constant 96 : i32
      %dma_start3A_2171 = arith.constant 0 : i32
      %dma_start3A_2172 = tpu.memref_slice %arg6[%dma_start3A_2170, %dma_start3A_2171] : memref<256x128xf32, #tpu.memory_space<vmem>> -> memref<8x128xf32, #tpu.memory_space<vmem>>
      %dma_start3A_2173 = arith.constant 40 : i32
      %dma_start3A_2174 = tpu.memref_slice %arg2[%rem3A_1137, %dma_start3A_2173, %add3A_2163] : memref<8x64x2048xf32, #tpu.memory_space<hbm>> -> memref<1x8x128xf32, #tpu.memory_space<hbm>>
      %dma_start3A_2175 = tpu.memref_squeeze %dma_start3A_2174 : memref<1x8x128xf32, #tpu.memory_space<hbm>> -> memref<8x128xf32, #tpu.memory_space<hbm>>
      tpu.enqueue_dma source(%dma_start3A_2175 : memref<8x128xf32, #tpu.memory_space<hbm>>) target(%dma_start3A_2172 : memref<8x128xf32, #tpu.memory_space<vmem>>) target_semaphore(%arg7 : memref<!tpu.dma_semaphore, #tpu.memory_space<semaphore_mem>>)
      %add3A_2176 = arith.constant 640 : i32
      %add3A_2177 = arith.addi %multiple_of3A_1139, %add3A_2176 : i32
      %dma_start3A_2178 = arith.constant 104 : i32
      %dma_start3A_2179 = arith.constant 0 : i32
      %dma_start3A_2180 = tpu.memref_slice %arg6[%dma_start3A_2178, %dma_start3A_2179] : memref<256x128xf32, #tpu.memory_space<vmem>> -> memref<8x128xf32, #tpu.memory_space<vmem>>
      %dma_start3A_2181 = arith.constant 40 : i32
      %dma_start3A_2182 = tpu.memref_slice %arg2[%rem3A_1137, %dma_start3A_2181, %add3A_2177] : memref<8x64x2048xf32, #tpu.memory_space<hbm>> -> memref<1x8x128xf32, #tpu.memory_space<hbm>>
      %dma_start3A_2183 = tpu.memref_squeeze %dma_start3A_2182 : memref<1x8x128xf32, #tpu.memory_space<hbm>> -> memref<8x128xf32, #tpu.memory_space<hbm>>
      %dma_start3A_2184 = arith.constant 104 : i32
      %dma_start3A_2185 = arith.constant 0 : i32
      %dma_start3A_2186 = tpu.memref_slice %arg6[%dma_start3A_2184, %dma_start3A_2185] : memref<256x128xf32, #tpu.memory_space<vmem>> -> memref<8x128xf32, #tpu.memory_space<vmem>>
      %dma_start3A_2187 = arith.constant 40 : i32
      %dma_start3A_2188 = tpu.memref_slice %arg2[%rem3A_1137, %dma_start3A_2187, %add3A_2177] : memref<8x64x2048xf32, #tpu.memory_space<hbm>> -> memref<1x8x128xf32, #tpu.memory_space<hbm>>
      %dma_start3A_2189 = tpu.memref_squeeze %dma_start3A_2188 : memref<1x8x128xf32, #tpu.memory_space<hbm>> -> memref<8x128xf32, #tpu.memory_space<hbm>>
      tpu.enqueue_dma source(%dma_start3A_2189 : memref<8x128xf32, #tpu.memory_space<hbm>>) target(%dma_start3A_2186 : memref<8x128xf32, #tpu.memory_space<vmem>>) target_semaphore(%arg7 : memref<!tpu.dma_semaphore, #tpu.memory_space<semaphore_mem>>)
      %add3A_2190 = arith.constant 768 : i32
      %add3A_2191 = arith.addi %multiple_of3A_1139, %add3A_2190 : i32
      %dma_start3A_2192 = arith.constant 112 : i32
      %dma_start3A_2193 = arith.constant 0 : i32
      %dma_start3A_2194 = tpu.memref_slice %arg6[%dma_start3A_2192, %dma_start3A_2193] : memref<256x128xf32, #tpu.memory_space<vmem>> -> memref<8x128xf32, #tpu.memory_space<vmem>>
      %dma_start3A_2195 = arith.constant 40 : i32
      %dma_start3A_2196 = tpu.memref_slice %arg2[%rem3A_1137, %dma_start3A_2195, %add3A_2191] : memref<8x64x2048xf32, #tpu.memory_space<hbm>> -> memref<1x8x128xf32, #tpu.memory_space<hbm>>
      %dma_start3A_2197 = tpu.memref_squeeze %dma_start3A_2196 : memref<1x8x128xf32, #tpu.memory_space<hbm>> -> memref<8x128xf32, #tpu.memory_space<hbm>>
      %dma_start3A_2198 = arith.constant 112 : i32
      %dma_start3A_2199 = arith.constant 0 : i32
      %dma_start3A_2200 = tpu.memref_slice %arg6[%dma_start3A_2198, %dma_start3A_2199] : memref<256x128xf32, #tpu.memory_space<vmem>> -> memref<8x128xf32, #tpu.memory_space<vmem>>
      %dma_start3A_2201 = arith.constant 40 : i32
      %dma_start3A_2202 = tpu.memref_slice %arg2[%rem3A_1137, %dma_start3A_2201, %add3A_2191] : memref<8x64x2048xf32, #tpu.memory_space<hbm>> -> memref<1x8x128xf32, #tpu.memory_space<hbm>>
      %dma_start3A_2203 = tpu.memref_squeeze %dma_start3A_2202 : memref<1x8x128xf32, #tpu.memory_space<hbm>> -> memref<8x128xf32, #tpu.memory_space<hbm>>
      tpu.enqueue_dma source(%dma_start3A_2203 : memref<8x128xf32, #tpu.memory_space<hbm>>) target(%dma_start3A_2200 : memref<8x128xf32, #tpu.memory_space<vmem>>) target_semaphore(%arg7 : memref<!tpu.dma_semaphore, #tpu.memory_space<semaphore_mem>>)
      %add3A_2204 = arith.constant 896 : i32
      %add3A_2205 = arith.addi %multiple_of3A_1139, %add3A_2204 : i32
      %dma_start3A_2206 = arith.constant 120 : i32
      %dma_start3A_2207 = arith.constant 0 : i32
      %dma_start3A_2208 = tpu.memref_slice %arg6[%dma_start3A_2206, %dma_start3A_2207] : memref<256x128xf32, #tpu.memory_space<vmem>> -> memref<8x128xf32, #tpu.memory_space<vmem>>
      %dma_start3A_2209 = arith.constant 40 : i32
      %dma_start3A_2210 = tpu.memref_slice %arg2[%rem3A_1137, %dma_start3A_2209, %add3A_2205] : memref<8x64x2048xf32, #tpu.memory_space<hbm>> -> memref<1x8x128xf32, #tpu.memory_space<hbm>>
      %dma_start3A_2211 = tpu.memref_squeeze %dma_start3A_2210 : memref<1x8x128xf32, #tpu.memory_space<hbm>> -> memref<8x128xf32, #tpu.memory_space<hbm>>
      %dma_start3A_2212 = arith.constant 120 : i32
      %dma_start3A_2213 = arith.constant 0 : i32
      %dma_start3A_2214 = tpu.memref_slice %arg6[%dma_start3A_2212, %dma_start3A_2213] : memref<256x128xf32, #tpu.memory_space<vmem>> -> memref<8x128xf32, #tpu.memory_space<vmem>>
      %dma_start3A_2215 = arith.constant 40 : i32
      %dma_start3A_2216 = tpu.memref_slice %arg2[%rem3A_1137, %dma_start3A_2215, %add3A_2205] : memref<8x64x2048xf32, #tpu.memory_space<hbm>> -> memref<1x8x128xf32, #tpu.memory_space<hbm>>
      %dma_start3A_2217 = tpu.memref_squeeze %dma_start3A_2216 : memref<1x8x128xf32, #tpu.memory_space<hbm>> -> memref<8x128xf32, #tpu.memory_space<hbm>>
      tpu.enqueue_dma source(%dma_start3A_2217 : memref<8x128xf32, #tpu.memory_space<hbm>>) target(%dma_start3A_2214 : memref<8x128xf32, #tpu.memory_space<vmem>>) target_semaphore(%arg7 : memref<!tpu.dma_semaphore, #tpu.memory_space<semaphore_mem>>)
      %add3A_2218 = arith.constant 0 : i32
      %add3A_2219 = arith.addi %multiple_of3A_1139, %add3A_2218 : i32
      %dma_start3A_2220 = arith.constant 128 : i32
      %dma_start3A_2221 = arith.constant 0 : i32
      %dma_start3A_2222 = tpu.memref_slice %arg6[%dma_start3A_2220, %dma_start3A_2221] : memref<256x128xf32, #tpu.memory_space<vmem>> -> memref<8x128xf32, #tpu.memory_space<vmem>>
      %dma_start3A_2223 = arith.constant 48 : i32
      %dma_start3A_2224 = tpu.memref_slice %arg2[%rem3A_1137, %dma_start3A_2223, %add3A_2219] : memref<8x64x2048xf32, #tpu.memory_space<hbm>> -> memref<1x8x128xf32, #tpu.memory_space<hbm>>
      %dma_start3A_2225 = tpu.memref_squeeze %dma_start3A_2224 : memref<1x8x128xf32, #tpu.memory_space<hbm>> -> memref<8x128xf32, #tpu.memory_space<hbm>>
      %dma_start3A_2226 = arith.constant 128 : i32
      %dma_start3A_2227 = arith.constant 0 : i32
      %dma_start3A_2228 = tpu.memref_slice %arg6[%dma_start3A_2226, %dma_start3A_2227] : memref<256x128xf32, #tpu.memory_space<vmem>> -> memref<8x128xf32, #tpu.memory_space<vmem>>
      %dma_start3A_2229 = arith.constant 48 : i32
      %dma_start3A_2230 = tpu.memref_slice %arg2[%rem3A_1137, %dma_start3A_2229, %add3A_2219] : memref<8x64x2048xf32, #tpu.memory_space<hbm>> -> memref<1x8x128xf32, #tpu.memory_space<hbm>>
      %dma_start3A_2231 = tpu.memref_squeeze %dma_start3A_2230 : memref<1x8x128xf32, #tpu.memory_space<hbm>> -> memref<8x128xf32, #tpu.memory_space<hbm>>
      tpu.enqueue_dma source(%dma_start3A_2231 : memref<8x128xf32, #tpu.memory_space<hbm>>) target(%dma_start3A_2228 : memref<8x128xf32, #tpu.memory_space<vmem>>) target_semaphore(%arg7 : memref<!tpu.dma_semaphore, #tpu.memory_space<semaphore_mem>>)
      %add3A_2232 = arith.constant 128 : i32
      %add3A_2233 = arith.addi %multiple_of3A_1139, %add3A_2232 : i32
      %dma_start3A_2234 = arith.constant 136 : i32
      %dma_start3A_2235 = arith.constant 0 : i32
      %dma_start3A_2236 = tpu.memref_slice %arg6[%dma_start3A_2234, %dma_start3A_2235] : memref<256x128xf32, #tpu.memory_space<vmem>> -> memref<8x128xf32, #tpu.memory_space<vmem>>
      %dma_start3A_2237 = arith.constant 48 : i32
      %dma_start3A_2238 = tpu.memref_slice %arg2[%rem3A_1137, %dma_start3A_2237, %add3A_2233] : memref<8x64x2048xf32, #tpu.memory_space<hbm>> -> memref<1x8x128xf32, #tpu.memory_space<hbm>>
      %dma_start3A_2239 = tpu.memref_squeeze %dma_start3A_2238 : memref<1x8x128xf32, #tpu.memory_space<hbm>> -> memref<8x128xf32, #tpu.memory_space<hbm>>
      %dma_start3A_2240 = arith.constant 136 : i32
      %dma_start3A_2241 = arith.constant 0 : i32
      %dma_start3A_2242 = tpu.memref_slice %arg6[%dma_start3A_2240, %dma_start3A_2241] : memref<256x128xf32, #tpu.memory_space<vmem>> -> memref<8x128xf32, #tpu.memory_space<vmem>>
      %dma_start3A_2243 = arith.constant 48 : i32
      %dma_start3A_2244 = tpu.memref_slice %arg2[%rem3A_1137, %dma_start3A_2243, %add3A_2233] : memref<8x64x2048xf32, #tpu.memory_space<hbm>> -> memref<1x8x128xf32, #tpu.memory_space<hbm>>
      %dma_start3A_2245 = tpu.memref_squeeze %dma_start3A_2244 : memref<1x8x128xf32, #tpu.memory_space<hbm>> -> memref<8x128xf32, #tpu.memory_space<hbm>>
      tpu.enqueue_dma source(%dma_start3A_2245 : memref<8x128xf32, #tpu.memory_space<hbm>>) target(%dma_start3A_2242 : memref<8x128xf32, #tpu.memory_space<vmem>>) target_semaphore(%arg7 : memref<!tpu.dma_semaphore, #tpu.memory_space<semaphore_mem>>)
      %add3A_2246 = arith.constant 256 : i32
      %add3A_2247 = arith.addi %multiple_of3A_1139, %add3A_2246 : i32
      %dma_start3A_2248 = arith.constant 144 : i32
      %dma_start3A_2249 = arith.constant 0 : i32
      %dma_start3A_2250 = tpu.memref_slice %arg6[%dma_start3A_2248, %dma_start3A_2249] : memref<256x128xf32, #tpu.memory_space<vmem>> -> memref<8x128xf32, #tpu.memory_space<vmem>>
      %dma_start3A_2251 = arith.constant 48 : i32
      %dma_start3A_2252 = tpu.memref_slice %arg2[%rem3A_1137, %dma_start3A_2251, %add3A_2247] : memref<8x64x2048xf32, #tpu.memory_space<hbm>> -> memref<1x8x128xf32, #tpu.memory_space<hbm>>
      %dma_start3A_2253 = tpu.memref_squeeze %dma_start3A_2252 : memref<1x8x128xf32, #tpu.memory_space<hbm>> -> memref<8x128xf32, #tpu.memory_space<hbm>>
      %dma_start3A_2254 = arith.constant 144 : i32
      %dma_start3A_2255 = arith.constant 0 : i32
      %dma_start3A_2256 = tpu.memref_slice %arg6[%dma_start3A_2254, %dma_start3A_2255] : memref<256x128xf32, #tpu.memory_space<vmem>> -> memref<8x128xf32, #tpu.memory_space<vmem>>
      %dma_start3A_2257 = arith.constant 48 : i32
      %dma_start3A_2258 = tpu.memref_slice %arg2[%rem3A_1137, %dma_start3A_2257, %add3A_2247] : memref<8x64x2048xf32, #tpu.memory_space<hbm>> -> memref<1x8x128xf32, #tpu.memory_space<hbm>>
      %dma_start3A_2259 = tpu.memref_squeeze %dma_start3A_2258 : memref<1x8x128xf32, #tpu.memory_space<hbm>> -> memref<8x128xf32, #tpu.memory_space<hbm>>
      tpu.enqueue_dma source(%dma_start3A_2259 : memref<8x128xf32, #tpu.memory_space<hbm>>) target(%dma_start3A_2256 : memref<8x128xf32, #tpu.memory_space<vmem>>) target_semaphore(%arg7 : memref<!tpu.dma_semaphore, #tpu.memory_space<semaphore_mem>>)
      %add3A_2260 = arith.constant 384 : i32
      %add3A_2261 = arith.addi %multiple_of3A_1139, %add3A_2260 : i32
      %dma_start3A_2262 = arith.constant 152 : i32
      %dma_start3A_2263 = arith.constant 0 : i32
      %dma_start3A_2264 = tpu.memref_slice %arg6[%dma_start3A_2262, %dma_start3A_2263] : memref<256x128xf32, #tpu.memory_space<vmem>> -> memref<8x128xf32, #tpu.memory_space<vmem>>
      %dma_start3A_2265 = arith.constant 48 : i32
      %dma_start3A_2266 = tpu.memref_slice %arg2[%rem3A_1137, %dma_start3A_2265, %add3A_2261] : memref<8x64x2048xf32, #tpu.memory_space<hbm>> -> memref<1x8x128xf32, #tpu.memory_space<hbm>>
      %dma_start3A_2267 = tpu.memref_squeeze %dma_start3A_2266 : memref<1x8x128xf32, #tpu.memory_space<hbm>> -> memref<8x128xf32, #tpu.memory_space<hbm>>
      %dma_start3A_2268 = arith.constant 152 : i32
      %dma_start3A_2269 = arith.constant 0 : i32
      %dma_start3A_2270 = tpu.memref_slice %arg6[%dma_start3A_2268, %dma_start3A_2269] : memref<256x128xf32, #tpu.memory_space<vmem>> -> memref<8x128xf32, #tpu.memory_space<vmem>>
      %dma_start3A_2271 = arith.constant 48 : i32
      %dma_start3A_2272 = tpu.memref_slice %arg2[%rem3A_1137, %dma_start3A_2271, %add3A_2261] : memref<8x64x2048xf32, #tpu.memory_space<hbm>> -> memref<1x8x128xf32, #tpu.memory_space<hbm>>
      %dma_start3A_2273 = tpu.memref_squeeze %dma_start3A_2272 : memref<1x8x128xf32, #tpu.memory_space<hbm>> -> memref<8x128xf32, #tpu.memory_space<hbm>>
      tpu.enqueue_dma source(%dma_start3A_2273 : memref<8x128xf32, #tpu.memory_space<hbm>>) target(%dma_start3A_2270 : memref<8x128xf32, #tpu.memory_space<vmem>>) target_semaphore(%arg7 : memref<!tpu.dma_semaphore, #tpu.memory_space<semaphore_mem>>)
      %add3A_2274 = arith.constant 512 : i32
      %add3A_2275 = arith.addi %multiple_of3A_1139, %add3A_2274 : i32
      %dma_start3A_2276 = arith.constant 160 : i32
      %dma_start3A_2277 = arith.constant 0 : i32
      %dma_start3A_2278 = tpu.memref_slice %arg6[%dma_start3A_2276, %dma_start3A_2277] : memref<256x128xf32, #tpu.memory_space<vmem>> -> memref<8x128xf32, #tpu.memory_space<vmem>>
      %dma_start3A_2279 = arith.constant 48 : i32
      %dma_start3A_2280 = tpu.memref_slice %arg2[%rem3A_1137, %dma_start3A_2279, %add3A_2275] : memref<8x64x2048xf32, #tpu.memory_space<hbm>> -> memref<1x8x128xf32, #tpu.memory_space<hbm>>
      %dma_start3A_2281 = tpu.memref_squeeze %dma_start3A_2280 : memref<1x8x128xf32, #tpu.memory_space<hbm>> -> memref<8x128xf32, #tpu.memory_space<hbm>>
      %dma_start3A_2282 = arith.constant 160 : i32
      %dma_start3A_2283 = arith.constant 0 : i32
      %dma_start3A_2284 = tpu.memref_slice %arg6[%dma_start3A_2282, %dma_start3A_2283] : memref<256x128xf32, #tpu.memory_space<vmem>> -> memref<8x128xf32, #tpu.memory_space<vmem>>
      %dma_start3A_2285 = arith.constant 48 : i32
      %dma_start3A_2286 = tpu.memref_slice %arg2[%rem3A_1137, %dma_start3A_2285, %add3A_2275] : memref<8x64x2048xf32, #tpu.memory_space<hbm>> -> memref<1x8x128xf32, #tpu.memory_space<hbm>>
      %dma_start3A_2287 = tpu.memref_squeeze %dma_start3A_2286 : memref<1x8x128xf32, #tpu.memory_space<hbm>> -> memref<8x128xf32, #tpu.memory_space<hbm>>
      tpu.enqueue_dma source(%dma_start3A_2287 : memref<8x128xf32, #tpu.memory_space<hbm>>) target(%dma_start3A_2284 : memref<8x128xf32, #tpu.memory_space<vmem>>) target_semaphore(%arg7 : memref<!tpu.dma_semaphore, #tpu.memory_space<semaphore_mem>>)
      %add3A_2288 = arith.constant 640 : i32
      %add3A_2289 = arith.addi %multiple_of3A_1139, %add3A_2288 : i32
      %dma_start3A_2290 = arith.constant 168 : i32
      %dma_start3A_2291 = arith.constant 0 : i32
      %dma_start3A_2292 = tpu.memref_slice %arg6[%dma_start3A_2290, %dma_start3A_2291] : memref<256x128xf32, #tpu.memory_space<vmem>> -> memref<8x128xf32, #tpu.memory_space<vmem>>
      %dma_start3A_2293 = arith.constant 48 : i32
      %dma_start3A_2294 = tpu.memref_slice %arg2[%rem3A_1137, %dma_start3A_2293, %add3A_2289] : memref<8x64x2048xf32, #tpu.memory_space<hbm>> -> memref<1x8x128xf32, #tpu.memory_space<hbm>>
      %dma_start3A_2295 = tpu.memref_squeeze %dma_start3A_2294 : memref<1x8x128xf32, #tpu.memory_space<hbm>> -> memref<8x128xf32, #tpu.memory_space<hbm>>
      %dma_start3A_2296 = arith.constant 168 : i32
      %dma_start3A_2297 = arith.constant 0 : i32
      %dma_start3A_2298 = tpu.memref_slice %arg6[%dma_start3A_2296, %dma_start3A_2297] : memref<256x128xf32, #tpu.memory_space<vmem>> -> memref<8x128xf32, #tpu.memory_space<vmem>>
      %dma_start3A_2299 = arith.constant 48 : i32
      %dma_start3A_2300 = tpu.memref_slice %arg2[%rem3A_1137, %dma_start3A_2299, %add3A_2289] : memref<8x64x2048xf32, #tpu.memory_space<hbm>> -> memref<1x8x128xf32, #tpu.memory_space<hbm>>
      %dma_start3A_2301 = tpu.memref_squeeze %dma_start3A_2300 : memref<1x8x128xf32, #tpu.memory_space<hbm>> -> memref<8x128xf32, #tpu.memory_space<hbm>>
      tpu.enqueue_dma source(%dma_start3A_2301 : memref<8x128xf32, #tpu.memory_space<hbm>>) target(%dma_start3A_2298 : memref<8x128xf32, #tpu.memory_space<vmem>>) target_semaphore(%arg7 : memref<!tpu.dma_semaphore, #tpu.memory_space<semaphore_mem>>)
      %add3A_2302 = arith.constant 768 : i32
      %add3A_2303 = arith.addi %multiple_of3A_1139, %add3A_2302 : i32
      %dma_start3A_2304 = arith.constant 176 : i32
      %dma_start3A_2305 = arith.constant 0 : i32
      %dma_start3A_2306 = tpu.memref_slice %arg6[%dma_start3A_2304, %dma_start3A_2305] : memref<256x128xf32, #tpu.memory_space<vmem>> -> memref<8x128xf32, #tpu.memory_space<vmem>>
      %dma_start3A_2307 = arith.constant 48 : i32
      %dma_start3A_2308 = tpu.memref_slice %arg2[%rem3A_1137, %dma_start3A_2307, %add3A_2303] : memref<8x64x2048xf32, #tpu.memory_space<hbm>> -> memref<1x8x128xf32, #tpu.memory_space<hbm>>
      %dma_start3A_2309 = tpu.memref_squeeze %dma_start3A_2308 : memref<1x8x128xf32, #tpu.memory_space<hbm>> -> memref<8x128xf32, #tpu.memory_space<hbm>>
      %dma_start3A_2310 = arith.constant 176 : i32
      %dma_start3A_2311 = arith.constant 0 : i32
      %dma_start3A_2312 = tpu.memref_slice %arg6[%dma_start3A_2310, %dma_start3A_2311] : memref<256x128xf32, #tpu.memory_space<vmem>> -> memref<8x128xf32, #tpu.memory_space<vmem>>
      %dma_start3A_2313 = arith.constant 48 : i32
      %dma_start3A_2314 = tpu.memref_slice %arg2[%rem3A_1137, %dma_start3A_2313, %add3A_2303] : memref<8x64x2048xf32, #tpu.memory_space<hbm>> -> memref<1x8x128xf32, #tpu.memory_space<hbm>>
      %dma_start3A_2315 = tpu.memref_squeeze %dma_start3A_2314 : memref<1x8x128xf32, #tpu.memory_space<hbm>> -> memref<8x128xf32, #tpu.memory_space<hbm>>
      tpu.enqueue_dma source(%dma_start3A_2315 : memref<8x128xf32, #tpu.memory_space<hbm>>) target(%dma_start3A_2312 : memref<8x128xf32, #tpu.memory_space<vmem>>) target_semaphore(%arg7 : memref<!tpu.dma_semaphore, #tpu.memory_space<semaphore_mem>>)
      %add3A_2316 = arith.constant 896 : i32
      %add3A_2317 = arith.addi %multiple_of3A_1139, %add3A_2316 : i32
      %dma_start3A_2318 = arith.constant 184 : i32
      %dma_start3A_2319 = arith.constant 0 : i32
      %dma_start3A_2320 = tpu.memref_slice %arg6[%dma_start3A_2318, %dma_start3A_2319] : memref<256x128xf32, #tpu.memory_space<vmem>> -> memref<8x128xf32, #tpu.memory_space<vmem>>
      %dma_start3A_2321 = arith.constant 48 : i32
      %dma_start3A_2322 = tpu.memref_slice %arg2[%rem3A_1137, %dma_start3A_2321, %add3A_2317] : memref<8x64x2048xf32, #tpu.memory_space<hbm>> -> memref<1x8x128xf32, #tpu.memory_space<hbm>>
      %dma_start3A_2323 = tpu.memref_squeeze %dma_start3A_2322 : memref<1x8x128xf32, #tpu.memory_space<hbm>> -> memref<8x128xf32, #tpu.memory_space<hbm>>
      %dma_start3A_2324 = arith.constant 184 : i32
      %dma_start3A_2325 = arith.constant 0 : i32
      %dma_start3A_2326 = tpu.memref_slice %arg6[%dma_start3A_2324, %dma_start3A_2325] : memref<256x128xf32, #tpu.memory_space<vmem>> -> memref<8x128xf32, #tpu.memory_space<vmem>>
      %dma_start3A_2327 = arith.constant 48 : i32
      %dma_start3A_2328 = tpu.memref_slice %arg2[%rem3A_1137, %dma_start3A_2327, %add3A_2317] : memref<8x64x2048xf32, #tpu.memory_space<hbm>> -> memref<1x8x128xf32, #tpu.memory_space<hbm>>
      %dma_start3A_2329 = tpu.memref_squeeze %dma_start3A_2328 : memref<1x8x128xf32, #tpu.memory_space<hbm>> -> memref<8x128xf32, #tpu.memory_space<hbm>>
      tpu.enqueue_dma source(%dma_start3A_2329 : memref<8x128xf32, #tpu.memory_space<hbm>>) target(%dma_start3A_2326 : memref<8x128xf32, #tpu.memory_space<vmem>>) target_semaphore(%arg7 : memref<!tpu.dma_semaphore, #tpu.memory_space<semaphore_mem>>)
      %add3A_2330 = arith.constant 0 : i32
      %add3A_2331 = arith.addi %multiple_of3A_1139, %add3A_2330 : i32
      %dma_start3A_2332 = arith.constant 192 : i32
      %dma_start3A_2333 = arith.constant 0 : i32
      %dma_start3A_2334 = tpu.memref_slice %arg6[%dma_start3A_2332, %dma_start3A_2333] : memref<256x128xf32, #tpu.memory_space<vmem>> -> memref<8x128xf32, #tpu.memory_space<vmem>>
      %dma_start3A_2335 = arith.constant 56 : i32
      %dma_start3A_2336 = tpu.memref_slice %arg2[%rem3A_1137, %dma_start3A_2335, %add3A_2331] : memref<8x64x2048xf32, #tpu.memory_space<hbm>> -> memref<1x8x128xf32, #tpu.memory_space<hbm>>
      %dma_start3A_2337 = tpu.memref_squeeze %dma_start3A_2336 : memref<1x8x128xf32, #tpu.memory_space<hbm>> -> memref<8x128xf32, #tpu.memory_space<hbm>>
      %dma_start3A_2338 = arith.constant 192 : i32
      %dma_start3A_2339 = arith.constant 0 : i32
      %dma_start3A_2340 = tpu.memref_slice %arg6[%dma_start3A_2338, %dma_start3A_2339] : memref<256x128xf32, #tpu.memory_space<vmem>> -> memref<8x128xf32, #tpu.memory_space<vmem>>
      %dma_start3A_2341 = arith.constant 56 : i32
      %dma_start3A_2342 = tpu.memref_slice %arg2[%rem3A_1137, %dma_start3A_2341, %add3A_2331] : memref<8x64x2048xf32, #tpu.memory_space<hbm>> -> memref<1x8x128xf32, #tpu.memory_space<hbm>>
      %dma_start3A_2343 = tpu.memref_squeeze %dma_start3A_2342 : memref<1x8x128xf32, #tpu.memory_space<hbm>> -> memref<8x128xf32, #tpu.memory_space<hbm>>
      tpu.enqueue_dma source(%dma_start3A_2343 : memref<8x128xf32, #tpu.memory_space<hbm>>) target(%dma_start3A_2340 : memref<8x128xf32, #tpu.memory_space<vmem>>) target_semaphore(%arg7 : memref<!tpu.dma_semaphore, #tpu.memory_space<semaphore_mem>>)
      %add3A_2344 = arith.constant 128 : i32
      %add3A_2345 = arith.addi %multiple_of3A_1139, %add3A_2344 : i32
      %dma_start3A_2346 = arith.constant 200 : i32
      %dma_start3A_2347 = arith.constant 0 : i32
      %dma_start3A_2348 = tpu.memref_slice %arg6[%dma_start3A_2346, %dma_start3A_2347] : memref<256x128xf32, #tpu.memory_space<vmem>> -> memref<8x128xf32, #tpu.memory_space<vmem>>
      %dma_start3A_2349 = arith.constant 56 : i32
      %dma_start3A_2350 = tpu.memref_slice %arg2[%rem3A_1137, %dma_start3A_2349, %add3A_2345] : memref<8x64x2048xf32, #tpu.memory_space<hbm>> -> memref<1x8x128xf32, #tpu.memory_space<hbm>>
      %dma_start3A_2351 = tpu.memref_squeeze %dma_start3A_2350 : memref<1x8x128xf32, #tpu.memory_space<hbm>> -> memref<8x128xf32, #tpu.memory_space<hbm>>
      %dma_start3A_2352 = arith.constant 200 : i32
      %dma_start3A_2353 = arith.constant 0 : i32
      %dma_start3A_2354 = tpu.memref_slice %arg6[%dma_start3A_2352, %dma_start3A_2353] : memref<256x128xf32, #tpu.memory_space<vmem>> -> memref<8x128xf32, #tpu.memory_space<vmem>>
      %dma_start3A_2355 = arith.constant 56 : i32
      %dma_start3A_2356 = tpu.memref_slice %arg2[%rem3A_1137, %dma_start3A_2355, %add3A_2345] : memref<8x64x2048xf32, #tpu.memory_space<hbm>> -> memref<1x8x128xf32, #tpu.memory_space<hbm>>
      %dma_start3A_2357 = tpu.memref_squeeze %dma_start3A_2356 : memref<1x8x128xf32, #tpu.memory_space<hbm>> -> memref<8x128xf32, #tpu.memory_space<hbm>>
      tpu.enqueue_dma source(%dma_start3A_2357 : memref<8x128xf32, #tpu.memory_space<hbm>>) target(%dma_start3A_2354 : memref<8x128xf32, #tpu.memory_space<vmem>>) target_semaphore(%arg7 : memref<!tpu.dma_semaphore, #tpu.memory_space<semaphore_mem>>)
      %add3A_2358 = arith.constant 256 : i32
      %add3A_2359 = arith.addi %multiple_of3A_1139, %add3A_2358 : i32
      %dma_start3A_2360 = arith.constant 208 : i32
      %dma_start3A_2361 = arith.constant 0 : i32
      %dma_start3A_2362 = tpu.memref_slice %arg6[%dma_start3A_2360, %dma_start3A_2361] : memref<256x128xf32, #tpu.memory_space<vmem>> -> memref<8x128xf32, #tpu.memory_space<vmem>>
      %dma_start3A_2363 = arith.constant 56 : i32
      %dma_start3A_2364 = tpu.memref_slice %arg2[%rem3A_1137, %dma_start3A_2363, %add3A_2359] : memref<8x64x2048xf32, #tpu.memory_space<hbm>> -> memref<1x8x128xf32, #tpu.memory_space<hbm>>
      %dma_start3A_2365 = tpu.memref_squeeze %dma_start3A_2364 : memref<1x8x128xf32, #tpu.memory_space<hbm>> -> memref<8x128xf32, #tpu.memory_space<hbm>>
      %dma_start3A_2366 = arith.constant 208 : i32
      %dma_start3A_2367 = arith.constant 0 : i32
      %dma_start3A_2368 = tpu.memref_slice %arg6[%dma_start3A_2366, %dma_start3A_2367] : memref<256x128xf32, #tpu.memory_space<vmem>> -> memref<8x128xf32, #tpu.memory_space<vmem>>
      %dma_start3A_2369 = arith.constant 56 : i32
      %dma_start3A_2370 = tpu.memref_slice %arg2[%rem3A_1137, %dma_start3A_2369, %add3A_2359] : memref<8x64x2048xf32, #tpu.memory_space<hbm>> -> memref<1x8x128xf32, #tpu.memory_space<hbm>>
      %dma_start3A_2371 = tpu.memref_squeeze %dma_start3A_2370 : memref<1x8x128xf32, #tpu.memory_space<hbm>> -> memref<8x128xf32, #tpu.memory_space<hbm>>
      tpu.enqueue_dma source(%dma_start3A_2371 : memref<8x128xf32, #tpu.memory_space<hbm>>) target(%dma_start3A_2368 : memref<8x128xf32, #tpu.memory_space<vmem>>) target_semaphore(%arg7 : memref<!tpu.dma_semaphore, #tpu.memory_space<semaphore_mem>>)
      %add3A_2372 = arith.constant 384 : i32
      %add3A_2373 = arith.addi %multiple_of3A_1139, %add3A_2372 : i32
      %dma_start3A_2374 = arith.constant 216 : i32
      %dma_start3A_2375 = arith.constant 0 : i32
      %dma_start3A_2376 = tpu.memref_slice %arg6[%dma_start3A_2374, %dma_start3A_2375] : memref<256x128xf32, #tpu.memory_space<vmem>> -> memref<8x128xf32, #tpu.memory_space<vmem>>
      %dma_start3A_2377 = arith.constant 56 : i32
      %dma_start3A_2378 = tpu.memref_slice %arg2[%rem3A_1137, %dma_start3A_2377, %add3A_2373] : memref<8x64x2048xf32, #tpu.memory_space<hbm>> -> memref<1x8x128xf32, #tpu.memory_space<hbm>>
      %dma_start3A_2379 = tpu.memref_squeeze %dma_start3A_2378 : memref<1x8x128xf32, #tpu.memory_space<hbm>> -> memref<8x128xf32, #tpu.memory_space<hbm>>
      %dma_start3A_2380 = arith.constant 216 : i32
      %dma_start3A_2381 = arith.constant 0 : i32
      %dma_start3A_2382 = tpu.memref_slice %arg6[%dma_start3A_2380, %dma_start3A_2381] : memref<256x128xf32, #tpu.memory_space<vmem>> -> memref<8x128xf32, #tpu.memory_space<vmem>>
      %dma_start3A_2383 = arith.constant 56 : i32
      %dma_start3A_2384 = tpu.memref_slice %arg2[%rem3A_1137, %dma_start3A_2383, %add3A_2373] : memref<8x64x2048xf32, #tpu.memory_space<hbm>> -> memref<1x8x128xf32, #tpu.memory_space<hbm>>
      %dma_start3A_2385 = tpu.memref_squeeze %dma_start3A_2384 : memref<1x8x128xf32, #tpu.memory_space<hbm>> -> memref<8x128xf32, #tpu.memory_space<hbm>>
      tpu.enqueue_dma source(%dma_start3A_2385 : memref<8x128xf32, #tpu.memory_space<hbm>>) target(%dma_start3A_2382 : memref<8x128xf32, #tpu.memory_space<vmem>>) target_semaphore(%arg7 : memref<!tpu.dma_semaphore, #tpu.memory_space<semaphore_mem>>)
      %add3A_2386 = arith.constant 512 : i32
      %add3A_2387 = arith.addi %multiple_of3A_1139, %add3A_2386 : i32
      %dma_start3A_2388 = arith.constant 224 : i32
      %dma_start3A_2389 = arith.constant 0 : i32
      %dma_start3A_2390 = tpu.memref_slice %arg6[%dma_start3A_2388, %dma_start3A_2389] : memref<256x128xf32, #tpu.memory_space<vmem>> -> memref<8x128xf32, #tpu.memory_space<vmem>>
      %dma_start3A_2391 = arith.constant 56 : i32
      %dma_start3A_2392 = tpu.memref_slice %arg2[%rem3A_1137, %dma_start3A_2391, %add3A_2387] : memref<8x64x2048xf32, #tpu.memory_space<hbm>> -> memref<1x8x128xf32, #tpu.memory_space<hbm>>
      %dma_start3A_2393 = tpu.memref_squeeze %dma_start3A_2392 : memref<1x8x128xf32, #tpu.memory_space<hbm>> -> memref<8x128xf32, #tpu.memory_space<hbm>>
      %dma_start3A_2394 = arith.constant 224 : i32
      %dma_start3A_2395 = arith.constant 0 : i32
      %dma_start3A_2396 = tpu.memref_slice %arg6[%dma_start3A_2394, %dma_start3A_2395] : memref<256x128xf32, #tpu.memory_space<vmem>> -> memref<8x128xf32, #tpu.memory_space<vmem>>
      %dma_start3A_2397 = arith.constant 56 : i32
      %dma_start3A_2398 = tpu.memref_slice %arg2[%rem3A_1137, %dma_start3A_2397, %add3A_2387] : memref<8x64x2048xf32, #tpu.memory_space<hbm>> -> memref<1x8x128xf32, #tpu.memory_space<hbm>>
      %dma_start3A_2399 = tpu.memref_squeeze %dma_start3A_2398 : memref<1x8x128xf32, #tpu.memory_space<hbm>> -> memref<8x128xf32, #tpu.memory_space<hbm>>
      tpu.enqueue_dma source(%dma_start3A_2399 : memref<8x128xf32, #tpu.memory_space<hbm>>) target(%dma_start3A_2396 : memref<8x128xf32, #tpu.memory_space<vmem>>) target_semaphore(%arg7 : memref<!tpu.dma_semaphore, #tpu.memory_space<semaphore_mem>>)
      %add3A_2400 = arith.constant 640 : i32
      %add3A_2401 = arith.addi %multiple_of3A_1139, %add3A_2400 : i32
      %dma_start3A_2402 = arith.constant 232 : i32
      %dma_start3A_2403 = arith.constant 0 : i32
      %dma_start3A_2404 = tpu.memref_slice %arg6[%dma_start3A_2402, %dma_start3A_2403] : memref<256x128xf32, #tpu.memory_space<vmem>> -> memref<8x128xf32, #tpu.memory_space<vmem>>
      %dma_start3A_2405 = arith.constant 56 : i32
      %dma_start3A_2406 = tpu.memref_slice %arg2[%rem3A_1137, %dma_start3A_2405, %add3A_2401] : memref<8x64x2048xf32, #tpu.memory_space<hbm>> -> memref<1x8x128xf32, #tpu.memory_space<hbm>>
      %dma_start3A_2407 = tpu.memref_squeeze %dma_start3A_2406 : memref<1x8x128xf32, #tpu.memory_space<hbm>> -> memref<8x128xf32, #tpu.memory_space<hbm>>
      %dma_start3A_2408 = arith.constant 232 : i32
      %dma_start3A_2409 = arith.constant 0 : i32
      %dma_start3A_2410 = tpu.memref_slice %arg6[%dma_start3A_2408, %dma_start3A_2409] : memref<256x128xf32, #tpu.memory_space<vmem>> -> memref<8x128xf32, #tpu.memory_space<vmem>>
      %dma_start3A_2411 = arith.constant 56 : i32
      %dma_start3A_2412 = tpu.memref_slice %arg2[%rem3A_1137, %dma_start3A_2411, %add3A_2401] : memref<8x64x2048xf32, #tpu.memory_space<hbm>> -> memref<1x8x128xf32, #tpu.memory_space<hbm>>
      %dma_start3A_2413 = tpu.memref_squeeze %dma_start3A_2412 : memref<1x8x128xf32, #tpu.memory_space<hbm>> -> memref<8x128xf32, #tpu.memory_space<hbm>>
      tpu.enqueue_dma source(%dma_start3A_2413 : memref<8x128xf32, #tpu.memory_space<hbm>>) target(%dma_start3A_2410 : memref<8x128xf32, #tpu.memory_space<vmem>>) target_semaphore(%arg7 : memref<!tpu.dma_semaphore, #tpu.memory_space<semaphore_mem>>)
      %add3A_2414 = arith.constant 768 : i32
      %add3A_2415 = arith.addi %multiple_of3A_1139, %add3A_2414 : i32
      %dma_start3A_2416 = arith.constant 240 : i32
      %dma_start3A_2417 = arith.constant 0 : i32
      %dma_start3A_2418 = tpu.memref_slice %arg6[%dma_start3A_2416, %dma_start3A_2417] : memref<256x128xf32, #tpu.memory_space<vmem>> -> memref<8x128xf32, #tpu.memory_space<vmem>>
      %dma_start3A_2419 = arith.constant 56 : i32
      %dma_start3A_2420 = tpu.memref_slice %arg2[%rem3A_1137, %dma_start3A_2419, %add3A_2415] : memref<8x64x2048xf32, #tpu.memory_space<hbm>> -> memref<1x8x128xf32, #tpu.memory_space<hbm>>
      %dma_start3A_2421 = tpu.memref_squeeze %dma_start3A_2420 : memref<1x8x128xf32, #tpu.memory_space<hbm>> -> memref<8x128xf32, #tpu.memory_space<hbm>>
      %dma_start3A_2422 = arith.constant 240 : i32
      %dma_start3A_2423 = arith.constant 0 : i32
      %dma_start3A_2424 = tpu.memref_slice %arg6[%dma_start3A_2422, %dma_start3A_2423] : memref<256x128xf32, #tpu.memory_space<vmem>> -> memref<8x128xf32, #tpu.memory_space<vmem>>
      %dma_start3A_2425 = arith.constant 56 : i32
      %dma_start3A_2426 = tpu.memref_slice %arg2[%rem3A_1137, %dma_start3A_2425, %add3A_2415] : memref<8x64x2048xf32, #tpu.memory_space<hbm>> -> memref<1x8x128xf32, #tpu.memory_space<hbm>>
      %dma_start3A_2427 = tpu.memref_squeeze %dma_start3A_2426 : memref<1x8x128xf32, #tpu.memory_space<hbm>> -> memref<8x128xf32, #tpu.memory_space<hbm>>
      tpu.enqueue_dma source(%dma_start3A_2427 : memref<8x128xf32, #tpu.memory_space<hbm>>) target(%dma_start3A_2424 : memref<8x128xf32, #tpu.memory_space<vmem>>) target_semaphore(%arg7 : memref<!tpu.dma_semaphore, #tpu.memory_space<semaphore_mem>>)
      %add3A_2428 = arith.constant 896 : i32
      %add3A_2429 = arith.addi %multiple_of3A_1139, %add3A_2428 : i32
      %dma_start3A_2430 = arith.constant 248 : i32
      %dma_start3A_2431 = arith.constant 0 : i32
      %dma_start3A_2432 = tpu.memref_slice %arg6[%dma_start3A_2430, %dma_start3A_2431] : memref<256x128xf32, #tpu.memory_space<vmem>> -> memref<8x128xf32, #tpu.memory_space<vmem>>
      %dma_start3A_2433 = arith.constant 56 : i32
      %dma_start3A_2434 = tpu.memref_slice %arg2[%rem3A_1137, %dma_start3A_2433, %add3A_2429] : memref<8x64x2048xf32, #tpu.memory_space<hbm>> -> memref<1x8x128xf32, #tpu.memory_space<hbm>>
      %dma_start3A_2435 = tpu.memref_squeeze %dma_start3A_2434 : memref<1x8x128xf32, #tpu.memory_space<hbm>> -> memref<8x128xf32, #tpu.memory_space<hbm>>
      %dma_start3A_2436 = arith.constant 248 : i32
      %dma_start3A_2437 = arith.constant 0 : i32
      %dma_start3A_2438 = tpu.memref_slice %arg6[%dma_start3A_2436, %dma_start3A_2437] : memref<256x128xf32, #tpu.memory_space<vmem>> -> memref<8x128xf32, #tpu.memory_space<vmem>>
      %dma_start3A_2439 = arith.constant 56 : i32
      %dma_start3A_2440 = tpu.memref_slice %arg2[%rem3A_1137, %dma_start3A_2439, %add3A_2429] : memref<8x64x2048xf32, #tpu.memory_space<hbm>> -> memref<1x8x128xf32, #tpu.memory_space<hbm>>
      %dma_start3A_2441 = tpu.memref_squeeze %dma_start3A_2440 : memref<1x8x128xf32, #tpu.memory_space<hbm>> -> memref<8x128xf32, #tpu.memory_space<hbm>>
      tpu.enqueue_dma source(%dma_start3A_2441 : memref<8x128xf32, #tpu.memory_space<hbm>>) target(%dma_start3A_2438 : memref<8x128xf32, #tpu.memory_space<vmem>>) target_semaphore(%arg7 : memref<!tpu.dma_semaphore, #tpu.memory_space<semaphore_mem>>)
      %dma_wait3A_2442 = arith.constant 0 : i32
      %dma_wait3A_2443 = arith.constant 0 : i32
      %dma_wait3A_2444 = tpu.memref_slice %arg6[%dma_wait3A_2442, %dma_wait3A_2443] : memref<256x128xf32, #tpu.memory_space<vmem>> -> memref<8x128xf32, #tpu.memory_space<vmem>>
      %dma_wait3A_2445 = arith.constant 32 : i32
      %dma_wait3A_2446 = tpu.memref_slice %arg2[%rem3A_1137, %dma_wait3A_2445, %add3A_1995] : memref<8x64x2048xf32, #tpu.memory_space<hbm>> -> memref<1x8x128xf32, #tpu.memory_space<hbm>>
      %dma_wait3A_2447 = tpu.memref_squeeze %dma_wait3A_2446 : memref<1x8x128xf32, #tpu.memory_space<hbm>> -> memref<8x128xf32, #tpu.memory_space<hbm>>
      %dma_wait3A_2448 = arith.constant 0 : i32
      %dma_wait3A_2449 = arith.constant 0 : i32
      %dma_wait3A_2450 = tpu.memref_slice %arg6[%dma_wait3A_2448, %dma_wait3A_2449] : memref<256x128xf32, #tpu.memory_space<vmem>> -> memref<8x128xf32, #tpu.memory_space<vmem>>
      %dma_wait3A_2451 = arith.constant 32 : i32
      %dma_wait3A_2452 = tpu.memref_slice %arg2[%rem3A_1137, %dma_wait3A_2451, %add3A_1995] : memref<8x64x2048xf32, #tpu.memory_space<hbm>> -> memref<1x8x128xf32, #tpu.memory_space<hbm>>
      %dma_wait3A_2453 = tpu.memref_squeeze %dma_wait3A_2452 : memref<1x8x128xf32, #tpu.memory_space<hbm>> -> memref<8x128xf32, #tpu.memory_space<hbm>>
      tpu.wait_dma2 semaphore(%arg7 : memref<!tpu.dma_semaphore, #tpu.memory_space<semaphore_mem>>) src(%dma_wait3A_2453 : memref<8x128xf32, #tpu.memory_space<hbm>>) dst(%dma_wait3A_2450 : memref<8x128xf32, #tpu.memory_space<vmem>>)
      %dma_wait3A_2454 = arith.constant 8 : i32
      %dma_wait3A_2455 = arith.constant 0 : i32
      %dma_wait3A_2456 = tpu.memref_slice %arg6[%dma_wait3A_2454, %dma_wait3A_2455] : memref<256x128xf32, #tpu.memory_space<vmem>> -> memref<8x128xf32, #tpu.memory_space<vmem>>
      %dma_wait3A_2457 = arith.constant 32 : i32
      %dma_wait3A_2458 = tpu.memref_slice %arg2[%rem3A_1137, %dma_wait3A_2457, %add3A_2009] : memref<8x64x2048xf32, #tpu.memory_space<hbm>> -> memref<1x8x128xf32, #tpu.memory_space<hbm>>
      %dma_wait3A_2459 = tpu.memref_squeeze %dma_wait3A_2458 : memref<1x8x128xf32, #tpu.memory_space<hbm>> -> memref<8x128xf32, #tpu.memory_space<hbm>>
      %dma_wait3A_2460 = arith.constant 8 : i32
      %dma_wait3A_2461 = arith.constant 0 : i32
      %dma_wait3A_2462 = tpu.memref_slice %arg6[%dma_wait3A_2460, %dma_wait3A_2461] : memref<256x128xf32, #tpu.memory_space<vmem>> -> memref<8x128xf32, #tpu.memory_space<vmem>>
      %dma_wait3A_2463 = arith.constant 32 : i32
      %dma_wait3A_2464 = tpu.memref_slice %arg2[%rem3A_1137, %dma_wait3A_2463, %add3A_2009] : memref<8x64x2048xf32, #tpu.memory_space<hbm>> -> memref<1x8x128xf32, #tpu.memory_space<hbm>>
      %dma_wait3A_2465 = tpu.memref_squeeze %dma_wait3A_2464 : memref<1x8x128xf32, #tpu.memory_space<hbm>> -> memref<8x128xf32, #tpu.memory_space<hbm>>
      tpu.wait_dma2 semaphore(%arg7 : memref<!tpu.dma_semaphore, #tpu.memory_space<semaphore_mem>>) src(%dma_wait3A_2465 : memref<8x128xf32, #tpu.memory_space<hbm>>) dst(%dma_wait3A_2462 : memref<8x128xf32, #tpu.memory_space<vmem>>)
      %dma_wait3A_2466 = arith.constant 16 : i32
      %dma_wait3A_2467 = arith.constant 0 : i32
      %dma_wait3A_2468 = tpu.memref_slice %arg6[%dma_wait3A_2466, %dma_wait3A_2467] : memref<256x128xf32, #tpu.memory_space<vmem>> -> memref<8x128xf32, #tpu.memory_space<vmem>>
      %dma_wait3A_2469 = arith.constant 32 : i32
      %dma_wait3A_2470 = tpu.memref_slice %arg2[%rem3A_1137, %dma_wait3A_2469, %add3A_2023] : memref<8x64x2048xf32, #tpu.memory_space<hbm>> -> memref<1x8x128xf32, #tpu.memory_space<hbm>>
      %dma_wait3A_2471 = tpu.memref_squeeze %dma_wait3A_2470 : memref<1x8x128xf32, #tpu.memory_space<hbm>> -> memref<8x128xf32, #tpu.memory_space<hbm>>
      %dma_wait3A_2472 = arith.constant 16 : i32
      %dma_wait3A_2473 = arith.constant 0 : i32
      %dma_wait3A_2474 = tpu.memref_slice %arg6[%dma_wait3A_2472, %dma_wait3A_2473] : memref<256x128xf32, #tpu.memory_space<vmem>> -> memref<8x128xf32, #tpu.memory_space<vmem>>
      %dma_wait3A_2475 = arith.constant 32 : i32
      %dma_wait3A_2476 = tpu.memref_slice %arg2[%rem3A_1137, %dma_wait3A_2475, %add3A_2023] : memref<8x64x2048xf32, #tpu.memory_space<hbm>> -> memref<1x8x128xf32, #tpu.memory_space<hbm>>
      %dma_wait3A_2477 = tpu.memref_squeeze %dma_wait3A_2476 : memref<1x8x128xf32, #tpu.memory_space<hbm>> -> memref<8x128xf32, #tpu.memory_space<hbm>>
      tpu.wait_dma2 semaphore(%arg7 : memref<!tpu.dma_semaphore, #tpu.memory_space<semaphore_mem>>) src(%dma_wait3A_2477 : memref<8x128xf32, #tpu.memory_space<hbm>>) dst(%dma_wait3A_2474 : memref<8x128xf32, #tpu.memory_space<vmem>>)
      %dma_wait3A_2478 = arith.constant 24 : i32
      %dma_wait3A_2479 = arith.constant 0 : i32
      %dma_wait3A_2480 = tpu.memref_slice %arg6[%dma_wait3A_2478, %dma_wait3A_2479] : memref<256x128xf32, #tpu.memory_space<vmem>> -> memref<8x128xf32, #tpu.memory_space<vmem>>
      %dma_wait3A_2481 = arith.constant 32 : i32
      %dma_wait3A_2482 = tpu.memref_slice %arg2[%rem3A_1137, %dma_wait3A_2481, %add3A_2037] : memref<8x64x2048xf32, #tpu.memory_space<hbm>> -> memref<1x8x128xf32, #tpu.memory_space<hbm>>
      %dma_wait3A_2483 = tpu.memref_squeeze %dma_wait3A_2482 : memref<1x8x128xf32, #tpu.memory_space<hbm>> -> memref<8x128xf32, #tpu.memory_space<hbm>>
      %dma_wait3A_2484 = arith.constant 24 : i32
      %dma_wait3A_2485 = arith.constant 0 : i32
      %dma_wait3A_2486 = tpu.memref_slice %arg6[%dma_wait3A_2484, %dma_wait3A_2485] : memref<256x128xf32, #tpu.memory_space<vmem>> -> memref<8x128xf32, #tpu.memory_space<vmem>>
      %dma_wait3A_2487 = arith.constant 32 : i32
      %dma_wait3A_2488 = tpu.memref_slice %arg2[%rem3A_1137, %dma_wait3A_2487, %add3A_2037] : memref<8x64x2048xf32, #tpu.memory_space<hbm>> -> memref<1x8x128xf32, #tpu.memory_space<hbm>>
      %dma_wait3A_2489 = tpu.memref_squeeze %dma_wait3A_2488 : memref<1x8x128xf32, #tpu.memory_space<hbm>> -> memref<8x128xf32, #tpu.memory_space<hbm>>
      tpu.wait_dma2 semaphore(%arg7 : memref<!tpu.dma_semaphore, #tpu.memory_space<semaphore_mem>>) src(%dma_wait3A_2489 : memref<8x128xf32, #tpu.memory_space<hbm>>) dst(%dma_wait3A_2486 : memref<8x128xf32, #tpu.memory_space<vmem>>)
      %dma_wait3A_2490 = arith.constant 32 : i32
      %dma_wait3A_2491 = arith.constant 0 : i32
      %dma_wait3A_2492 = tpu.memref_slice %arg6[%dma_wait3A_2490, %dma_wait3A_2491] : memref<256x128xf32, #tpu.memory_space<vmem>> -> memref<8x128xf32, #tpu.memory_space<vmem>>
      %dma_wait3A_2493 = arith.constant 32 : i32
      %dma_wait3A_2494 = tpu.memref_slice %arg2[%rem3A_1137, %dma_wait3A_2493, %add3A_2051] : memref<8x64x2048xf32, #tpu.memory_space<hbm>> -> memref<1x8x128xf32, #tpu.memory_space<hbm>>
      %dma_wait3A_2495 = tpu.memref_squeeze %dma_wait3A_2494 : memref<1x8x128xf32, #tpu.memory_space<hbm>> -> memref<8x128xf32, #tpu.memory_space<hbm>>
      %dma_wait3A_2496 = arith.constant 32 : i32
      %dma_wait3A_2497 = arith.constant 0 : i32
      %dma_wait3A_2498 = tpu.memref_slice %arg6[%dma_wait3A_2496, %dma_wait3A_2497] : memref<256x128xf32, #tpu.memory_space<vmem>> -> memref<8x128xf32, #tpu.memory_space<vmem>>
      %dma_wait3A_2499 = arith.constant 32 : i32
      %dma_wait3A_2500 = tpu.memref_slice %arg2[%rem3A_1137, %dma_wait3A_2499, %add3A_2051] : memref<8x64x2048xf32, #tpu.memory_space<hbm>> -> memref<1x8x128xf32, #tpu.memory_space<hbm>>
      %dma_wait3A_2501 = tpu.memref_squeeze %dma_wait3A_2500 : memref<1x8x128xf32, #tpu.memory_space<hbm>> -> memref<8x128xf32, #tpu.memory_space<hbm>>
      tpu.wait_dma2 semaphore(%arg7 : memref<!tpu.dma_semaphore, #tpu.memory_space<semaphore_mem>>) src(%dma_wait3A_2501 : memref<8x128xf32, #tpu.memory_space<hbm>>) dst(%dma_wait3A_2498 : memref<8x128xf32, #tpu.memory_space<vmem>>)
      %dma_wait3A_2502 = arith.constant 40 : i32
      %dma_wait3A_2503 = arith.constant 0 : i32
      %dma_wait3A_2504 = tpu.memref_slice %arg6[%dma_wait3A_2502, %dma_wait3A_2503] : memref<256x128xf32, #tpu.memory_space<vmem>> -> memref<8x128xf32, #tpu.memory_space<vmem>>
      %dma_wait3A_2505 = arith.constant 32 : i32
      %dma_wait3A_2506 = tpu.memref_slice %arg2[%rem3A_1137, %dma_wait3A_2505, %add3A_2065] : memref<8x64x2048xf32, #tpu.memory_space<hbm>> -> memref<1x8x128xf32, #tpu.memory_space<hbm>>
      %dma_wait3A_2507 = tpu.memref_squeeze %dma_wait3A_2506 : memref<1x8x128xf32, #tpu.memory_space<hbm>> -> memref<8x128xf32, #tpu.memory_space<hbm>>
      %dma_wait3A_2508 = arith.constant 40 : i32
      %dma_wait3A_2509 = arith.constant 0 : i32
      %dma_wait3A_2510 = tpu.memref_slice %arg6[%dma_wait3A_2508, %dma_wait3A_2509] : memref<256x128xf32, #tpu.memory_space<vmem>> -> memref<8x128xf32, #tpu.memory_space<vmem>>
      %dma_wait3A_2511 = arith.constant 32 : i32
      %dma_wait3A_2512 = tpu.memref_slice %arg2[%rem3A_1137, %dma_wait3A_2511, %add3A_2065] : memref<8x64x2048xf32, #tpu.memory_space<hbm>> -> memref<1x8x128xf32, #tpu.memory_space<hbm>>
      %dma_wait3A_2513 = tpu.memref_squeeze %dma_wait3A_2512 : memref<1x8x128xf32, #tpu.memory_space<hbm>> -> memref<8x128xf32, #tpu.memory_space<hbm>>
      tpu.wait_dma2 semaphore(%arg7 : memref<!tpu.dma_semaphore, #tpu.memory_space<semaphore_mem>>) src(%dma_wait3A_2513 : memref<8x128xf32, #tpu.memory_space<hbm>>) dst(%dma_wait3A_2510 : memref<8x128xf32, #tpu.memory_space<vmem>>)
      %dma_wait3A_2514 = arith.constant 48 : i32
      %dma_wait3A_2515 = arith.constant 0 : i32
      %dma_wait3A_2516 = tpu.memref_slice %arg6[%dma_wait3A_2514, %dma_wait3A_2515] : memref<256x128xf32, #tpu.memory_space<vmem>> -> memref<8x128xf32, #tpu.memory_space<vmem>>
      %dma_wait3A_2517 = arith.constant 32 : i32
      %dma_wait3A_2518 = tpu.memref_slice %arg2[%rem3A_1137, %dma_wait3A_2517, %add3A_2079] : memref<8x64x2048xf32, #tpu.memory_space<hbm>> -> memref<1x8x128xf32, #tpu.memory_space<hbm>>
      %dma_wait3A_2519 = tpu.memref_squeeze %dma_wait3A_2518 : memref<1x8x128xf32, #tpu.memory_space<hbm>> -> memref<8x128xf32, #tpu.memory_space<hbm>>
      %dma_wait3A_2520 = arith.constant 48 : i32
      %dma_wait3A_2521 = arith.constant 0 : i32
      %dma_wait3A_2522 = tpu.memref_slice %arg6[%dma_wait3A_2520, %dma_wait3A_2521] : memref<256x128xf32, #tpu.memory_space<vmem>> -> memref<8x128xf32, #tpu.memory_space<vmem>>
      %dma_wait3A_2523 = arith.constant 32 : i32
      %dma_wait3A_2524 = tpu.memref_slice %arg2[%rem3A_1137, %dma_wait3A_2523, %add3A_2079] : memref<8x64x2048xf32, #tpu.memory_space<hbm>> -> memref<1x8x128xf32, #tpu.memory_space<hbm>>
      %dma_wait3A_2525 = tpu.memref_squeeze %dma_wait3A_2524 : memref<1x8x128xf32, #tpu.memory_space<hbm>> -> memref<8x128xf32, #tpu.memory_space<hbm>>
      tpu.wait_dma2 semaphore(%arg7 : memref<!tpu.dma_semaphore, #tpu.memory_space<semaphore_mem>>) src(%dma_wait3A_2525 : memref<8x128xf32, #tpu.memory_space<hbm>>) dst(%dma_wait3A_2522 : memref<8x128xf32, #tpu.memory_space<vmem>>)
      %dma_wait3A_2526 = arith.constant 56 : i32
      %dma_wait3A_2527 = arith.constant 0 : i32
      %dma_wait3A_2528 = tpu.memref_slice %arg6[%dma_wait3A_2526, %dma_wait3A_2527] : memref<256x128xf32, #tpu.memory_space<vmem>> -> memref<8x128xf32, #tpu.memory_space<vmem>>
      %dma_wait3A_2529 = arith.constant 32 : i32
      %dma_wait3A_2530 = tpu.memref_slice %arg2[%rem3A_1137, %dma_wait3A_2529, %add3A_2093] : memref<8x64x2048xf32, #tpu.memory_space<hbm>> -> memref<1x8x128xf32, #tpu.memory_space<hbm>>
      %dma_wait3A_2531 = tpu.memref_squeeze %dma_wait3A_2530 : memref<1x8x128xf32, #tpu.memory_space<hbm>> -> memref<8x128xf32, #tpu.memory_space<hbm>>
      %dma_wait3A_2532 = arith.constant 56 : i32
      %dma_wait3A_2533 = arith.constant 0 : i32
      %dma_wait3A_2534 = tpu.memref_slice %arg6[%dma_wait3A_2532, %dma_wait3A_2533] : memref<256x128xf32, #tpu.memory_space<vmem>> -> memref<8x128xf32, #tpu.memory_space<vmem>>
      %dma_wait3A_2535 = arith.constant 32 : i32
      %dma_wait3A_2536 = tpu.memref_slice %arg2[%rem3A_1137, %dma_wait3A_2535, %add3A_2093] : memref<8x64x2048xf32, #tpu.memory_space<hbm>> -> memref<1x8x128xf32, #tpu.memory_space<hbm>>
      %dma_wait3A_2537 = tpu.memref_squeeze %dma_wait3A_2536 : memref<1x8x128xf32, #tpu.memory_space<hbm>> -> memref<8x128xf32, #tpu.memory_space<hbm>>
      tpu.wait_dma2 semaphore(%arg7 : memref<!tpu.dma_semaphore, #tpu.memory_space<semaphore_mem>>) src(%dma_wait3A_2537 : memref<8x128xf32, #tpu.memory_space<hbm>>) dst(%dma_wait3A_2534 : memref<8x128xf32, #tpu.memory_space<vmem>>)
      %dma_wait3A_2538 = arith.constant 64 : i32
      %dma_wait3A_2539 = arith.constant 0 : i32
      %dma_wait3A_2540 = tpu.memref_slice %arg6[%dma_wait3A_2538, %dma_wait3A_2539] : memref<256x128xf32, #tpu.memory_space<vmem>> -> memref<8x128xf32, #tpu.memory_space<vmem>>
      %dma_wait3A_2541 = arith.constant 40 : i32
      %dma_wait3A_2542 = tpu.memref_slice %arg2[%rem3A_1137, %dma_wait3A_2541, %add3A_2107] : memref<8x64x2048xf32, #tpu.memory_space<hbm>> -> memref<1x8x128xf32, #tpu.memory_space<hbm>>
      %dma_wait3A_2543 = tpu.memref_squeeze %dma_wait3A_2542 : memref<1x8x128xf32, #tpu.memory_space<hbm>> -> memref<8x128xf32, #tpu.memory_space<hbm>>
      %dma_wait3A_2544 = arith.constant 64 : i32
      %dma_wait3A_2545 = arith.constant 0 : i32
      %dma_wait3A_2546 = tpu.memref_slice %arg6[%dma_wait3A_2544, %dma_wait3A_2545] : memref<256x128xf32, #tpu.memory_space<vmem>> -> memref<8x128xf32, #tpu.memory_space<vmem>>
      %dma_wait3A_2547 = arith.constant 40 : i32
      %dma_wait3A_2548 = tpu.memref_slice %arg2[%rem3A_1137, %dma_wait3A_2547, %add3A_2107] : memref<8x64x2048xf32, #tpu.memory_space<hbm>> -> memref<1x8x128xf32, #tpu.memory_space<hbm>>
      %dma_wait3A_2549 = tpu.memref_squeeze %dma_wait3A_2548 : memref<1x8x128xf32, #tpu.memory_space<hbm>> -> memref<8x128xf32, #tpu.memory_space<hbm>>
      tpu.wait_dma2 semaphore(%arg7 : memref<!tpu.dma_semaphore, #tpu.memory_space<semaphore_mem>>) src(%dma_wait3A_2549 : memref<8x128xf32, #tpu.memory_space<hbm>>) dst(%dma_wait3A_2546 : memref<8x128xf32, #tpu.memory_space<vmem>>)
      %dma_wait3A_2550 = arith.constant 72 : i32
      %dma_wait3A_2551 = arith.constant 0 : i32
      %dma_wait3A_2552 = tpu.memref_slice %arg6[%dma_wait3A_2550, %dma_wait3A_2551] : memref<256x128xf32, #tpu.memory_space<vmem>> -> memref<8x128xf32, #tpu.memory_space<vmem>>
      %dma_wait3A_2553 = arith.constant 40 : i32
      %dma_wait3A_2554 = tpu.memref_slice %arg2[%rem3A_1137, %dma_wait3A_2553, %add3A_2121] : memref<8x64x2048xf32, #tpu.memory_space<hbm>> -> memref<1x8x128xf32, #tpu.memory_space<hbm>>
      %dma_wait3A_2555 = tpu.memref_squeeze %dma_wait3A_2554 : memref<1x8x128xf32, #tpu.memory_space<hbm>> -> memref<8x128xf32, #tpu.memory_space<hbm>>
      %dma_wait3A_2556 = arith.constant 72 : i32
      %dma_wait3A_2557 = arith.constant 0 : i32
      %dma_wait3A_2558 = tpu.memref_slice %arg6[%dma_wait3A_2556, %dma_wait3A_2557] : memref<256x128xf32, #tpu.memory_space<vmem>> -> memref<8x128xf32, #tpu.memory_space<vmem>>
      %dma_wait3A_2559 = arith.constant 40 : i32
      %dma_wait3A_2560 = tpu.memref_slice %arg2[%rem3A_1137, %dma_wait3A_2559, %add3A_2121] : memref<8x64x2048xf32, #tpu.memory_space<hbm>> -> memref<1x8x128xf32, #tpu.memory_space<hbm>>
      %dma_wait3A_2561 = tpu.memref_squeeze %dma_wait3A_2560 : memref<1x8x128xf32, #tpu.memory_space<hbm>> -> memref<8x128xf32, #tpu.memory_space<hbm>>
      tpu.wait_dma2 semaphore(%arg7 : memref<!tpu.dma_semaphore, #tpu.memory_space<semaphore_mem>>) src(%dma_wait3A_2561 : memref<8x128xf32, #tpu.memory_space<hbm>>) dst(%dma_wait3A_2558 : memref<8x128xf32, #tpu.memory_space<vmem>>)
      %dma_wait3A_2562 = arith.constant 80 : i32
      %dma_wait3A_2563 = arith.constant 0 : i32
      %dma_wait3A_2564 = tpu.memref_slice %arg6[%dma_wait3A_2562, %dma_wait3A_2563] : memref<256x128xf32, #tpu.memory_space<vmem>> -> memref<8x128xf32, #tpu.memory_space<vmem>>
      %dma_wait3A_2565 = arith.constant 40 : i32
      %dma_wait3A_2566 = tpu.memref_slice %arg2[%rem3A_1137, %dma_wait3A_2565, %add3A_2135] : memref<8x64x2048xf32, #tpu.memory_space<hbm>> -> memref<1x8x128xf32, #tpu.memory_space<hbm>>
      %dma_wait3A_2567 = tpu.memref_squeeze %dma_wait3A_2566 : memref<1x8x128xf32, #tpu.memory_space<hbm>> -> memref<8x128xf32, #tpu.memory_space<hbm>>
      %dma_wait3A_2568 = arith.constant 80 : i32
      %dma_wait3A_2569 = arith.constant 0 : i32
      %dma_wait3A_2570 = tpu.memref_slice %arg6[%dma_wait3A_2568, %dma_wait3A_2569] : memref<256x128xf32, #tpu.memory_space<vmem>> -> memref<8x128xf32, #tpu.memory_space<vmem>>
      %dma_wait3A_2571 = arith.constant 40 : i32
      %dma_wait3A_2572 = tpu.memref_slice %arg2[%rem3A_1137, %dma_wait3A_2571, %add3A_2135] : memref<8x64x2048xf32, #tpu.memory_space<hbm>> -> memref<1x8x128xf32, #tpu.memory_space<hbm>>
      %dma_wait3A_2573 = tpu.memref_squeeze %dma_wait3A_2572 : memref<1x8x128xf32, #tpu.memory_space<hbm>> -> memref<8x128xf32, #tpu.memory_space<hbm>>
      tpu.wait_dma2 semaphore(%arg7 : memref<!tpu.dma_semaphore, #tpu.memory_space<semaphore_mem>>) src(%dma_wait3A_2573 : memref<8x128xf32, #tpu.memory_space<hbm>>) dst(%dma_wait3A_2570 : memref<8x128xf32, #tpu.memory_space<vmem>>)
      %dma_wait3A_2574 = arith.constant 88 : i32
      %dma_wait3A_2575 = arith.constant 0 : i32
      %dma_wait3A_2576 = tpu.memref_slice %arg6[%dma_wait3A_2574, %dma_wait3A_2575] : memref<256x128xf32, #tpu.memory_space<vmem>> -> memref<8x128xf32, #tpu.memory_space<vmem>>
      %dma_wait3A_2577 = arith.constant 40 : i32
      %dma_wait3A_2578 = tpu.memref_slice %arg2[%rem3A_1137, %dma_wait3A_2577, %add3A_2149] : memref<8x64x2048xf32, #tpu.memory_space<hbm>> -> memref<1x8x128xf32, #tpu.memory_space<hbm>>
      %dma_wait3A_2579 = tpu.memref_squeeze %dma_wait3A_2578 : memref<1x8x128xf32, #tpu.memory_space<hbm>> -> memref<8x128xf32, #tpu.memory_space<hbm>>
      %dma_wait3A_2580 = arith.constant 88 : i32
      %dma_wait3A_2581 = arith.constant 0 : i32
      %dma_wait3A_2582 = tpu.memref_slice %arg6[%dma_wait3A_2580, %dma_wait3A_2581] : memref<256x128xf32, #tpu.memory_space<vmem>> -> memref<8x128xf32, #tpu.memory_space<vmem>>
      %dma_wait3A_2583 = arith.constant 40 : i32
      %dma_wait3A_2584 = tpu.memref_slice %arg2[%rem3A_1137, %dma_wait3A_2583, %add3A_2149] : memref<8x64x2048xf32, #tpu.memory_space<hbm>> -> memref<1x8x128xf32, #tpu.memory_space<hbm>>
      %dma_wait3A_2585 = tpu.memref_squeeze %dma_wait3A_2584 : memref<1x8x128xf32, #tpu.memory_space<hbm>> -> memref<8x128xf32, #tpu.memory_space<hbm>>
      tpu.wait_dma2 semaphore(%arg7 : memref<!tpu.dma_semaphore, #tpu.memory_space<semaphore_mem>>) src(%dma_wait3A_2585 : memref<8x128xf32, #tpu.memory_space<hbm>>) dst(%dma_wait3A_2582 : memref<8x128xf32, #tpu.memory_space<vmem>>)
      %dma_wait3A_2586 = arith.constant 96 : i32
      %dma_wait3A_2587 = arith.constant 0 : i32
      %dma_wait3A_2588 = tpu.memref_slice %arg6[%dma_wait3A_2586, %dma_wait3A_2587] : memref<256x128xf32, #tpu.memory_space<vmem>> -> memref<8x128xf32, #tpu.memory_space<vmem>>
      %dma_wait3A_2589 = arith.constant 40 : i32
      %dma_wait3A_2590 = tpu.memref_slice %arg2[%rem3A_1137, %dma_wait3A_2589, %add3A_2163] : memref<8x64x2048xf32, #tpu.memory_space<hbm>> -> memref<1x8x128xf32, #tpu.memory_space<hbm>>
      %dma_wait3A_2591 = tpu.memref_squeeze %dma_wait3A_2590 : memref<1x8x128xf32, #tpu.memory_space<hbm>> -> memref<8x128xf32, #tpu.memory_space<hbm>>
      %dma_wait3A_2592 = arith.constant 96 : i32
      %dma_wait3A_2593 = arith.constant 0 : i32
      %dma_wait3A_2594 = tpu.memref_slice %arg6[%dma_wait3A_2592, %dma_wait3A_2593] : memref<256x128xf32, #tpu.memory_space<vmem>> -> memref<8x128xf32, #tpu.memory_space<vmem>>
      %dma_wait3A_2595 = arith.constant 40 : i32
      %dma_wait3A_2596 = tpu.memref_slice %arg2[%rem3A_1137, %dma_wait3A_2595, %add3A_2163] : memref<8x64x2048xf32, #tpu.memory_space<hbm>> -> memref<1x8x128xf32, #tpu.memory_space<hbm>>
      %dma_wait3A_2597 = tpu.memref_squeeze %dma_wait3A_2596 : memref<1x8x128xf32, #tpu.memory_space<hbm>> -> memref<8x128xf32, #tpu.memory_space<hbm>>
      tpu.wait_dma2 semaphore(%arg7 : memref<!tpu.dma_semaphore, #tpu.memory_space<semaphore_mem>>) src(%dma_wait3A_2597 : memref<8x128xf32, #tpu.memory_space<hbm>>) dst(%dma_wait3A_2594 : memref<8x128xf32, #tpu.memory_space<vmem>>)
      %dma_wait3A_2598 = arith.constant 104 : i32
      %dma_wait3A_2599 = arith.constant 0 : i32
      %dma_wait3A_2600 = tpu.memref_slice %arg6[%dma_wait3A_2598, %dma_wait3A_2599] : memref<256x128xf32, #tpu.memory_space<vmem>> -> memref<8x128xf32, #tpu.memory_space<vmem>>
      %dma_wait3A_2601 = arith.constant 40 : i32
      %dma_wait3A_2602 = tpu.memref_slice %arg2[%rem3A_1137, %dma_wait3A_2601, %add3A_2177] : memref<8x64x2048xf32, #tpu.memory_space<hbm>> -> memref<1x8x128xf32, #tpu.memory_space<hbm>>
      %dma_wait3A_2603 = tpu.memref_squeeze %dma_wait3A_2602 : memref<1x8x128xf32, #tpu.memory_space<hbm>> -> memref<8x128xf32, #tpu.memory_space<hbm>>
      %dma_wait3A_2604 = arith.constant 104 : i32
      %dma_wait3A_2605 = arith.constant 0 : i32
      %dma_wait3A_2606 = tpu.memref_slice %arg6[%dma_wait3A_2604, %dma_wait3A_2605] : memref<256x128xf32, #tpu.memory_space<vmem>> -> memref<8x128xf32, #tpu.memory_space<vmem>>
      %dma_wait3A_2607 = arith.constant 40 : i32
      %dma_wait3A_2608 = tpu.memref_slice %arg2[%rem3A_1137, %dma_wait3A_2607, %add3A_2177] : memref<8x64x2048xf32, #tpu.memory_space<hbm>> -> memref<1x8x128xf32, #tpu.memory_space<hbm>>
      %dma_wait3A_2609 = tpu.memref_squeeze %dma_wait3A_2608 : memref<1x8x128xf32, #tpu.memory_space<hbm>> -> memref<8x128xf32, #tpu.memory_space<hbm>>
      tpu.wait_dma2 semaphore(%arg7 : memref<!tpu.dma_semaphore, #tpu.memory_space<semaphore_mem>>) src(%dma_wait3A_2609 : memref<8x128xf32, #tpu.memory_space<hbm>>) dst(%dma_wait3A_2606 : memref<8x128xf32, #tpu.memory_space<vmem>>)
      %dma_wait3A_2610 = arith.constant 112 : i32
      %dma_wait3A_2611 = arith.constant 0 : i32
      %dma_wait3A_2612 = tpu.memref_slice %arg6[%dma_wait3A_2610, %dma_wait3A_2611] : memref<256x128xf32, #tpu.memory_space<vmem>> -> memref<8x128xf32, #tpu.memory_space<vmem>>
      %dma_wait3A_2613 = arith.constant 40 : i32
      %dma_wait3A_2614 = tpu.memref_slice %arg2[%rem3A_1137, %dma_wait3A_2613, %add3A_2191] : memref<8x64x2048xf32, #tpu.memory_space<hbm>> -> memref<1x8x128xf32, #tpu.memory_space<hbm>>
      %dma_wait3A_2615 = tpu.memref_squeeze %dma_wait3A_2614 : memref<1x8x128xf32, #tpu.memory_space<hbm>> -> memref<8x128xf32, #tpu.memory_space<hbm>>
      %dma_wait3A_2616 = arith.constant 112 : i32
      %dma_wait3A_2617 = arith.constant 0 : i32
      %dma_wait3A_2618 = tpu.memref_slice %arg6[%dma_wait3A_2616, %dma_wait3A_2617] : memref<256x128xf32, #tpu.memory_space<vmem>> -> memref<8x128xf32, #tpu.memory_space<vmem>>
      %dma_wait3A_2619 = arith.constant 40 : i32
      %dma_wait3A_2620 = tpu.memref_slice %arg2[%rem3A_1137, %dma_wait3A_2619, %add3A_2191] : memref<8x64x2048xf32, #tpu.memory_space<hbm>> -> memref<1x8x128xf32, #tpu.memory_space<hbm>>
      %dma_wait3A_2621 = tpu.memref_squeeze %dma_wait3A_2620 : memref<1x8x128xf32, #tpu.memory_space<hbm>> -> memref<8x128xf32, #tpu.memory_space<hbm>>
      tpu.wait_dma2 semaphore(%arg7 : memref<!tpu.dma_semaphore, #tpu.memory_space<semaphore_mem>>) src(%dma_wait3A_2621 : memref<8x128xf32, #tpu.memory_space<hbm>>) dst(%dma_wait3A_2618 : memref<8x128xf32, #tpu.memory_space<vmem>>)
      %dma_wait3A_2622 = arith.constant 120 : i32
      %dma_wait3A_2623 = arith.constant 0 : i32
      %dma_wait3A_2624 = tpu.memref_slice %arg6[%dma_wait3A_2622, %dma_wait3A_2623] : memref<256x128xf32, #tpu.memory_space<vmem>> -> memref<8x128xf32, #tpu.memory_space<vmem>>
      %dma_wait3A_2625 = arith.constant 40 : i32
      %dma_wait3A_2626 = tpu.memref_slice %arg2[%rem3A_1137, %dma_wait3A_2625, %add3A_2205] : memref<8x64x2048xf32, #tpu.memory_space<hbm>> -> memref<1x8x128xf32, #tpu.memory_space<hbm>>
      %dma_wait3A_2627 = tpu.memref_squeeze %dma_wait3A_2626 : memref<1x8x128xf32, #tpu.memory_space<hbm>> -> memref<8x128xf32, #tpu.memory_space<hbm>>
      %dma_wait3A_2628 = arith.constant 120 : i32
      %dma_wait3A_2629 = arith.constant 0 : i32
      %dma_wait3A_2630 = tpu.memref_slice %arg6[%dma_wait3A_2628, %dma_wait3A_2629] : memref<256x128xf32, #tpu.memory_space<vmem>> -> memref<8x128xf32, #tpu.memory_space<vmem>>
      %dma_wait3A_2631 = arith.constant 40 : i32
      %dma_wait3A_2632 = tpu.memref_slice %arg2[%rem3A_1137, %dma_wait3A_2631, %add3A_2205] : memref<8x64x2048xf32, #tpu.memory_space<hbm>> -> memref<1x8x128xf32, #tpu.memory_space<hbm>>
      %dma_wait3A_2633 = tpu.memref_squeeze %dma_wait3A_2632 : memref<1x8x128xf32, #tpu.memory_space<hbm>> -> memref<8x128xf32, #tpu.memory_space<hbm>>
      tpu.wait_dma2 semaphore(%arg7 : memref<!tpu.dma_semaphore, #tpu.memory_space<semaphore_mem>>) src(%dma_wait3A_2633 : memref<8x128xf32, #tpu.memory_space<hbm>>) dst(%dma_wait3A_2630 : memref<8x128xf32, #tpu.memory_space<vmem>>)
      %dma_wait3A_2634 = arith.constant 128 : i32
      %dma_wait3A_2635 = arith.constant 0 : i32
      %dma_wait3A_2636 = tpu.memref_slice %arg6[%dma_wait3A_2634, %dma_wait3A_2635] : memref<256x128xf32, #tpu.memory_space<vmem>> -> memref<8x128xf32, #tpu.memory_space<vmem>>
      %dma_wait3A_2637 = arith.constant 48 : i32
      %dma_wait3A_2638 = tpu.memref_slice %arg2[%rem3A_1137, %dma_wait3A_2637, %add3A_2219] : memref<8x64x2048xf32, #tpu.memory_space<hbm>> -> memref<1x8x128xf32, #tpu.memory_space<hbm>>
      %dma_wait3A_2639 = tpu.memref_squeeze %dma_wait3A_2638 : memref<1x8x128xf32, #tpu.memory_space<hbm>> -> memref<8x128xf32, #tpu.memory_space<hbm>>
      %dma_wait3A_2640 = arith.constant 128 : i32
      %dma_wait3A_2641 = arith.constant 0 : i32
      %dma_wait3A_2642 = tpu.memref_slice %arg6[%dma_wait3A_2640, %dma_wait3A_2641] : memref<256x128xf32, #tpu.memory_space<vmem>> -> memref<8x128xf32, #tpu.memory_space<vmem>>
      %dma_wait3A_2643 = arith.constant 48 : i32
      %dma_wait3A_2644 = tpu.memref_slice %arg2[%rem3A_1137, %dma_wait3A_2643, %add3A_2219] : memref<8x64x2048xf32, #tpu.memory_space<hbm>> -> memref<1x8x128xf32, #tpu.memory_space<hbm>>
      %dma_wait3A_2645 = tpu.memref_squeeze %dma_wait3A_2644 : memref<1x8x128xf32, #tpu.memory_space<hbm>> -> memref<8x128xf32, #tpu.memory_space<hbm>>
      tpu.wait_dma2 semaphore(%arg7 : memref<!tpu.dma_semaphore, #tpu.memory_space<semaphore_mem>>) src(%dma_wait3A_2645 : memref<8x128xf32, #tpu.memory_space<hbm>>) dst(%dma_wait3A_2642 : memref<8x128xf32, #tpu.memory_space<vmem>>)
      %dma_wait3A_2646 = arith.constant 136 : i32
      %dma_wait3A_2647 = arith.constant 0 : i32
      %dma_wait3A_2648 = tpu.memref_slice %arg6[%dma_wait3A_2646, %dma_wait3A_2647] : memref<256x128xf32, #tpu.memory_space<vmem>> -> memref<8x128xf32, #tpu.memory_space<vmem>>
      %dma_wait3A_2649 = arith.constant 48 : i32
      %dma_wait3A_2650 = tpu.memref_slice %arg2[%rem3A_1137, %dma_wait3A_2649, %add3A_2233] : memref<8x64x2048xf32, #tpu.memory_space<hbm>> -> memref<1x8x128xf32, #tpu.memory_space<hbm>>
      %dma_wait3A_2651 = tpu.memref_squeeze %dma_wait3A_2650 : memref<1x8x128xf32, #tpu.memory_space<hbm>> -> memref<8x128xf32, #tpu.memory_space<hbm>>
      %dma_wait3A_2652 = arith.constant 136 : i32
      %dma_wait3A_2653 = arith.constant 0 : i32
      %dma_wait3A_2654 = tpu.memref_slice %arg6[%dma_wait3A_2652, %dma_wait3A_2653] : memref<256x128xf32, #tpu.memory_space<vmem>> -> memref<8x128xf32, #tpu.memory_space<vmem>>
      %dma_wait3A_2655 = arith.constant 48 : i32
      %dma_wait3A_2656 = tpu.memref_slice %arg2[%rem3A_1137, %dma_wait3A_2655, %add3A_2233] : memref<8x64x2048xf32, #tpu.memory_space<hbm>> -> memref<1x8x128xf32, #tpu.memory_space<hbm>>
      %dma_wait3A_2657 = tpu.memref_squeeze %dma_wait3A_2656 : memref<1x8x128xf32, #tpu.memory_space<hbm>> -> memref<8x128xf32, #tpu.memory_space<hbm>>
      tpu.wait_dma2 semaphore(%arg7 : memref<!tpu.dma_semaphore, #tpu.memory_space<semaphore_mem>>) src(%dma_wait3A_2657 : memref<8x128xf32, #tpu.memory_space<hbm>>) dst(%dma_wait3A_2654 : memref<8x128xf32, #tpu.memory_space<vmem>>)
      %dma_wait3A_2658 = arith.constant 144 : i32
      %dma_wait3A_2659 = arith.constant 0 : i32
      %dma_wait3A_2660 = tpu.memref_slice %arg6[%dma_wait3A_2658, %dma_wait3A_2659] : memref<256x128xf32, #tpu.memory_space<vmem>> -> memref<8x128xf32, #tpu.memory_space<vmem>>
      %dma_wait3A_2661 = arith.constant 48 : i32
      %dma_wait3A_2662 = tpu.memref_slice %arg2[%rem3A_1137, %dma_wait3A_2661, %add3A_2247] : memref<8x64x2048xf32, #tpu.memory_space<hbm>> -> memref<1x8x128xf32, #tpu.memory_space<hbm>>
      %dma_wait3A_2663 = tpu.memref_squeeze %dma_wait3A_2662 : memref<1x8x128xf32, #tpu.memory_space<hbm>> -> memref<8x128xf32, #tpu.memory_space<hbm>>
      %dma_wait3A_2664 = arith.constant 144 : i32
      %dma_wait3A_2665 = arith.constant 0 : i32
      %dma_wait3A_2666 = tpu.memref_slice %arg6[%dma_wait3A_2664, %dma_wait3A_2665] : memref<256x128xf32, #tpu.memory_space<vmem>> -> memref<8x128xf32, #tpu.memory_space<vmem>>
      %dma_wait3A_2667 = arith.constant 48 : i32
      %dma_wait3A_2668 = tpu.memref_slice %arg2[%rem3A_1137, %dma_wait3A_2667, %add3A_2247] : memref<8x64x2048xf32, #tpu.memory_space<hbm>> -> memref<1x8x128xf32, #tpu.memory_space<hbm>>
      %dma_wait3A_2669 = tpu.memref_squeeze %dma_wait3A_2668 : memref<1x8x128xf32, #tpu.memory_space<hbm>> -> memref<8x128xf32, #tpu.memory_space<hbm>>
      tpu.wait_dma2 semaphore(%arg7 : memref<!tpu.dma_semaphore, #tpu.memory_space<semaphore_mem>>) src(%dma_wait3A_2669 : memref<8x128xf32, #tpu.memory_space<hbm>>) dst(%dma_wait3A_2666 : memref<8x128xf32, #tpu.memory_space<vmem>>)
      %dma_wait3A_2670 = arith.constant 152 : i32
      %dma_wait3A_2671 = arith.constant 0 : i32
      %dma_wait3A_2672 = tpu.memref_slice %arg6[%dma_wait3A_2670, %dma_wait3A_2671] : memref<256x128xf32, #tpu.memory_space<vmem>> -> memref<8x128xf32, #tpu.memory_space<vmem>>
      %dma_wait3A_2673 = arith.constant 48 : i32
      %dma_wait3A_2674 = tpu.memref_slice %arg2[%rem3A_1137, %dma_wait3A_2673, %add3A_2261] : memref<8x64x2048xf32, #tpu.memory_space<hbm>> -> memref<1x8x128xf32, #tpu.memory_space<hbm>>
      %dma_wait3A_2675 = tpu.memref_squeeze %dma_wait3A_2674 : memref<1x8x128xf32, #tpu.memory_space<hbm>> -> memref<8x128xf32, #tpu.memory_space<hbm>>
      %dma_wait3A_2676 = arith.constant 152 : i32
      %dma_wait3A_2677 = arith.constant 0 : i32
      %dma_wait3A_2678 = tpu.memref_slice %arg6[%dma_wait3A_2676, %dma_wait3A_2677] : memref<256x128xf32, #tpu.memory_space<vmem>> -> memref<8x128xf32, #tpu.memory_space<vmem>>
      %dma_wait3A_2679 = arith.constant 48 : i32
      %dma_wait3A_2680 = tpu.memref_slice %arg2[%rem3A_1137, %dma_wait3A_2679, %add3A_2261] : memref<8x64x2048xf32, #tpu.memory_space<hbm>> -> memref<1x8x128xf32, #tpu.memory_space<hbm>>
      %dma_wait3A_2681 = tpu.memref_squeeze %dma_wait3A_2680 : memref<1x8x128xf32, #tpu.memory_space<hbm>> -> memref<8x128xf32, #tpu.memory_space<hbm>>
      tpu.wait_dma2 semaphore(%arg7 : memref<!tpu.dma_semaphore, #tpu.memory_space<semaphore_mem>>) src(%dma_wait3A_2681 : memref<8x128xf32, #tpu.memory_space<hbm>>) dst(%dma_wait3A_2678 : memref<8x128xf32, #tpu.memory_space<vmem>>)
      %dma_wait3A_2682 = arith.constant 160 : i32
      %dma_wait3A_2683 = arith.constant 0 : i32
      %dma_wait3A_2684 = tpu.memref_slice %arg6[%dma_wait3A_2682, %dma_wait3A_2683] : memref<256x128xf32, #tpu.memory_space<vmem>> -> memref<8x128xf32, #tpu.memory_space<vmem>>
      %dma_wait3A_2685 = arith.constant 48 : i32
      %dma_wait3A_2686 = tpu.memref_slice %arg2[%rem3A_1137, %dma_wait3A_2685, %add3A_2275] : memref<8x64x2048xf32, #tpu.memory_space<hbm>> -> memref<1x8x128xf32, #tpu.memory_space<hbm>>
      %dma_wait3A_2687 = tpu.memref_squeeze %dma_wait3A_2686 : memref<1x8x128xf32, #tpu.memory_space<hbm>> -> memref<8x128xf32, #tpu.memory_space<hbm>>
      %dma_wait3A_2688 = arith.constant 160 : i32
      %dma_wait3A_2689 = arith.constant 0 : i32
      %dma_wait3A_2690 = tpu.memref_slice %arg6[%dma_wait3A_2688, %dma_wait3A_2689] : memref<256x128xf32, #tpu.memory_space<vmem>> -> memref<8x128xf32, #tpu.memory_space<vmem>>
      %dma_wait3A_2691 = arith.constant 48 : i32
      %dma_wait3A_2692 = tpu.memref_slice %arg2[%rem3A_1137, %dma_wait3A_2691, %add3A_2275] : memref<8x64x2048xf32, #tpu.memory_space<hbm>> -> memref<1x8x128xf32, #tpu.memory_space<hbm>>
      %dma_wait3A_2693 = tpu.memref_squeeze %dma_wait3A_2692 : memref<1x8x128xf32, #tpu.memory_space<hbm>> -> memref<8x128xf32, #tpu.memory_space<hbm>>
      tpu.wait_dma2 semaphore(%arg7 : memref<!tpu.dma_semaphore, #tpu.memory_space<semaphore_mem>>) src(%dma_wait3A_2693 : memref<8x128xf32, #tpu.memory_space<hbm>>) dst(%dma_wait3A_2690 : memref<8x128xf32, #tpu.memory_space<vmem>>)
      %dma_wait3A_2694 = arith.constant 168 : i32
      %dma_wait3A_2695 = arith.constant 0 : i32
      %dma_wait3A_2696 = tpu.memref_slice %arg6[%dma_wait3A_2694, %dma_wait3A_2695] : memref<256x128xf32, #tpu.memory_space<vmem>> -> memref<8x128xf32, #tpu.memory_space<vmem>>
      %dma_wait3A_2697 = arith.constant 48 : i32
      %dma_wait3A_2698 = tpu.memref_slice %arg2[%rem3A_1137, %dma_wait3A_2697, %add3A_2289] : memref<8x64x2048xf32, #tpu.memory_space<hbm>> -> memref<1x8x128xf32, #tpu.memory_space<hbm>>
      %dma_wait3A_2699 = tpu.memref_squeeze %dma_wait3A_2698 : memref<1x8x128xf32, #tpu.memory_space<hbm>> -> memref<8x128xf32, #tpu.memory_space<hbm>>
      %dma_wait3A_2700 = arith.constant 168 : i32
      %dma_wait3A_2701 = arith.constant 0 : i32
      %dma_wait3A_2702 = tpu.memref_slice %arg6[%dma_wait3A_2700, %dma_wait3A_2701] : memref<256x128xf32, #tpu.memory_space<vmem>> -> memref<8x128xf32, #tpu.memory_space<vmem>>
      %dma_wait3A_2703 = arith.constant 48 : i32
      %dma_wait3A_2704 = tpu.memref_slice %arg2[%rem3A_1137, %dma_wait3A_2703, %add3A_2289] : memref<8x64x2048xf32, #tpu.memory_space<hbm>> -> memref<1x8x128xf32, #tpu.memory_space<hbm>>
      %dma_wait3A_2705 = tpu.memref_squeeze %dma_wait3A_2704 : memref<1x8x128xf32, #tpu.memory_space<hbm>> -> memref<8x128xf32, #tpu.memory_space<hbm>>
      tpu.wait_dma2 semaphore(%arg7 : memref<!tpu.dma_semaphore, #tpu.memory_space<semaphore_mem>>) src(%dma_wait3A_2705 : memref<8x128xf32, #tpu.memory_space<hbm>>) dst(%dma_wait3A_2702 : memref<8x128xf32, #tpu.memory_space<vmem>>)
      %dma_wait3A_2706 = arith.constant 176 : i32
      %dma_wait3A_2707 = arith.constant 0 : i32
      %dma_wait3A_2708 = tpu.memref_slice %arg6[%dma_wait3A_2706, %dma_wait3A_2707] : memref<256x128xf32, #tpu.memory_space<vmem>> -> memref<8x128xf32, #tpu.memory_space<vmem>>
      %dma_wait3A_2709 = arith.constant 48 : i32
      %dma_wait3A_2710 = tpu.memref_slice %arg2[%rem3A_1137, %dma_wait3A_2709, %add3A_2303] : memref<8x64x2048xf32, #tpu.memory_space<hbm>> -> memref<1x8x128xf32, #tpu.memory_space<hbm>>
      %dma_wait3A_2711 = tpu.memref_squeeze %dma_wait3A_2710 : memref<1x8x128xf32, #tpu.memory_space<hbm>> -> memref<8x128xf32, #tpu.memory_space<hbm>>
      %dma_wait3A_2712 = arith.constant 176 : i32
      %dma_wait3A_2713 = arith.constant 0 : i32
      %dma_wait3A_2714 = tpu.memref_slice %arg6[%dma_wait3A_2712, %dma_wait3A_2713] : memref<256x128xf32, #tpu.memory_space<vmem>> -> memref<8x128xf32, #tpu.memory_space<vmem>>
      %dma_wait3A_2715 = arith.constant 48 : i32
      %dma_wait3A_2716 = tpu.memref_slice %arg2[%rem3A_1137, %dma_wait3A_2715, %add3A_2303] : memref<8x64x2048xf32, #tpu.memory_space<hbm>> -> memref<1x8x128xf32, #tpu.memory_space<hbm>>
      %dma_wait3A_2717 = tpu.memref_squeeze %dma_wait3A_2716 : memref<1x8x128xf32, #tpu.memory_space<hbm>> -> memref<8x128xf32, #tpu.memory_space<hbm>>
      tpu.wait_dma2 semaphore(%arg7 : memref<!tpu.dma_semaphore, #tpu.memory_space<semaphore_mem>>) src(%dma_wait3A_2717 : memref<8x128xf32, #tpu.memory_space<hbm>>) dst(%dma_wait3A_2714 : memref<8x128xf32, #tpu.memory_space<vmem>>)
      %dma_wait3A_2718 = arith.constant 184 : i32
      %dma_wait3A_2719 = arith.constant 0 : i32
      %dma_wait3A_2720 = tpu.memref_slice %arg6[%dma_wait3A_2718, %dma_wait3A_2719] : memref<256x128xf32, #tpu.memory_space<vmem>> -> memref<8x128xf32, #tpu.memory_space<vmem>>
      %dma_wait3A_2721 = arith.constant 48 : i32
      %dma_wait3A_2722 = tpu.memref_slice %arg2[%rem3A_1137, %dma_wait3A_2721, %add3A_2317] : memref<8x64x2048xf32, #tpu.memory_space<hbm>> -> memref<1x8x128xf32, #tpu.memory_space<hbm>>
      %dma_wait3A_2723 = tpu.memref_squeeze %dma_wait3A_2722 : memref<1x8x128xf32, #tpu.memory_space<hbm>> -> memref<8x128xf32, #tpu.memory_space<hbm>>
      %dma_wait3A_2724 = arith.constant 184 : i32
      %dma_wait3A_2725 = arith.constant 0 : i32
      %dma_wait3A_2726 = tpu.memref_slice %arg6[%dma_wait3A_2724, %dma_wait3A_2725] : memref<256x128xf32, #tpu.memory_space<vmem>> -> memref<8x128xf32, #tpu.memory_space<vmem>>
      %dma_wait3A_2727 = arith.constant 48 : i32
      %dma_wait3A_2728 = tpu.memref_slice %arg2[%rem3A_1137, %dma_wait3A_2727, %add3A_2317] : memref<8x64x2048xf32, #tpu.memory_space<hbm>> -> memref<1x8x128xf32, #tpu.memory_space<hbm>>
      %dma_wait3A_2729 = tpu.memref_squeeze %dma_wait3A_2728 : memref<1x8x128xf32, #tpu.memory_space<hbm>> -> memref<8x128xf32, #tpu.memory_space<hbm>>
      tpu.wait_dma2 semaphore(%arg7 : memref<!tpu.dma_semaphore, #tpu.memory_space<semaphore_mem>>) src(%dma_wait3A_2729 : memref<8x128xf32, #tpu.memory_space<hbm>>) dst(%dma_wait3A_2726 : memref<8x128xf32, #tpu.memory_space<vmem>>)
      %dma_wait3A_2730 = arith.constant 192 : i32
      %dma_wait3A_2731 = arith.constant 0 : i32
      %dma_wait3A_2732 = tpu.memref_slice %arg6[%dma_wait3A_2730, %dma_wait3A_2731] : memref<256x128xf32, #tpu.memory_space<vmem>> -> memref<8x128xf32, #tpu.memory_space<vmem>>
      %dma_wait3A_2733 = arith.constant 56 : i32
      %dma_wait3A_2734 = tpu.memref_slice %arg2[%rem3A_1137, %dma_wait3A_2733, %add3A_2331] : memref<8x64x2048xf32, #tpu.memory_space<hbm>> -> memref<1x8x128xf32, #tpu.memory_space<hbm>>
      %dma_wait3A_2735 = tpu.memref_squeeze %dma_wait3A_2734 : memref<1x8x128xf32, #tpu.memory_space<hbm>> -> memref<8x128xf32, #tpu.memory_space<hbm>>
      %dma_wait3A_2736 = arith.constant 192 : i32
      %dma_wait3A_2737 = arith.constant 0 : i32
      %dma_wait3A_2738 = tpu.memref_slice %arg6[%dma_wait3A_2736, %dma_wait3A_2737] : memref<256x128xf32, #tpu.memory_space<vmem>> -> memref<8x128xf32, #tpu.memory_space<vmem>>
      %dma_wait3A_2739 = arith.constant 56 : i32
      %dma_wait3A_2740 = tpu.memref_slice %arg2[%rem3A_1137, %dma_wait3A_2739, %add3A_2331] : memref<8x64x2048xf32, #tpu.memory_space<hbm>> -> memref<1x8x128xf32, #tpu.memory_space<hbm>>
      %dma_wait3A_2741 = tpu.memref_squeeze %dma_wait3A_2740 : memref<1x8x128xf32, #tpu.memory_space<hbm>> -> memref<8x128xf32, #tpu.memory_space<hbm>>
      tpu.wait_dma2 semaphore(%arg7 : memref<!tpu.dma_semaphore, #tpu.memory_space<semaphore_mem>>) src(%dma_wait3A_2741 : memref<8x128xf32, #tpu.memory_space<hbm>>) dst(%dma_wait3A_2738 : memref<8x128xf32, #tpu.memory_space<vmem>>)
      %dma_wait3A_2742 = arith.constant 200 : i32
      %dma_wait3A_2743 = arith.constant 0 : i32
      %dma_wait3A_2744 = tpu.memref_slice %arg6[%dma_wait3A_2742, %dma_wait3A_2743] : memref<256x128xf32, #tpu.memory_space<vmem>> -> memref<8x128xf32, #tpu.memory_space<vmem>>
      %dma_wait3A_2745 = arith.constant 56 : i32
      %dma_wait3A_2746 = tpu.memref_slice %arg2[%rem3A_1137, %dma_wait3A_2745, %add3A_2345] : memref<8x64x2048xf32, #tpu.memory_space<hbm>> -> memref<1x8x128xf32, #tpu.memory_space<hbm>>
      %dma_wait3A_2747 = tpu.memref_squeeze %dma_wait3A_2746 : memref<1x8x128xf32, #tpu.memory_space<hbm>> -> memref<8x128xf32, #tpu.memory_space<hbm>>
      %dma_wait3A_2748 = arith.constant 200 : i32
      %dma_wait3A_2749 = arith.constant 0 : i32
      %dma_wait3A_2750 = tpu.memref_slice %arg6[%dma_wait3A_2748, %dma_wait3A_2749] : memref<256x128xf32, #tpu.memory_space<vmem>> -> memref<8x128xf32, #tpu.memory_space<vmem>>
      %dma_wait3A_2751 = arith.constant 56 : i32
      %dma_wait3A_2752 = tpu.memref_slice %arg2[%rem3A_1137, %dma_wait3A_2751, %add3A_2345] : memref<8x64x2048xf32, #tpu.memory_space<hbm>> -> memref<1x8x128xf32, #tpu.memory_space<hbm>>
      %dma_wait3A_2753 = tpu.memref_squeeze %dma_wait3A_2752 : memref<1x8x128xf32, #tpu.memory_space<hbm>> -> memref<8x128xf32, #tpu.memory_space<hbm>>
      tpu.wait_dma2 semaphore(%arg7 : memref<!tpu.dma_semaphore, #tpu.memory_space<semaphore_mem>>) src(%dma_wait3A_2753 : memref<8x128xf32, #tpu.memory_space<hbm>>) dst(%dma_wait3A_2750 : memref<8x128xf32, #tpu.memory_space<vmem>>)
      %dma_wait3A_2754 = arith.constant 208 : i32
      %dma_wait3A_2755 = arith.constant 0 : i32
      %dma_wait3A_2756 = tpu.memref_slice %arg6[%dma_wait3A_2754, %dma_wait3A_2755] : memref<256x128xf32, #tpu.memory_space<vmem>> -> memref<8x128xf32, #tpu.memory_space<vmem>>
      %dma_wait3A_2757 = arith.constant 56 : i32
      %dma_wait3A_2758 = tpu.memref_slice %arg2[%rem3A_1137, %dma_wait3A_2757, %add3A_2359] : memref<8x64x2048xf32, #tpu.memory_space<hbm>> -> memref<1x8x128xf32, #tpu.memory_space<hbm>>
      %dma_wait3A_2759 = tpu.memref_squeeze %dma_wait3A_2758 : memref<1x8x128xf32, #tpu.memory_space<hbm>> -> memref<8x128xf32, #tpu.memory_space<hbm>>
      %dma_wait3A_2760 = arith.constant 208 : i32
      %dma_wait3A_2761 = arith.constant 0 : i32
      %dma_wait3A_2762 = tpu.memref_slice %arg6[%dma_wait3A_2760, %dma_wait3A_2761] : memref<256x128xf32, #tpu.memory_space<vmem>> -> memref<8x128xf32, #tpu.memory_space<vmem>>
      %dma_wait3A_2763 = arith.constant 56 : i32
      %dma_wait3A_2764 = tpu.memref_slice %arg2[%rem3A_1137, %dma_wait3A_2763, %add3A_2359] : memref<8x64x2048xf32, #tpu.memory_space<hbm>> -> memref<1x8x128xf32, #tpu.memory_space<hbm>>
      %dma_wait3A_2765 = tpu.memref_squeeze %dma_wait3A_2764 : memref<1x8x128xf32, #tpu.memory_space<hbm>> -> memref<8x128xf32, #tpu.memory_space<hbm>>
      tpu.wait_dma2 semaphore(%arg7 : memref<!tpu.dma_semaphore, #tpu.memory_space<semaphore_mem>>) src(%dma_wait3A_2765 : memref<8x128xf32, #tpu.memory_space<hbm>>) dst(%dma_wait3A_2762 : memref<8x128xf32, #tpu.memory_space<vmem>>)
      %dma_wait3A_2766 = arith.constant 216 : i32
      %dma_wait3A_2767 = arith.constant 0 : i32
      %dma_wait3A_2768 = tpu.memref_slice %arg6[%dma_wait3A_2766, %dma_wait3A_2767] : memref<256x128xf32, #tpu.memory_space<vmem>> -> memref<8x128xf32, #tpu.memory_space<vmem>>
      %dma_wait3A_2769 = arith.constant 56 : i32
      %dma_wait3A_2770 = tpu.memref_slice %arg2[%rem3A_1137, %dma_wait3A_2769, %add3A_2373] : memref<8x64x2048xf32, #tpu.memory_space<hbm>> -> memref<1x8x128xf32, #tpu.memory_space<hbm>>
      %dma_wait3A_2771 = tpu.memref_squeeze %dma_wait3A_2770 : memref<1x8x128xf32, #tpu.memory_space<hbm>> -> memref<8x128xf32, #tpu.memory_space<hbm>>
      %dma_wait3A_2772 = arith.constant 216 : i32
      %dma_wait3A_2773 = arith.constant 0 : i32
      %dma_wait3A_2774 = tpu.memref_slice %arg6[%dma_wait3A_2772, %dma_wait3A_2773] : memref<256x128xf32, #tpu.memory_space<vmem>> -> memref<8x128xf32, #tpu.memory_space<vmem>>
      %dma_wait3A_2775 = arith.constant 56 : i32
      %dma_wait3A_2776 = tpu.memref_slice %arg2[%rem3A_1137, %dma_wait3A_2775, %add3A_2373] : memref<8x64x2048xf32, #tpu.memory_space<hbm>> -> memref<1x8x128xf32, #tpu.memory_space<hbm>>
      %dma_wait3A_2777 = tpu.memref_squeeze %dma_wait3A_2776 : memref<1x8x128xf32, #tpu.memory_space<hbm>> -> memref<8x128xf32, #tpu.memory_space<hbm>>
      tpu.wait_dma2 semaphore(%arg7 : memref<!tpu.dma_semaphore, #tpu.memory_space<semaphore_mem>>) src(%dma_wait3A_2777 : memref<8x128xf32, #tpu.memory_space<hbm>>) dst(%dma_wait3A_2774 : memref<8x128xf32, #tpu.memory_space<vmem>>)
      %dma_wait3A_2778 = arith.constant 224 : i32
      %dma_wait3A_2779 = arith.constant 0 : i32
      %dma_wait3A_2780 = tpu.memref_slice %arg6[%dma_wait3A_2778, %dma_wait3A_2779] : memref<256x128xf32, #tpu.memory_space<vmem>> -> memref<8x128xf32, #tpu.memory_space<vmem>>
      %dma_wait3A_2781 = arith.constant 56 : i32
      %dma_wait3A_2782 = tpu.memref_slice %arg2[%rem3A_1137, %dma_wait3A_2781, %add3A_2387] : memref<8x64x2048xf32, #tpu.memory_space<hbm>> -> memref<1x8x128xf32, #tpu.memory_space<hbm>>
      %dma_wait3A_2783 = tpu.memref_squeeze %dma_wait3A_2782 : memref<1x8x128xf32, #tpu.memory_space<hbm>> -> memref<8x128xf32, #tpu.memory_space<hbm>>
      %dma_wait3A_2784 = arith.constant 224 : i32
      %dma_wait3A_2785 = arith.constant 0 : i32
      %dma_wait3A_2786 = tpu.memref_slice %arg6[%dma_wait3A_2784, %dma_wait3A_2785] : memref<256x128xf32, #tpu.memory_space<vmem>> -> memref<8x128xf32, #tpu.memory_space<vmem>>
      %dma_wait3A_2787 = arith.constant 56 : i32
      %dma_wait3A_2788 = tpu.memref_slice %arg2[%rem3A_1137, %dma_wait3A_2787, %add3A_2387] : memref<8x64x2048xf32, #tpu.memory_space<hbm>> -> memref<1x8x128xf32, #tpu.memory_space<hbm>>
      %dma_wait3A_2789 = tpu.memref_squeeze %dma_wait3A_2788 : memref<1x8x128xf32, #tpu.memory_space<hbm>> -> memref<8x128xf32, #tpu.memory_space<hbm>>
      tpu.wait_dma2 semaphore(%arg7 : memref<!tpu.dma_semaphore, #tpu.memory_space<semaphore_mem>>) src(%dma_wait3A_2789 : memref<8x128xf32, #tpu.memory_space<hbm>>) dst(%dma_wait3A_2786 : memref<8x128xf32, #tpu.memory_space<vmem>>)
      %dma_wait3A_2790 = arith.constant 232 : i32
      %dma_wait3A_2791 = arith.constant 0 : i32
      %dma_wait3A_2792 = tpu.memref_slice %arg6[%dma_wait3A_2790, %dma_wait3A_2791] : memref<256x128xf32, #tpu.memory_space<vmem>> -> memref<8x128xf32, #tpu.memory_space<vmem>>
      %dma_wait3A_2793 = arith.constant 56 : i32
      %dma_wait3A_2794 = tpu.memref_slice %arg2[%rem3A_1137, %dma_wait3A_2793, %add3A_2401] : memref<8x64x2048xf32, #tpu.memory_space<hbm>> -> memref<1x8x128xf32, #tpu.memory_space<hbm>>
      %dma_wait3A_2795 = tpu.memref_squeeze %dma_wait3A_2794 : memref<1x8x128xf32, #tpu.memory_space<hbm>> -> memref<8x128xf32, #tpu.memory_space<hbm>>
      %dma_wait3A_2796 = arith.constant 232 : i32
      %dma_wait3A_2797 = arith.constant 0 : i32
      %dma_wait3A_2798 = tpu.memref_slice %arg6[%dma_wait3A_2796, %dma_wait3A_2797] : memref<256x128xf32, #tpu.memory_space<vmem>> -> memref<8x128xf32, #tpu.memory_space<vmem>>
      %dma_wait3A_2799 = arith.constant 56 : i32
      %dma_wait3A_2800 = tpu.memref_slice %arg2[%rem3A_1137, %dma_wait3A_2799, %add3A_2401] : memref<8x64x2048xf32, #tpu.memory_space<hbm>> -> memref<1x8x128xf32, #tpu.memory_space<hbm>>
      %dma_wait3A_2801 = tpu.memref_squeeze %dma_wait3A_2800 : memref<1x8x128xf32, #tpu.memory_space<hbm>> -> memref<8x128xf32, #tpu.memory_space<hbm>>
      tpu.wait_dma2 semaphore(%arg7 : memref<!tpu.dma_semaphore, #tpu.memory_space<semaphore_mem>>) src(%dma_wait3A_2801 : memref<8x128xf32, #tpu.memory_space<hbm>>) dst(%dma_wait3A_2798 : memref<8x128xf32, #tpu.memory_space<vmem>>)
      %dma_wait3A_2802 = arith.constant 240 : i32
      %dma_wait3A_2803 = arith.constant 0 : i32
      %dma_wait3A_2804 = tpu.memref_slice %arg6[%dma_wait3A_2802, %dma_wait3A_2803] : memref<256x128xf32, #tpu.memory_space<vmem>> -> memref<8x128xf32, #tpu.memory_space<vmem>>
      %dma_wait3A_2805 = arith.constant 56 : i32
      %dma_wait3A_2806 = tpu.memref_slice %arg2[%rem3A_1137, %dma_wait3A_2805, %add3A_2415] : memref<8x64x2048xf32, #tpu.memory_space<hbm>> -> memref<1x8x128xf32, #tpu.memory_space<hbm>>
      %dma_wait3A_2807 = tpu.memref_squeeze %dma_wait3A_2806 : memref<1x8x128xf32, #tpu.memory_space<hbm>> -> memref<8x128xf32, #tpu.memory_space<hbm>>
      %dma_wait3A_2808 = arith.constant 240 : i32
      %dma_wait3A_2809 = arith.constant 0 : i32
      %dma_wait3A_2810 = tpu.memref_slice %arg6[%dma_wait3A_2808, %dma_wait3A_2809] : memref<256x128xf32, #tpu.memory_space<vmem>> -> memref<8x128xf32, #tpu.memory_space<vmem>>
      %dma_wait3A_2811 = arith.constant 56 : i32
      %dma_wait3A_2812 = tpu.memref_slice %arg2[%rem3A_1137, %dma_wait3A_2811, %add3A_2415] : memref<8x64x2048xf32, #tpu.memory_space<hbm>> -> memref<1x8x128xf32, #tpu.memory_space<hbm>>
      %dma_wait3A_2813 = tpu.memref_squeeze %dma_wait3A_2812 : memref<1x8x128xf32, #tpu.memory_space<hbm>> -> memref<8x128xf32, #tpu.memory_space<hbm>>
      tpu.wait_dma2 semaphore(%arg7 : memref<!tpu.dma_semaphore, #tpu.memory_space<semaphore_mem>>) src(%dma_wait3A_2813 : memref<8x128xf32, #tpu.memory_space<hbm>>) dst(%dma_wait3A_2810 : memref<8x128xf32, #tpu.memory_space<vmem>>)
      %dma_wait3A_2814 = arith.constant 248 : i32
      %dma_wait3A_2815 = arith.constant 0 : i32
      %dma_wait3A_2816 = tpu.memref_slice %arg6[%dma_wait3A_2814, %dma_wait3A_2815] : memref<256x128xf32, #tpu.memory_space<vmem>> -> memref<8x128xf32, #tpu.memory_space<vmem>>
      %dma_wait3A_2817 = arith.constant 56 : i32
      %dma_wait3A_2818 = tpu.memref_slice %arg2[%rem3A_1137, %dma_wait3A_2817, %add3A_2429] : memref<8x64x2048xf32, #tpu.memory_space<hbm>> -> memref<1x8x128xf32, #tpu.memory_space<hbm>>
      %dma_wait3A_2819 = tpu.memref_squeeze %dma_wait3A_2818 : memref<1x8x128xf32, #tpu.memory_space<hbm>> -> memref<8x128xf32, #tpu.memory_space<hbm>>
      %dma_wait3A_2820 = arith.constant 248 : i32
      %dma_wait3A_2821 = arith.constant 0 : i32
      %dma_wait3A_2822 = tpu.memref_slice %arg6[%dma_wait3A_2820, %dma_wait3A_2821] : memref<256x128xf32, #tpu.memory_space<vmem>> -> memref<8x128xf32, #tpu.memory_space<vmem>>
      %dma_wait3A_2823 = arith.constant 56 : i32
      %dma_wait3A_2824 = tpu.memref_slice %arg2[%rem3A_1137, %dma_wait3A_2823, %add3A_2429] : memref<8x64x2048xf32, #tpu.memory_space<hbm>> -> memref<1x8x128xf32, #tpu.memory_space<hbm>>
      %dma_wait3A_2825 = tpu.memref_squeeze %dma_wait3A_2824 : memref<1x8x128xf32, #tpu.memory_space<hbm>> -> memref<8x128xf32, #tpu.memory_space<hbm>>
      tpu.wait_dma2 semaphore(%arg7 : memref<!tpu.dma_semaphore, #tpu.memory_space<semaphore_mem>>) src(%dma_wait3A_2825 : memref<8x128xf32, #tpu.memory_space<hbm>>) dst(%dma_wait3A_2822 : memref<8x128xf32, #tpu.memory_space<vmem>>)
      %dma_start3A_2826 = arith.constant 0 : i32
      %dma_start3A_2827 = tpu.memref_slice %arg3[%add3A_1988, %dma_start3A_2826] : memref<524288x128xf32, #tpu.memory_space<hbm>> -> memref<256x128xf32, #tpu.memory_space<hbm>>
      %dma_start3A_2828 = arith.constant 0 : i32
      %dma_start3A_2829 = tpu.memref_slice %arg3[%add3A_1988, %dma_start3A_2828] : memref<524288x128xf32, #tpu.memory_space<hbm>> -> memref<256x128xf32, #tpu.memory_space<hbm>>
      tpu.enqueue_dma source(%arg6 : memref<256x128xf32, #tpu.memory_space<vmem>>) target(%dma_start3A_2829 : memref<256x128xf32, #tpu.memory_space<hbm>>) target_semaphore(%arg9 : memref<!tpu.dma_semaphore, #tpu.memory_space<semaphore_mem>>)
    }
    %scan3A_8 = arith.constant 16 : i32
    %dma_wait3A = arith.constant 0 : i32
    %dma_wait3A_9 = arith.constant 0 : i32
    %dma_wait3A_10 = arith.constant 0 : i32
    %dma_wait3A_11 = tpu.memref_slice %arg3[%dma_wait3A_9, %dma_wait3A_10] : memref<524288x128xf32, #tpu.memory_space<hbm>> -> memref<8x128xf32, #tpu.memory_space<hbm>>
    %dma_wait3A_12 = arith.constant 0 : i32
    %dma_wait3A_13 = arith.constant 0 : i32
    %dma_wait3A_14 = tpu.memref_slice %arg4[%dma_wait3A, %dma_wait3A_12, %dma_wait3A_13] : memref<8x64x2048xf32, #tpu.memory_space<vmem_shared>> -> memref<1x8x128xf32, #tpu.memory_space<vmem_shared>>
    %dma_wait3A_15 = tpu.memref_squeeze %dma_wait3A_14 : memref<1x8x128xf32, #tpu.memory_space<vmem_shared>> -> memref<8x128xf32, #tpu.memory_space<vmem_shared>>
    tpu.wait_dma2 semaphore(%arg10 : memref<!tpu.dma_semaphore, #tpu.memory_space<semaphore_mem>>) src(%dma_wait3A_15 : memref<8x128xf32, #tpu.memory_space<vmem_shared>>) dst(%dma_wait3A_11 : memref<8x128xf32, #tpu.memory_space<hbm>>)
    %dma_wait3A_16 = arith.constant 0 : i32
    %dma_wait3A_17 = arith.constant 0 : i32
    %dma_wait3A_18 = arith.constant 0 : i32
    %dma_wait3A_19 = tpu.memref_slice %arg3[%dma_wait3A_17, %dma_wait3A_18] : memref<524288x128xf32, #tpu.memory_space<hbm>> -> memref<8x128xf32, #tpu.memory_space<hbm>>
    %dma_wait3A_20 = arith.constant 0 : i32
    %dma_wait3A_21 = arith.constant 0 : i32
    %dma_wait3A_22 = tpu.memref_slice %arg4[%dma_wait3A_16, %dma_wait3A_20, %dma_wait3A_21] : memref<8x64x2048xf32, #tpu.memory_space<vmem_shared>> -> memref<1x8x128xf32, #tpu.memory_space<vmem_shared>>
    %dma_wait3A_23 = tpu.memref_squeeze %dma_wait3A_22 : memref<1x8x128xf32, #tpu.memory_space<vmem_shared>> -> memref<8x128xf32, #tpu.memory_space<vmem_shared>>
    tpu.wait_dma2 semaphore(%arg10 : memref<!tpu.dma_semaphore, #tpu.memory_space<semaphore_mem>>) src(%dma_wait3A_23 : memref<8x128xf32, #tpu.memory_space<vmem_shared>>) dst(%dma_wait3A_19 : memref<8x128xf32, #tpu.memory_space<hbm>>)
    %dma_wait3A_24 = arith.constant 0 : i32
    %dma_wait3A_25 = arith.constant 0 : i32
    %dma_wait3A_26 = arith.constant 0 : i32
    %dma_wait3A_27 = tpu.memref_slice %arg3[%dma_wait3A_25, %dma_wait3A_26] : memref<524288x128xf32, #tpu.memory_space<hbm>> -> memref<8x128xf32, #tpu.memory_space<hbm>>
    %dma_wait3A_28 = arith.constant 0 : i32
    %dma_wait3A_29 = arith.constant 0 : i32
    %dma_wait3A_30 = tpu.memref_slice %arg4[%dma_wait3A_24, %dma_wait3A_28, %dma_wait3A_29] : memref<8x64x2048xf32, #tpu.memory_space<vmem_shared>> -> memref<1x8x128xf32, #tpu.memory_space<vmem_shared>>
    %dma_wait3A_31 = tpu.memref_squeeze %dma_wait3A_30 : memref<1x8x128xf32, #tpu.memory_space<vmem_shared>> -> memref<8x128xf32, #tpu.memory_space<vmem_shared>>
    tpu.wait_dma2 semaphore(%arg10 : memref<!tpu.dma_semaphore, #tpu.memory_space<semaphore_mem>>) src(%dma_wait3A_31 : memref<8x128xf32, #tpu.memory_space<vmem_shared>>) dst(%dma_wait3A_27 : memref<8x128xf32, #tpu.memory_space<hbm>>)
    %dma_wait3A_32 = arith.constant 0 : i32
    %dma_wait3A_33 = arith.constant 0 : i32
    %dma_wait3A_34 = arith.constant 0 : i32
    %dma_wait3A_35 = tpu.memref_slice %arg3[%dma_wait3A_33, %dma_wait3A_34] : memref<524288x128xf32, #tpu.memory_space<hbm>> -> memref<8x128xf32, #tpu.memory_space<hbm>>
    %dma_wait3A_36 = arith.constant 0 : i32
    %dma_wait3A_37 = arith.constant 0 : i32
    %dma_wait3A_38 = tpu.memref_slice %arg4[%dma_wait3A_32, %dma_wait3A_36, %dma_wait3A_37] : memref<8x64x2048xf32, #tpu.memory_space<vmem_shared>> -> memref<1x8x128xf32, #tpu.memory_space<vmem_shared>>
    %dma_wait3A_39 = tpu.memref_squeeze %dma_wait3A_38 : memref<1x8x128xf32, #tpu.memory_space<vmem_shared>> -> memref<8x128xf32, #tpu.memory_space<vmem_shared>>
    tpu.wait_dma2 semaphore(%arg10 : memref<!tpu.dma_semaphore, #tpu.memory_space<semaphore_mem>>) src(%dma_wait3A_39 : memref<8x128xf32, #tpu.memory_space<vmem_shared>>) dst(%dma_wait3A_35 : memref<8x128xf32, #tpu.memory_space<hbm>>)
    %dma_wait3A_40 = arith.constant 0 : i32
    %dma_wait3A_41 = arith.constant 0 : i32
    %dma_wait3A_42 = arith.constant 0 : i32
    %dma_wait3A_43 = tpu.memref_slice %arg3[%dma_wait3A_41, %dma_wait3A_42] : memref<524288x128xf32, #tpu.memory_space<hbm>> -> memref<8x128xf32, #tpu.memory_space<hbm>>
    %dma_wait3A_44 = arith.constant 0 : i32
    %dma_wait3A_45 = arith.constant 0 : i32
    %dma_wait3A_46 = tpu.memref_slice %arg4[%dma_wait3A_40, %dma_wait3A_44, %dma_wait3A_45] : memref<8x64x2048xf32, #tpu.memory_space<vmem_shared>> -> memref<1x8x128xf32, #tpu.memory_space<vmem_shared>>
    %dma_wait3A_47 = tpu.memref_squeeze %dma_wait3A_46 : memref<1x8x128xf32, #tpu.memory_space<vmem_shared>> -> memref<8x128xf32, #tpu.memory_space<vmem_shared>>
    tpu.wait_dma2 semaphore(%arg10 : memref<!tpu.dma_semaphore, #tpu.memory_space<semaphore_mem>>) src(%dma_wait3A_47 : memref<8x128xf32, #tpu.memory_space<vmem_shared>>) dst(%dma_wait3A_43 : memref<8x128xf32, #tpu.memory_space<hbm>>)
    %dma_wait3A_48 = arith.constant 0 : i32
    %dma_wait3A_49 = arith.constant 0 : i32
    %dma_wait3A_50 = arith.constant 0 : i32
    %dma_wait3A_51 = tpu.memref_slice %arg3[%dma_wait3A_49, %dma_wait3A_50] : memref<524288x128xf32, #tpu.memory_space<hbm>> -> memref<8x128xf32, #tpu.memory_space<hbm>>
    %dma_wait3A_52 = arith.constant 0 : i32
    %dma_wait3A_53 = arith.constant 0 : i32
    %dma_wait3A_54 = tpu.memref_slice %arg4[%dma_wait3A_48, %dma_wait3A_52, %dma_wait3A_53] : memref<8x64x2048xf32, #tpu.memory_space<vmem_shared>> -> memref<1x8x128xf32, #tpu.memory_space<vmem_shared>>
    %dma_wait3A_55 = tpu.memref_squeeze %dma_wait3A_54 : memref<1x8x128xf32, #tpu.memory_space<vmem_shared>> -> memref<8x128xf32, #tpu.memory_space<vmem_shared>>
    tpu.wait_dma2 semaphore(%arg10 : memref<!tpu.dma_semaphore, #tpu.memory_space<semaphore_mem>>) src(%dma_wait3A_55 : memref<8x128xf32, #tpu.memory_space<vmem_shared>>) dst(%dma_wait3A_51 : memref<8x128xf32, #tpu.memory_space<hbm>>)
    %dma_wait3A_56 = arith.constant 0 : i32
    %dma_wait3A_57 = arith.constant 0 : i32
    %dma_wait3A_58 = arith.constant 0 : i32
    %dma_wait3A_59 = tpu.memref_slice %arg3[%dma_wait3A_57, %dma_wait3A_58] : memref<524288x128xf32, #tpu.memory_space<hbm>> -> memref<8x128xf32, #tpu.memory_space<hbm>>
    %dma_wait3A_60 = arith.constant 0 : i32
    %dma_wait3A_61 = arith.constant 0 : i32
    %dma_wait3A_62 = tpu.memref_slice %arg4[%dma_wait3A_56, %dma_wait3A_60, %dma_wait3A_61] : memref<8x64x2048xf32, #tpu.memory_space<vmem_shared>> -> memref<1x8x128xf32, #tpu.memory_space<vmem_shared>>
    %dma_wait3A_63 = tpu.memref_squeeze %dma_wait3A_62 : memref<1x8x128xf32, #tpu.memory_space<vmem_shared>> -> memref<8x128xf32, #tpu.memory_space<vmem_shared>>
    tpu.wait_dma2 semaphore(%arg10 : memref<!tpu.dma_semaphore, #tpu.memory_space<semaphore_mem>>) src(%dma_wait3A_63 : memref<8x128xf32, #tpu.memory_space<vmem_shared>>) dst(%dma_wait3A_59 : memref<8x128xf32, #tpu.memory_space<hbm>>)
    %dma_wait3A_64 = arith.constant 0 : i32
    %dma_wait3A_65 = arith.constant 0 : i32
    %dma_wait3A_66 = arith.constant 0 : i32
    %dma_wait3A_67 = tpu.memref_slice %arg3[%dma_wait3A_65, %dma_wait3A_66] : memref<524288x128xf32, #tpu.memory_space<hbm>> -> memref<8x128xf32, #tpu.memory_space<hbm>>
    %dma_wait3A_68 = arith.constant 0 : i32
    %dma_wait3A_69 = arith.constant 0 : i32
    %dma_wait3A_70 = tpu.memref_slice %arg4[%dma_wait3A_64, %dma_wait3A_68, %dma_wait3A_69] : memref<8x64x2048xf32, #tpu.memory_space<vmem_shared>> -> memref<1x8x128xf32, #tpu.memory_space<vmem_shared>>
    %dma_wait3A_71 = tpu.memref_squeeze %dma_wait3A_70 : memref<1x8x128xf32, #tpu.memory_space<vmem_shared>> -> memref<8x128xf32, #tpu.memory_space<vmem_shared>>
    tpu.wait_dma2 semaphore(%arg10 : memref<!tpu.dma_semaphore, #tpu.memory_space<semaphore_mem>>) src(%dma_wait3A_71 : memref<8x128xf32, #tpu.memory_space<vmem_shared>>) dst(%dma_wait3A_67 : memref<8x128xf32, #tpu.memory_space<hbm>>)
    %dma_wait3A_72 = arith.constant 0 : i32
    %dma_wait3A_73 = arith.constant 0 : i32
    %dma_wait3A_74 = arith.constant 0 : i32
    %dma_wait3A_75 = tpu.memref_slice %arg3[%dma_wait3A_73, %dma_wait3A_74] : memref<524288x128xf32, #tpu.memory_space<hbm>> -> memref<8x128xf32, #tpu.memory_space<hbm>>
    %dma_wait3A_76 = arith.constant 0 : i32
    %dma_wait3A_77 = arith.constant 0 : i32
    %dma_wait3A_78 = tpu.memref_slice %arg4[%dma_wait3A_72, %dma_wait3A_76, %dma_wait3A_77] : memref<8x64x2048xf32, #tpu.memory_space<vmem_shared>> -> memref<1x8x128xf32, #tpu.memory_space<vmem_shared>>
    %dma_wait3A_79 = tpu.memref_squeeze %dma_wait3A_78 : memref<1x8x128xf32, #tpu.memory_space<vmem_shared>> -> memref<8x128xf32, #tpu.memory_space<vmem_shared>>
    tpu.wait_dma2 semaphore(%arg10 : memref<!tpu.dma_semaphore, #tpu.memory_space<semaphore_mem>>) src(%dma_wait3A_79 : memref<8x128xf32, #tpu.memory_space<vmem_shared>>) dst(%dma_wait3A_75 : memref<8x128xf32, #tpu.memory_space<hbm>>)
    %dma_wait3A_80 = arith.constant 0 : i32
    %dma_wait3A_81 = arith.constant 0 : i32
    %dma_wait3A_82 = arith.constant 0 : i32
    %dma_wait3A_83 = tpu.memref_slice %arg3[%dma_wait3A_81, %dma_wait3A_82] : memref<524288x128xf32, #tpu.memory_space<hbm>> -> memref<8x128xf32, #tpu.memory_space<hbm>>
    %dma_wait3A_84 = arith.constant 0 : i32
    %dma_wait3A_85 = arith.constant 0 : i32
    %dma_wait3A_86 = tpu.memref_slice %arg4[%dma_wait3A_80, %dma_wait3A_84, %dma_wait3A_85] : memref<8x64x2048xf32, #tpu.memory_space<vmem_shared>> -> memref<1x8x128xf32, #tpu.memory_space<vmem_shared>>
    %dma_wait3A_87 = tpu.memref_squeeze %dma_wait3A_86 : memref<1x8x128xf32, #tpu.memory_space<vmem_shared>> -> memref<8x128xf32, #tpu.memory_space<vmem_shared>>
    tpu.wait_dma2 semaphore(%arg10 : memref<!tpu.dma_semaphore, #tpu.memory_space<semaphore_mem>>) src(%dma_wait3A_87 : memref<8x128xf32, #tpu.memory_space<vmem_shared>>) dst(%dma_wait3A_83 : memref<8x128xf32, #tpu.memory_space<hbm>>)
    %dma_wait3A_88 = arith.constant 0 : i32
    %dma_wait3A_89 = arith.constant 0 : i32
    %dma_wait3A_90 = arith.constant 0 : i32
    %dma_wait3A_91 = tpu.memref_slice %arg3[%dma_wait3A_89, %dma_wait3A_90] : memref<524288x128xf32, #tpu.memory_space<hbm>> -> memref<8x128xf32, #tpu.memory_space<hbm>>
    %dma_wait3A_92 = arith.constant 0 : i32
    %dma_wait3A_93 = arith.constant 0 : i32
    %dma_wait3A_94 = tpu.memref_slice %arg4[%dma_wait3A_88, %dma_wait3A_92, %dma_wait3A_93] : memref<8x64x2048xf32, #tpu.memory_space<vmem_shared>> -> memref<1x8x128xf32, #tpu.memory_space<vmem_shared>>
    %dma_wait3A_95 = tpu.memref_squeeze %dma_wait3A_94 : memref<1x8x128xf32, #tpu.memory_space<vmem_shared>> -> memref<8x128xf32, #tpu.memory_space<vmem_shared>>
    tpu.wait_dma2 semaphore(%arg10 : memref<!tpu.dma_semaphore, #tpu.memory_space<semaphore_mem>>) src(%dma_wait3A_95 : memref<8x128xf32, #tpu.memory_space<vmem_shared>>) dst(%dma_wait3A_91 : memref<8x128xf32, #tpu.memory_space<hbm>>)
    %dma_wait3A_96 = arith.constant 0 : i32
    %dma_wait3A_97 = arith.constant 0 : i32
    %dma_wait3A_98 = arith.constant 0 : i32
    %dma_wait3A_99 = tpu.memref_slice %arg3[%dma_wait3A_97, %dma_wait3A_98] : memref<524288x128xf32, #tpu.memory_space<hbm>> -> memref<8x128xf32, #tpu.memory_space<hbm>>
    %dma_wait3A_100 = arith.constant 0 : i32
    %dma_wait3A_101 = arith.constant 0 : i32
    %dma_wait3A_102 = tpu.memref_slice %arg4[%dma_wait3A_96, %dma_wait3A_100, %dma_wait3A_101] : memref<8x64x2048xf32, #tpu.memory_space<vmem_shared>> -> memref<1x8x128xf32, #tpu.memory_space<vmem_shared>>
    %dma_wait3A_103 = tpu.memref_squeeze %dma_wait3A_102 : memref<1x8x128xf32, #tpu.memory_space<vmem_shared>> -> memref<8x128xf32, #tpu.memory_space<vmem_shared>>
    tpu.wait_dma2 semaphore(%arg10 : memref<!tpu.dma_semaphore, #tpu.memory_space<semaphore_mem>>) src(%dma_wait3A_103 : memref<8x128xf32, #tpu.memory_space<vmem_shared>>) dst(%dma_wait3A_99 : memref<8x128xf32, #tpu.memory_space<hbm>>)
    %dma_wait3A_104 = arith.constant 0 : i32
    %dma_wait3A_105 = arith.constant 0 : i32
    %dma_wait3A_106 = arith.constant 0 : i32
    %dma_wait3A_107 = tpu.memref_slice %arg3[%dma_wait3A_105, %dma_wait3A_106] : memref<524288x128xf32, #tpu.memory_space<hbm>> -> memref<8x128xf32, #tpu.memory_space<hbm>>
    %dma_wait3A_108 = arith.constant 0 : i32
    %dma_wait3A_109 = arith.constant 0 : i32
    %dma_wait3A_110 = tpu.memref_slice %arg4[%dma_wait3A_104, %dma_wait3A_108, %dma_wait3A_109] : memref<8x64x2048xf32, #tpu.memory_space<vmem_shared>> -> memref<1x8x128xf32, #tpu.memory_space<vmem_shared>>
    %dma_wait3A_111 = tpu.memref_squeeze %dma_wait3A_110 : memref<1x8x128xf32, #tpu.memory_space<vmem_shared>> -> memref<8x128xf32, #tpu.memory_space<vmem_shared>>
    tpu.wait_dma2 semaphore(%arg10 : memref<!tpu.dma_semaphore, #tpu.memory_space<semaphore_mem>>) src(%dma_wait3A_111 : memref<8x128xf32, #tpu.memory_space<vmem_shared>>) dst(%dma_wait3A_107 : memref<8x128xf32, #tpu.memory_space<hbm>>)
    %dma_wait3A_112 = arith.constant 0 : i32
    %dma_wait3A_113 = arith.constant 0 : i32
    %dma_wait3A_114 = arith.constant 0 : i32
    %dma_wait3A_115 = tpu.memref_slice %arg3[%dma_wait3A_113, %dma_wait3A_114] : memref<524288x128xf32, #tpu.memory_space<hbm>> -> memref<8x128xf32, #tpu.memory_space<hbm>>
    %dma_wait3A_116 = arith.constant 0 : i32
    %dma_wait3A_117 = arith.constant 0 : i32
    %dma_wait3A_118 = tpu.memref_slice %arg4[%dma_wait3A_112, %dma_wait3A_116, %dma_wait3A_117] : memref<8x64x2048xf32, #tpu.memory_space<vmem_shared>> -> memref<1x8x128xf32, #tpu.memory_space<vmem_shared>>
    %dma_wait3A_119 = tpu.memref_squeeze %dma_wait3A_118 : memref<1x8x128xf32, #tpu.memory_space<vmem_shared>> -> memref<8x128xf32, #tpu.memory_space<vmem_shared>>
    tpu.wait_dma2 semaphore(%arg10 : memref<!tpu.dma_semaphore, #tpu.memory_space<semaphore_mem>>) src(%dma_wait3A_119 : memref<8x128xf32, #tpu.memory_space<vmem_shared>>) dst(%dma_wait3A_115 : memref<8x128xf32, #tpu.memory_space<hbm>>)
    %dma_wait3A_120 = arith.constant 0 : i32
    %dma_wait3A_121 = arith.constant 0 : i32
    %dma_wait3A_122 = arith.constant 0 : i32
    %dma_wait3A_123 = tpu.memref_slice %arg3[%dma_wait3A_121, %dma_wait3A_122] : memref<524288x128xf32, #tpu.memory_space<hbm>> -> memref<8x128xf32, #tpu.memory_space<hbm>>
    %dma_wait3A_124 = arith.constant 0 : i32
    %dma_wait3A_125 = arith.constant 0 : i32
    %dma_wait3A_126 = tpu.memref_slice %arg4[%dma_wait3A_120, %dma_wait3A_124, %dma_wait3A_125] : memref<8x64x2048xf32, #tpu.memory_space<vmem_shared>> -> memref<1x8x128xf32, #tpu.memory_space<vmem_shared>>
    %dma_wait3A_127 = tpu.memref_squeeze %dma_wait3A_126 : memref<1x8x128xf32, #tpu.memory_space<vmem_shared>> -> memref<8x128xf32, #tpu.memory_space<vmem_shared>>
    tpu.wait_dma2 semaphore(%arg10 : memref<!tpu.dma_semaphore, #tpu.memory_space<semaphore_mem>>) src(%dma_wait3A_127 : memref<8x128xf32, #tpu.memory_space<vmem_shared>>) dst(%dma_wait3A_123 : memref<8x128xf32, #tpu.memory_space<hbm>>)
    %dma_wait3A_128 = arith.constant 0 : i32
    %dma_wait3A_129 = arith.constant 0 : i32
    %dma_wait3A_130 = arith.constant 0 : i32
    %dma_wait3A_131 = tpu.memref_slice %arg3[%dma_wait3A_129, %dma_wait3A_130] : memref<524288x128xf32, #tpu.memory_space<hbm>> -> memref<8x128xf32, #tpu.memory_space<hbm>>
    %dma_wait3A_132 = arith.constant 0 : i32
    %dma_wait3A_133 = arith.constant 0 : i32
    %dma_wait3A_134 = tpu.memref_slice %arg4[%dma_wait3A_128, %dma_wait3A_132, %dma_wait3A_133] : memref<8x64x2048xf32, #tpu.memory_space<vmem_shared>> -> memref<1x8x128xf32, #tpu.memory_space<vmem_shared>>
    %dma_wait3A_135 = tpu.memref_squeeze %dma_wait3A_134 : memref<1x8x128xf32, #tpu.memory_space<vmem_shared>> -> memref<8x128xf32, #tpu.memory_space<vmem_shared>>
    tpu.wait_dma2 semaphore(%arg10 : memref<!tpu.dma_semaphore, #tpu.memory_space<semaphore_mem>>) src(%dma_wait3A_135 : memref<8x128xf32, #tpu.memory_space<vmem_shared>>) dst(%dma_wait3A_131 : memref<8x128xf32, #tpu.memory_space<hbm>>)
    %dma_wait3A_136 = arith.constant 0 : i32
    %dma_wait3A_137 = arith.constant 0 : i32
    %dma_wait3A_138 = arith.constant 0 : i32
    %dma_wait3A_139 = tpu.memref_slice %arg3[%dma_wait3A_137, %dma_wait3A_138] : memref<524288x128xf32, #tpu.memory_space<hbm>> -> memref<8x128xf32, #tpu.memory_space<hbm>>
    %dma_wait3A_140 = arith.constant 0 : i32
    %dma_wait3A_141 = arith.constant 0 : i32
    %dma_wait3A_142 = tpu.memref_slice %arg4[%dma_wait3A_136, %dma_wait3A_140, %dma_wait3A_141] : memref<8x64x2048xf32, #tpu.memory_space<vmem_shared>> -> memref<1x8x128xf32, #tpu.memory_space<vmem_shared>>
    %dma_wait3A_143 = tpu.memref_squeeze %dma_wait3A_142 : memref<1x8x128xf32, #tpu.memory_space<vmem_shared>> -> memref<8x128xf32, #tpu.memory_space<vmem_shared>>
    tpu.wait_dma2 semaphore(%arg10 : memref<!tpu.dma_semaphore, #tpu.memory_space<semaphore_mem>>) src(%dma_wait3A_143 : memref<8x128xf32, #tpu.memory_space<vmem_shared>>) dst(%dma_wait3A_139 : memref<8x128xf32, #tpu.memory_space<hbm>>)
    %dma_wait3A_144 = arith.constant 0 : i32
    %dma_wait3A_145 = arith.constant 0 : i32
    %dma_wait3A_146 = arith.constant 0 : i32
    %dma_wait3A_147 = tpu.memref_slice %arg3[%dma_wait3A_145, %dma_wait3A_146] : memref<524288x128xf32, #tpu.memory_space<hbm>> -> memref<8x128xf32, #tpu.memory_space<hbm>>
    %dma_wait3A_148 = arith.constant 0 : i32
    %dma_wait3A_149 = arith.constant 0 : i32
    %dma_wait3A_150 = tpu.memref_slice %arg4[%dma_wait3A_144, %dma_wait3A_148, %dma_wait3A_149] : memref<8x64x2048xf32, #tpu.memory_space<vmem_shared>> -> memref<1x8x128xf32, #tpu.memory_space<vmem_shared>>
    %dma_wait3A_151 = tpu.memref_squeeze %dma_wait3A_150 : memref<1x8x128xf32, #tpu.memory_space<vmem_shared>> -> memref<8x128xf32, #tpu.memory_space<vmem_shared>>
    tpu.wait_dma2 semaphore(%arg10 : memref<!tpu.dma_semaphore, #tpu.memory_space<semaphore_mem>>) src(%dma_wait3A_151 : memref<8x128xf32, #tpu.memory_space<vmem_shared>>) dst(%dma_wait3A_147 : memref<8x128xf32, #tpu.memory_space<hbm>>)
    %dma_wait3A_152 = arith.constant 0 : i32
    %dma_wait3A_153 = arith.constant 0 : i32
    %dma_wait3A_154 = arith.constant 0 : i32
    %dma_wait3A_155 = tpu.memref_slice %arg3[%dma_wait3A_153, %dma_wait3A_154] : memref<524288x128xf32, #tpu.memory_space<hbm>> -> memref<8x128xf32, #tpu.memory_space<hbm>>
    %dma_wait3A_156 = arith.constant 0 : i32
    %dma_wait3A_157 = arith.constant 0 : i32
    %dma_wait3A_158 = tpu.memref_slice %arg4[%dma_wait3A_152, %dma_wait3A_156, %dma_wait3A_157] : memref<8x64x2048xf32, #tpu.memory_space<vmem_shared>> -> memref<1x8x128xf32, #tpu.memory_space<vmem_shared>>
    %dma_wait3A_159 = tpu.memref_squeeze %dma_wait3A_158 : memref<1x8x128xf32, #tpu.memory_space<vmem_shared>> -> memref<8x128xf32, #tpu.memory_space<vmem_shared>>
    tpu.wait_dma2 semaphore(%arg10 : memref<!tpu.dma_semaphore, #tpu.memory_space<semaphore_mem>>) src(%dma_wait3A_159 : memref<8x128xf32, #tpu.memory_space<vmem_shared>>) dst(%dma_wait3A_155 : memref<8x128xf32, #tpu.memory_space<hbm>>)
    %dma_wait3A_160 = arith.constant 0 : i32
    %dma_wait3A_161 = arith.constant 0 : i32
    %dma_wait3A_162 = arith.constant 0 : i32
    %dma_wait3A_163 = tpu.memref_slice %arg3[%dma_wait3A_161, %dma_wait3A_162] : memref<524288x128xf32, #tpu.memory_space<hbm>> -> memref<8x128xf32, #tpu.memory_space<hbm>>
    %dma_wait3A_164 = arith.constant 0 : i32
    %dma_wait3A_165 = arith.constant 0 : i32
    %dma_wait3A_166 = tpu.memref_slice %arg4[%dma_wait3A_160, %dma_wait3A_164, %dma_wait3A_165] : memref<8x64x2048xf32, #tpu.memory_space<vmem_shared>> -> memref<1x8x128xf32, #tpu.memory_space<vmem_shared>>
    %dma_wait3A_167 = tpu.memref_squeeze %dma_wait3A_166 : memref<1x8x128xf32, #tpu.memory_space<vmem_shared>> -> memref<8x128xf32, #tpu.memory_space<vmem_shared>>
    tpu.wait_dma2 semaphore(%arg10 : memref<!tpu.dma_semaphore, #tpu.memory_space<semaphore_mem>>) src(%dma_wait3A_167 : memref<8x128xf32, #tpu.memory_space<vmem_shared>>) dst(%dma_wait3A_163 : memref<8x128xf32, #tpu.memory_space<hbm>>)
    %dma_wait3A_168 = arith.constant 0 : i32
    %dma_wait3A_169 = arith.constant 0 : i32
    %dma_wait3A_170 = arith.constant 0 : i32
    %dma_wait3A_171 = tpu.memref_slice %arg3[%dma_wait3A_169, %dma_wait3A_170] : memref<524288x128xf32, #tpu.memory_space<hbm>> -> memref<8x128xf32, #tpu.memory_space<hbm>>
    %dma_wait3A_172 = arith.constant 0 : i32
    %dma_wait3A_173 = arith.constant 0 : i32
    %dma_wait3A_174 = tpu.memref_slice %arg4[%dma_wait3A_168, %dma_wait3A_172, %dma_wait3A_173] : memref<8x64x2048xf32, #tpu.memory_space<vmem_shared>> -> memref<1x8x128xf32, #tpu.memory_space<vmem_shared>>
    %dma_wait3A_175 = tpu.memref_squeeze %dma_wait3A_174 : memref<1x8x128xf32, #tpu.memory_space<vmem_shared>> -> memref<8x128xf32, #tpu.memory_space<vmem_shared>>
    tpu.wait_dma2 semaphore(%arg10 : memref<!tpu.dma_semaphore, #tpu.memory_space<semaphore_mem>>) src(%dma_wait3A_175 : memref<8x128xf32, #tpu.memory_space<vmem_shared>>) dst(%dma_wait3A_171 : memref<8x128xf32, #tpu.memory_space<hbm>>)
    %dma_wait3A_176 = arith.constant 0 : i32
    %dma_wait3A_177 = arith.constant 0 : i32
    %dma_wait3A_178 = arith.constant 0 : i32
    %dma_wait3A_179 = tpu.memref_slice %arg3[%dma_wait3A_177, %dma_wait3A_178] : memref<524288x128xf32, #tpu.memory_space<hbm>> -> memref<8x128xf32, #tpu.memory_space<hbm>>
    %dma_wait3A_180 = arith.constant 0 : i32
    %dma_wait3A_181 = arith.constant 0 : i32
    %dma_wait3A_182 = tpu.memref_slice %arg4[%dma_wait3A_176, %dma_wait3A_180, %dma_wait3A_181] : memref<8x64x2048xf32, #tpu.memory_space<vmem_shared>> -> memref<1x8x128xf32, #tpu.memory_space<vmem_shared>>
    %dma_wait3A_183 = tpu.memref_squeeze %dma_wait3A_182 : memref<1x8x128xf32, #tpu.memory_space<vmem_shared>> -> memref<8x128xf32, #tpu.memory_space<vmem_shared>>
    tpu.wait_dma2 semaphore(%arg10 : memref<!tpu.dma_semaphore, #tpu.memory_space<semaphore_mem>>) src(%dma_wait3A_183 : memref<8x128xf32, #tpu.memory_space<vmem_shared>>) dst(%dma_wait3A_179 : memref<8x128xf32, #tpu.memory_space<hbm>>)
    %dma_wait3A_184 = arith.constant 0 : i32
    %dma_wait3A_185 = arith.constant 0 : i32
    %dma_wait3A_186 = arith.constant 0 : i32
    %dma_wait3A_187 = tpu.memref_slice %arg3[%dma_wait3A_185, %dma_wait3A_186] : memref<524288x128xf32, #tpu.memory_space<hbm>> -> memref<8x128xf32, #tpu.memory_space<hbm>>
    %dma_wait3A_188 = arith.constant 0 : i32
    %dma_wait3A_189 = arith.constant 0 : i32
    %dma_wait3A_190 = tpu.memref_slice %arg4[%dma_wait3A_184, %dma_wait3A_188, %dma_wait3A_189] : memref<8x64x2048xf32, #tpu.memory_space<vmem_shared>> -> memref<1x8x128xf32, #tpu.memory_space<vmem_shared>>
    %dma_wait3A_191 = tpu.memref_squeeze %dma_wait3A_190 : memref<1x8x128xf32, #tpu.memory_space<vmem_shared>> -> memref<8x128xf32, #tpu.memory_space<vmem_shared>>
    tpu.wait_dma2 semaphore(%arg10 : memref<!tpu.dma_semaphore, #tpu.memory_space<semaphore_mem>>) src(%dma_wait3A_191 : memref<8x128xf32, #tpu.memory_space<vmem_shared>>) dst(%dma_wait3A_187 : memref<8x128xf32, #tpu.memory_space<hbm>>)
    %dma_wait3A_192 = arith.constant 0 : i32
    %dma_wait3A_193 = arith.constant 0 : i32
    %dma_wait3A_194 = arith.constant 0 : i32
    %dma_wait3A_195 = tpu.memref_slice %arg3[%dma_wait3A_193, %dma_wait3A_194] : memref<524288x128xf32, #tpu.memory_space<hbm>> -> memref<8x128xf32, #tpu.memory_space<hbm>>
    %dma_wait3A_196 = arith.constant 0 : i32
    %dma_wait3A_197 = arith.constant 0 : i32
    %dma_wait3A_198 = tpu.memref_slice %arg4[%dma_wait3A_192, %dma_wait3A_196, %dma_wait3A_197] : memref<8x64x2048xf32, #tpu.memory_space<vmem_shared>> -> memref<1x8x128xf32, #tpu.memory_space<vmem_shared>>
    %dma_wait3A_199 = tpu.memref_squeeze %dma_wait3A_198 : memref<1x8x128xf32, #tpu.memory_space<vmem_shared>> -> memref<8x128xf32, #tpu.memory_space<vmem_shared>>
    tpu.wait_dma2 semaphore(%arg10 : memref<!tpu.dma_semaphore, #tpu.memory_space<semaphore_mem>>) src(%dma_wait3A_199 : memref<8x128xf32, #tpu.memory_space<vmem_shared>>) dst(%dma_wait3A_195 : memref<8x128xf32, #tpu.memory_space<hbm>>)
    %dma_wait3A_200 = arith.constant 0 : i32
    %dma_wait3A_201 = arith.constant 0 : i32
    %dma_wait3A_202 = arith.constant 0 : i32
    %dma_wait3A_203 = tpu.memref_slice %arg3[%dma_wait3A_201, %dma_wait3A_202] : memref<524288x128xf32, #tpu.memory_space<hbm>> -> memref<8x128xf32, #tpu.memory_space<hbm>>
    %dma_wait3A_204 = arith.constant 0 : i32
    %dma_wait3A_205 = arith.constant 0 : i32
    %dma_wait3A_206 = tpu.memref_slice %arg4[%dma_wait3A_200, %dma_wait3A_204, %dma_wait3A_205] : memref<8x64x2048xf32, #tpu.memory_space<vmem_shared>> -> memref<1x8x128xf32, #tpu.memory_space<vmem_shared>>
    %dma_wait3A_207 = tpu.memref_squeeze %dma_wait3A_206 : memref<1x8x128xf32, #tpu.memory_space<vmem_shared>> -> memref<8x128xf32, #tpu.memory_space<vmem_shared>>
    tpu.wait_dma2 semaphore(%arg10 : memref<!tpu.dma_semaphore, #tpu.memory_space<semaphore_mem>>) src(%dma_wait3A_207 : memref<8x128xf32, #tpu.memory_space<vmem_shared>>) dst(%dma_wait3A_203 : memref<8x128xf32, #tpu.memory_space<hbm>>)
    %dma_wait3A_208 = arith.constant 0 : i32
    %dma_wait3A_209 = arith.constant 0 : i32
    %dma_wait3A_210 = arith.constant 0 : i32
    %dma_wait3A_211 = tpu.memref_slice %arg3[%dma_wait3A_209, %dma_wait3A_210] : memref<524288x128xf32, #tpu.memory_space<hbm>> -> memref<8x128xf32, #tpu.memory_space<hbm>>
    %dma_wait3A_212 = arith.constant 0 : i32
    %dma_wait3A_213 = arith.constant 0 : i32
    %dma_wait3A_214 = tpu.memref_slice %arg4[%dma_wait3A_208, %dma_wait3A_212, %dma_wait3A_213] : memref<8x64x2048xf32, #tpu.memory_space<vmem_shared>> -> memref<1x8x128xf32, #tpu.memory_space<vmem_shared>>
    %dma_wait3A_215 = tpu.memref_squeeze %dma_wait3A_214 : memref<1x8x128xf32, #tpu.memory_space<vmem_shared>> -> memref<8x128xf32, #tpu.memory_space<vmem_shared>>
    tpu.wait_dma2 semaphore(%arg10 : memref<!tpu.dma_semaphore, #tpu.memory_space<semaphore_mem>>) src(%dma_wait3A_215 : memref<8x128xf32, #tpu.memory_space<vmem_shared>>) dst(%dma_wait3A_211 : memref<8x128xf32, #tpu.memory_space<hbm>>)
    %dma_wait3A_216 = arith.constant 0 : i32
    %dma_wait3A_217 = arith.constant 0 : i32
    %dma_wait3A_218 = arith.constant 0 : i32
    %dma_wait3A_219 = tpu.memref_slice %arg3[%dma_wait3A_217, %dma_wait3A_218] : memref<524288x128xf32, #tpu.memory_space<hbm>> -> memref<8x128xf32, #tpu.memory_space<hbm>>
    %dma_wait3A_220 = arith.constant 0 : i32
    %dma_wait3A_221 = arith.constant 0 : i32
    %dma_wait3A_222 = tpu.memref_slice %arg4[%dma_wait3A_216, %dma_wait3A_220, %dma_wait3A_221] : memref<8x64x2048xf32, #tpu.memory_space<vmem_shared>> -> memref<1x8x128xf32, #tpu.memory_space<vmem_shared>>
    %dma_wait3A_223 = tpu.memref_squeeze %dma_wait3A_222 : memref<1x8x128xf32, #tpu.memory_space<vmem_shared>> -> memref<8x128xf32, #tpu.memory_space<vmem_shared>>
    tpu.wait_dma2 semaphore(%arg10 : memref<!tpu.dma_semaphore, #tpu.memory_space<semaphore_mem>>) src(%dma_wait3A_223 : memref<8x128xf32, #tpu.memory_space<vmem_shared>>) dst(%dma_wait3A_219 : memref<8x128xf32, #tpu.memory_space<hbm>>)
    %dma_wait3A_224 = arith.constant 0 : i32
    %dma_wait3A_225 = arith.constant 0 : i32
    %dma_wait3A_226 = arith.constant 0 : i32
    %dma_wait3A_227 = tpu.memref_slice %arg3[%dma_wait3A_225, %dma_wait3A_226] : memref<524288x128xf32, #tpu.memory_space<hbm>> -> memref<8x128xf32, #tpu.memory_space<hbm>>
    %dma_wait3A_228 = arith.constant 0 : i32
    %dma_wait3A_229 = arith.constant 0 : i32
    %dma_wait3A_230 = tpu.memref_slice %arg4[%dma_wait3A_224, %dma_wait3A_228, %dma_wait3A_229] : memref<8x64x2048xf32, #tpu.memory_space<vmem_shared>> -> memref<1x8x128xf32, #tpu.memory_space<vmem_shared>>
    %dma_wait3A_231 = tpu.memref_squeeze %dma_wait3A_230 : memref<1x8x128xf32, #tpu.memory_space<vmem_shared>> -> memref<8x128xf32, #tpu.memory_space<vmem_shared>>
    tpu.wait_dma2 semaphore(%arg10 : memref<!tpu.dma_semaphore, #tpu.memory_space<semaphore_mem>>) src(%dma_wait3A_231 : memref<8x128xf32, #tpu.memory_space<vmem_shared>>) dst(%dma_wait3A_227 : memref<8x128xf32, #tpu.memory_space<hbm>>)
    %dma_wait3A_232 = arith.constant 0 : i32
    %dma_wait3A_233 = arith.constant 0 : i32
    %dma_wait3A_234 = arith.constant 0 : i32
    %dma_wait3A_235 = tpu.memref_slice %arg3[%dma_wait3A_233, %dma_wait3A_234] : memref<524288x128xf32, #tpu.memory_space<hbm>> -> memref<8x128xf32, #tpu.memory_space<hbm>>
    %dma_wait3A_236 = arith.constant 0 : i32
    %dma_wait3A_237 = arith.constant 0 : i32
    %dma_wait3A_238 = tpu.memref_slice %arg4[%dma_wait3A_232, %dma_wait3A_236, %dma_wait3A_237] : memref<8x64x2048xf32, #tpu.memory_space<vmem_shared>> -> memref<1x8x128xf32, #tpu.memory_space<vmem_shared>>
    %dma_wait3A_239 = tpu.memref_squeeze %dma_wait3A_238 : memref<1x8x128xf32, #tpu.memory_space<vmem_shared>> -> memref<8x128xf32, #tpu.memory_space<vmem_shared>>
    tpu.wait_dma2 semaphore(%arg10 : memref<!tpu.dma_semaphore, #tpu.memory_space<semaphore_mem>>) src(%dma_wait3A_239 : memref<8x128xf32, #tpu.memory_space<vmem_shared>>) dst(%dma_wait3A_235 : memref<8x128xf32, #tpu.memory_space<hbm>>)
    %dma_wait3A_240 = arith.constant 0 : i32
    %dma_wait3A_241 = arith.constant 0 : i32
    %dma_wait3A_242 = arith.constant 0 : i32
    %dma_wait3A_243 = tpu.memref_slice %arg3[%dma_wait3A_241, %dma_wait3A_242] : memref<524288x128xf32, #tpu.memory_space<hbm>> -> memref<8x128xf32, #tpu.memory_space<hbm>>
    %dma_wait3A_244 = arith.constant 0 : i32
    %dma_wait3A_245 = arith.constant 0 : i32
    %dma_wait3A_246 = tpu.memref_slice %arg4[%dma_wait3A_240, %dma_wait3A_244, %dma_wait3A_245] : memref<8x64x2048xf32, #tpu.memory_space<vmem_shared>> -> memref<1x8x128xf32, #tpu.memory_space<vmem_shared>>
    %dma_wait3A_247 = tpu.memref_squeeze %dma_wait3A_246 : memref<1x8x128xf32, #tpu.memory_space<vmem_shared>> -> memref<8x128xf32, #tpu.memory_space<vmem_shared>>
    tpu.wait_dma2 semaphore(%arg10 : memref<!tpu.dma_semaphore, #tpu.memory_space<semaphore_mem>>) src(%dma_wait3A_247 : memref<8x128xf32, #tpu.memory_space<vmem_shared>>) dst(%dma_wait3A_243 : memref<8x128xf32, #tpu.memory_space<hbm>>)
    %dma_wait3A_248 = arith.constant 0 : i32
    %dma_wait3A_249 = arith.constant 0 : i32
    %dma_wait3A_250 = arith.constant 0 : i32
    %dma_wait3A_251 = tpu.memref_slice %arg3[%dma_wait3A_249, %dma_wait3A_250] : memref<524288x128xf32, #tpu.memory_space<hbm>> -> memref<8x128xf32, #tpu.memory_space<hbm>>
    %dma_wait3A_252 = arith.constant 0 : i32
    %dma_wait3A_253 = arith.constant 0 : i32
    %dma_wait3A_254 = tpu.memref_slice %arg4[%dma_wait3A_248, %dma_wait3A_252, %dma_wait3A_253] : memref<8x64x2048xf32, #tpu.memory_space<vmem_shared>> -> memref<1x8x128xf32, #tpu.memory_space<vmem_shared>>
    %dma_wait3A_255 = tpu.memref_squeeze %dma_wait3A_254 : memref<1x8x128xf32, #tpu.memory_space<vmem_shared>> -> memref<8x128xf32, #tpu.memory_space<vmem_shared>>
    tpu.wait_dma2 semaphore(%arg10 : memref<!tpu.dma_semaphore, #tpu.memory_space<semaphore_mem>>) src(%dma_wait3A_255 : memref<8x128xf32, #tpu.memory_space<vmem_shared>>) dst(%dma_wait3A_251 : memref<8x128xf32, #tpu.memory_space<hbm>>)
    %dma_wait3A_256 = arith.constant 0 : i32
    %dma_wait3A_257 = arith.constant 0 : i32
    %dma_wait3A_258 = arith.constant 0 : i32
    %dma_wait3A_259 = tpu.memref_slice %arg3[%dma_wait3A_257, %dma_wait3A_258] : memref<524288x128xf32, #tpu.memory_space<hbm>> -> memref<8x128xf32, #tpu.memory_space<hbm>>
    %dma_wait3A_260 = arith.constant 0 : i32
    %dma_wait3A_261 = arith.constant 0 : i32
    %dma_wait3A_262 = tpu.memref_slice %arg4[%dma_wait3A_256, %dma_wait3A_260, %dma_wait3A_261] : memref<8x64x2048xf32, #tpu.memory_space<vmem_shared>> -> memref<1x8x128xf32, #tpu.memory_space<vmem_shared>>
    %dma_wait3A_263 = tpu.memref_squeeze %dma_wait3A_262 : memref<1x8x128xf32, #tpu.memory_space<vmem_shared>> -> memref<8x128xf32, #tpu.memory_space<vmem_shared>>
    tpu.wait_dma2 semaphore(%arg10 : memref<!tpu.dma_semaphore, #tpu.memory_space<semaphore_mem>>) src(%dma_wait3A_263 : memref<8x128xf32, #tpu.memory_space<vmem_shared>>) dst(%dma_wait3A_259 : memref<8x128xf32, #tpu.memory_space<hbm>>)
    %dma_wait3A_264 = arith.constant 0 : i32
    %dma_wait3A_265 = arith.constant 0 : i32
    %dma_wait3A_266 = arith.constant 0 : i32
    %dma_wait3A_267 = tpu.memref_slice %arg3[%dma_wait3A_265, %dma_wait3A_266] : memref<524288x128xf32, #tpu.memory_space<hbm>> -> memref<8x128xf32, #tpu.memory_space<hbm>>
    %dma_wait3A_268 = arith.constant 0 : i32
    %dma_wait3A_269 = arith.constant 0 : i32
    %dma_wait3A_270 = tpu.memref_slice %arg4[%dma_wait3A_264, %dma_wait3A_268, %dma_wait3A_269] : memref<8x64x2048xf32, #tpu.memory_space<vmem_shared>> -> memref<1x8x128xf32, #tpu.memory_space<vmem_shared>>
    %dma_wait3A_271 = tpu.memref_squeeze %dma_wait3A_270 : memref<1x8x128xf32, #tpu.memory_space<vmem_shared>> -> memref<8x128xf32, #tpu.memory_space<vmem_shared>>
    tpu.wait_dma2 semaphore(%arg10 : memref<!tpu.dma_semaphore, #tpu.memory_space<semaphore_mem>>) src(%dma_wait3A_271 : memref<8x128xf32, #tpu.memory_space<vmem_shared>>) dst(%dma_wait3A_267 : memref<8x128xf32, #tpu.memory_space<hbm>>)
    %dma_wait3A_272 = arith.constant 0 : i32
    %dma_wait3A_273 = arith.constant 0 : i32
    %dma_wait3A_274 = arith.constant 0 : i32
    %dma_wait3A_275 = tpu.memref_slice %arg3[%dma_wait3A_273, %dma_wait3A_274] : memref<524288x128xf32, #tpu.memory_space<hbm>> -> memref<8x128xf32, #tpu.memory_space<hbm>>
    %dma_wait3A_276 = arith.constant 0 : i32
    %dma_wait3A_277 = arith.constant 0 : i32
    %dma_wait3A_278 = tpu.memref_slice %arg4[%dma_wait3A_272, %dma_wait3A_276, %dma_wait3A_277] : memref<8x64x2048xf32, #tpu.memory_space<vmem_shared>> -> memref<1x8x128xf32, #tpu.memory_space<vmem_shared>>
    %dma_wait3A_279 = tpu.memref_squeeze %dma_wait3A_278 : memref<1x8x128xf32, #tpu.memory_space<vmem_shared>> -> memref<8x128xf32, #tpu.memory_space<vmem_shared>>
    tpu.wait_dma2 semaphore(%arg10 : memref<!tpu.dma_semaphore, #tpu.memory_space<semaphore_mem>>) src(%dma_wait3A_279 : memref<8x128xf32, #tpu.memory_space<vmem_shared>>) dst(%dma_wait3A_275 : memref<8x128xf32, #tpu.memory_space<hbm>>)
    %dma_wait3A_280 = arith.constant 0 : i32
    %dma_wait3A_281 = arith.constant 0 : i32
    %dma_wait3A_282 = arith.constant 0 : i32
    %dma_wait3A_283 = tpu.memref_slice %arg3[%dma_wait3A_281, %dma_wait3A_282] : memref<524288x128xf32, #tpu.memory_space<hbm>> -> memref<8x128xf32, #tpu.memory_space<hbm>>
    %dma_wait3A_284 = arith.constant 0 : i32
    %dma_wait3A_285 = arith.constant 0 : i32
    %dma_wait3A_286 = tpu.memref_slice %arg4[%dma_wait3A_280, %dma_wait3A_284, %dma_wait3A_285] : memref<8x64x2048xf32, #tpu.memory_space<vmem_shared>> -> memref<1x8x128xf32, #tpu.memory_space<vmem_shared>>
    %dma_wait3A_287 = tpu.memref_squeeze %dma_wait3A_286 : memref<1x8x128xf32, #tpu.memory_space<vmem_shared>> -> memref<8x128xf32, #tpu.memory_space<vmem_shared>>
    tpu.wait_dma2 semaphore(%arg10 : memref<!tpu.dma_semaphore, #tpu.memory_space<semaphore_mem>>) src(%dma_wait3A_287 : memref<8x128xf32, #tpu.memory_space<vmem_shared>>) dst(%dma_wait3A_283 : memref<8x128xf32, #tpu.memory_space<hbm>>)
    %dma_wait3A_288 = arith.constant 0 : i32
    %dma_wait3A_289 = arith.constant 0 : i32
    %dma_wait3A_290 = arith.constant 0 : i32
    %dma_wait3A_291 = tpu.memref_slice %arg3[%dma_wait3A_289, %dma_wait3A_290] : memref<524288x128xf32, #tpu.memory_space<hbm>> -> memref<8x128xf32, #tpu.memory_space<hbm>>
    %dma_wait3A_292 = arith.constant 0 : i32
    %dma_wait3A_293 = arith.constant 0 : i32
    %dma_wait3A_294 = tpu.memref_slice %arg4[%dma_wait3A_288, %dma_wait3A_292, %dma_wait3A_293] : memref<8x64x2048xf32, #tpu.memory_space<vmem_shared>> -> memref<1x8x128xf32, #tpu.memory_space<vmem_shared>>
    %dma_wait3A_295 = tpu.memref_squeeze %dma_wait3A_294 : memref<1x8x128xf32, #tpu.memory_space<vmem_shared>> -> memref<8x128xf32, #tpu.memory_space<vmem_shared>>
    tpu.wait_dma2 semaphore(%arg10 : memref<!tpu.dma_semaphore, #tpu.memory_space<semaphore_mem>>) src(%dma_wait3A_295 : memref<8x128xf32, #tpu.memory_space<vmem_shared>>) dst(%dma_wait3A_291 : memref<8x128xf32, #tpu.memory_space<hbm>>)
    %dma_wait3A_296 = arith.constant 0 : i32
    %dma_wait3A_297 = arith.constant 0 : i32
    %dma_wait3A_298 = arith.constant 0 : i32
    %dma_wait3A_299 = tpu.memref_slice %arg3[%dma_wait3A_297, %dma_wait3A_298] : memref<524288x128xf32, #tpu.memory_space<hbm>> -> memref<8x128xf32, #tpu.memory_space<hbm>>
    %dma_wait3A_300 = arith.constant 0 : i32
    %dma_wait3A_301 = arith.constant 0 : i32
    %dma_wait3A_302 = tpu.memref_slice %arg4[%dma_wait3A_296, %dma_wait3A_300, %dma_wait3A_301] : memref<8x64x2048xf32, #tpu.memory_space<vmem_shared>> -> memref<1x8x128xf32, #tpu.memory_space<vmem_shared>>
    %dma_wait3A_303 = tpu.memref_squeeze %dma_wait3A_302 : memref<1x8x128xf32, #tpu.memory_space<vmem_shared>> -> memref<8x128xf32, #tpu.memory_space<vmem_shared>>
    tpu.wait_dma2 semaphore(%arg10 : memref<!tpu.dma_semaphore, #tpu.memory_space<semaphore_mem>>) src(%dma_wait3A_303 : memref<8x128xf32, #tpu.memory_space<vmem_shared>>) dst(%dma_wait3A_299 : memref<8x128xf32, #tpu.memory_space<hbm>>)
    %dma_wait3A_304 = arith.constant 0 : i32
    %dma_wait3A_305 = arith.constant 0 : i32
    %dma_wait3A_306 = arith.constant 0 : i32
    %dma_wait3A_307 = tpu.memref_slice %arg3[%dma_wait3A_305, %dma_wait3A_306] : memref<524288x128xf32, #tpu.memory_space<hbm>> -> memref<8x128xf32, #tpu.memory_space<hbm>>
    %dma_wait3A_308 = arith.constant 0 : i32
    %dma_wait3A_309 = arith.constant 0 : i32
    %dma_wait3A_310 = tpu.memref_slice %arg4[%dma_wait3A_304, %dma_wait3A_308, %dma_wait3A_309] : memref<8x64x2048xf32, #tpu.memory_space<vmem_shared>> -> memref<1x8x128xf32, #tpu.memory_space<vmem_shared>>
    %dma_wait3A_311 = tpu.memref_squeeze %dma_wait3A_310 : memref<1x8x128xf32, #tpu.memory_space<vmem_shared>> -> memref<8x128xf32, #tpu.memory_space<vmem_shared>>
    tpu.wait_dma2 semaphore(%arg10 : memref<!tpu.dma_semaphore, #tpu.memory_space<semaphore_mem>>) src(%dma_wait3A_311 : memref<8x128xf32, #tpu.memory_space<vmem_shared>>) dst(%dma_wait3A_307 : memref<8x128xf32, #tpu.memory_space<hbm>>)
    %dma_wait3A_312 = arith.constant 0 : i32
    %dma_wait3A_313 = arith.constant 0 : i32
    %dma_wait3A_314 = arith.constant 0 : i32
    %dma_wait3A_315 = tpu.memref_slice %arg3[%dma_wait3A_313, %dma_wait3A_314] : memref<524288x128xf32, #tpu.memory_space<hbm>> -> memref<8x128xf32, #tpu.memory_space<hbm>>
    %dma_wait3A_316 = arith.constant 0 : i32
    %dma_wait3A_317 = arith.constant 0 : i32
    %dma_wait3A_318 = tpu.memref_slice %arg4[%dma_wait3A_312, %dma_wait3A_316, %dma_wait3A_317] : memref<8x64x2048xf32, #tpu.memory_space<vmem_shared>> -> memref<1x8x128xf32, #tpu.memory_space<vmem_shared>>
    %dma_wait3A_319 = tpu.memref_squeeze %dma_wait3A_318 : memref<1x8x128xf32, #tpu.memory_space<vmem_shared>> -> memref<8x128xf32, #tpu.memory_space<vmem_shared>>
    tpu.wait_dma2 semaphore(%arg10 : memref<!tpu.dma_semaphore, #tpu.memory_space<semaphore_mem>>) src(%dma_wait3A_319 : memref<8x128xf32, #tpu.memory_space<vmem_shared>>) dst(%dma_wait3A_315 : memref<8x128xf32, #tpu.memory_space<hbm>>)
    %dma_wait3A_320 = arith.constant 0 : i32
    %dma_wait3A_321 = arith.constant 0 : i32
    %dma_wait3A_322 = arith.constant 0 : i32
    %dma_wait3A_323 = tpu.memref_slice %arg3[%dma_wait3A_321, %dma_wait3A_322] : memref<524288x128xf32, #tpu.memory_space<hbm>> -> memref<8x128xf32, #tpu.memory_space<hbm>>
    %dma_wait3A_324 = arith.constant 0 : i32
    %dma_wait3A_325 = arith.constant 0 : i32
    %dma_wait3A_326 = tpu.memref_slice %arg4[%dma_wait3A_320, %dma_wait3A_324, %dma_wait3A_325] : memref<8x64x2048xf32, #tpu.memory_space<vmem_shared>> -> memref<1x8x128xf32, #tpu.memory_space<vmem_shared>>
    %dma_wait3A_327 = tpu.memref_squeeze %dma_wait3A_326 : memref<1x8x128xf32, #tpu.memory_space<vmem_shared>> -> memref<8x128xf32, #tpu.memory_space<vmem_shared>>
    tpu.wait_dma2 semaphore(%arg10 : memref<!tpu.dma_semaphore, #tpu.memory_space<semaphore_mem>>) src(%dma_wait3A_327 : memref<8x128xf32, #tpu.memory_space<vmem_shared>>) dst(%dma_wait3A_323 : memref<8x128xf32, #tpu.memory_space<hbm>>)
    %dma_wait3A_328 = arith.constant 0 : i32
    %dma_wait3A_329 = arith.constant 0 : i32
    %dma_wait3A_330 = arith.constant 0 : i32
    %dma_wait3A_331 = tpu.memref_slice %arg3[%dma_wait3A_329, %dma_wait3A_330] : memref<524288x128xf32, #tpu.memory_space<hbm>> -> memref<8x128xf32, #tpu.memory_space<hbm>>
    %dma_wait3A_332 = arith.constant 0 : i32
    %dma_wait3A_333 = arith.constant 0 : i32
    %dma_wait3A_334 = tpu.memref_slice %arg4[%dma_wait3A_328, %dma_wait3A_332, %dma_wait3A_333] : memref<8x64x2048xf32, #tpu.memory_space<vmem_shared>> -> memref<1x8x128xf32, #tpu.memory_space<vmem_shared>>
    %dma_wait3A_335 = tpu.memref_squeeze %dma_wait3A_334 : memref<1x8x128xf32, #tpu.memory_space<vmem_shared>> -> memref<8x128xf32, #tpu.memory_space<vmem_shared>>
    tpu.wait_dma2 semaphore(%arg10 : memref<!tpu.dma_semaphore, #tpu.memory_space<semaphore_mem>>) src(%dma_wait3A_335 : memref<8x128xf32, #tpu.memory_space<vmem_shared>>) dst(%dma_wait3A_331 : memref<8x128xf32, #tpu.memory_space<hbm>>)
    %dma_wait3A_336 = arith.constant 0 : i32
    %dma_wait3A_337 = arith.constant 0 : i32
    %dma_wait3A_338 = arith.constant 0 : i32
    %dma_wait3A_339 = tpu.memref_slice %arg3[%dma_wait3A_337, %dma_wait3A_338] : memref<524288x128xf32, #tpu.memory_space<hbm>> -> memref<8x128xf32, #tpu.memory_space<hbm>>
    %dma_wait3A_340 = arith.constant 0 : i32
    %dma_wait3A_341 = arith.constant 0 : i32
    %dma_wait3A_342 = tpu.memref_slice %arg4[%dma_wait3A_336, %dma_wait3A_340, %dma_wait3A_341] : memref<8x64x2048xf32, #tpu.memory_space<vmem_shared>> -> memref<1x8x128xf32, #tpu.memory_space<vmem_shared>>
    %dma_wait3A_343 = tpu.memref_squeeze %dma_wait3A_342 : memref<1x8x128xf32, #tpu.memory_space<vmem_shared>> -> memref<8x128xf32, #tpu.memory_space<vmem_shared>>
    tpu.wait_dma2 semaphore(%arg10 : memref<!tpu.dma_semaphore, #tpu.memory_space<semaphore_mem>>) src(%dma_wait3A_343 : memref<8x128xf32, #tpu.memory_space<vmem_shared>>) dst(%dma_wait3A_339 : memref<8x128xf32, #tpu.memory_space<hbm>>)
    %dma_wait3A_344 = arith.constant 0 : i32
    %dma_wait3A_345 = arith.constant 0 : i32
    %dma_wait3A_346 = arith.constant 0 : i32
    %dma_wait3A_347 = tpu.memref_slice %arg3[%dma_wait3A_345, %dma_wait3A_346] : memref<524288x128xf32, #tpu.memory_space<hbm>> -> memref<8x128xf32, #tpu.memory_space<hbm>>
    %dma_wait3A_348 = arith.constant 0 : i32
    %dma_wait3A_349 = arith.constant 0 : i32
    %dma_wait3A_350 = tpu.memref_slice %arg4[%dma_wait3A_344, %dma_wait3A_348, %dma_wait3A_349] : memref<8x64x2048xf32, #tpu.memory_space<vmem_shared>> -> memref<1x8x128xf32, #tpu.memory_space<vmem_shared>>
    %dma_wait3A_351 = tpu.memref_squeeze %dma_wait3A_350 : memref<1x8x128xf32, #tpu.memory_space<vmem_shared>> -> memref<8x128xf32, #tpu.memory_space<vmem_shared>>
    tpu.wait_dma2 semaphore(%arg10 : memref<!tpu.dma_semaphore, #tpu.memory_space<semaphore_mem>>) src(%dma_wait3A_351 : memref<8x128xf32, #tpu.memory_space<vmem_shared>>) dst(%dma_wait3A_347 : memref<8x128xf32, #tpu.memory_space<hbm>>)
    %dma_wait3A_352 = arith.constant 0 : i32
    %dma_wait3A_353 = arith.constant 0 : i32
    %dma_wait3A_354 = arith.constant 0 : i32
    %dma_wait3A_355 = tpu.memref_slice %arg3[%dma_wait3A_353, %dma_wait3A_354] : memref<524288x128xf32, #tpu.memory_space<hbm>> -> memref<8x128xf32, #tpu.memory_space<hbm>>
    %dma_wait3A_356 = arith.constant 0 : i32
    %dma_wait3A_357 = arith.constant 0 : i32
    %dma_wait3A_358 = tpu.memref_slice %arg4[%dma_wait3A_352, %dma_wait3A_356, %dma_wait3A_357] : memref<8x64x2048xf32, #tpu.memory_space<vmem_shared>> -> memref<1x8x128xf32, #tpu.memory_space<vmem_shared>>
    %dma_wait3A_359 = tpu.memref_squeeze %dma_wait3A_358 : memref<1x8x128xf32, #tpu.memory_space<vmem_shared>> -> memref<8x128xf32, #tpu.memory_space<vmem_shared>>
    tpu.wait_dma2 semaphore(%arg10 : memref<!tpu.dma_semaphore, #tpu.memory_space<semaphore_mem>>) src(%dma_wait3A_359 : memref<8x128xf32, #tpu.memory_space<vmem_shared>>) dst(%dma_wait3A_355 : memref<8x128xf32, #tpu.memory_space<hbm>>)
    %dma_wait3A_360 = arith.constant 0 : i32
    %dma_wait3A_361 = arith.constant 0 : i32
    %dma_wait3A_362 = arith.constant 0 : i32
    %dma_wait3A_363 = tpu.memref_slice %arg3[%dma_wait3A_361, %dma_wait3A_362] : memref<524288x128xf32, #tpu.memory_space<hbm>> -> memref<8x128xf32, #tpu.memory_space<hbm>>
    %dma_wait3A_364 = arith.constant 0 : i32
    %dma_wait3A_365 = arith.constant 0 : i32
    %dma_wait3A_366 = tpu.memref_slice %arg4[%dma_wait3A_360, %dma_wait3A_364, %dma_wait3A_365] : memref<8x64x2048xf32, #tpu.memory_space<vmem_shared>> -> memref<1x8x128xf32, #tpu.memory_space<vmem_shared>>
    %dma_wait3A_367 = tpu.memref_squeeze %dma_wait3A_366 : memref<1x8x128xf32, #tpu.memory_space<vmem_shared>> -> memref<8x128xf32, #tpu.memory_space<vmem_shared>>
    tpu.wait_dma2 semaphore(%arg10 : memref<!tpu.dma_semaphore, #tpu.memory_space<semaphore_mem>>) src(%dma_wait3A_367 : memref<8x128xf32, #tpu.memory_space<vmem_shared>>) dst(%dma_wait3A_363 : memref<8x128xf32, #tpu.memory_space<hbm>>)
    %dma_wait3A_368 = arith.constant 0 : i32
    %dma_wait3A_369 = arith.constant 0 : i32
    %dma_wait3A_370 = arith.constant 0 : i32
    %dma_wait3A_371 = tpu.memref_slice %arg3[%dma_wait3A_369, %dma_wait3A_370] : memref<524288x128xf32, #tpu.memory_space<hbm>> -> memref<8x128xf32, #tpu.memory_space<hbm>>
    %dma_wait3A_372 = arith.constant 0 : i32
    %dma_wait3A_373 = arith.constant 0 : i32
    %dma_wait3A_374 = tpu.memref_slice %arg4[%dma_wait3A_368, %dma_wait3A_372, %dma_wait3A_373] : memref<8x64x2048xf32, #tpu.memory_space<vmem_shared>> -> memref<1x8x128xf32, #tpu.memory_space<vmem_shared>>
    %dma_wait3A_375 = tpu.memref_squeeze %dma_wait3A_374 : memref<1x8x128xf32, #tpu.memory_space<vmem_shared>> -> memref<8x128xf32, #tpu.memory_space<vmem_shared>>
    tpu.wait_dma2 semaphore(%arg10 : memref<!tpu.dma_semaphore, #tpu.memory_space<semaphore_mem>>) src(%dma_wait3A_375 : memref<8x128xf32, #tpu.memory_space<vmem_shared>>) dst(%dma_wait3A_371 : memref<8x128xf32, #tpu.memory_space<hbm>>)
    %dma_wait3A_376 = arith.constant 0 : i32
    %dma_wait3A_377 = arith.constant 0 : i32
    %dma_wait3A_378 = arith.constant 0 : i32
    %dma_wait3A_379 = tpu.memref_slice %arg3[%dma_wait3A_377, %dma_wait3A_378] : memref<524288x128xf32, #tpu.memory_space<hbm>> -> memref<8x128xf32, #tpu.memory_space<hbm>>
    %dma_wait3A_380 = arith.constant 0 : i32
    %dma_wait3A_381 = arith.constant 0 : i32
    %dma_wait3A_382 = tpu.memref_slice %arg4[%dma_wait3A_376, %dma_wait3A_380, %dma_wait3A_381] : memref<8x64x2048xf32, #tpu.memory_space<vmem_shared>> -> memref<1x8x128xf32, #tpu.memory_space<vmem_shared>>
    %dma_wait3A_383 = tpu.memref_squeeze %dma_wait3A_382 : memref<1x8x128xf32, #tpu.memory_space<vmem_shared>> -> memref<8x128xf32, #tpu.memory_space<vmem_shared>>
    tpu.wait_dma2 semaphore(%arg10 : memref<!tpu.dma_semaphore, #tpu.memory_space<semaphore_mem>>) src(%dma_wait3A_383 : memref<8x128xf32, #tpu.memory_space<vmem_shared>>) dst(%dma_wait3A_379 : memref<8x128xf32, #tpu.memory_space<hbm>>)
    %dma_wait3A_384 = arith.constant 0 : i32
    %dma_wait3A_385 = arith.constant 0 : i32
    %dma_wait3A_386 = arith.constant 0 : i32
    %dma_wait3A_387 = tpu.memref_slice %arg3[%dma_wait3A_385, %dma_wait3A_386] : memref<524288x128xf32, #tpu.memory_space<hbm>> -> memref<8x128xf32, #tpu.memory_space<hbm>>
    %dma_wait3A_388 = arith.constant 0 : i32
    %dma_wait3A_389 = arith.constant 0 : i32
    %dma_wait3A_390 = tpu.memref_slice %arg4[%dma_wait3A_384, %dma_wait3A_388, %dma_wait3A_389] : memref<8x64x2048xf32, #tpu.memory_space<vmem_shared>> -> memref<1x8x128xf32, #tpu.memory_space<vmem_shared>>
    %dma_wait3A_391 = tpu.memref_squeeze %dma_wait3A_390 : memref<1x8x128xf32, #tpu.memory_space<vmem_shared>> -> memref<8x128xf32, #tpu.memory_space<vmem_shared>>
    tpu.wait_dma2 semaphore(%arg10 : memref<!tpu.dma_semaphore, #tpu.memory_space<semaphore_mem>>) src(%dma_wait3A_391 : memref<8x128xf32, #tpu.memory_space<vmem_shared>>) dst(%dma_wait3A_387 : memref<8x128xf32, #tpu.memory_space<hbm>>)
    %dma_wait3A_392 = arith.constant 0 : i32
    %dma_wait3A_393 = arith.constant 0 : i32
    %dma_wait3A_394 = arith.constant 0 : i32
    %dma_wait3A_395 = tpu.memref_slice %arg3[%dma_wait3A_393, %dma_wait3A_394] : memref<524288x128xf32, #tpu.memory_space<hbm>> -> memref<8x128xf32, #tpu.memory_space<hbm>>
    %dma_wait3A_396 = arith.constant 0 : i32
    %dma_wait3A_397 = arith.constant 0 : i32
    %dma_wait3A_398 = tpu.memref_slice %arg4[%dma_wait3A_392, %dma_wait3A_396, %dma_wait3A_397] : memref<8x64x2048xf32, #tpu.memory_space<vmem_shared>> -> memref<1x8x128xf32, #tpu.memory_space<vmem_shared>>
    %dma_wait3A_399 = tpu.memref_squeeze %dma_wait3A_398 : memref<1x8x128xf32, #tpu.memory_space<vmem_shared>> -> memref<8x128xf32, #tpu.memory_space<vmem_shared>>
    tpu.wait_dma2 semaphore(%arg10 : memref<!tpu.dma_semaphore, #tpu.memory_space<semaphore_mem>>) src(%dma_wait3A_399 : memref<8x128xf32, #tpu.memory_space<vmem_shared>>) dst(%dma_wait3A_395 : memref<8x128xf32, #tpu.memory_space<hbm>>)
    %dma_wait3A_400 = arith.constant 0 : i32
    %dma_wait3A_401 = arith.constant 0 : i32
    %dma_wait3A_402 = arith.constant 0 : i32
    %dma_wait3A_403 = tpu.memref_slice %arg3[%dma_wait3A_401, %dma_wait3A_402] : memref<524288x128xf32, #tpu.memory_space<hbm>> -> memref<8x128xf32, #tpu.memory_space<hbm>>
    %dma_wait3A_404 = arith.constant 0 : i32
    %dma_wait3A_405 = arith.constant 0 : i32
    %dma_wait3A_406 = tpu.memref_slice %arg4[%dma_wait3A_400, %dma_wait3A_404, %dma_wait3A_405] : memref<8x64x2048xf32, #tpu.memory_space<vmem_shared>> -> memref<1x8x128xf32, #tpu.memory_space<vmem_shared>>
    %dma_wait3A_407 = tpu.memref_squeeze %dma_wait3A_406 : memref<1x8x128xf32, #tpu.memory_space<vmem_shared>> -> memref<8x128xf32, #tpu.memory_space<vmem_shared>>
    tpu.wait_dma2 semaphore(%arg10 : memref<!tpu.dma_semaphore, #tpu.memory_space<semaphore_mem>>) src(%dma_wait3A_407 : memref<8x128xf32, #tpu.memory_space<vmem_shared>>) dst(%dma_wait3A_403 : memref<8x128xf32, #tpu.memory_space<hbm>>)
    %dma_wait3A_408 = arith.constant 0 : i32
    %dma_wait3A_409 = arith.constant 0 : i32
    %dma_wait3A_410 = arith.constant 0 : i32
    %dma_wait3A_411 = tpu.memref_slice %arg3[%dma_wait3A_409, %dma_wait3A_410] : memref<524288x128xf32, #tpu.memory_space<hbm>> -> memref<8x128xf32, #tpu.memory_space<hbm>>
    %dma_wait3A_412 = arith.constant 0 : i32
    %dma_wait3A_413 = arith.constant 0 : i32
    %dma_wait3A_414 = tpu.memref_slice %arg4[%dma_wait3A_408, %dma_wait3A_412, %dma_wait3A_413] : memref<8x64x2048xf32, #tpu.memory_space<vmem_shared>> -> memref<1x8x128xf32, #tpu.memory_space<vmem_shared>>
    %dma_wait3A_415 = tpu.memref_squeeze %dma_wait3A_414 : memref<1x8x128xf32, #tpu.memory_space<vmem_shared>> -> memref<8x128xf32, #tpu.memory_space<vmem_shared>>
    tpu.wait_dma2 semaphore(%arg10 : memref<!tpu.dma_semaphore, #tpu.memory_space<semaphore_mem>>) src(%dma_wait3A_415 : memref<8x128xf32, #tpu.memory_space<vmem_shared>>) dst(%dma_wait3A_411 : memref<8x128xf32, #tpu.memory_space<hbm>>)
    %dma_wait3A_416 = arith.constant 0 : i32
    %dma_wait3A_417 = arith.constant 0 : i32
    %dma_wait3A_418 = arith.constant 0 : i32
    %dma_wait3A_419 = tpu.memref_slice %arg3[%dma_wait3A_417, %dma_wait3A_418] : memref<524288x128xf32, #tpu.memory_space<hbm>> -> memref<8x128xf32, #tpu.memory_space<hbm>>
    %dma_wait3A_420 = arith.constant 0 : i32
    %dma_wait3A_421 = arith.constant 0 : i32
    %dma_wait3A_422 = tpu.memref_slice %arg4[%dma_wait3A_416, %dma_wait3A_420, %dma_wait3A_421] : memref<8x64x2048xf32, #tpu.memory_space<vmem_shared>> -> memref<1x8x128xf32, #tpu.memory_space<vmem_shared>>
    %dma_wait3A_423 = tpu.memref_squeeze %dma_wait3A_422 : memref<1x8x128xf32, #tpu.memory_space<vmem_shared>> -> memref<8x128xf32, #tpu.memory_space<vmem_shared>>
    tpu.wait_dma2 semaphore(%arg10 : memref<!tpu.dma_semaphore, #tpu.memory_space<semaphore_mem>>) src(%dma_wait3A_423 : memref<8x128xf32, #tpu.memory_space<vmem_shared>>) dst(%dma_wait3A_419 : memref<8x128xf32, #tpu.memory_space<hbm>>)
    %dma_wait3A_424 = arith.constant 0 : i32
    %dma_wait3A_425 = arith.constant 0 : i32
    %dma_wait3A_426 = arith.constant 0 : i32
    %dma_wait3A_427 = tpu.memref_slice %arg3[%dma_wait3A_425, %dma_wait3A_426] : memref<524288x128xf32, #tpu.memory_space<hbm>> -> memref<8x128xf32, #tpu.memory_space<hbm>>
    %dma_wait3A_428 = arith.constant 0 : i32
    %dma_wait3A_429 = arith.constant 0 : i32
    %dma_wait3A_430 = tpu.memref_slice %arg4[%dma_wait3A_424, %dma_wait3A_428, %dma_wait3A_429] : memref<8x64x2048xf32, #tpu.memory_space<vmem_shared>> -> memref<1x8x128xf32, #tpu.memory_space<vmem_shared>>
    %dma_wait3A_431 = tpu.memref_squeeze %dma_wait3A_430 : memref<1x8x128xf32, #tpu.memory_space<vmem_shared>> -> memref<8x128xf32, #tpu.memory_space<vmem_shared>>
    tpu.wait_dma2 semaphore(%arg10 : memref<!tpu.dma_semaphore, #tpu.memory_space<semaphore_mem>>) src(%dma_wait3A_431 : memref<8x128xf32, #tpu.memory_space<vmem_shared>>) dst(%dma_wait3A_427 : memref<8x128xf32, #tpu.memory_space<hbm>>)
    %dma_wait3A_432 = arith.constant 0 : i32
    %dma_wait3A_433 = arith.constant 0 : i32
    %dma_wait3A_434 = arith.constant 0 : i32
    %dma_wait3A_435 = tpu.memref_slice %arg3[%dma_wait3A_433, %dma_wait3A_434] : memref<524288x128xf32, #tpu.memory_space<hbm>> -> memref<8x128xf32, #tpu.memory_space<hbm>>
    %dma_wait3A_436 = arith.constant 0 : i32
    %dma_wait3A_437 = arith.constant 0 : i32
    %dma_wait3A_438 = tpu.memref_slice %arg4[%dma_wait3A_432, %dma_wait3A_436, %dma_wait3A_437] : memref<8x64x2048xf32, #tpu.memory_space<vmem_shared>> -> memref<1x8x128xf32, #tpu.memory_space<vmem_shared>>
    %dma_wait3A_439 = tpu.memref_squeeze %dma_wait3A_438 : memref<1x8x128xf32, #tpu.memory_space<vmem_shared>> -> memref<8x128xf32, #tpu.memory_space<vmem_shared>>
    tpu.wait_dma2 semaphore(%arg10 : memref<!tpu.dma_semaphore, #tpu.memory_space<semaphore_mem>>) src(%dma_wait3A_439 : memref<8x128xf32, #tpu.memory_space<vmem_shared>>) dst(%dma_wait3A_435 : memref<8x128xf32, #tpu.memory_space<hbm>>)
    %dma_wait3A_440 = arith.constant 0 : i32
    %dma_wait3A_441 = arith.constant 0 : i32
    %dma_wait3A_442 = arith.constant 0 : i32
    %dma_wait3A_443 = tpu.memref_slice %arg3[%dma_wait3A_441, %dma_wait3A_442] : memref<524288x128xf32, #tpu.memory_space<hbm>> -> memref<8x128xf32, #tpu.memory_space<hbm>>
    %dma_wait3A_444 = arith.constant 0 : i32
    %dma_wait3A_445 = arith.constant 0 : i32
    %dma_wait3A_446 = tpu.memref_slice %arg4[%dma_wait3A_440, %dma_wait3A_444, %dma_wait3A_445] : memref<8x64x2048xf32, #tpu.memory_space<vmem_shared>> -> memref<1x8x128xf32, #tpu.memory_space<vmem_shared>>
    %dma_wait3A_447 = tpu.memref_squeeze %dma_wait3A_446 : memref<1x8x128xf32, #tpu.memory_space<vmem_shared>> -> memref<8x128xf32, #tpu.memory_space<vmem_shared>>
    tpu.wait_dma2 semaphore(%arg10 : memref<!tpu.dma_semaphore, #tpu.memory_space<semaphore_mem>>) src(%dma_wait3A_447 : memref<8x128xf32, #tpu.memory_space<vmem_shared>>) dst(%dma_wait3A_443 : memref<8x128xf32, #tpu.memory_space<hbm>>)
    %dma_wait3A_448 = arith.constant 0 : i32
    %dma_wait3A_449 = arith.constant 0 : i32
    %dma_wait3A_450 = arith.constant 0 : i32
    %dma_wait3A_451 = tpu.memref_slice %arg3[%dma_wait3A_449, %dma_wait3A_450] : memref<524288x128xf32, #tpu.memory_space<hbm>> -> memref<8x128xf32, #tpu.memory_space<hbm>>
    %dma_wait3A_452 = arith.constant 0 : i32
    %dma_wait3A_453 = arith.constant 0 : i32
    %dma_wait3A_454 = tpu.memref_slice %arg4[%dma_wait3A_448, %dma_wait3A_452, %dma_wait3A_453] : memref<8x64x2048xf32, #tpu.memory_space<vmem_shared>> -> memref<1x8x128xf32, #tpu.memory_space<vmem_shared>>
    %dma_wait3A_455 = tpu.memref_squeeze %dma_wait3A_454 : memref<1x8x128xf32, #tpu.memory_space<vmem_shared>> -> memref<8x128xf32, #tpu.memory_space<vmem_shared>>
    tpu.wait_dma2 semaphore(%arg10 : memref<!tpu.dma_semaphore, #tpu.memory_space<semaphore_mem>>) src(%dma_wait3A_455 : memref<8x128xf32, #tpu.memory_space<vmem_shared>>) dst(%dma_wait3A_451 : memref<8x128xf32, #tpu.memory_space<hbm>>)
    %dma_wait3A_456 = arith.constant 0 : i32
    %dma_wait3A_457 = arith.constant 0 : i32
    %dma_wait3A_458 = arith.constant 0 : i32
    %dma_wait3A_459 = tpu.memref_slice %arg3[%dma_wait3A_457, %dma_wait3A_458] : memref<524288x128xf32, #tpu.memory_space<hbm>> -> memref<8x128xf32, #tpu.memory_space<hbm>>
    %dma_wait3A_460 = arith.constant 0 : i32
    %dma_wait3A_461 = arith.constant 0 : i32
    %dma_wait3A_462 = tpu.memref_slice %arg4[%dma_wait3A_456, %dma_wait3A_460, %dma_wait3A_461] : memref<8x64x2048xf32, #tpu.memory_space<vmem_shared>> -> memref<1x8x128xf32, #tpu.memory_space<vmem_shared>>
    %dma_wait3A_463 = tpu.memref_squeeze %dma_wait3A_462 : memref<1x8x128xf32, #tpu.memory_space<vmem_shared>> -> memref<8x128xf32, #tpu.memory_space<vmem_shared>>
    tpu.wait_dma2 semaphore(%arg10 : memref<!tpu.dma_semaphore, #tpu.memory_space<semaphore_mem>>) src(%dma_wait3A_463 : memref<8x128xf32, #tpu.memory_space<vmem_shared>>) dst(%dma_wait3A_459 : memref<8x128xf32, #tpu.memory_space<hbm>>)
    %dma_wait3A_464 = arith.constant 0 : i32
    %dma_wait3A_465 = arith.constant 0 : i32
    %dma_wait3A_466 = arith.constant 0 : i32
    %dma_wait3A_467 = tpu.memref_slice %arg3[%dma_wait3A_465, %dma_wait3A_466] : memref<524288x128xf32, #tpu.memory_space<hbm>> -> memref<8x128xf32, #tpu.memory_space<hbm>>
    %dma_wait3A_468 = arith.constant 0 : i32
    %dma_wait3A_469 = arith.constant 0 : i32
    %dma_wait3A_470 = tpu.memref_slice %arg4[%dma_wait3A_464, %dma_wait3A_468, %dma_wait3A_469] : memref<8x64x2048xf32, #tpu.memory_space<vmem_shared>> -> memref<1x8x128xf32, #tpu.memory_space<vmem_shared>>
    %dma_wait3A_471 = tpu.memref_squeeze %dma_wait3A_470 : memref<1x8x128xf32, #tpu.memory_space<vmem_shared>> -> memref<8x128xf32, #tpu.memory_space<vmem_shared>>
    tpu.wait_dma2 semaphore(%arg10 : memref<!tpu.dma_semaphore, #tpu.memory_space<semaphore_mem>>) src(%dma_wait3A_471 : memref<8x128xf32, #tpu.memory_space<vmem_shared>>) dst(%dma_wait3A_467 : memref<8x128xf32, #tpu.memory_space<hbm>>)
    %dma_wait3A_472 = arith.constant 0 : i32
    %dma_wait3A_473 = arith.constant 0 : i32
    %dma_wait3A_474 = arith.constant 0 : i32
    %dma_wait3A_475 = tpu.memref_slice %arg3[%dma_wait3A_473, %dma_wait3A_474] : memref<524288x128xf32, #tpu.memory_space<hbm>> -> memref<8x128xf32, #tpu.memory_space<hbm>>
    %dma_wait3A_476 = arith.constant 0 : i32
    %dma_wait3A_477 = arith.constant 0 : i32
    %dma_wait3A_478 = tpu.memref_slice %arg4[%dma_wait3A_472, %dma_wait3A_476, %dma_wait3A_477] : memref<8x64x2048xf32, #tpu.memory_space<vmem_shared>> -> memref<1x8x128xf32, #tpu.memory_space<vmem_shared>>
    %dma_wait3A_479 = tpu.memref_squeeze %dma_wait3A_478 : memref<1x8x128xf32, #tpu.memory_space<vmem_shared>> -> memref<8x128xf32, #tpu.memory_space<vmem_shared>>
    tpu.wait_dma2 semaphore(%arg10 : memref<!tpu.dma_semaphore, #tpu.memory_space<semaphore_mem>>) src(%dma_wait3A_479 : memref<8x128xf32, #tpu.memory_space<vmem_shared>>) dst(%dma_wait3A_475 : memref<8x128xf32, #tpu.memory_space<hbm>>)
    %dma_wait3A_480 = arith.constant 0 : i32
    %dma_wait3A_481 = arith.constant 0 : i32
    %dma_wait3A_482 = arith.constant 0 : i32
    %dma_wait3A_483 = tpu.memref_slice %arg3[%dma_wait3A_481, %dma_wait3A_482] : memref<524288x128xf32, #tpu.memory_space<hbm>> -> memref<8x128xf32, #tpu.memory_space<hbm>>
    %dma_wait3A_484 = arith.constant 0 : i32
    %dma_wait3A_485 = arith.constant 0 : i32
    %dma_wait3A_486 = tpu.memref_slice %arg4[%dma_wait3A_480, %dma_wait3A_484, %dma_wait3A_485] : memref<8x64x2048xf32, #tpu.memory_space<vmem_shared>> -> memref<1x8x128xf32, #tpu.memory_space<vmem_shared>>
    %dma_wait3A_487 = tpu.memref_squeeze %dma_wait3A_486 : memref<1x8x128xf32, #tpu.memory_space<vmem_shared>> -> memref<8x128xf32, #tpu.memory_space<vmem_shared>>
    tpu.wait_dma2 semaphore(%arg10 : memref<!tpu.dma_semaphore, #tpu.memory_space<semaphore_mem>>) src(%dma_wait3A_487 : memref<8x128xf32, #tpu.memory_space<vmem_shared>>) dst(%dma_wait3A_483 : memref<8x128xf32, #tpu.memory_space<hbm>>)
    %dma_wait3A_488 = arith.constant 0 : i32
    %dma_wait3A_489 = arith.constant 0 : i32
    %dma_wait3A_490 = arith.constant 0 : i32
    %dma_wait3A_491 = tpu.memref_slice %arg3[%dma_wait3A_489, %dma_wait3A_490] : memref<524288x128xf32, #tpu.memory_space<hbm>> -> memref<8x128xf32, #tpu.memory_space<hbm>>
    %dma_wait3A_492 = arith.constant 0 : i32
    %dma_wait3A_493 = arith.constant 0 : i32
    %dma_wait3A_494 = tpu.memref_slice %arg4[%dma_wait3A_488, %dma_wait3A_492, %dma_wait3A_493] : memref<8x64x2048xf32, #tpu.memory_space<vmem_shared>> -> memref<1x8x128xf32, #tpu.memory_space<vmem_shared>>
    %dma_wait3A_495 = tpu.memref_squeeze %dma_wait3A_494 : memref<1x8x128xf32, #tpu.memory_space<vmem_shared>> -> memref<8x128xf32, #tpu.memory_space<vmem_shared>>
    tpu.wait_dma2 semaphore(%arg10 : memref<!tpu.dma_semaphore, #tpu.memory_space<semaphore_mem>>) src(%dma_wait3A_495 : memref<8x128xf32, #tpu.memory_space<vmem_shared>>) dst(%dma_wait3A_491 : memref<8x128xf32, #tpu.memory_space<hbm>>)
    %dma_wait3A_496 = arith.constant 0 : i32
    %dma_wait3A_497 = arith.constant 0 : i32
    %dma_wait3A_498 = arith.constant 0 : i32
    %dma_wait3A_499 = tpu.memref_slice %arg3[%dma_wait3A_497, %dma_wait3A_498] : memref<524288x128xf32, #tpu.memory_space<hbm>> -> memref<8x128xf32, #tpu.memory_space<hbm>>
    %dma_wait3A_500 = arith.constant 0 : i32
    %dma_wait3A_501 = arith.constant 0 : i32
    %dma_wait3A_502 = tpu.memref_slice %arg4[%dma_wait3A_496, %dma_wait3A_500, %dma_wait3A_501] : memref<8x64x2048xf32, #tpu.memory_space<vmem_shared>> -> memref<1x8x128xf32, #tpu.memory_space<vmem_shared>>
    %dma_wait3A_503 = tpu.memref_squeeze %dma_wait3A_502 : memref<1x8x128xf32, #tpu.memory_space<vmem_shared>> -> memref<8x128xf32, #tpu.memory_space<vmem_shared>>
    tpu.wait_dma2 semaphore(%arg10 : memref<!tpu.dma_semaphore, #tpu.memory_space<semaphore_mem>>) src(%dma_wait3A_503 : memref<8x128xf32, #tpu.memory_space<vmem_shared>>) dst(%dma_wait3A_499 : memref<8x128xf32, #tpu.memory_space<hbm>>)
    %dma_wait3A_504 = arith.constant 0 : i32
    %dma_wait3A_505 = arith.constant 0 : i32
    %dma_wait3A_506 = arith.constant 0 : i32
    %dma_wait3A_507 = tpu.memref_slice %arg3[%dma_wait3A_505, %dma_wait3A_506] : memref<524288x128xf32, #tpu.memory_space<hbm>> -> memref<8x128xf32, #tpu.memory_space<hbm>>
    %dma_wait3A_508 = arith.constant 0 : i32
    %dma_wait3A_509 = arith.constant 0 : i32
    %dma_wait3A_510 = tpu.memref_slice %arg4[%dma_wait3A_504, %dma_wait3A_508, %dma_wait3A_509] : memref<8x64x2048xf32, #tpu.memory_space<vmem_shared>> -> memref<1x8x128xf32, #tpu.memory_space<vmem_shared>>
    %dma_wait3A_511 = tpu.memref_squeeze %dma_wait3A_510 : memref<1x8x128xf32, #tpu.memory_space<vmem_shared>> -> memref<8x128xf32, #tpu.memory_space<vmem_shared>>
    tpu.wait_dma2 semaphore(%arg10 : memref<!tpu.dma_semaphore, #tpu.memory_space<semaphore_mem>>) src(%dma_wait3A_511 : memref<8x128xf32, #tpu.memory_space<vmem_shared>>) dst(%dma_wait3A_507 : memref<8x128xf32, #tpu.memory_space<hbm>>)
    %dma_wait3A_512 = arith.constant 0 : i32
    %dma_wait3A_513 = arith.constant 0 : i32
    %dma_wait3A_514 = arith.constant 0 : i32
    %dma_wait3A_515 = tpu.memref_slice %arg3[%dma_wait3A_513, %dma_wait3A_514] : memref<524288x128xf32, #tpu.memory_space<hbm>> -> memref<8x128xf32, #tpu.memory_space<hbm>>
    %dma_wait3A_516 = arith.constant 0 : i32
    %dma_wait3A_517 = arith.constant 0 : i32
    %dma_wait3A_518 = tpu.memref_slice %arg4[%dma_wait3A_512, %dma_wait3A_516, %dma_wait3A_517] : memref<8x64x2048xf32, #tpu.memory_space<vmem_shared>> -> memref<1x8x128xf32, #tpu.memory_space<vmem_shared>>
    %dma_wait3A_519 = tpu.memref_squeeze %dma_wait3A_518 : memref<1x8x128xf32, #tpu.memory_space<vmem_shared>> -> memref<8x128xf32, #tpu.memory_space<vmem_shared>>
    tpu.wait_dma2 semaphore(%arg10 : memref<!tpu.dma_semaphore, #tpu.memory_space<semaphore_mem>>) src(%dma_wait3A_519 : memref<8x128xf32, #tpu.memory_space<vmem_shared>>) dst(%dma_wait3A_515 : memref<8x128xf32, #tpu.memory_space<hbm>>)
    %add3A_520 = arith.constant 32 : i32
    %add3A_521 = arith.addi %mul3A_2, %add3A_520 : i32
    %sub3A = arith.constant 2 : i32
    %sub3A_522 = arith.subi %add3A_521, %sub3A : i32
    %mul3A_523 = arith.constant 512 : i32
    %mul3A_524 = arith.muli %sub3A_522, %mul3A_523 : i32
    %add3A_525 = arith.constant 0 : i32
    %add3A_526 = arith.addi %mul3A_524, %add3A_525 : i32
    %dma_wait3A_527 = arith.constant 0 : i32
    %dma_wait3A_528 = tpu.memref_slice %arg3[%add3A_526, %dma_wait3A_527] : memref<524288x128xf32, #tpu.memory_space<hbm>> -> memref<256x128xf32, #tpu.memory_space<hbm>>
    %dma_wait3A_529 = arith.constant 0 : i32
    %dma_wait3A_530 = tpu.memref_slice %arg3[%add3A_526, %dma_wait3A_529] : memref<524288x128xf32, #tpu.memory_space<hbm>> -> memref<256x128xf32, #tpu.memory_space<hbm>>
    tpu.wait_dma2 semaphore(%arg8 : memref<!tpu.dma_semaphore, #tpu.memory_space<semaphore_mem>>) src(%arg5 : memref<256x128xf32, #tpu.memory_space<vmem>>) dst(%dma_wait3A_530 : memref<256x128xf32, #tpu.memory_space<hbm>>)
    %mul3A_531 = arith.constant 512 : i32
    %mul3A_532 = arith.muli %sub3A_522, %mul3A_531 : i32
    %add3A_533 = arith.constant 256 : i32
    %add3A_534 = arith.addi %mul3A_532, %add3A_533 : i32
    %dma_wait3A_535 = arith.constant 0 : i32
    %dma_wait3A_536 = tpu.memref_slice %arg3[%add3A_534, %dma_wait3A_535] : memref<524288x128xf32, #tpu.memory_space<hbm>> -> memref<256x128xf32, #tpu.memory_space<hbm>>
    %dma_wait3A_537 = arith.constant 0 : i32
    %dma_wait3A_538 = tpu.memref_slice %arg3[%add3A_534, %dma_wait3A_537] : memref<524288x128xf32, #tpu.memory_space<hbm>> -> memref<256x128xf32, #tpu.memory_space<hbm>>
    tpu.wait_dma2 semaphore(%arg9 : memref<!tpu.dma_semaphore, #tpu.memory_space<semaphore_mem>>) src(%arg6 : memref<256x128xf32, #tpu.memory_space<vmem>>) dst(%dma_wait3A_538 : memref<256x128xf32, #tpu.memory_space<hbm>>)
    return
  }
}

</mosaic_0001>

<sc_bundles>
// kernel: kernel.3.cloned.1.call-start
scs
__scs_entry_jumppad:
0x0: {  	(pc) =	sbr.rel $0x88, $3  }
0x1: {  	(tag) =	ssettag $0x0;
	lr =	simm.s32 $0x1  }
0x2: {  	[smem:$0x3FA0] =	sst lr;
	_ =	strace $0xD0000000  }
0x3: {  	_ = 	snop  }
0x4: {  	_ = 	snop  }
0x5: {  	_ = 	snop  }
0x6: {  	_ = 	snop  }
0x7: {  	_ = 	snop  }
__scs_overlays_trampoline_lowered:
0x8: {  	[smem:$0x3FAF] =	sst s0  }
0x9: {  	[smem:$0x3FB0] =	sst s1  }
0xa: {  	[smem:$0x3FB1] =	sst s2  }
0xb: {  	[smem:$0x3FB2] =	sst s3  }
0xc: {  	[smem:$0x3FB3] =	sst s4  }
0xd: {  	[smem:$0x3FB4] =	sst s5  }
0xe: {  	[smem:$0x3FB5] =	sst s6  }
0xf: {  	[smem:$0x3FB6] =	sst s7  }
0x10: {  	[smem:$0x3FB7] =	sst s8  }
0x11: {  	[smem:$0x3FB8] =	sst s9;
	s0 =	simm.s32 @!p0 $0x0  }
0x12: {  	s1 =	sld [smem:$0x3F9E];
	s0 =	simm.s32 @p0 $0x1  }
0x13: {  	[smem:$0x3FB9] =	sst s0;
	s0 =	simm.s32 @!p1 $0x0  }
0x14: {  	s2 =	sld [smem:$0x3F9D];
	s0 =	simm.s32 @p1 $0x1  }
0x15: {  	[smem:$0x3FBA] =	sst s0;
	s0 =	simm.s32 @!p2 $0x0  }
0x16: {  	s3 =	sld [smem:$0x3FDB];
	s0 =	simm.s32 @p2 $0x1  }
0x17: {  	s4 =	simm.s32 $0x1BF5;
	[smem:$0x3FBC] =	sst s0  }
0x18: {  	s0 =	sld [smem:$0x3F9F];
	_ =	swait.ge [sflag:s4], $0x0  }
0x19: {  	s7 =	sld [smem:$0x3FA0]  }
0x1a: {  	s8 =	sadd.s32 $0xFFFFE003, lr  }
0x1b: {  	s9 =	sadd.s32 $0xFFFFFEF7, lr;
	s5 =	simm.s32 $0xFFFFFFFF;
	p2 =	slt.u32 s8, $0xFFFFF086  }
0x1c: {  	p1 =	slt.u32 s9, $0xF7A;
	s5 =	simm.s32 @!p2 $0x0  }
0x1d: {  	s5 =	simm.s32 @p1 $0x1;
	p0 =	seq.s32 s7, s2  }
0x1e: {  	s7 =	smul.u32 @!p0 $0xF7A, s2;
	p2 =	seq.s32 @!p0 s5, $0x0  }
0x1f: {  	s9 =	smul.u32 $0xF7A, s1;
	s8 =	simm.s32 @!p0 $0x1BF5;
	p2 =	por !p2, p0  }
0x20: {  	[sflag:s8] =	ssyncset.s32 @!p0 $0xFFFFF086;
	s6 =	sadd.s32 @!p0 s3, s7;
	s7 =	simm.s32 @!p0 $0x108  }
0x21: {  	s3 =	sadd.s32 s3, s9;
	s6 =	sadd.s32 @!p0 $0x88, s6;
	s7 =	simm.s32 @p2 $0x1082  }
0x22: {  	[simem:s7], [sflag:s8] =	dma.local @!p0 [hbm:s6], $0xF7A  }
0x23: {  	s9 =	sor.u32 $0xD0000000, s2;
	s6 =	simm.s32 $0x108;
	_ =	swait.ge @!p0 [sflag:s8], $0x0  }
0x24: {  	s3 =	sadd.s32 $0x88, s3;
	s6 =	simm.s32 @!p1 $0x1082;
	[sflag:s4] =	ssyncset.s32 $0xFFFFF086  }
0x25: {  	[simem:s6], [sflag:s4] =	dma.local [hbm:s3], $0xF7A  }
0x26: {  	[smem:$0x3FA0] =	sst s1;
	(tag) =	ssettag s2;
	_ =	strace s9  }
0x27: {  	s1 =	sld [smem:$0x3FB0]  }
0x28: {  	s2 =	sld [smem:$0x3FB1]  }
0x29: {  	s4 =	sld [smem:$0x3FB3]  }
0x2a: {  	p0 =	seq.s32 s5, $0x0;
	s5 =	sld [smem:$0x3FB4]  }
0x2b: {  	s6 =	sld [smem:$0x3FB5]  }
0x2c: {  	s7 =	sld [smem:$0x3FB6]  }
0x2d: {  	s3 =	simm.s32 $0x108;
	s8 =	sld [smem:$0x3FB7]  }
0x2e: {  	s3 =	simm.s32 @!p0 $0x1082;
	s9 =	sld [smem:$0x3FB8]  }
0x2f: {  	lr =	sadd.s32 s0, s3;
	s0 =	sld [smem:$0x3FAF]  }
0x30: {  	s3 =	sld [smem:$0x3FB2]  }
0x31: {  	[smem:$0x3FBB] =	sst s10  }
0x32: {  	s10 =	sld [smem:$0x3FB9];
	_ =	sdelay $0x3  }
0x33: {  	p0 =	seq.s32 s10, $0x1;
	s10 =	sld [smem:$0x3FBB];
	_ =	sdelay $0x3  }
0x34: {  	[smem:$0x3FBB] =	sst s10  }
0x35: {  	s10 =	sld [smem:$0x3FBA];
	_ =	sdelay $0x3  }
0x36: {  	p1 =	seq.s32 s10, $0x1;
	s10 =	sld [smem:$0x3FBB];
	_ =	sdelay $0x3  }
0x37: {  	[smem:$0x3FBB] =	sst s10  }
0x38: {  	s10 =	sld [smem:$0x3FBC]  }
0x39: {  	_ = 	snop;
	(pc) =	sbr.ind lr, $3  }
0x3a: {  	_ = 	snop  }
0x3b: {  	_ = 	snop  }
0x3c: {  	p2 =	seq.s32 s10, $0x1;
	s10 =	sld [smem:$0x3FBB]  }
0x3d: {  	_ =	shalt  }
0x3e: {  	_ =	shalt  }
0x3f: {  	_ =	shalt  }
0x40: {  	_ =	shalt  }
0x41: {  	_ =	shalt  }
0x42: {  	_ =	shalt  }
0x43: {  	_ =	shalt  }
0x44: {  	_ =	shalt  }
0x45: {  	_ =	shalt  }
0x46: {  	_ =	shalt  }
0x47: {  	_ =	shalt  }
0x48: {  	_ =	shalt  }
0x49: {  	_ =	shalt  }
0x4a: {  	_ =	shalt  }
0x4b: {  	_ =	shalt  }
0x4c: {  	_ =	shalt  }
0x4d: {  	_ =	shalt  }
0x4e: {  	_ =	shalt  }
0x4f: {  	_ =	shalt  }
0x50: {  	_ =	shalt  }
0x51: {  	_ =	shalt  }
0x52: {  	_ =	shalt  }
0x53: {  	_ =	shalt  }
0x54: {  	_ =	shalt  }
0x55: {  	_ =	shalt  }
0x56: {  	_ =	shalt  }
0x57: {  	_ =	shalt  }
0x58: {  	_ =	shalt  }
0x59: {  	_ =	shalt  }
0x5a: {  	_ =	shalt  }
0x5b: {  	_ =	shalt  }
0x5c: {  	_ =	shalt  }
0x5d: {  	_ =	shalt  }
0x5e: {  	_ =	shalt  }
0x5f: {  	_ =	shalt  }
0x60: {  	_ =	shalt  }
0x61: {  	_ =	shalt  }
0x62: {  	_ =	shalt  }
0x63: {  	_ =	shalt  }
0x64: {  	_ =	shalt  }
0x65: {  	_ =	shalt  }
0x66: {  	_ =	shalt  }
0x67: {  	_ =	shalt  }
0x68: {  	_ =	shalt  }
0x69: {  	_ =	shalt  }
0x6a: {  	_ =	shalt  }
0x6b: {  	_ =	shalt  }
0x6c: {  	_ =	shalt  }
0x6d: {  	_ =	shalt  }
0x6e: {  	_ =	shalt  }
0x6f: {  	_ =	shalt  }
0x70: {  	_ =	shalt  }
0x71: {  	_ =	shalt  }
0x72: {  	_ =	shalt  }
0x73: {  	_ =	shalt  }
0x74: {  	_ =	shalt  }
0x75: {  	_ =	shalt  }
0x76: {  	_ =	shalt  }
0x77: {  	_ =	shalt  }
0x78: {  	_ =	shalt  }
0x79: {  	_ =	shalt  }
0x7a: {  	_ =	shalt  }
0x7b: {  	_ =	shalt  }
0x7c: {  	_ =	shalt  }
0x7d: {  	_ =	shalt  }
0x7e: {  	_ =	shalt  }
0x7f: {  	_ =	shalt  }
0x80: {  	_ =	shalt  }
0x81: {  	_ =	shalt  }
0x82: {  	_ =	shalt  }
0x83: {  	_ =	shalt  }
0x84: {  	_ =	shalt  }
0x85: {  	_ =	shalt  }
0x86: {  	_ =	shalt  }
0x87: {  	_ =	shalt  }
.Lfunc_end0:
.L_simem_size_0:
called_computation_lowered:
.L_overlay_start_0:
0x88: {  	s2 =	sld [smem:$0x3FD9]  }
0x89: {  	s3 =	sld [smem:$0x3FFE];
	_ =	sdelay $0x1  }
0x8a: {  	s1 =	srdreg.scid  }
0x8b: {  	s0 =	sand.u32 $0x1, s1  }
0x8c: {  	s17 =	sshll.u32 s0, $0xA;
	s2 =	sadd.s32 s3, s2  }
0x8d: {  	s2 =	sadd.s32 s2, s17  }
0x8e: {  	[smem:$0x3FC7] =	sst s2  }
0x8f: {  	_ = 	snop  }
0x90: {  	s2 =	sld [smem:$0x3FD0];
	(tm) =	ssettm $0x1  }
0x91: {  	s18 =	sld [smem:$0x3FFB];
	_ =	sdelay $0x3  }
0x92: {  	_ =	strace s18  }
0x93: {  	s3 =	sld [smem:$0x3FFC];
	_ =	sdelay $0x3  }
0x94: {  	_ =	strace s3  }
0x95: {  	s3 =	sld [smem:$0x3FFD];
	_ =	sdelay $0x3  }
0x96: {  	_ =	strace s3  }
0x97: {  	_ =	strace $0x8FFFFFFF  }
0x98: {  	s19 =	sld [smem:$0x3FDB];
	_ =	sdelay $0x1  }
0x99: {  	s4 =	simm.s32 $_scs_section_size  }
0x9a: {  	s5 =	simm.s32 $_size__tile_overlayer_lowered;
	s6 =	simm.s32 $_tile_overlayer_lowered  }
0x9b: {  	s22 =	simm.s32 $0x1BFF;
	s21 =	sshll.u32 s6, $0x1;
	s3 =	sadd.s32 s4, s19  }
0x9c: {  	s7 =	simm.s32 $0x0;
	s20 =	sshll.u32 s5, $0x1;
	s5 =	sadd.s32 s21, s3  }
0x9d: {  	[timem:s7], [sflag:s22] =	dma.local [hbm:s5], s20  }
0x9e: {  	_ =	swait.ge [sflag:s22], s20  }
0x9f: {  	s4 =	ssub.s32 $0x0, s20;
	[sflag:s22] =	ssyncset.done $0x0  }
0xa0: {  	[sflag:s22] =	ssyncadd.s32 s4;
	_ =	sdelay $0x1  }
0xa1: {  	s23 =	simm.s32 $0x1B8B  }
0xa2: {  	_ =	swait.ge [sflag:s23], $0x1  }
0xa3: {  	[sflag:s23] =	ssyncset.done $0x0  }
0xa4: {  	s25 =	simm.s32 $0x1B8E;
	s24 =	sld [smem:$0x3FFE];
	[sflag:s23] =	ssyncadd.s32 $0xFFFFFFFF  }
0xa5: {  	s26 =	simm.s32 $execute0_lowered;
	[smem:$0x3FD2] =	sst s25  }
0xa6: {  	s5 =	sshll.u32 s26, $0x1;
	_ =	strace $0x80000046;
	[dreg:$0x1] =	wrdreg $0xFFFFFFFF  }
0xa7: {  	s28 =	simm.s32 $_size_execute0_lowered;
	s3 =	sadd.s32 s3, s5;
	[dreg:$0x0] =	wrdreg $0x0  }
0xa8: {  	s5 =	sshll.u32 s28, $0x1;
	[dreg:$0x2] =	wrdreg s3  }
0xa9: {  	[dreg:$0x3] =	wrdreg s5  }
0xaa: {  	[dreg:$0x4] =	wrdreg $0xC0  }
0xab: {  	_ =	task [dreg:s7], $0x5FFFF  }
0xac: {  	[dreg:$0x1] =	wrdreg $0xFFFFFFFF  }
0xad: {  	[dreg:$0x0] =	wrdreg $0x60  }
0xae: {  	[dreg:$0x2] =	wrdreg s24  }
0xaf: {  	[dreg:$0x3] =	wrdreg s2  }
0xb0: {  	[dreg:$0x4] =	wrdreg $0x0  }
0xb1: {  	[dreg:$0x5] =	wrdreg $0x9  }
0xb2: {  	_ =	task.clear_ibuf [dreg:s7], $0x6FFFF;
	_ =	strace $0x90000046  }
0xb3: {  	s29 =	simm.s32 $0x9;
	_ =	strace $0x80000048  }
0xb4: {  	_ =	swait.ge [sflag:s29], $0x1  }
0xb5: {  	[sflag:s29] =	ssyncadd.s32 $0xFFFFFFFF  }
0xb6: {  	_ =	strace $0x90000048  }
0xb7: {  	_ =	sfence  }
0xb8: {  	s30 =	sld [smem:$0x0];
	_ =	sdelay $0x2  }
0xb9: {  	s31 =	sshll.u32 s1, $0xD;
	s1 =	sshrl.u32 s1, $0x2  }
0xba: {  	s3 =	sand.u32 $0x4000, s31;
	s1 =	sadd.s32 s1, s30  }
0xbb: {  	s0 =	sor.u32 s3, s0;
	s1 =	sshll.u32 s1, $0x11  }
0xbc: {  	s0 =	sor.u32 s1, s0  }
0xbd: {  	s0 =	sadd.s32 $0x8F2B, s0  }
0xbe: {  	[sflag:s0] =	ssyncadd.remote.s32 $0x1  }
0xbf: {  	_ =	sfence.sel $0xFFFF  }
0xc0: {  	[dreg:$0x0] =	wrdreg $0xFFFFFFFF;
	(pc) =	sbr.abs _section_cstart, $3  }
0xc1: {  	[dreg:$0x1] =	wrdreg $0xFFFFFFFF  }
0xc2: {  	_ =	task.clear_ibuf [dreg:s7], $0x2FFFF;
	_ =	strace $0x9FFFFFFF  }
0xc3: {  	(tm) =	ssettm $0x7FFFFFFF  }
tec
execute0_lowered:
.L_overlay_start_1:
0x0: {  	(tag) =	ssettag $0x1  }
0x1: {  	s0 =	rddreg [dreg:$0x0]  }
0x2: {  	s1 =	rddreg [dreg:$0x1]  }
0x3: {  	s15 =	rddreg [dreg:$0x2];
	s3 =	simm.s32 $0x0;
	s2 =	srdreg.scid  }
0x4: {  	s11 =	stileid.u32;
	s18 =	simm.s32 $0x1;
	s19 =	simm.s32 $0x10  }
0x5: {  	s20 =	simm.s32 $0x100;
	s21 =	simm.s32 $0x80;
	s16 =	simm.s32 $0x4  }
0x6: {  	[smem:$0x7FF] =	sst s3;
	s2 =	sand.u32 $0x1, s2;
	s22 =	sadd.s32 $0x400, s0  }
0x7: {  	s13 =	sshll.u32 s11, $0x6;
	s6 =	sadd.s32 $0x1C00, s0;
	s7 =	sadd.s32 $0x2400, s0  }
0x8: {  	s8 =	sadd.s32 $0x2C00, s0;
	s10 =	sadd.s32 $0x3C00, s0;
	s25 =	sshll.u32 s11, $0x13  }
0x9: {  	s28 =	sshll.u32 s11, $0x17;
	_ =	strace $0x80000047;
	s4 =	ssub.s32 $0x2, s2  }
0xa: {  	[dreg:$0xa] =	wrdreg s22;
	s9 =	sshll.u32 s2, $0x5;
	s26 =	sshll.u32 s2, $0x16  }
0xb: {  	s29 =	sshll.u32 s2, $0x12;
	s5 =	sshrl.u32 s4, $0x1;
	s14 =	sor.u32 s13, s9  }
0xc: {  	s9 =	sadd.s32 $0x3400, s0;
	s30 =	sor.u32 s28, s26;
	s12 =	ssub.s32 s4, s5  }
0xd: {  	s4 =	sadd.s32 $0xC00, s0;
	s5 =	sadd.s32 $0x1400, s0;
	s24 =	sxor.u32 $0x3FE, s14  }
0xe: {  	s23 =	sxor.u32 $0x3FF, s14;
	s31 =	ssub.s32 $0x0, s30;
	[dreg:$0x5] =	wrdreg s24  }
.Ltmp0:
0xf: {  	s0 =	sshll.u32 s23, $0x11;
	[dreg:$0x8] =	wrdreg s31;
	(pc) =	sbr.rel .LBB2_1-.Ltmp0, $4  }
0x10: {  	s12 =	smax.u32 s12, $0x1;
	[dreg:$0x6] =	wrdreg s0;
	s0 =	sadd.s32 s25, s1  }
0x11: {  	p0 =	sne.s32 s11, $0x0;
	[dreg:$0x4] =	wrdreg s12;
	s0 =	sadd.s32 s29, s0  }
0x12: {  	s17 =	sor.u32 $0x1C04, s13;
	[dreg:$0x7] =	wrdreg s0;
	s0 =	sshrl.u32 @!p0 s15, $0x3  }
0x13: {  	s22 =	simm.s32 $0x800;
	s2 =	simm.s32 $0x0;
	[dreg:$0x9] =	wrdreg s0  }
.LBB2_5:
0x14: {  	_ =	swait.ge [sflag:s16], $0x80  }
0x15: {  	[sflag:s16] =	ssyncset.done $0x0  }
0x16: {  	[sflag:s16] =	ssyncadd.s32 $0xFFFFFF80  }
0x17: {  	_ =	swait.ge [sflag:s16], $0x80  }
0x18: {  	[sflag:s16] =	ssyncset.done $0x0  }
0x19: {  	[sflag:s16] =	ssyncadd.s32 $0xFFFFFF80  }
0x1a: {  	_ =	swait.ge [sflag:s16], $0x80  }
0x1b: {  	[sflag:s16] =	ssyncset.done $0x0  }
0x1c: {  	[sflag:s16] =	ssyncadd.s32 $0xFFFFFF80  }
0x1d: {  	_ =	swait.ge [sflag:s16], $0x80  }
0x1e: {  	[sflag:s16] =	ssyncset.done $0x0  }
0x1f: {  	[sflag:s16] =	ssyncadd.s32 $0xFFFFFF80  }
0x20: {  	_ =	swait.ge [sflag:s16], $0x80  }
0x21: {  	[sflag:s16] =	ssyncset.done $0x0  }
0x22: {  	[sflag:s16] =	ssyncadd.s32 $0xFFFFFF80  }
0x23: {  	_ =	swait.ge [sflag:s16], $0x80  }
0x24: {  	[sflag:s16] =	ssyncset.done $0x0  }
0x25: {  	[sflag:s16] =	ssyncadd.s32 $0xFFFFFF80  }
0x26: {  	_ =	swait.ge [sflag:s16], $0x80  }
0x27: {  	[sflag:s16] =	ssyncset.done $0x0  }
0x28: {  	[sflag:s16] =	ssyncadd.s32 $0xFFFFFF80  }
0x29: {  	_ =	swait.ge [sflag:s16], $0x80  }
0x2a: {  	[sflag:s16] =	ssyncset.done $0x0  }
0x2b: {  	[sflag:s16] =	ssyncadd.s32 $0xFFFFFF80  }
0x2c: {  	_ =	swait.ge [sflag:s16], $0x80  }
0x2d: {  	[sflag:s16] =	ssyncset.done $0x0  }
0x2e: {  	[sflag:s16] =	ssyncadd.s32 $0xFFFFFF80  }
0x2f: {  	_ =	swait.ge [sflag:s16], $0x80  }
0x30: {  	[sflag:s16] =	ssyncset.done $0x0  }
0x31: {  	[sflag:s16] =	ssyncadd.s32 $0xFFFFFF80  }
0x32: {  	_ =	swait.ge [sflag:s16], $0x80  }
0x33: {  	[sflag:s16] =	ssyncset.done $0x0  }
0x34: {  	[sflag:s16] =	ssyncadd.s32 $0xFFFFFF80  }
0x35: {  	_ =	swait.ge [sflag:s16], $0x80  }
0x36: {  	[sflag:s16] =	ssyncset.done $0x0  }
0x37: {  	[sflag:s16] =	ssyncadd.s32 $0xFFFFFF80  }
0x38: {  	_ =	swait.ge [sflag:s16], $0x80  }
0x39: {  	[sflag:s16] =	ssyncset.done $0x0  }
0x3a: {  	[sflag:s16] =	ssyncadd.s32 $0xFFFFFF80  }
0x3b: {  	_ =	swait.ge [sflag:s16], $0x80  }
0x3c: {  	[sflag:s16] =	ssyncset.done $0x0  }
0x3d: {  	[sflag:s16] =	ssyncadd.s32 $0xFFFFFF80  }
0x3e: {  	_ =	swait.ge [sflag:s16], $0x80  }
0x3f: {  	[sflag:s16] =	ssyncset.done $0x0  }
0x40: {  	[sflag:s16] =	ssyncadd.s32 $0xFFFFFF80  }
0x41: {  	_ =	swait.ge [sflag:s16], $0x80  }
0x42: {  	[sflag:s16] =	ssyncset.done $0x0  }
0x43: {  	[sflag:s16] =	ssyncadd.s32 $0xFFFFFF80  }
0x44: {  	_ =	swait.ge [sflag:s16], $0x80  }
0x45: {  	[sflag:s16] =	ssyncset.done $0x0  }
0x46: {  	[sflag:s16] =	ssyncadd.s32 $0xFFFFFF80  }
0x47: {  	_ =	swait.ge [sflag:s16], $0x80  }
0x48: {  	[sflag:s16] =	ssyncset.done $0x0  }
0x49: {  	[sflag:s16] =	ssyncadd.s32 $0xFFFFFF80  }
0x4a: {  	_ =	swait.ge [sflag:s16], $0x80  }
0x4b: {  	[sflag:s16] =	ssyncset.done $0x0  }
0x4c: {  	[sflag:s16] =	ssyncadd.s32 $0xFFFFFF80  }
0x4d: {  	_ =	swait.ge [sflag:s16], $0x80  }
0x4e: {  	[sflag:s16] =	ssyncset.done $0x0  }
0x4f: {  	[sflag:s16] =	ssyncadd.s32 $0xFFFFFF80  }
0x50: {  	_ =	swait.ge [sflag:s16], $0x80  }
0x51: {  	[sflag:s16] =	ssyncset.done $0x0  }
0x52: {  	[sflag:s16] =	ssyncadd.s32 $0xFFFFFF80  }
0x53: {  	_ =	swait.ge [sflag:s16], $0x80  }
0x54: {  	[sflag:s16] =	ssyncset.done $0x0  }
0x55: {  	[sflag:s16] =	ssyncadd.s32 $0xFFFFFF80  }
0x56: {  	_ =	swait.ge [sflag:s16], $0x80  }
0x57: {  	[sflag:s16] =	ssyncset.done $0x0  }
0x58: {  	[sflag:s16] =	ssyncadd.s32 $0xFFFFFF80  }
0x59: {  	_ =	swait.ge [sflag:s16], $0x80  }
0x5a: {  	[sflag:s16] =	ssyncset.done $0x0  }
0x5b: {  	[sflag:s16] =	ssyncadd.s32 $0xFFFFFF80  }
0x5c: {  	_ =	swait.ge [sflag:s16], $0x80  }
0x5d: {  	[sflag:s16] =	ssyncset.done $0x0  }
0x5e: {  	[sflag:s16] =	ssyncadd.s32 $0xFFFFFF80  }
0x5f: {  	_ =	swait.ge [sflag:s16], $0x80  }
0x60: {  	[sflag:s16] =	ssyncset.done $0x0  }
0x61: {  	[sflag:s16] =	ssyncadd.s32 $0xFFFFFF80  }
0x62: {  	_ =	swait.ge [sflag:s16], $0x80  }
0x63: {  	[sflag:s16] =	ssyncset.done $0x0  }
0x64: {  	[sflag:s16] =	ssyncadd.s32 $0xFFFFFF80  }
0x65: {  	_ =	swait.ge [sflag:s16], $0x80  }
0x66: {  	[sflag:s16] =	ssyncset.done $0x0  }
0x67: {  	[sflag:s16] =	ssyncadd.s32 $0xFFFFFF80  }
0x68: {  	_ =	swait.ge [sflag:s16], $0x80  }
0x69: {  	[sflag:s16] =	ssyncset.done $0x0  }
0x6a: {  	[sflag:s16] =	ssyncadd.s32 $0xFFFFFF80  }
0x6b: {  	_ =	swait.ge [sflag:s16], $0x80  }
0x6c: {  	[sflag:s16] =	ssyncset.done $0x0  }
0x6d: {  	[sflag:s16] =	ssyncadd.s32 $0xFFFFFF80  }
0x6e: {  	_ =	swait.ge [sflag:s16], $0x80  }
0x6f: {  	[sflag:s16] =	ssyncset.done $0x0  }
0x70: {  	[sflag:s16] =	ssyncadd.s32 $0xFFFFFF80  }
0x71: {  	_ =	swait.ge [sflag:s16], $0x80  }
0x72: {  	[sflag:s16] =	ssyncset.done $0x0  }
0x73: {  	[sflag:s16] =	ssyncadd.s32 $0xFFFFFF80  }
0x74: {  	_ =	swait.ge [sflag:s16], $0x80  }
0x75: {  	[sflag:s16] =	ssyncset.done $0x0  }
0x76: {  	[sflag:s16] =	ssyncadd.s32 $0xFFFFFF80  }
0x77: {  	_ =	swait.ge [sflag:s16], $0x80  }
0x78: {  	[sflag:s16] =	ssyncset.done $0x0  }
0x79: {  	[sflag:s16] =	ssyncadd.s32 $0xFFFFFF80  }
0x7a: {  	_ =	swait.ge [sflag:s16], $0x80  }
0x7b: {  	[sflag:s16] =	ssyncset.done $0x0  }
0x7c: {  	[sflag:s16] =	ssyncadd.s32 $0xFFFFFF80  }
0x7d: {  	_ =	swait.ge [sflag:s16], $0x80  }
0x7e: {  	[sflag:s16] =	ssyncset.done $0x0  }
0x7f: {  	[sflag:s16] =	ssyncadd.s32 $0xFFFFFF80  }
0x80: {  	_ =	swait.ge [sflag:s16], $0x80  }
0x81: {  	[sflag:s16] =	ssyncset.done $0x0  }
0x82: {  	[sflag:s16] =	ssyncadd.s32 $0xFFFFFF80  }
0x83: {  	_ =	swait.ge [sflag:s16], $0x80  }
0x84: {  	[sflag:s16] =	ssyncset.done $0x0  }
0x85: {  	[sflag:s16] =	ssyncadd.s32 $0xFFFFFF80  }
0x86: {  	_ =	swait.ge [sflag:s16], $0x80  }
0x87: {  	[sflag:s16] =	ssyncset.done $0x0  }
0x88: {  	[sflag:s16] =	ssyncadd.s32 $0xFFFFFF80  }
0x89: {  	_ =	swait.ge [sflag:s16], $0x80  }
0x8a: {  	[sflag:s16] =	ssyncset.done $0x0  }
0x8b: {  	[sflag:s16] =	ssyncadd.s32 $0xFFFFFF80  }
0x8c: {  	_ =	swait.ge [sflag:s16], $0x80  }
0x8d: {  	[sflag:s16] =	ssyncset.done $0x0  }
0x8e: {  	[sflag:s16] =	ssyncadd.s32 $0xFFFFFF80  }
0x8f: {  	_ =	swait.ge [sflag:s16], $0x80  }
0x90: {  	[sflag:s16] =	ssyncset.done $0x0  }
0x91: {  	[sflag:s16] =	ssyncadd.s32 $0xFFFFFF80  }
0x92: {  	_ =	swait.ge [sflag:s16], $0x80  }
0x93: {  	[sflag:s16] =	ssyncset.done $0x0  }
0x94: {  	[sflag:s16] =	ssyncadd.s32 $0xFFFFFF80  }
0x95: {  	_ =	swait.ge [sflag:s16], $0x80  }
0x96: {  	[sflag:s16] =	ssyncset.done $0x0  }
0x97: {  	[sflag:s16] =	ssyncadd.s32 $0xFFFFFF80  }
0x98: {  	_ =	swait.ge [sflag:s16], $0x80  }
0x99: {  	[sflag:s16] =	ssyncset.done $0x0  }
0x9a: {  	[sflag:s16] =	ssyncadd.s32 $0xFFFFFF80  }
0x9b: {  	_ =	swait.ge [sflag:s16], $0x80  }
0x9c: {  	[sflag:s16] =	ssyncset.done $0x0  }
0x9d: {  	[sflag:s16] =	ssyncadd.s32 $0xFFFFFF80  }
0x9e: {  	_ =	swait.ge [sflag:s16], $0x80  }
0x9f: {  	[sflag:s16] =	ssyncset.done $0x0  }
0xa0: {  	[sflag:s16] =	ssyncadd.s32 $0xFFFFFF80  }
0xa1: {  	_ =	swait.ge [sflag:s16], $0x80  }
0xa2: {  	[sflag:s16] =	ssyncset.done $0x0  }
0xa3: {  	[sflag:s16] =	ssyncadd.s32 $0xFFFFFF80  }
0xa4: {  	_ =	swait.ge [sflag:s16], $0x80  }
0xa5: {  	[sflag:s16] =	ssyncset.done $0x0  }
0xa6: {  	[sflag:s16] =	ssyncadd.s32 $0xFFFFFF80  }
0xa7: {  	_ =	swait.ge [sflag:s16], $0x80  }
0xa8: {  	[sflag:s16] =	ssyncset.done $0x0  }
0xa9: {  	[sflag:s16] =	ssyncadd.s32 $0xFFFFFF80  }
0xaa: {  	_ =	swait.ge [sflag:s16], $0x80  }
0xab: {  	[sflag:s16] =	ssyncset.done $0x0  }
0xac: {  	[sflag:s16] =	ssyncadd.s32 $0xFFFFFF80  }
0xad: {  	_ =	swait.ge [sflag:s16], $0x80  }
0xae: {  	[sflag:s16] =	ssyncset.done $0x0  }
0xaf: {  	[sflag:s16] =	ssyncadd.s32 $0xFFFFFF80  }
0xb0: {  	_ =	swait.ge [sflag:s16], $0x80  }
0xb1: {  	[sflag:s16] =	ssyncset.done $0x0  }
0xb2: {  	[sflag:s16] =	ssyncadd.s32 $0xFFFFFF80  }
0xb3: {  	_ =	swait.ge [sflag:s16], $0x80  }
0xb4: {  	[sflag:s16] =	ssyncset.done $0x0  }
0xb5: {  	[sflag:s16] =	ssyncadd.s32 $0xFFFFFF80  }
0xb6: {  	_ =	swait.ge [sflag:s16], $0x80  }
0xb7: {  	[sflag:s16] =	ssyncset.done $0x0  }
0xb8: {  	[sflag:s16] =	ssyncadd.s32 $0xFFFFFF80  }
0xb9: {  	_ =	swait.ge [sflag:s16], $0x80  }
0xba: {  	[sflag:s16] =	ssyncset.done $0x0  }
0xbb: {  	[sflag:s16] =	ssyncadd.s32 $0xFFFFFF80  }
0xbc: {  	_ =	swait.ge [sflag:s16], $0x80  }
0xbd: {  	[sflag:s16] =	ssyncset.done $0x0  }
0xbe: {  	[sflag:s16] =	ssyncadd.s32 $0xFFFFFF80  }
0xbf: {  	_ =	swait.ge [sflag:s16], $0x80  }
0xc0: {  	[sflag:s16] =	ssyncset.done $0x0  }
0xc1: {  	[sflag:s16] =	ssyncadd.s32 $0xFFFFFF80  }
0xc2: {  	_ =	swait.ge [sflag:s16], $0x80  }
0xc3: {  	[sflag:s16] =	ssyncset.done $0x0  }
0xc4: {  	[sflag:s16] =	ssyncadd.s32 $0xFFFFFF80  }
0xc5: {  	_ =	swait.ge [sflag:s16], $0x80  }
0xc6: {  	[sflag:s16] =	ssyncset.done $0x0  }
0xc7: {  	[sflag:s16] =	ssyncadd.s32 $0xFFFFFF80  }
0xc8: {  	_ =	swait.ge [sflag:s16], $0x80  }
0xc9: {  	[sflag:s16] =	ssyncset.done $0x0  }
0xca: {  	[sflag:s16] =	ssyncadd.s32 $0xFFFFFF80  }
0xcb: {  	_ =	swait.ge [sflag:s16], $0x80  }
0xcc: {  	[sflag:s16] =	ssyncset.done $0x0  }
0xcd: {  	[sflag:s16] =	ssyncadd.s32 $0xFFFFFF80  }
0xce: {  	_ =	swait.ge [sflag:s16], $0x80  }
0xcf: {  	[sflag:s16] =	ssyncset.done $0x0  }
0xd0: {  	[sflag:s16] =	ssyncadd.s32 $0xFFFFFF80  }
0xd1: {  	_ =	swait.ge [sflag:s16], $0x80  }
0xd2: {  	[sflag:s16] =	ssyncset.done $0x0  }
0xd3: {  	s0 =	simm.s32 $0x2;
	[sflag:s16] =	ssyncadd.s32 $0xFFFFFF80  }
0xd4: {  	_ =	swait.ge [sflag:s0], $0x8000  }
0xd5: {  	[sflag:s0] =	ssyncset.done $0x0  }
0xd6: {  	s1 =	simm.s32 $0x3;
	[sflag:s0] =	ssyncadd.s32 $0xFFFF8000  }
0xd7: {  	_ =	swait.ge [sflag:s1], $0x8000  }
0xd8: {  	s2 =	rddreg [dreg:$0xb]  }
0xd9: {  	s31 =	rddreg [dreg:$0x4];
	s2 =	sadd.s32 $0x1, s2  }
0xda: {  	p1 =	sne.s32 s2, s31  }
.Ltmp1:
0xdb: {  	_ = 	snop;
	(pc) =	sbr.rel @!p1 .LBB2_6-.Ltmp1, $3  }
0xdc: {  	_ =	sdelay $0x1  }
0xdd: {  	[sflag:s1] =	ssyncset.done $0x0  }
0xde: {  	[sflag:s1] =	ssyncadd.s32 $0xFFFF8000  }
.LBB2_1:
0xdf: {  	[dreg:$0xb] =	wrdreg s2  }
0xe0: {  	s1 =	rddreg [dreg:$0x9]  }
0xe1: {  	s0 =	simm.s32 @!p0 $0x1C05;
	s2 =	rddreg [dreg:$0xa]  }
0xe2: {  	[spmem:s1], [sflag:s0] =	dma.local @!p0 [hbm:s2], $0x20000  }
0xe3: {  	s0 =	simm.s32 @!p0 $0x5  }
0xe4: {  	_ =	swait.ge @!p0 [sflag:s0], $0x20000  }
0xe5: {  	[sflag:s0] =	ssyncset.done @!p0 $0x0  }
.Ltmp2:
0xe6: {  	[sflag:s0] =	ssyncadd.s32 @!p0 $0xFFFE0000;
	(pc) =	sbr.rel .LBB2_2-.Ltmp2, $4  }
0xe7: {  	[bflag:$0x0] =	sbarrier.arrive $0xFFFF  }
0xe8: {  	s12 =	rddreg [dreg:$0x8]  }
0xe9: {  	s13 =	rddreg [dreg:$0x6]  }
0xea: {  	s1 =	simm.s32 $0x0;
	s15 =	rddreg [dreg:$0x5]  }
.LBB2_4:
0xeb: {  	s0 =	sadd.s32 $0x7FC0000, s12;
	s11 =	rddreg [dreg:$0x2]  }
0xec: {  	s30 =	rddreg [dreg:$0x7];
	s0 =	sand.u32 $0xC0000, s0  }
0xed: {  	s2 =	sand.u32 $0x3F8, s15;
	s24 =	sadd.s32 s1, s30;
	s0 =	sadd.s32 s0, s11  }
0xee: {  	s31 =	sadd.s32 $0x2000, s24;
	s26 =	sadd.s32 s2, s0  }
0xef: {  	s11 =	sadd.s32 $0x2080, s24;
	s2 =	sshrl.u32 s26, $0x3;
	s3 =	sadd.s32 $0x80, s26  }
0xf0: {  	[hbm:s31@s19], [sflag:s17] =	dma.strided [spmem:s2@s20], $0x80, s18, $0x10   }
0xf1: {  	s23 =	sadd.s32 $0x2100, s24;
	s14 =	sadd.s32 $0x100, s26;
	s0 =	sshrl.u32 s3, $0x3  }
0xf2: {  	[hbm:s11@s19], [sflag:s17] =	dma.strided [spmem:s0@s20], $0x80, s18, $0x10   }
0xf3: {  	s29 =	sadd.s32 $0x2180, s24;
	s28 =	sadd.s32 $0x180, s26;
	s0 =	sshrl.u32 s14, $0x3  }
0xf4: {  	[hbm:s23@s19], [sflag:s17] =	dma.strided [spmem:s0@s20], $0x80, s18, $0x10   }
0xf5: {  	s30 =	sadd.s32 $0x200, s26;
	s31 =	sadd.s32 $0x2200, s24;
	s0 =	sshrl.u32 s28, $0x3  }
0xf6: {  	[hbm:s29@s19], [sflag:s17] =	dma.strided [spmem:s0@s20], $0x80, s18, $0x10   }
0xf7: {  	s3 =	sadd.s32 $0x280, s26;
	s2 =	sadd.s32 $0x1C280, s26;
	s0 =	sshrl.u32 s30, $0x3  }
0xf8: {  	[hbm:s31@s19], [sflag:s17] =	dma.strided [spmem:s0@s20], $0x80, s18, $0x10   }
0xf9: {  	s11 =	sadd.s32 $0x2280, s24;
	s14 =	sadd.s32 $0x300, s26;
	s0 =	sshrl.u32 s3, $0x3  }
0xfa: {  	[hbm:s11@s19], [sflag:s17] =	dma.strided [spmem:s0@s20], $0x80, s18, $0x10   }
0xfb: {  	s23 =	sadd.s32 $0x2300, s24;
	s28 =	sadd.s32 $0x380, s26;
	s0 =	sshrl.u32 s14, $0x3  }
0xfc: {  	[hbm:s23@s19], [sflag:s17] =	dma.strided [spmem:s0@s20], $0x80, s18, $0x10   }
0xfd: {  	s29 =	sadd.s32 $0x2380, s24;
	s30 =	sadd.s32 $0x4000, s26;
	s0 =	sshrl.u32 s28, $0x3  }
0xfe: {  	[hbm:s29@s19], [sflag:s17] =	dma.strided [spmem:s0@s20], $0x80, s18, $0x10   }
0xff: {  	s31 =	sadd.s32 $0x2400, s24;
	s3 =	sadd.s32 $0x4080, s26;
	s0 =	sshrl.u32 s30, $0x3  }
0x100: {  	[hbm:s31@s19], [sflag:s17] =	dma.strided [spmem:s0@s20], $0x80, s18, $0x10   }
0x101: {  	s11 =	sadd.s32 $0x2480, s24;
	s14 =	sadd.s32 $0x4100, s26;
	s0 =	sshrl.u32 s3, $0x3  }
0x102: {  	[hbm:s11@s19], [sflag:s17] =	dma.strided [spmem:s0@s20], $0x80, s18, $0x10   }
0x103: {  	s23 =	sadd.s32 $0x2500, s24;
	s28 =	sadd.s32 $0x4180, s26;
	s0 =	sshrl.u32 s14, $0x3  }
0x104: {  	[hbm:s23@s19], [sflag:s17] =	dma.strided [spmem:s0@s20], $0x80, s18, $0x10   }
0x105: {  	s29 =	sadd.s32 $0x2580, s24;
	s30 =	sadd.s32 $0x4200, s26;
	s0 =	sshrl.u32 s28, $0x3  }
0x106: {  	[hbm:s29@s19], [sflag:s17] =	dma.strided [spmem:s0@s20], $0x80, s18, $0x10   }
0x107: {  	s31 =	sadd.s32 $0x2600, s24;
	s3 =	sadd.s32 $0x4280, s26;
	s0 =	sshrl.u32 s30, $0x3  }
0x108: {  	[hbm:s31@s19], [sflag:s17] =	dma.strided [spmem:s0@s20], $0x80, s18, $0x10   }
0x109: {  	s11 =	sadd.s32 $0x2680, s24;
	s14 =	sadd.s32 $0x4300, s26;
	s0 =	sshrl.u32 s3, $0x3  }
0x10a: {  	[hbm:s11@s19], [sflag:s17] =	dma.strided [spmem:s0@s20], $0x80, s18, $0x10   }
0x10b: {  	s23 =	sadd.s32 $0x2700, s24;
	s28 =	sadd.s32 $0x4380, s26;
	s0 =	sshrl.u32 s14, $0x3  }
0x10c: {  	[hbm:s23@s19], [sflag:s17] =	dma.strided [spmem:s0@s20], $0x80, s18, $0x10   }
0x10d: {  	s29 =	sadd.s32 $0x2780, s24;
	s30 =	sadd.s32 $0x8000, s26;
	s0 =	sshrl.u32 s28, $0x3  }
0x10e: {  	[hbm:s29@s19], [sflag:s17] =	dma.strided [spmem:s0@s20], $0x80, s18, $0x10   }
0x10f: {  	s31 =	sadd.s32 $0x2800, s24;
	s3 =	sadd.s32 $0x8080, s26;
	s0 =	sshrl.u32 s30, $0x3  }
0x110: {  	[hbm:s31@s19], [sflag:s17] =	dma.strided [spmem:s0@s20], $0x80, s18, $0x10   }
0x111: {  	s11 =	sadd.s32 $0x2880, s24;
	s14 =	sadd.s32 $0x8100, s26;
	s0 =	sshrl.u32 s3, $0x3  }
0x112: {  	[hbm:s11@s19], [sflag:s17] =	dma.strided [spmem:s0@s20], $0x80, s18, $0x10   }
0x113: {  	s23 =	sadd.s32 $0x2900, s24;
	s28 =	sadd.s32 $0x8180, s26;
	s0 =	sshrl.u32 s14, $0x3  }
0x114: {  	[hbm:s23@s19], [sflag:s17] =	dma.strided [spmem:s0@s20], $0x80, s18, $0x10   }
0x115: {  	s29 =	sadd.s32 $0x2980, s24;
	s30 =	sadd.s32 $0x8200, s26;
	s0 =	sshrl.u32 s28, $0x3  }
0x116: {  	[hbm:s29@s19], [sflag:s17] =	dma.strided [spmem:s0@s20], $0x80, s18, $0x10   }
0x117: {  	s31 =	sadd.s32 $0x2A00, s24;
	s3 =	sadd.s32 $0x8280, s26;
	s0 =	sshrl.u32 s30, $0x3  }
0x118: {  	[hbm:s31@s19], [sflag:s17] =	dma.strided [spmem:s0@s20], $0x80, s18, $0x10   }
0x119: {  	s11 =	sadd.s32 $0x2A80, s24;
	s14 =	sadd.s32 $0x8300, s26;
	s0 =	sshrl.u32 s3, $0x3  }
0x11a: {  	[hbm:s11@s19], [sflag:s17] =	dma.strided [spmem:s0@s20], $0x80, s18, $0x10   }
0x11b: {  	s23 =	sadd.s32 $0x2B00, s24;
	s28 =	sadd.s32 $0x8380, s26;
	s0 =	sshrl.u32 s14, $0x3  }
0x11c: {  	[hbm:s23@s19], [sflag:s17] =	dma.strided [spmem:s0@s20], $0x80, s18, $0x10   }
0x11d: {  	s29 =	sadd.s32 $0x2B80, s24;
	s30 =	sadd.s32 $0xC000, s26;
	s0 =	sshrl.u32 s28, $0x3  }
0x11e: {  	[hbm:s29@s19], [sflag:s17] =	dma.strided [spmem:s0@s20], $0x80, s18, $0x10   }
0x11f: {  	s31 =	sadd.s32 $0x2C00, s24;
	s3 =	sadd.s32 $0xC080, s26;
	s0 =	sshrl.u32 s30, $0x3  }
0x120: {  	[hbm:s31@s19], [sflag:s17] =	dma.strided [spmem:s0@s20], $0x80, s18, $0x10   }
0x121: {  	s11 =	sadd.s32 $0x2C80, s24;
	s14 =	sadd.s32 $0xC100, s26;
	s0 =	sshrl.u32 s3, $0x3  }
0x122: {  	[hbm:s11@s19], [sflag:s17] =	dma.strided [spmem:s0@s20], $0x80, s18, $0x10   }
0x123: {  	s23 =	sadd.s32 $0x2D00, s24;
	s28 =	sadd.s32 $0xC180, s26;
	s0 =	sshrl.u32 s14, $0x3  }
0x124: {  	[hbm:s23@s19], [sflag:s17] =	dma.strided [spmem:s0@s20], $0x80, s18, $0x10   }
0x125: {  	s29 =	sadd.s32 $0x2D80, s24;
	s30 =	sadd.s32 $0xC200, s26;
	s0 =	sshrl.u32 s28, $0x3  }
0x126: {  	[hbm:s29@s19], [sflag:s17] =	dma.strided [spmem:s0@s20], $0x80, s18, $0x10   }
0x127: {  	s31 =	sadd.s32 $0x2E00, s24;
	s3 =	sadd.s32 $0xC280, s26;
	s0 =	sshrl.u32 s30, $0x3  }
0x128: {  	[hbm:s31@s19], [sflag:s17] =	dma.strided [spmem:s0@s20], $0x80, s18, $0x10   }
0x129: {  	s11 =	sadd.s32 $0x2E80, s24;
	s14 =	sadd.s32 $0xC300, s26;
	s0 =	sshrl.u32 s3, $0x3  }
0x12a: {  	[hbm:s11@s19], [sflag:s17] =	dma.strided [spmem:s0@s20], $0x80, s18, $0x10   }
0x12b: {  	s23 =	sadd.s32 $0x2F00, s24;
	s28 =	sadd.s32 $0xC380, s26;
	s0 =	sshrl.u32 s14, $0x3  }
0x12c: {  	[hbm:s23@s19], [sflag:s17] =	dma.strided [spmem:s0@s20], $0x80, s18, $0x10   }
0x12d: {  	s29 =	sadd.s32 $0x2F80, s24;
	s30 =	sadd.s32 $0x10000, s26;
	s0 =	sshrl.u32 s28, $0x3  }
0x12e: {  	[hbm:s29@s19], [sflag:s17] =	dma.strided [spmem:s0@s20], $0x80, s18, $0x10   }
0x12f: {  	s31 =	sadd.s32 $0x3000, s24;
	s3 =	sadd.s32 $0x10080, s26;
	s0 =	sshrl.u32 s30, $0x3  }
0x130: {  	[hbm:s31@s19], [sflag:s17] =	dma.strided [spmem:s0@s20], $0x80, s18, $0x10   }
0x131: {  	s11 =	sadd.s32 $0x3080, s24;
	s14 =	sadd.s32 $0x10100, s26;
	s0 =	sshrl.u32 s3, $0x3  }
0x132: {  	[hbm:s11@s19], [sflag:s17] =	dma.strided [spmem:s0@s20], $0x80, s18, $0x10   }
0x133: {  	s23 =	sadd.s32 $0x3100, s24;
	s28 =	sadd.s32 $0x10180, s26;
	s0 =	sshrl.u32 s14, $0x3  }
0x134: {  	[hbm:s23@s19], [sflag:s17] =	dma.strided [spmem:s0@s20], $0x80, s18, $0x10   }
0x135: {  	s29 =	sadd.s32 $0x3180, s24;
	s30 =	sadd.s32 $0x10200, s26;
	s0 =	sshrl.u32 s28, $0x3  }
0x136: {  	[hbm:s29@s19], [sflag:s17] =	dma.strided [spmem:s0@s20], $0x80, s18, $0x10   }
0x137: {  	s31 =	sadd.s32 $0x3200, s24;
	s3 =	sadd.s32 $0x10280, s26;
	s0 =	sshrl.u32 s30, $0x3  }
0x138: {  	[hbm:s31@s19], [sflag:s17] =	dma.strided [spmem:s0@s20], $0x80, s18, $0x10   }
0x139: {  	s11 =	sadd.s32 $0x3280, s24;
	s14 =	sadd.s32 $0x10300, s26;
	s0 =	sshrl.u32 s3, $0x3  }
0x13a: {  	[hbm:s11@s19], [sflag:s17] =	dma.strided [spmem:s0@s20], $0x80, s18, $0x10   }
0x13b: {  	s23 =	sadd.s32 $0x3300, s24;
	s28 =	sadd.s32 $0x10380, s26;
	s0 =	sshrl.u32 s14, $0x3  }
0x13c: {  	[hbm:s23@s19], [sflag:s17] =	dma.strided [spmem:s0@s20], $0x80, s18, $0x10   }
0x13d: {  	s29 =	sadd.s32 $0x3380, s24;
	s30 =	sadd.s32 $0x14000, s26;
	s0 =	sshrl.u32 s28, $0x3  }
0x13e: {  	[hbm:s29@s19], [sflag:s17] =	dma.strided [spmem:s0@s20], $0x80, s18, $0x10   }
0x13f: {  	s31 =	sadd.s32 $0x3400, s24;
	s3 =	sadd.s32 $0x14080, s26;
	s0 =	sshrl.u32 s30, $0x3  }
0x140: {  	[hbm:s31@s19], [sflag:s17] =	dma.strided [spmem:s0@s20], $0x80, s18, $0x10   }
0x141: {  	s11 =	sadd.s32 $0x3480, s24;
	s14 =	sadd.s32 $0x14100, s26;
	s0 =	sshrl.u32 s3, $0x3  }
0x142: {  	[hbm:s11@s19], [sflag:s17] =	dma.strided [spmem:s0@s20], $0x80, s18, $0x10   }
0x143: {  	s23 =	sadd.s32 $0x3500, s24;
	s28 =	sadd.s32 $0x14180, s26;
	s0 =	sshrl.u32 s14, $0x3  }
0x144: {  	[hbm:s23@s19], [sflag:s17] =	dma.strided [spmem:s0@s20], $0x80, s18, $0x10   }
0x145: {  	s29 =	sadd.s32 $0x3580, s24;
	s30 =	sadd.s32 $0x14200, s26;
	s0 =	sshrl.u32 s28, $0x3  }
0x146: {  	[hbm:s29@s19], [sflag:s17] =	dma.strided [spmem:s0@s20], $0x80, s18, $0x10   }
0x147: {  	s31 =	sadd.s32 $0x3600, s24;
	s3 =	sadd.s32 $0x14280, s26;
	s0 =	sshrl.u32 s30, $0x3  }
0x148: {  	[hbm:s31@s19], [sflag:s17] =	dma.strided [spmem:s0@s20], $0x80, s18, $0x10   }
0x149: {  	s11 =	sadd.s32 $0x3680, s24;
	s14 =	sadd.s32 $0x14300, s26;
	s0 =	sshrl.u32 s3, $0x3  }
0x14a: {  	[hbm:s11@s19], [sflag:s17] =	dma.strided [spmem:s0@s20], $0x80, s18, $0x10   }
0x14b: {  	s23 =	sadd.s32 $0x3700, s24;
	s28 =	sadd.s32 $0x14380, s26;
	s0 =	sshrl.u32 s14, $0x3  }
0x14c: {  	[hbm:s23@s19], [sflag:s17] =	dma.strided [spmem:s0@s20], $0x80, s18, $0x10   }
0x14d: {  	s29 =	sadd.s32 $0x3780, s24;
	s30 =	sadd.s32 $0x18000, s26;
	s0 =	sshrl.u32 s28, $0x3  }
0x14e: {  	[hbm:s29@s19], [sflag:s17] =	dma.strided [spmem:s0@s20], $0x80, s18, $0x10   }
0x14f: {  	s31 =	sadd.s32 $0x3800, s24;
	s3 =	sadd.s32 $0x18080, s26;
	s0 =	sshrl.u32 s30, $0x3  }
0x150: {  	[hbm:s31@s19], [sflag:s17] =	dma.strided [spmem:s0@s20], $0x80, s18, $0x10   }
0x151: {  	s11 =	sadd.s32 $0x3880, s24;
	s14 =	sadd.s32 $0x18100, s26;
	s0 =	sshrl.u32 s3, $0x3  }
0x152: {  	[hbm:s11@s19], [sflag:s17] =	dma.strided [spmem:s0@s20], $0x80, s18, $0x10   }
0x153: {  	s23 =	sadd.s32 $0x3900, s24;
	s28 =	sadd.s32 $0x18180, s26;
	s0 =	sshrl.u32 s14, $0x3  }
0x154: {  	[hbm:s23@s19], [sflag:s17] =	dma.strided [spmem:s0@s20], $0x80, s18, $0x10   }
0x155: {  	s29 =	sadd.s32 $0x3980, s24;
	s30 =	sadd.s32 $0x18200, s26;
	s0 =	sshrl.u32 s28, $0x3  }
0x156: {  	[hbm:s29@s19], [sflag:s17] =	dma.strided [spmem:s0@s20], $0x80, s18, $0x10   }
0x157: {  	s31 =	sadd.s32 $0x3A00, s24;
	s3 =	sadd.s32 $0x18280, s26;
	s0 =	sshrl.u32 s30, $0x3  }
0x158: {  	[hbm:s31@s19], [sflag:s17] =	dma.strided [spmem:s0@s20], $0x80, s18, $0x10   }
0x159: {  	s11 =	sadd.s32 $0x3A80, s24;
	s14 =	sadd.s32 $0x18300, s26;
	s0 =	sshrl.u32 s3, $0x3  }
0x15a: {  	[hbm:s11@s19], [sflag:s17] =	dma.strided [spmem:s0@s20], $0x80, s18, $0x10   }
0x15b: {  	s23 =	sadd.s32 $0x3B00, s24;
	s28 =	sadd.s32 $0x18380, s26;
	s0 =	sshrl.u32 s14, $0x3  }
0x15c: {  	[hbm:s23@s19], [sflag:s17] =	dma.strided [spmem:s0@s20], $0x80, s18, $0x10   }
0x15d: {  	s29 =	sadd.s32 $0x3B80, s24;
	s30 =	sadd.s32 $0x1C000, s26;
	s0 =	sshrl.u32 s28, $0x3  }
0x15e: {  	[hbm:s29@s19], [sflag:s17] =	dma.strided [spmem:s0@s20], $0x80, s18, $0x10   }
0x15f: {  	s31 =	sadd.s32 $0x3C00, s24;
	s3 =	sadd.s32 $0x1C080, s26;
	s0 =	sshrl.u32 s30, $0x3  }
0x160: {  	[hbm:s31@s19], [sflag:s17] =	dma.strided [spmem:s0@s20], $0x80, s18, $0x10   }
0x161: {  	s11 =	sadd.s32 $0x3C80, s24;
	s14 =	sadd.s32 $0x1C100, s26;
	s0 =	sshrl.u32 s3, $0x3  }
0x162: {  	[hbm:s11@s19], [sflag:s17] =	dma.strided [spmem:s0@s20], $0x80, s18, $0x10   }
0x163: {  	s23 =	sadd.s32 $0x3D00, s24;
	s28 =	sadd.s32 $0x1C180, s26;
	s0 =	sshrl.u32 s14, $0x3  }
0x164: {  	[hbm:s23@s19], [sflag:s17] =	dma.strided [spmem:s0@s20], $0x80, s18, $0x10   }
0x165: {  	s29 =	sadd.s32 $0x3D80, s24;
	s30 =	sadd.s32 $0x1C200, s26;
	s0 =	sshrl.u32 s28, $0x3  }
0x166: {  	[hbm:s29@s19], [sflag:s17] =	dma.strided [spmem:s0@s20], $0x80, s18, $0x10   }
0x167: {  	s31 =	sadd.s32 $0x3E00, s24;
	s3 =	sadd.s32 $0x3E80, s24;
	s0 =	sshrl.u32 s30, $0x3  }
0x168: {  	[hbm:s31@s19], [sflag:s17] =	dma.strided [spmem:s0@s20], $0x80, s18, $0x10   }
0x169: {  	s11 =	sadd.s32 $0x1C300, s26;
	s14 =	sadd.s32 $0x3F00, s24;
	s0 =	sshrl.u32 s2, $0x3  }
0x16a: {  	[hbm:s3@s19], [sflag:s17] =	dma.strided [spmem:s0@s20], $0x80, s18, $0x10   }
0x16b: {  	s23 =	sadd.s32 $0x1C380, s26;
	s26 =	sadd.s32 $0x3F80, s24;
	s0 =	sshrl.u32 s11, $0x3  }
0x16c: {  	[hbm:s14@s19], [sflag:s17] =	dma.strided [spmem:s0@s20], $0x80, s18, $0x10   }
0x16d: {  	s2 =	sadd.s32 s25, s15;
	s31 =	simm.s32 $0x10400;
	s0 =	sshrl.u32 s23, $0x3  }
0x16e: {  	[hbm:s26@s19], [sflag:s17] =	dma.strided [spmem:s0@s20], $0x80, s18, $0x10   }
0x16f: {  	s28 =	sadd.s32 $0xFFFFFC02, s2;
	s30 =	sadd.s32 $0xFFFFFC81, s2;
	s0 =	simm.s32 @!p1 $0x2  }
0x170: {  	s25 =	sshrl.u32 s28, $0x3;
	s28 =	simm.s32 $0x10000;
	_ =	swait.ge @!p1 [sflag:s0], $0x8000  }
0x171: {  	s14 =	sadd.s32 $0xFFFFFD01, s2;
	[sflag:s0] =	ssyncset.done @!p1 $0x0;
	s3 =	rddreg [dreg:$0xa]  }
0x172: {  	s26 =	sshrl.u32 s30, $0x3;
	[sflag:s0] =	ssyncadd.s32 @!p1 $0xFFFF8000;
	s29 =	sadd.s32 s3, s25  }
0x173: {  	[tilespmem:s28], [sflag:$0x1] =	stream.strided.gather [hbm4b:s29+s21], $0x400, s22, s21, $0x38;
	v63 =	vld [tilespmem:$0x0]  }
0x174: {  	s30 =	sadd.s32 $0xFFFFFD81, s2;
	s0 =	sadd.s32 s3, s26;
	s29 =	sshrl.u32 s14, $0x3  }
0x175: {  	[tilespmem:s31], [sflag:$0x1] =	stream.strided.gather [hbm4b:s0+s21], $0x400, s22, s21, $0x38;
	v63 =	vld [tilespmem:$0x0]  }
0x176: {  	s23 =	simm.s32 $0x10800;
	s30 =	sshrl.u32 s30, $0x3;
	s0 =	sadd.s32 s3, s29  }
0x177: {  	[tilespmem:s23], [sflag:$0x1] =	stream.strided.gather [hbm4b:s0+s21], $0x400, s22, s21, $0x38;
	v63 =	vld [tilespmem:$0x0]  }
0x178: {  	s14 =	sadd.s32 $0xFFFFFE01, s2;
	s31 =	simm.s32 $0x10C00;
	s0 =	sadd.s32 s3, s30  }
0x179: {  	[tilespmem:s31], [sflag:$0x1] =	stream.strided.gather [hbm4b:s0+s21], $0x400, s22, s21, $0x38;
	v63 =	vld [tilespmem:$0x0]  }
0x17a: {  	s31 =	sshrl.u32 s14, $0x3  }
0x17b: {  	s23 =	simm.s32 $0x11000;
	s14 =	sadd.s32 $0xFFFFFE81, s2;
	s0 =	sadd.s32 s3, s31  }
0x17c: {  	[tilespmem:s23], [sflag:$0x1] =	stream.strided.gather [hbm4b:s0+s21], $0x400, s22, s21, $0x38;
	v63 =	vld [tilespmem:$0x0]  }
0x17d: {  	s0 =	sshrl.u32 s14, $0x3  }
0x17e: {  	s14 =	simm.s32 $0x11400;
	s23 =	sadd.s32 s3, s0  }
0x17f: {  	[tilespmem:s14], [sflag:$0x1] =	stream.strided.gather [hbm4b:s23+s21], $0x400, s22, s21, $0x38;
	v63 =	vld [tilespmem:$0x0]  }
0x180: {  	s14 =	sadd.s32 $0xFFFFFF01, s2  }
0x181: {  	s2 =	sadd.s32 $0xFFFFFF81, s2;
	s11 =	sshrl.u32 s14, $0x3  }
0x182: {  	s23 =	simm.s32 $0x11800;
	s2 =	sshrl.u32 s2, $0x3;
	s14 =	sadd.s32 s3, s11  }
0x183: {  	[tilespmem:s23], [sflag:$0x1] =	stream.strided.gather [hbm4b:s14+s21], $0x400, s22, s21, $0x38;
	v63 =	vld [tilespmem:$0x0]  }
0x184: {  	s23 =	sadd.s32 s3, s2;
	s3 =	simm.s32 $0x11C00  }
0x185: {  	[tilespmem:s3], [sflag:$0x1] =	stream.strided.gather [hbm4b:s23+s21], $0x400, s22, s21, $0x38;
	v63 =	vld [tilespmem:$0x0]  }
0x186: {  	s23 =	sadd.s32 s25, s4;
	s3 =	simm.s32 $0x12000  }
0x187: {  	[tilespmem:s3], [sflag:$0x1] =	stream.strided.gather [hbm4b:s23+s21], $0x400, s22, s21, $0x38;
	v63 =	vld [tilespmem:$0x0]  }
0x188: {  	s23 =	sadd.s32 s26, s4;
	s3 =	simm.s32 $0x12400  }
0x189: {  	[tilespmem:s3], [sflag:$0x1] =	stream.strided.gather [hbm4b:s23+s21], $0x400, s22, s21, $0x38;
	v63 =	vld [tilespmem:$0x0]  }
0x18a: {  	s23 =	sadd.s32 s29, s4;
	s3 =	simm.s32 $0x12800  }
0x18b: {  	[tilespmem:s3], [sflag:$0x1] =	stream.strided.gather [hbm4b:s23+s21], $0x400, s22, s21, $0x38;
	v63 =	vld [tilespmem:$0x0]  }
0x18c: {  	s23 =	sadd.s32 s30, s4;
	s3 =	simm.s32 $0x12C00  }
0x18d: {  	[tilespmem:s3], [sflag:$0x1] =	stream.strided.gather [hbm4b:s23+s21], $0x400, s22, s21, $0x38;
	v63 =	vld [tilespmem:$0x0]  }
0x18e: {  	s23 =	sadd.s32 s31, s4;
	s3 =	simm.s32 $0x13000  }
0x18f: {  	[tilespmem:s3], [sflag:$0x1] =	stream.strided.gather [hbm4b:s23+s21], $0x400, s22, s21, $0x38;
	v63 =	vld [tilespmem:$0x0]  }
0x190: {  	s23 =	sadd.s32 s0, s4;
	s3 =	simm.s32 $0x13400  }
0x191: {  	[tilespmem:s3], [sflag:$0x1] =	stream.strided.gather [hbm4b:s23+s21], $0x400, s22, s21, $0x38;
	v63 =	vld [tilespmem:$0x0]  }
0x192: {  	s23 =	sadd.s32 s11, s4;
	s3 =	simm.s32 $0x13800  }
0x193: {  	[tilespmem:s3], [sflag:$0x1] =	stream.strided.gather [hbm4b:s23+s21], $0x400, s22, s21, $0x38;
	v63 =	vld [tilespmem:$0x0]  }
0x194: {  	s23 =	sadd.s32 s2, s4;
	s3 =	simm.s32 $0x13C00  }
0x195: {  	[tilespmem:s3], [sflag:$0x1] =	stream.strided.gather [hbm4b:s23+s21], $0x400, s22, s21, $0x38;
	v63 =	vld [tilespmem:$0x0]  }
0x196: {  	s23 =	sadd.s32 s25, s5;
	s3 =	simm.s32 $0x14000  }
0x197: {  	[tilespmem:s3], [sflag:$0x1] =	stream.strided.gather [hbm4b:s23+s21], $0x400, s22, s21, $0x38;
	v63 =	vld [tilespmem:$0x0]  }
0x198: {  	s23 =	sadd.s32 s26, s5;
	s3 =	simm.s32 $0x14400  }
0x199: {  	[tilespmem:s3], [sflag:$0x1] =	stream.strided.gather [hbm4b:s23+s21], $0x400, s22, s21, $0x38;
	v63 =	vld [tilespmem:$0x0]  }
0x19a: {  	s23 =	sadd.s32 s29, s5;
	s3 =	simm.s32 $0x14800  }
0x19b: {  	[tilespmem:s3], [sflag:$0x1] =	stream.strided.gather [hbm4b:s23+s21], $0x400, s22, s21, $0x38;
	v63 =	vld [tilespmem:$0x0]  }
0x19c: {  	s23 =	sadd.s32 s30, s5;
	s3 =	simm.s32 $0x14C00  }
0x19d: {  	[tilespmem:s3], [sflag:$0x1] =	stream.strided.gather [hbm4b:s23+s21], $0x400, s22, s21, $0x38;
	v63 =	vld [tilespmem:$0x0]  }
0x19e: {  	s23 =	sadd.s32 s31, s5;
	s3 =	simm.s32 $0x15000  }
0x19f: {  	[tilespmem:s3], [sflag:$0x1] =	stream.strided.gather [hbm4b:s23+s21], $0x400, s22, s21, $0x38;
	v63 =	vld [tilespmem:$0x0]  }
0x1a0: {  	s23 =	sadd.s32 s0, s5;
	s3 =	simm.s32 $0x15400  }
0x1a1: {  	[tilespmem:s3], [sflag:$0x1] =	stream.strided.gather [hbm4b:s23+s21], $0x400, s22, s21, $0x38;
	v63 =	vld [tilespmem:$0x0]  }
0x1a2: {  	s23 =	sadd.s32 s11, s5;
	s3 =	simm.s32 $0x15800  }
0x1a3: {  	[tilespmem:s3], [sflag:$0x1] =	stream.strided.gather [hbm4b:s23+s21], $0x400, s22, s21, $0x38;
	v63 =	vld [tilespmem:$0x0]  }
0x1a4: {  	s23 =	sadd.s32 s2, s5;
	s3 =	simm.s32 $0x15C00  }
0x1a5: {  	[tilespmem:s3], [sflag:$0x1] =	stream.strided.gather [hbm4b:s23+s21], $0x400, s22, s21, $0x38;
	v63 =	vld [tilespmem:$0x0]  }
0x1a6: {  	s23 =	sadd.s32 s25, s6;
	s3 =	simm.s32 $0x16000  }
0x1a7: {  	[tilespmem:s3], [sflag:$0x1] =	stream.strided.gather [hbm4b:s23+s21], $0x400, s22, s21, $0x38;
	v63 =	vld [tilespmem:$0x0]  }
0x1a8: {  	s23 =	sadd.s32 s26, s6;
	s3 =	simm.s32 $0x16400  }
0x1a9: {  	[tilespmem:s3], [sflag:$0x1] =	stream.strided.gather [hbm4b:s23+s21], $0x400, s22, s21, $0x38;
	v63 =	vld [tilespmem:$0x0]  }
0x1aa: {  	s23 =	sadd.s32 s29, s6;
	s3 =	simm.s32 $0x16800  }
0x1ab: {  	[tilespmem:s3], [sflag:$0x1] =	stream.strided.gather [hbm4b:s23+s21], $0x400, s22, s21, $0x38;
	v63 =	vld [tilespmem:$0x0]  }
0x1ac: {  	s23 =	sadd.s32 s30, s6;
	s3 =	simm.s32 $0x16C00  }
0x1ad: {  	[tilespmem:s3], [sflag:$0x1] =	stream.strided.gather [hbm4b:s23+s21], $0x400, s22, s21, $0x38;
	v63 =	vld [tilespmem:$0x0]  }
0x1ae: {  	s23 =	sadd.s32 s31, s6;
	s3 =	simm.s32 $0x17000  }
0x1af: {  	[tilespmem:s3], [sflag:$0x1] =	stream.strided.gather [hbm4b:s23+s21], $0x400, s22, s21, $0x38;
	v63 =	vld [tilespmem:$0x0]  }
0x1b0: {  	s23 =	sadd.s32 s0, s6;
	s3 =	simm.s32 $0x17400  }
0x1b1: {  	[tilespmem:s3], [sflag:$0x1] =	stream.strided.gather [hbm4b:s23+s21], $0x400, s22, s21, $0x38;
	v63 =	vld [tilespmem:$0x0]  }
0x1b2: {  	s23 =	sadd.s32 s11, s6;
	s3 =	simm.s32 $0x17800  }
0x1b3: {  	[tilespmem:s3], [sflag:$0x1] =	stream.strided.gather [hbm4b:s23+s21], $0x400, s22, s21, $0x38;
	v63 =	vld [tilespmem:$0x0]  }
0x1b4: {  	s23 =	sadd.s32 s2, s6;
	s3 =	simm.s32 $0x17C00  }
0x1b5: {  	[tilespmem:s3], [sflag:$0x1] =	stream.strided.gather [hbm4b:s23+s21], $0x400, s22, s21, $0x38;
	v63 =	vld [tilespmem:$0x0]  }
0x1b6: {  	_ =	swait.ge [sflag:s18], $0x400  }
0x1b7: {  	[sflag:s18] =	ssyncset.done $0x0  }
0x1b8: {  	[sflag:s18] =	ssyncadd.s32 $0xFFFFFC00  }
0x1b9: {  	_ =	swait.ge [sflag:s18], $0x400  }
0x1ba: {  	[sflag:s18] =	ssyncset.done $0x0  }
0x1bb: {  	[sflag:s18] =	ssyncadd.s32 $0xFFFFFC00  }
0x1bc: {  	_ =	swait.ge [sflag:s18], $0x400  }
0x1bd: {  	[sflag:s18] =	ssyncset.done $0x0  }
0x1be: {  	[sflag:s18] =	ssyncadd.s32 $0xFFFFFC00  }
0x1bf: {  	_ =	swait.ge [sflag:s18], $0x400  }
0x1c0: {  	[sflag:s18] =	ssyncset.done $0x0  }
0x1c1: {  	[sflag:s18] =	ssyncadd.s32 $0xFFFFFC00  }
0x1c2: {  	_ =	swait.ge [sflag:s18], $0x400  }
0x1c3: {  	[sflag:s18] =	ssyncset.done $0x0  }
0x1c4: {  	[sflag:s18] =	ssyncadd.s32 $0xFFFFFC00  }
0x1c5: {  	_ =	swait.ge [sflag:s18], $0x400  }
0x1c6: {  	[sflag:s18] =	ssyncset.done $0x0  }
0x1c7: {  	[sflag:s18] =	ssyncadd.s32 $0xFFFFFC00  }
0x1c8: {  	_ =	swait.ge [sflag:s18], $0x400  }
0x1c9: {  	[sflag:s18] =	ssyncset.done $0x0  }
0x1ca: {  	[sflag:s18] =	ssyncadd.s32 $0xFFFFFC00  }
0x1cb: {  	_ =	swait.ge [sflag:s18], $0x400  }
0x1cc: {  	[sflag:s18] =	ssyncset.done $0x0  }
0x1cd: {  	[sflag:s18] =	ssyncadd.s32 $0xFFFFFC00  }
0x1ce: {  	_ =	swait.ge [sflag:s18], $0x400  }
0x1cf: {  	[sflag:s18] =	ssyncset.done $0x0  }
0x1d0: {  	[sflag:s18] =	ssyncadd.s32 $0xFFFFFC00  }
0x1d1: {  	_ =	swait.ge [sflag:s18], $0x400  }
0x1d2: {  	[sflag:s18] =	ssyncset.done $0x0  }
0x1d3: {  	[sflag:s18] =	ssyncadd.s32 $0xFFFFFC00  }
0x1d4: {  	_ =	swait.ge [sflag:s18], $0x400  }
0x1d5: {  	[sflag:s18] =	ssyncset.done $0x0  }
0x1d6: {  	[sflag:s18] =	ssyncadd.s32 $0xFFFFFC00  }
0x1d7: {  	_ =	swait.ge [sflag:s18], $0x400  }
0x1d8: {  	[sflag:s18] =	ssyncset.done $0x0  }
0x1d9: {  	[sflag:s18] =	ssyncadd.s32 $0xFFFFFC00  }
0x1da: {  	_ =	swait.ge [sflag:s18], $0x400  }
0x1db: {  	[sflag:s18] =	ssyncset.done $0x0  }
0x1dc: {  	[sflag:s18] =	ssyncadd.s32 $0xFFFFFC00  }
0x1dd: {  	_ =	swait.ge [sflag:s18], $0x400  }
0x1de: {  	[sflag:s18] =	ssyncset.done $0x0  }
0x1df: {  	[sflag:s18] =	ssyncadd.s32 $0xFFFFFC00  }
0x1e0: {  	_ =	swait.ge [sflag:s18], $0x400  }
0x1e1: {  	[sflag:s18] =	ssyncset.done $0x0  }
0x1e2: {  	[sflag:s18] =	ssyncadd.s32 $0xFFFFFC00  }
0x1e3: {  	_ =	swait.ge [sflag:s18], $0x400  }
0x1e4: {  	[sflag:s18] =	ssyncset.done $0x0  }
0x1e5: {  	[sflag:s18] =	ssyncadd.s32 $0xFFFFFC00  }
0x1e6: {  	_ =	swait.ge [sflag:s18], $0x400  }
0x1e7: {  	[sflag:s18] =	ssyncset.done $0x0  }
0x1e8: {  	[sflag:s18] =	ssyncadd.s32 $0xFFFFFC00  }
0x1e9: {  	_ =	swait.ge [sflag:s18], $0x400  }
0x1ea: {  	[sflag:s18] =	ssyncset.done $0x0  }
0x1eb: {  	[sflag:s18] =	ssyncadd.s32 $0xFFFFFC00  }
0x1ec: {  	_ =	swait.ge [sflag:s18], $0x400  }
0x1ed: {  	[sflag:s18] =	ssyncset.done $0x0  }
0x1ee: {  	[sflag:s18] =	ssyncadd.s32 $0xFFFFFC00  }
0x1ef: {  	_ =	swait.ge [sflag:s18], $0x400  }
0x1f0: {  	[sflag:s18] =	ssyncset.done $0x0  }
0x1f1: {  	[sflag:s18] =	ssyncadd.s32 $0xFFFFFC00  }
0x1f2: {  	_ =	swait.ge [sflag:s18], $0x400  }
0x1f3: {  	[sflag:s18] =	ssyncset.done $0x0  }
0x1f4: {  	[sflag:s18] =	ssyncadd.s32 $0xFFFFFC00  }
0x1f5: {  	_ =	swait.ge [sflag:s18], $0x400  }
0x1f6: {  	[sflag:s18] =	ssyncset.done $0x0  }
0x1f7: {  	[sflag:s18] =	ssyncadd.s32 $0xFFFFFC00  }
0x1f8: {  	_ =	swait.ge [sflag:s18], $0x400  }
0x1f9: {  	[sflag:s18] =	ssyncset.done $0x0  }
0x1fa: {  	[sflag:s18] =	ssyncadd.s32 $0xFFFFFC00  }
0x1fb: {  	_ =	swait.ge [sflag:s18], $0x400  }
0x1fc: {  	[sflag:s18] =	ssyncset.done $0x0  }
0x1fd: {  	[sflag:s18] =	ssyncadd.s32 $0xFFFFFC00  }
0x1fe: {  	_ =	swait.ge [sflag:s18], $0x400  }
0x1ff: {  	[sflag:s18] =	ssyncset.done $0x0  }
0x200: {  	[sflag:s18] =	ssyncadd.s32 $0xFFFFFC00  }
0x201: {  	_ =	swait.ge [sflag:s18], $0x400  }
0x202: {  	[sflag:s18] =	ssyncset.done $0x0  }
0x203: {  	[sflag:s18] =	ssyncadd.s32 $0xFFFFFC00  }
0x204: {  	_ =	swait.ge [sflag:s18], $0x400  }
0x205: {  	[sflag:s18] =	ssyncset.done $0x0  }
0x206: {  	[sflag:s18] =	ssyncadd.s32 $0xFFFFFC00  }
0x207: {  	_ =	swait.ge [sflag:s18], $0x400  }
0x208: {  	[sflag:s18] =	ssyncset.done $0x0  }
0x209: {  	[sflag:s18] =	ssyncadd.s32 $0xFFFFFC00  }
0x20a: {  	_ =	swait.ge [sflag:s18], $0x400  }
0x20b: {  	[sflag:s18] =	ssyncset.done $0x0  }
0x20c: {  	[sflag:s18] =	ssyncadd.s32 $0xFFFFFC00  }
0x20d: {  	_ =	swait.ge [sflag:s18], $0x400  }
0x20e: {  	[sflag:s18] =	ssyncset.done $0x0  }
0x20f: {  	[sflag:s18] =	ssyncadd.s32 $0xFFFFFC00  }
0x210: {  	_ =	swait.ge [sflag:s18], $0x400  }
0x211: {  	[sflag:s18] =	ssyncset.done $0x0  }
0x212: {  	[sflag:s18] =	ssyncadd.s32 $0xFFFFFC00  }
0x213: {  	_ =	swait.ge [sflag:s18], $0x400  }
0x214: {  	[sflag:s18] =	ssyncset.done $0x0  }
0x215: {  	s14 =	simm.s32 @!p1 $0x3;
	s23 =	simm.s32 $0x0;
	[sflag:s18] =	ssyncadd.s32 $0xFFFFFC00  }
0x216: {  	[hbm4b:s24+s23] =	stream.linear.scatter [tilespmem:s28], [sflag:$0x2], $0x8000, $0x38;
	v63 =	vld [tilespmem:$0x0]  }
0x217: {  	_ =	swait.ge @!p1 [sflag:s14], $0x8000  }
0x218: {  	[sflag:s14] =	ssyncset.done @!p1 $0x0  }
0x219: {  	s3 =	sadd.s32 s25, s7;
	s28 =	simm.s32 $0x18000;
	[sflag:s14] =	ssyncadd.s32 @!p1 $0xFFFF8000  }
0x21a: {  	[tilespmem:s28], [sflag:$0x1] =	stream.strided.gather [hbm4b:s3+s21], $0x400, s22, s21, $0x38;
	v63 =	vld [tilespmem:$0x0]  }
0x21b: {  	s14 =	sadd.s32 s26, s7;
	s3 =	simm.s32 $0x18400  }
0x21c: {  	[tilespmem:s3], [sflag:$0x1] =	stream.strided.gather [hbm4b:s14+s21], $0x400, s22, s21, $0x38;
	v63 =	vld [tilespmem:$0x0]  }
0x21d: {  	s14 =	sadd.s32 s29, s7;
	s3 =	simm.s32 $0x18800  }
0x21e: {  	[tilespmem:s3], [sflag:$0x1] =	stream.strided.gather [hbm4b:s14+s21], $0x400, s22, s21, $0x38;
	v63 =	vld [tilespmem:$0x0]  }
0x21f: {  	s14 =	sadd.s32 s30, s7;
	s3 =	simm.s32 $0x18C00  }
0x220: {  	[tilespmem:s3], [sflag:$0x1] =	stream.strided.gather [hbm4b:s14+s21], $0x400, s22, s21, $0x38;
	v63 =	vld [tilespmem:$0x0]  }
0x221: {  	s14 =	sadd.s32 s31, s7;
	s3 =	simm.s32 $0x19000  }
0x222: {  	[tilespmem:s3], [sflag:$0x1] =	stream.strided.gather [hbm4b:s14+s21], $0x400, s22, s21, $0x38;
	v63 =	vld [tilespmem:$0x0]  }
0x223: {  	s14 =	sadd.s32 s0, s7;
	s3 =	simm.s32 $0x19400  }
0x224: {  	[tilespmem:s3], [sflag:$0x1] =	stream.strided.gather [hbm4b:s14+s21], $0x400, s22, s21, $0x38;
	v63 =	vld [tilespmem:$0x0]  }
0x225: {  	s14 =	sadd.s32 s11, s7;
	s3 =	simm.s32 $0x19800  }
0x226: {  	[tilespmem:s3], [sflag:$0x1] =	stream.strided.gather [hbm4b:s14+s21], $0x400, s22, s21, $0x38;
	v63 =	vld [tilespmem:$0x0]  }
0x227: {  	s14 =	sadd.s32 s2, s7;
	s3 =	simm.s32 $0x19C00  }
0x228: {  	[tilespmem:s3], [sflag:$0x1] =	stream.strided.gather [hbm4b:s14+s21], $0x400, s22, s21, $0x38;
	v63 =	vld [tilespmem:$0x0]  }
0x229: {  	s14 =	sadd.s32 s25, s8;
	s3 =	simm.s32 $0x1A000  }
0x22a: {  	[tilespmem:s3], [sflag:$0x1] =	stream.strided.gather [hbm4b:s14+s21], $0x400, s22, s21, $0x38;
	v63 =	vld [tilespmem:$0x0]  }
0x22b: {  	s14 =	sadd.s32 s26, s8;
	s3 =	simm.s32 $0x1A400  }
0x22c: {  	[tilespmem:s3], [sflag:$0x1] =	stream.strided.gather [hbm4b:s14+s21], $0x400, s22, s21, $0x38;
	v63 =	vld [tilespmem:$0x0]  }
0x22d: {  	s14 =	sadd.s32 s29, s8;
	s3 =	simm.s32 $0x1A800  }
0x22e: {  	[tilespmem:s3], [sflag:$0x1] =	stream.strided.gather [hbm4b:s14+s21], $0x400, s22, s21, $0x38;
	v63 =	vld [tilespmem:$0x0]  }
0x22f: {  	s14 =	sadd.s32 s30, s8;
	s3 =	simm.s32 $0x1AC00  }
0x230: {  	[tilespmem:s3], [sflag:$0x1] =	stream.strided.gather [hbm4b:s14+s21], $0x400, s22, s21, $0x38;
	v63 =	vld [tilespmem:$0x0]  }
0x231: {  	s14 =	sadd.s32 s31, s8;
	s3 =	simm.s32 $0x1B000  }
0x232: {  	[tilespmem:s3], [sflag:$0x1] =	stream.strided.gather [hbm4b:s14+s21], $0x400, s22, s21, $0x38;
	v63 =	vld [tilespmem:$0x0]  }
0x233: {  	s14 =	sadd.s32 s0, s8;
	s3 =	simm.s32 $0x1B400  }
0x234: {  	[tilespmem:s3], [sflag:$0x1] =	stream.strided.gather [hbm4b:s14+s21], $0x400, s22, s21, $0x38;
	v63 =	vld [tilespmem:$0x0]  }
0x235: {  	s14 =	sadd.s32 s11, s8;
	s3 =	simm.s32 $0x1B800  }
0x236: {  	[tilespmem:s3], [sflag:$0x1] =	stream.strided.gather [hbm4b:s14+s21], $0x400, s22, s21, $0x38;
	v63 =	vld [tilespmem:$0x0]  }
0x237: {  	s14 =	sadd.s32 s2, s8;
	s3 =	simm.s32 $0x1BC00  }
0x238: {  	[tilespmem:s3], [sflag:$0x1] =	stream.strided.gather [hbm4b:s14+s21], $0x400, s22, s21, $0x38;
	v63 =	vld [tilespmem:$0x0]  }
0x239: {  	s14 =	sadd.s32 s25, s9;
	s3 =	simm.s32 $0x1C000  }
0x23a: {  	[tilespmem:s3], [sflag:$0x1] =	stream.strided.gather [hbm4b:s14+s21], $0x400, s22, s21, $0x38;
	v63 =	vld [tilespmem:$0x0]  }
0x23b: {  	s14 =	sadd.s32 s26, s9;
	s3 =	simm.s32 $0x1C400  }
0x23c: {  	[tilespmem:s3], [sflag:$0x1] =	stream.strided.gather [hbm4b:s14+s21], $0x400, s22, s21, $0x38;
	v63 =	vld [tilespmem:$0x0]  }
0x23d: {  	s14 =	sadd.s32 s29, s9;
	s3 =	simm.s32 $0x1C800  }
0x23e: {  	[tilespmem:s3], [sflag:$0x1] =	stream.strided.gather [hbm4b:s14+s21], $0x400, s22, s21, $0x38;
	v63 =	vld [tilespmem:$0x0]  }
0x23f: {  	s14 =	sadd.s32 s30, s9;
	s3 =	simm.s32 $0x1CC00  }
0x240: {  	[tilespmem:s3], [sflag:$0x1] =	stream.strided.gather [hbm4b:s14+s21], $0x400, s22, s21, $0x38;
	v63 =	vld [tilespmem:$0x0]  }
0x241: {  	s14 =	sadd.s32 s31, s9;
	s3 =	simm.s32 $0x1D000  }
0x242: {  	[tilespmem:s3], [sflag:$0x1] =	stream.strided.gather [hbm4b:s14+s21], $0x400, s22, s21, $0x38;
	v63 =	vld [tilespmem:$0x0]  }
0x243: {  	s14 =	sadd.s32 s0, s9;
	s3 =	simm.s32 $0x1D400  }
0x244: {  	[tilespmem:s3], [sflag:$0x1] =	stream.strided.gather [hbm4b:s14+s21], $0x400, s22, s21, $0x38;
	v63 =	vld [tilespmem:$0x0]  }
0x245: {  	s14 =	sadd.s32 s11, s9;
	s3 =	simm.s32 $0x1D800  }
0x246: {  	[tilespmem:s3], [sflag:$0x1] =	stream.strided.gather [hbm4b:s14+s21], $0x400, s22, s21, $0x38;
	v63 =	vld [tilespmem:$0x0]  }
0x247: {  	s14 =	sadd.s32 s2, s9;
	s3 =	simm.s32 $0x1DC00  }
0x248: {  	[tilespmem:s3], [sflag:$0x1] =	stream.strided.gather [hbm4b:s14+s21], $0x400, s22, s21, $0x38;
	v63 =	vld [tilespmem:$0x0]  }
0x249: {  	s3 =	sadd.s32 s25, s10;
	s25 =	simm.s32 $0x1E000  }
0x24a: {  	[tilespmem:s25], [sflag:$0x1] =	stream.strided.gather [hbm4b:s3+s21], $0x400, s22, s21, $0x38;
	v63 =	vld [tilespmem:$0x0]  }
0x24b: {  	s25 =	sadd.s32 s26, s10;
	s26 =	simm.s32 $0x1E400  }
0x24c: {  	[tilespmem:s26], [sflag:$0x1] =	stream.strided.gather [hbm4b:s25+s21], $0x400, s22, s21, $0x38;
	v63 =	vld [tilespmem:$0x0]  }
0x24d: {  	s3 =	sadd.s32 s29, s10;
	s25 =	simm.s32 $0x1E800  }
0x24e: {  	[tilespmem:s25], [sflag:$0x1] =	stream.strided.gather [hbm4b:s3+s21], $0x400, s22, s21, $0x38;
	v63 =	vld [tilespmem:$0x0]  }
0x24f: {  	s29 =	simm.s32 $0x1EC00;
	s26 =	sadd.s32 s30, s10  }
0x250: {  	[tilespmem:s29], [sflag:$0x1] =	stream.strided.gather [hbm4b:s26+s21], $0x400, s22, s21, $0x38;
	v63 =	vld [tilespmem:$0x0]  }
0x251: {  	s30 =	sadd.s32 s31, s10;
	s31 =	simm.s32 $0x1F000  }
0x252: {  	[tilespmem:s31], [sflag:$0x1] =	stream.strided.gather [hbm4b:s30+s21], $0x400, s22, s21, $0x38;
	v63 =	vld [tilespmem:$0x0]  }
0x253: {  	s0 =	sadd.s32 s0, s10;
	s14 =	simm.s32 $0x1F400  }
0x254: {  	[tilespmem:s14], [sflag:$0x1] =	stream.strided.gather [hbm4b:s0+s21], $0x400, s22, s21, $0x38;
	v63 =	vld [tilespmem:$0x0]  }
0x255: {  	s25 =	sadd.s32 s11, s10;
	s26 =	simm.s32 $0x1F800  }
0x256: {  	[tilespmem:s26], [sflag:$0x1] =	stream.strided.gather [hbm4b:s25+s21], $0x400, s22, s21, $0x38;
	v63 =	vld [tilespmem:$0x0]  }
0x257: {  	s29 =	sadd.s32 s2, s10;
	s30 =	simm.s32 $0x1FC00  }
0x258: {  	[tilespmem:s30], [sflag:$0x1] =	stream.strided.gather [hbm4b:s29+s21], $0x400, s22, s21, $0x38;
	v63 =	vld [tilespmem:$0x0]  }
0x259: {  	_ =	swait.ge [sflag:s18], $0x400  }
0x25a: {  	[sflag:s18] =	ssyncset.done $0x0  }
0x25b: {  	[sflag:s18] =	ssyncadd.s32 $0xFFFFFC00  }
0x25c: {  	_ =	swait.ge [sflag:s18], $0x400  }
0x25d: {  	[sflag:s18] =	ssyncset.done $0x0  }
0x25e: {  	[sflag:s18] =	ssyncadd.s32 $0xFFFFFC00  }
0x25f: {  	_ =	swait.ge [sflag:s18], $0x400  }
0x260: {  	[sflag:s18] =	ssyncset.done $0x0  }
0x261: {  	[sflag:s18] =	ssyncadd.s32 $0xFFFFFC00  }
0x262: {  	_ =	swait.ge [sflag:s18], $0x400  }
0x263: {  	[sflag:s18] =	ssyncset.done $0x0  }
0x264: {  	[sflag:s18] =	ssyncadd.s32 $0xFFFFFC00  }
0x265: {  	_ =	swait.ge [sflag:s18], $0x400  }
0x266: {  	[sflag:s18] =	ssyncset.done $0x0  }
0x267: {  	[sflag:s18] =	ssyncadd.s32 $0xFFFFFC00  }
0x268: {  	_ =	swait.ge [sflag:s18], $0x400  }
0x269: {  	[sflag:s18] =	ssyncset.done $0x0  }
0x26a: {  	[sflag:s18] =	ssyncadd.s32 $0xFFFFFC00  }
0x26b: {  	_ =	swait.ge [sflag:s18], $0x400  }
0x26c: {  	[sflag:s18] =	ssyncset.done $0x0  }
0x26d: {  	[sflag:s18] =	ssyncadd.s32 $0xFFFFFC00  }
0x26e: {  	_ =	swait.ge [sflag:s18], $0x400  }
0x26f: {  	[sflag:s18] =	ssyncset.done $0x0  }
0x270: {  	[sflag:s18] =	ssyncadd.s32 $0xFFFFFC00  }
0x271: {  	_ =	swait.ge [sflag:s18], $0x400  }
0x272: {  	[sflag:s18] =	ssyncset.done $0x0  }
0x273: {  	[sflag:s18] =	ssyncadd.s32 $0xFFFFFC00  }
0x274: {  	_ =	swait.ge [sflag:s18], $0x400  }
0x275: {  	[sflag:s18] =	ssyncset.done $0x0  }
0x276: {  	[sflag:s18] =	ssyncadd.s32 $0xFFFFFC00  }
0x277: {  	_ =	swait.ge [sflag:s18], $0x400  }
0x278: {  	[sflag:s18] =	ssyncset.done $0x0  }
0x279: {  	[sflag:s18] =	ssyncadd.s32 $0xFFFFFC00  }
0x27a: {  	_ =	swait.ge [sflag:s18], $0x400  }
0x27b: {  	[sflag:s18] =	ssyncset.done $0x0  }
0x27c: {  	[sflag:s18] =	ssyncadd.s32 $0xFFFFFC00  }
0x27d: {  	_ =	swait.ge [sflag:s18], $0x400  }
0x27e: {  	[sflag:s18] =	ssyncset.done $0x0  }
0x27f: {  	[sflag:s18] =	ssyncadd.s32 $0xFFFFFC00  }
0x280: {  	_ =	swait.ge [sflag:s18], $0x400  }
0x281: {  	[sflag:s18] =	ssyncset.done $0x0  }
0x282: {  	[sflag:s18] =	ssyncadd.s32 $0xFFFFFC00  }
0x283: {  	_ =	swait.ge [sflag:s18], $0x400  }
0x284: {  	[sflag:s18] =	ssyncset.done $0x0  }
0x285: {  	[sflag:s18] =	ssyncadd.s32 $0xFFFFFC00  }
0x286: {  	_ =	swait.ge [sflag:s18], $0x400  }
0x287: {  	[sflag:s18] =	ssyncset.done $0x0  }
0x288: {  	[sflag:s18] =	ssyncadd.s32 $0xFFFFFC00  }
0x289: {  	_ =	swait.ge [sflag:s18], $0x400  }
0x28a: {  	[sflag:s18] =	ssyncset.done $0x0  }
0x28b: {  	[sflag:s18] =	ssyncadd.s32 $0xFFFFFC00  }
0x28c: {  	_ =	swait.ge [sflag:s18], $0x400  }
0x28d: {  	[sflag:s18] =	ssyncset.done $0x0  }
0x28e: {  	[sflag:s18] =	ssyncadd.s32 $0xFFFFFC00  }
0x28f: {  	_ =	swait.ge [sflag:s18], $0x400  }
0x290: {  	[sflag:s18] =	ssyncset.done $0x0  }
0x291: {  	[sflag:s18] =	ssyncadd.s32 $0xFFFFFC00  }
0x292: {  	_ =	swait.ge [sflag:s18], $0x400  }
0x293: {  	[sflag:s18] =	ssyncset.done $0x0  }
0x294: {  	[sflag:s18] =	ssyncadd.s32 $0xFFFFFC00  }
0x295: {  	_ =	swait.ge [sflag:s18], $0x400  }
0x296: {  	[sflag:s18] =	ssyncset.done $0x0  }
0x297: {  	[sflag:s18] =	ssyncadd.s32 $0xFFFFFC00  }
0x298: {  	_ =	swait.ge [sflag:s18], $0x400  }
0x299: {  	[sflag:s18] =	ssyncset.done $0x0  }
0x29a: {  	[sflag:s18] =	ssyncadd.s32 $0xFFFFFC00  }
0x29b: {  	_ =	swait.ge [sflag:s18], $0x400  }
0x29c: {  	[sflag:s18] =	ssyncset.done $0x0  }
0x29d: {  	[sflag:s18] =	ssyncadd.s32 $0xFFFFFC00  }
0x29e: {  	_ =	swait.ge [sflag:s18], $0x400  }
0x29f: {  	[sflag:s18] =	ssyncset.done $0x0  }
0x2a0: {  	[sflag:s18] =	ssyncadd.s32 $0xFFFFFC00  }
0x2a1: {  	_ =	swait.ge [sflag:s18], $0x400  }
0x2a2: {  	[sflag:s18] =	ssyncset.done $0x0  }
0x2a3: {  	[sflag:s18] =	ssyncadd.s32 $0xFFFFFC00  }
0x2a4: {  	_ =	swait.ge [sflag:s18], $0x400  }
0x2a5: {  	[sflag:s18] =	ssyncset.done $0x0  }
0x2a6: {  	[sflag:s18] =	ssyncadd.s32 $0xFFFFFC00  }
0x2a7: {  	_ =	swait.ge [sflag:s18], $0x400  }
0x2a8: {  	[sflag:s18] =	ssyncset.done $0x0  }
0x2a9: {  	[sflag:s18] =	ssyncadd.s32 $0xFFFFFC00  }
0x2aa: {  	_ =	swait.ge [sflag:s18], $0x400  }
0x2ab: {  	[sflag:s18] =	ssyncset.done $0x0  }
0x2ac: {  	[sflag:s18] =	ssyncadd.s32 $0xFFFFFC00  }
0x2ad: {  	_ =	swait.ge [sflag:s18], $0x400  }
0x2ae: {  	[sflag:s18] =	ssyncset.done $0x0  }
0x2af: {  	[sflag:s18] =	ssyncadd.s32 $0xFFFFFC00  }
0x2b0: {  	_ =	swait.ge [sflag:s18], $0x400  }
0x2b1: {  	[sflag:s18] =	ssyncset.done $0x0  }
0x2b2: {  	[sflag:s18] =	ssyncadd.s32 $0xFFFFFC00  }
0x2b3: {  	s1 =	sadd.s32 $0x4000, s1;
	_ =	swait.ge [sflag:s18], $0x400  }
0x2b4: {  	p1 =	sne.s32 s1, $0x40000;
	[sflag:s18] =	ssyncset.done $0x0  }
.Ltmp3:
0x2b5: {  	[sflag:s18] =	ssyncadd.s32 $0xFFFFFC00;
	(pc) =	sbr.rel @!p1 .LBB2_5-.Ltmp3, $4  }
0x2b6: {  	_ =	swait.ge [sflag:s18], $0x400  }
0x2b7: {  	s13 =	sadd.s32 $0xFFFC0000, s13;
	s12 =	sadd.s32 $0xFFFC0000, s12;
	[sflag:s18] =	ssyncset.done $0x0  }
0x2b8: {  	s15 =	sadd.s32 $0xFFFFFFFE, s15;
	s31 =	sadd.s32 $0x1000, s24;
	[sflag:s18] =	ssyncadd.s32 $0xFFFFFC00  }
0x2b9: {  	[hbm4b:s31+s23] =	stream.linear.scatter [tilespmem:s28], [sflag:$0x3], $0x8000, $0x38;
	v63 =	vld [tilespmem:$0x0]  }
.LBB2_2:
0x2ba: {  	p1 =	seq.s32 s1, $0x0  }
.Ltmp4:
0x2bb: {  	_ = 	snop;
	(pc) =	sbr.rel @p1 .LBB2_4-.Ltmp4, $3  }
0x2bc: {  	_ =	sdelay $0x1  }
0x2bd: {  	s0 =	sand.u32 $0xE0000, s13  }
0x2be: {  	s25 =	sor.u32 $0x3FF, s0  }
0x2bf: {  	_ =	swait.ge [sflag:s16], $0x80  }
0x2c0: {  	[sflag:s16] =	ssyncset.done $0x0  }
0x2c1: {  	[sflag:s16] =	ssyncadd.s32 $0xFFFFFF80  }
0x2c2: {  	_ =	swait.ge [sflag:s16], $0x80  }
0x2c3: {  	[sflag:s16] =	ssyncset.done $0x0  }
0x2c4: {  	[sflag:s16] =	ssyncadd.s32 $0xFFFFFF80  }
0x2c5: {  	_ =	swait.ge [sflag:s16], $0x80  }
0x2c6: {  	[sflag:s16] =	ssyncset.done $0x0  }
0x2c7: {  	[sflag:s16] =	ssyncadd.s32 $0xFFFFFF80  }
0x2c8: {  	_ =	swait.ge [sflag:s16], $0x80  }
0x2c9: {  	[sflag:s16] =	ssyncset.done $0x0  }
0x2ca: {  	[sflag:s16] =	ssyncadd.s32 $0xFFFFFF80  }
0x2cb: {  	_ =	swait.ge [sflag:s16], $0x80  }
0x2cc: {  	[sflag:s16] =	ssyncset.done $0x0  }
0x2cd: {  	[sflag:s16] =	ssyncadd.s32 $0xFFFFFF80  }
0x2ce: {  	_ =	swait.ge [sflag:s16], $0x80  }
0x2cf: {  	[sflag:s16] =	ssyncset.done $0x0  }
0x2d0: {  	[sflag:s16] =	ssyncadd.s32 $0xFFFFFF80  }
0x2d1: {  	_ =	swait.ge [sflag:s16], $0x80  }
0x2d2: {  	[sflag:s16] =	ssyncset.done $0x0  }
0x2d3: {  	[sflag:s16] =	ssyncadd.s32 $0xFFFFFF80  }
0x2d4: {  	_ =	swait.ge [sflag:s16], $0x80  }
0x2d5: {  	[sflag:s16] =	ssyncset.done $0x0  }
0x2d6: {  	[sflag:s16] =	ssyncadd.s32 $0xFFFFFF80  }
0x2d7: {  	_ =	swait.ge [sflag:s16], $0x80  }
0x2d8: {  	[sflag:s16] =	ssyncset.done $0x0  }
0x2d9: {  	[sflag:s16] =	ssyncadd.s32 $0xFFFFFF80  }
0x2da: {  	_ =	swait.ge [sflag:s16], $0x80  }
0x2db: {  	[sflag:s16] =	ssyncset.done $0x0  }
0x2dc: {  	[sflag:s16] =	ssyncadd.s32 $0xFFFFFF80  }
0x2dd: {  	_ =	swait.ge [sflag:s16], $0x80  }
0x2de: {  	[sflag:s16] =	ssyncset.done $0x0  }
0x2df: {  	[sflag:s16] =	ssyncadd.s32 $0xFFFFFF80  }
0x2e0: {  	_ =	swait.ge [sflag:s16], $0x80  }
0x2e1: {  	[sflag:s16] =	ssyncset.done $0x0  }
0x2e2: {  	[sflag:s16] =	ssyncadd.s32 $0xFFFFFF80  }
0x2e3: {  	_ =	swait.ge [sflag:s16], $0x80  }
0x2e4: {  	[sflag:s16] =	ssyncset.done $0x0  }
0x2e5: {  	[sflag:s16] =	ssyncadd.s32 $0xFFFFFF80  }
0x2e6: {  	_ =	swait.ge [sflag:s16], $0x80  }
0x2e7: {  	[sflag:s16] =	ssyncset.done $0x0  }
0x2e8: {  	[sflag:s16] =	ssyncadd.s32 $0xFFFFFF80  }
0x2e9: {  	_ =	swait.ge [sflag:s16], $0x80  }
0x2ea: {  	[sflag:s16] =	ssyncset.done $0x0  }
0x2eb: {  	[sflag:s16] =	ssyncadd.s32 $0xFFFFFF80  }
0x2ec: {  	_ =	swait.ge [sflag:s16], $0x80  }
0x2ed: {  	[sflag:s16] =	ssyncset.done $0x0  }
0x2ee: {  	[sflag:s16] =	ssyncadd.s32 $0xFFFFFF80  }
0x2ef: {  	_ =	swait.ge [sflag:s16], $0x80  }
0x2f0: {  	[sflag:s16] =	ssyncset.done $0x0  }
0x2f1: {  	[sflag:s16] =	ssyncadd.s32 $0xFFFFFF80  }
0x2f2: {  	_ =	swait.ge [sflag:s16], $0x80  }
0x2f3: {  	[sflag:s16] =	ssyncset.done $0x0  }
0x2f4: {  	[sflag:s16] =	ssyncadd.s32 $0xFFFFFF80  }
0x2f5: {  	_ =	swait.ge [sflag:s16], $0x80  }
0x2f6: {  	[sflag:s16] =	ssyncset.done $0x0  }
0x2f7: {  	[sflag:s16] =	ssyncadd.s32 $0xFFFFFF80  }
0x2f8: {  	_ =	swait.ge [sflag:s16], $0x80  }
0x2f9: {  	[sflag:s16] =	ssyncset.done $0x0  }
0x2fa: {  	[sflag:s16] =	ssyncadd.s32 $0xFFFFFF80  }
0x2fb: {  	_ =	swait.ge [sflag:s16], $0x80  }
0x2fc: {  	[sflag:s16] =	ssyncset.done $0x0  }
0x2fd: {  	[sflag:s16] =	ssyncadd.s32 $0xFFFFFF80  }
0x2fe: {  	_ =	swait.ge [sflag:s16], $0x80  }
0x2ff: {  	[sflag:s16] =	ssyncset.done $0x0  }
0x300: {  	[sflag:s16] =	ssyncadd.s32 $0xFFFFFF80  }
0x301: {  	_ =	swait.ge [sflag:s16], $0x80  }
0x302: {  	[sflag:s16] =	ssyncset.done $0x0  }
0x303: {  	[sflag:s16] =	ssyncadd.s32 $0xFFFFFF80  }
0x304: {  	_ =	swait.ge [sflag:s16], $0x80  }
0x305: {  	[sflag:s16] =	ssyncset.done $0x0  }
0x306: {  	[sflag:s16] =	ssyncadd.s32 $0xFFFFFF80  }
0x307: {  	_ =	swait.ge [sflag:s16], $0x80  }
0x308: {  	[sflag:s16] =	ssyncset.done $0x0  }
0x309: {  	[sflag:s16] =	ssyncadd.s32 $0xFFFFFF80  }
0x30a: {  	_ =	swait.ge [sflag:s16], $0x80  }
0x30b: {  	[sflag:s16] =	ssyncset.done $0x0  }
0x30c: {  	[sflag:s16] =	ssyncadd.s32 $0xFFFFFF80  }
0x30d: {  	_ =	swait.ge [sflag:s16], $0x80  }
0x30e: {  	[sflag:s16] =	ssyncset.done $0x0  }
0x30f: {  	[sflag:s16] =	ssyncadd.s32 $0xFFFFFF80  }
0x310: {  	_ =	swait.ge [sflag:s16], $0x80  }
0x311: {  	[sflag:s16] =	ssyncset.done $0x0  }
0x312: {  	[sflag:s16] =	ssyncadd.s32 $0xFFFFFF80  }
0x313: {  	_ =	swait.ge [sflag:s16], $0x80  }
0x314: {  	[sflag:s16] =	ssyncset.done $0x0  }
0x315: {  	[sflag:s16] =	ssyncadd.s32 $0xFFFFFF80  }
0x316: {  	_ =	swait.ge [sflag:s16], $0x80  }
0x317: {  	[sflag:s16] =	ssyncset.done $0x0  }
0x318: {  	[sflag:s16] =	ssyncadd.s32 $0xFFFFFF80  }
0x319: {  	_ =	swait.ge [sflag:s16], $0x80  }
0x31a: {  	[sflag:s16] =	ssyncset.done $0x0  }
0x31b: {  	[sflag:s16] =	ssyncadd.s32 $0xFFFFFF80  }
0x31c: {  	_ =	swait.ge [sflag:s16], $0x80  }
0x31d: {  	[sflag:s16] =	ssyncset.done $0x0  }
0x31e: {  	[sflag:s16] =	ssyncadd.s32 $0xFFFFFF80  }
0x31f: {  	_ =	swait.ge [sflag:s16], $0x80  }
0x320: {  	[sflag:s16] =	ssyncset.done $0x0  }
0x321: {  	[sflag:s16] =	ssyncadd.s32 $0xFFFFFF80  }
0x322: {  	_ =	swait.ge [sflag:s16], $0x80  }
0x323: {  	[sflag:s16] =	ssyncset.done $0x0  }
0x324: {  	[sflag:s16] =	ssyncadd.s32 $0xFFFFFF80  }
0x325: {  	_ =	swait.ge [sflag:s16], $0x80  }
0x326: {  	[sflag:s16] =	ssyncset.done $0x0  }
0x327: {  	[sflag:s16] =	ssyncadd.s32 $0xFFFFFF80  }
0x328: {  	_ =	swait.ge [sflag:s16], $0x80  }
0x329: {  	[sflag:s16] =	ssyncset.done $0x0  }
0x32a: {  	[sflag:s16] =	ssyncadd.s32 $0xFFFFFF80  }
0x32b: {  	_ =	swait.ge [sflag:s16], $0x80  }
0x32c: {  	[sflag:s16] =	ssyncset.done $0x0  }
0x32d: {  	[sflag:s16] =	ssyncadd.s32 $0xFFFFFF80  }
0x32e: {  	_ =	swait.ge [sflag:s16], $0x80  }
0x32f: {  	[sflag:s16] =	ssyncset.done $0x0  }
0x330: {  	[sflag:s16] =	ssyncadd.s32 $0xFFFFFF80  }
0x331: {  	_ =	swait.ge [sflag:s16], $0x80  }
0x332: {  	[sflag:s16] =	ssyncset.done $0x0  }
0x333: {  	[sflag:s16] =	ssyncadd.s32 $0xFFFFFF80  }
0x334: {  	_ =	swait.ge [sflag:s16], $0x80  }
0x335: {  	[sflag:s16] =	ssyncset.done $0x0  }
0x336: {  	[sflag:s16] =	ssyncadd.s32 $0xFFFFFF80  }
0x337: {  	_ =	swait.ge [sflag:s16], $0x80  }
0x338: {  	[sflag:s16] =	ssyncset.done $0x0  }
0x339: {  	[sflag:s16] =	ssyncadd.s32 $0xFFFFFF80  }
0x33a: {  	_ =	swait.ge [sflag:s16], $0x80  }
0x33b: {  	[sflag:s16] =	ssyncset.done $0x0  }
0x33c: {  	[sflag:s16] =	ssyncadd.s32 $0xFFFFFF80  }
0x33d: {  	_ =	swait.ge [sflag:s16], $0x80  }
0x33e: {  	[sflag:s16] =	ssyncset.done $0x0  }
0x33f: {  	[sflag:s16] =	ssyncadd.s32 $0xFFFFFF80  }
0x340: {  	_ =	swait.ge [sflag:s16], $0x80  }
0x341: {  	[sflag:s16] =	ssyncset.done $0x0  }
0x342: {  	[sflag:s16] =	ssyncadd.s32 $0xFFFFFF80  }
0x343: {  	_ =	swait.ge [sflag:s16], $0x80  }
0x344: {  	[sflag:s16] =	ssyncset.done $0x0  }
0x345: {  	[sflag:s16] =	ssyncadd.s32 $0xFFFFFF80  }
0x346: {  	_ =	swait.ge [sflag:s16], $0x80  }
0x347: {  	[sflag:s16] =	ssyncset.done $0x0  }
0x348: {  	[sflag:s16] =	ssyncadd.s32 $0xFFFFFF80  }
0x349: {  	_ =	swait.ge [sflag:s16], $0x80  }
0x34a: {  	[sflag:s16] =	ssyncset.done $0x0  }
0x34b: {  	[sflag:s16] =	ssyncadd.s32 $0xFFFFFF80  }
0x34c: {  	_ =	swait.ge [sflag:s16], $0x80  }
0x34d: {  	[sflag:s16] =	ssyncset.done $0x0  }
0x34e: {  	[sflag:s16] =	ssyncadd.s32 $0xFFFFFF80  }
0x34f: {  	_ =	swait.ge [sflag:s16], $0x80  }
0x350: {  	[sflag:s16] =	ssyncset.done $0x0  }
0x351: {  	[sflag:s16] =	ssyncadd.s32 $0xFFFFFF80  }
0x352: {  	_ =	swait.ge [sflag:s16], $0x80  }
0x353: {  	[sflag:s16] =	ssyncset.done $0x0  }
0x354: {  	[sflag:s16] =	ssyncadd.s32 $0xFFFFFF80  }
0x355: {  	_ =	swait.ge [sflag:s16], $0x80  }
0x356: {  	[sflag:s16] =	ssyncset.done $0x0  }
0x357: {  	[sflag:s16] =	ssyncadd.s32 $0xFFFFFF80  }
0x358: {  	_ =	swait.ge [sflag:s16], $0x80  }
0x359: {  	[sflag:s16] =	ssyncset.done $0x0  }
0x35a: {  	[sflag:s16] =	ssyncadd.s32 $0xFFFFFF80  }
0x35b: {  	_ =	swait.ge [sflag:s16], $0x80  }
0x35c: {  	[sflag:s16] =	ssyncset.done $0x0  }
0x35d: {  	[sflag:s16] =	ssyncadd.s32 $0xFFFFFF80  }
0x35e: {  	_ =	swait.ge [sflag:s16], $0x80  }
0x35f: {  	[sflag:s16] =	ssyncset.done $0x0  }
0x360: {  	[sflag:s16] =	ssyncadd.s32 $0xFFFFFF80  }
0x361: {  	_ =	swait.ge [sflag:s16], $0x80  }
0x362: {  	[sflag:s16] =	ssyncset.done $0x0  }
0x363: {  	[sflag:s16] =	ssyncadd.s32 $0xFFFFFF80  }
0x364: {  	_ =	swait.ge [sflag:s16], $0x80  }
0x365: {  	[sflag:s16] =	ssyncset.done $0x0  }
0x366: {  	[sflag:s16] =	ssyncadd.s32 $0xFFFFFF80  }
0x367: {  	_ =	swait.ge [sflag:s16], $0x80  }
0x368: {  	[sflag:s16] =	ssyncset.done $0x0  }
0x369: {  	[sflag:s16] =	ssyncadd.s32 $0xFFFFFF80  }
0x36a: {  	_ =	swait.ge [sflag:s16], $0x80  }
0x36b: {  	[sflag:s16] =	ssyncset.done $0x0  }
0x36c: {  	[sflag:s16] =	ssyncadd.s32 $0xFFFFFF80  }
0x36d: {  	_ =	swait.ge [sflag:s16], $0x80  }
0x36e: {  	[sflag:s16] =	ssyncset.done $0x0  }
0x36f: {  	[sflag:s16] =	ssyncadd.s32 $0xFFFFFF80  }
0x370: {  	_ =	swait.ge [sflag:s16], $0x80  }
0x371: {  	[sflag:s16] =	ssyncset.done $0x0  }
0x372: {  	[sflag:s16] =	ssyncadd.s32 $0xFFFFFF80  }
0x373: {  	_ =	swait.ge [sflag:s16], $0x80  }
0x374: {  	[sflag:s16] =	ssyncset.done $0x0  }
0x375: {  	[sflag:s16] =	ssyncadd.s32 $0xFFFFFF80  }
0x376: {  	_ =	swait.ge [sflag:s16], $0x80  }
0x377: {  	[sflag:s16] =	ssyncset.done $0x0  }
0x378: {  	[sflag:s16] =	ssyncadd.s32 $0xFFFFFF80  }
0x379: {  	_ =	swait.ge [sflag:s16], $0x80  }
.Ltmp5:
0x37a: {  	[sflag:s16] =	ssyncset.done $0x0;
	(pc) =	sbr.rel .LBB2_4-.Ltmp5, $4  }
0x37b: {  	[sflag:s16] =	ssyncadd.s32 $0xFFFFFF80  }
0x37c: {  	_ =	swait.ge [sflag:s16], $0x80  }
0x37d: {  	[sflag:s16] =	ssyncset.done $0x0  }
0x37e: {  	[sflag:s16] =	ssyncadd.s32 $0xFFFFFF80  }
.LBB2_6:
0x37f: {  	_ =	sfence.sel $0x180000  }
0x380: {  	[bflag:$0x0] =	sbarrier.arrive $0xFFFF  }
0x381: {  	_ =	strace $0x90000047  }
0x382: {  	[bflag:$0x2] =	sbarrier.arrive $0xFFFF  }
0x383: {  	s0 =	rddreg [dreg:$0x3]  }
0x384: {  	s0 =	sadd.s32 @!p0 $0x100000, s0  }
0x385: {  	[sflag:s0] =	ssyncadd.tile.s32 @!p0 $0x1;
	_ =	shalt  }
.Lfunc_end2:
_tile_overlayer_lowered:
.L_overlay_start_2:
0x386: {  	(tag) =	ssettag $0x2  }
0x387: {  	s0 =	rddreg [dreg:$0x0];
	s2 =	stileid.u32  }
0x388: {  	s1 =	rddreg [dreg:$0x1];
	p0 =	sne.s32 s2, $0x0  }
0x389: {  	s3 =	rddreg [dreg:$0x2];
	[bflag:$0x3] =	sbarrier.arrive $0xFFFF;
	s2 =	simm.s32 @!p0 $0x1C05  }
0x38a: {  	[timem:s3], [sflag:s2] =	dma.local @!p0 [hbm:s0], s1  }
0x38b: {  	s0 =	simm.s32 @!p0 $0x5  }
0x38c: {  	_ =	swait.ge @!p0 [sflag:s0], s1  }
0x38d: {  	s1 =	ssub.s32 @!p0 $0x0, s1;
	[sflag:s0] =	ssyncset.done @!p0 $0x0  }
0x38e: {  	[sflag:s0] =	ssyncadd.s32 @!p0 s1  }
0x38f: {  	[bflag:$0x3] =	sbarrier.arrive $0xFFFF  }
0x390: {  	_ =	shalt  }

</sc_bundles>
